<compile_context>
chip_gen: v7x
topology: tpu7x:2x2x1
jax: 0.10.2.dev20260603
libtpu: 0.0.44.dev20260713+nightly
codegen_flags: <defaults>
</compile_context>

<pallas_src>
import functools

import jax
import jax.numpy as jnp
from jax import lax
from jax.experimental import pallas as pl
from jax.experimental.pallas import tpu as pltpu
from jax.experimental.pallas import tpu_sc as plsc

B, S, D, V, NSTATES = 32, 8, 1024, 100000, 4
K = 50
CAND = 64
VB = 2048
VPAD = 100352
NC, NS, L = 2, 16, 16
NW = NC * NS
RPW = (B * S) // NW
CH = VPAD // NW
NVR = CH // L
NEG = -3.0e38
BIGI = 2**30

_mesh = plsc.VectorSubcoreMesh(
    core_axis_name="c", subcore_axis_name="s", num_cores=NC, num_subcores=NS)
_sc_params = pltpu.CompilerParams(needs_layout_passes=False)


def _wid():
    return lax.axis_index("s") * NC + lax.axis_index("c")


def _gather_body(ids_hbm, emb_hbm, hsum_hbm, row0_hbm, idx_v, rows_v, sum_v, sem):
    w = _wid()
    base = w * RPW
    pltpu.sync_copy(ids_hbm.at[pl.ds(base, RPW)], idx_v)
    pltpu.async_copy(emb_hbm.at[idx_v], rows_v, sem).wait()
    for d in range(D // L):
        sl = pl.ds(d * L, L)
        acc = rows_v[0, sl]
        for r in range(1, RPW):
            acc = acc + rows_v[r, sl]
        sum_v[sl] = acc
    pltpu.sync_copy(sum_v, hsum_hbm.at[w])

    @pl.when(w == 0)
    def _():
        pltpu.sync_copy(rows_v.at[RPW - 1], row0_hbm)


_gather = pl.kernel(
    _gather_body,
    out_type=(
        jax.ShapeDtypeStruct((B, D), jnp.float32),
        jax.ShapeDtypeStruct((D,), jnp.float32),
    ),
    mesh=_mesh,
    scratch_types=(
        pltpu.VMEM((RPW,), jnp.int32),
        pltpu.VMEM((RPW, D), jnp.float32),
        pltpu.VMEM((D,), jnp.float32),
        pltpu.SemaphoreType.DMA,
    ),
    compiler_params=_sc_params,
)


def _tc_body(states_ref, hsum_ref, row0_ref, u_ref, w_ref, ns_ref, last_ref, h0_scr):
    i = pl.program_id(0)

    @pl.when(i == 0)
    def _():
        st = states_ref[...]
        s_sum = jnp.sum(st, axis=0)
        pooled = hsum_ref[...] * (1.0 / S) + s_sum
        z = jnp.dot(pooled, u_ref[...], preferred_element_type=jnp.float32)
        ns_ref[...] = jnp.tanh(z[None, :, :] + st)
        h0_scr[...] = row0_ref[...] + s_sum[0:1, :]

    blk = jnp.dot(h0_scr[...], w_ref[...], preferred_element_type=jnp.float32)
    col = i * VB + lax.broadcasted_iota(jnp.int32, (1, VB), 1)
    last_ref[...] = jnp.where(col < V, blk, NEG)


_tc = pl.pallas_call(
    _tc_body,
    grid=(VPAD // VB,),
    in_specs=[
        pl.BlockSpec((NSTATES, B, D), lambda i: (0, 0, 0)),
        pl.BlockSpec((B, D), lambda i: (0, 0)),
        pl.BlockSpec((1, D), lambda i: (0, 0)),
        pl.BlockSpec((D, D), lambda i: (0, 0)),
        pl.BlockSpec((D, VB), lambda i: (0, i)),
    ],
    out_specs=[
        pl.BlockSpec((NSTATES, B, D), lambda i: (0, 0, 0)),
        pl.BlockSpec((1, VB), lambda i: (0, i)),
    ],
    out_shape=[
        jax.ShapeDtypeStruct((NSTATES, B, D), jnp.float32),
        jax.ShapeDtypeStruct((1, VPAD), jnp.float32),
    ],
    scratch_shapes=[pltpu.VMEM((1, D), jnp.float32)],
    compiler_params=pltpu.CompilerParams(dimension_semantics=("arbitrary",)),
)


def _topk_rounds(x_v, vals_v, idx_v, nvr, idx_of):
    lane = jnp.arange(L, dtype=jnp.int32)
    for g in range(CAND // L):
        vals_v[pl.ds(g * L, L)] = jnp.full((L,), NEG, jnp.float32)
        idx_v[pl.ds(g * L, L)] = jnp.zeros((L,), jnp.int32)

    def round_body(r, carry):
        def scan_body(j, mc):
            m, jm = mc
            v = x_v[pl.ds(pl.multiple_of(j * L, L), L)]
            upd = v > m
            return jnp.where(upd, v, m), jnp.where(upd, j, jm)

        m0 = jnp.full((L,), NEG, jnp.float32)
        jm0 = jnp.zeros((L,), jnp.int32)
        m, jm = lax.fori_loop(0, nvr, scan_body, (m0, jm0))
        M = jnp.max(m)
        fl = jnp.where(m == M, jm * L + lane, BIGI)
        F = jnp.min(fl)
        g16 = pl.multiple_of((r // L) * L, L)
        sel = lane == (r % L)
        vals_v[pl.ds(g16, L)] = jnp.where(sel, M, vals_v[pl.ds(g16, L)])
        idx_v[pl.ds(g16, L)] = jnp.where(sel, idx_of(F), idx_v[pl.ds(g16, L)])
        rowb = pl.multiple_of((F // L) * L, L)
        x_v[pl.ds(rowb, L)] = jnp.where(
            lane == (F % L), NEG, x_v[pl.ds(rowb, L)])
        return carry

    lax.fori_loop(0, K, round_body, 0)


def _topk_body(last_hbm, cv_hbm, ci_hbm, x_v, vals_v, idx_v):
    w = _wid()
    base = w * CH
    pltpu.sync_copy(last_hbm.at[pl.ds(base, CH)], x_v)
    _topk_rounds(x_v, vals_v, idx_v, NVR, lambda F: base + F)
    pltpu.sync_copy(vals_v, cv_hbm.at[w])
    pltpu.sync_copy(idx_v, ci_hbm.at[w])


_topk = pl.kernel(
    _topk_body,
    out_type=(
        jax.ShapeDtypeStruct((NW, CAND), jnp.float32),
        jax.ShapeDtypeStruct((NW, CAND), jnp.int32),
    ),
    mesh=_mesh,
    scratch_types=(
        pltpu.VMEM((CH,), jnp.float32),
        pltpu.VMEM((CAND,), jnp.float32),
        pltpu.VMEM((CAND,), jnp.int32),
    ),
    compiler_params=_sc_params,
)


def _merge_body(cv_hbm, ci_hbm, e_hbm, out_hbm, x_v, xi_v, vals_v, idx_v, e_v, out_v):
    w = _wid()

    @pl.when(w == 0)
    def _():
        lane = jnp.arange(L, dtype=jnp.int32)
        pltpu.sync_copy(cv_hbm, x_v)
        pltpu.sync_copy(ci_hbm, xi_v)
        pltpu.sync_copy(e_hbm, e_v)
        nvr2 = (NW * CAND) // L

        def idx_of(F):
            rowb = pl.multiple_of((F // L) * L, L)
            iv = xi_v[pl.ds(rowb, L)]
            return jnp.max(jnp.where(lane == (F % L), iv, jnp.int32(-1)))

        _topk_rounds(x_v, vals_v, idx_v, nvr2, idx_of)
        m = jnp.max(vals_v[pl.ds(0, L)])
        ex = [jnp.exp(vals_v[pl.ds(g * L, L)] - m) for g in range(CAND // L)]
        zs = jnp.sum(ex[0] + ex[1] + ex[2] + ex[3])
        sc = [(ex[g] / zs + 1e-9) * e_v[pl.ds(g * L, L)] for g in range(CAND // L)]
        mm = jnp.maximum(jnp.maximum(sc[0], sc[1]), jnp.maximum(sc[2], sc[3]))
        ms = jnp.max(mm)
        fls = [jnp.where(sc[g] == ms, g * L + lane, BIGI) for g in range(CAND // L)]
        pid = jnp.min(jnp.minimum(jnp.minimum(fls[0], fls[1]),
                                  jnp.minimum(fls[2], fls[3])))
        prow = pl.multiple_of((pid // L) * L, L)
        pv = idx_v[pl.ds(prow, L)]
        predicted = jnp.max(jnp.where(lane == (pid % L), pv, jnp.int32(-1)))
        out_v[...] = jnp.full((L,), 0, jnp.int32) + predicted
        pltpu.sync_copy(out_v, out_hbm)


_merge = pl.kernel(
    _merge_body,
    out_type=jax.ShapeDtypeStruct((L,), jnp.int32),
    mesh=_mesh,
    scratch_types=(
        pltpu.VMEM((NW * CAND,), jnp.float32),
        pltpu.VMEM((NW * CAND,), jnp.int32),
        pltpu.VMEM((CAND,), jnp.float32),
        pltpu.VMEM((CAND,), jnp.int32),
        pltpu.VMEM((CAND,), jnp.float32),
        pltpu.VMEM((L,), jnp.int32),
    ),
    compiler_params=_sc_params,
)


def kernel(input_ids, states, emb, W, U, random):
    ids_flat = input_ids.reshape(B * S).astype(jnp.int32)
    hsum, row0 = _gather(ids_flat, emb)
    new_states, last = _tc(states, hsum, row0.reshape(1, D), U, W)
    cand_vals, cand_idx = _topk(last.reshape(VPAD))
    g = jax.random.gumbel(jax.random.key(1), (K,), jnp.float32)
    e_gumbel = jnp.concatenate([jnp.exp(g), jnp.zeros((CAND - K,), jnp.float32)])
    out = _merge(cand_vals.reshape(NW * CAND), cand_idx.reshape(NW * CAND), e_gumbel)
    return (out[0], new_states)

# --- scband reference (transcript-rebuilt; emitter-appended) ---
"""Pipeline reference for scband-model-8074538516731 (READ-ONLY COPY).

The authoritative reference and input builder live on the scoring server;
editing this copy changes nothing except your own understanding.
"""

import jax, jax.numpy as jnp
import numpy as np

B, S, D, V, NSTATES = 32, 8, 1024, 100000, 4

def setup_inputs(seed: int = 0) -> dict:
    key = jax.random.key(seed)
    ks = jax.random.split(key, 6)
    input_ids = jax.random.randint(ks[0], (B, S), 0, V, dtype=jnp.int32)
    states = jax.random.normal(ks[1], (NSTATES, B, D), dtype=jnp.float32) * 0.1
    emb = jax.random.normal(ks[2], (V, D), dtype=jnp.float32) * 0.02
    W = jax.random.normal(ks[3], (D, V), dtype=jnp.float32) * 0.02
    U = jax.random.normal(ks[4], (D, D), dtype=jnp.float32) * 0.02
    return {"input_ids": input_ids, "states": states, "emb": emb, "W": W, "U": U, "random": 50}

def reference(input_ids, states, emb, W, U, random):
    # inner model: embedding + state-conditioned hidden + LM-head projection (return_state=True)
    h = jnp.take(emb, input_ids, axis=0)                      # [B, S, D]
    s_sum = jnp.sum(states, axis=0)                           # [B, D]
    h = h + s_sum[:, None, :]                                 # condition on states
    logits = jnp.einsum('bsd,dv->bsv', h, W)                  # [B, S, V] full logits
    pooled = jnp.mean(h, axis=1)                              # [B, D]
    new_states = jnp.tanh((pooled @ U)[None, :, :] + states)  # [NSTATES, B, D]
    # predicted_logits = logits[:, -1, :]
    last = logits[:, -1, :]                                   # [B, V]
    # top_k(k=random, sorted=True)
    top_vals, top_idx = jax.lax.top_k(last, 50)               # [B, k], [B, k]
    valid = jnp.arange(50) < random                           # [k]
    top_vals = jnp.where(valid[None, :], top_vals, -jnp.inf)  # [B, k]
    top_idx = top_idx.astype(jnp.int32)
    # preds = softmax(expand_dims(predicted_logits, 0))[0] -> softmax over last axis
    preds = jax.nn.softmax(top_vals[None, :, :], axis=-1)[0]  # [B, k]
    # predicted_id = np.random.choice(indices[0], p=preds[0])
    pid = jax.random.categorical(jax.random.key(1), jnp.log(preds[0] + 1e-9))
    predicted_id = top_idx[0, pid]
    return (predicted_id, new_states)

if __name__ == "__main__":
    import jax
    _d = setup_inputs()
    print(jax.jit(kernel)(*tuple(_d.values())))

</pallas_src>

<mosaic_0001>
#map = affine_map<(d0, d1) -> (0)>
#map1 = affine_map<(d0, d1) -> (0, 0)>
module attributes {stable_mosaic.version = 14 : i64} {
  func.func @_gather_body(%arg0: i32, %arg1: i32, %arg2: memref<256xi32, #tpu.memory_space<hbm>>, %arg3: memref<100000x1024xf32, #tpu.memory_space<hbm>>, %arg4: memref<32x1024xf32, #tpu.memory_space<hbm>>, %arg5: memref<1024xf32, #tpu.memory_space<hbm>>, %arg6: memref<8xi32, #tpu.memory_space<vmem>>, %arg7: memref<8x1024xf32, #tpu.memory_space<vmem>>, %arg8: memref<1024xf32, #tpu.memory_space<vmem>>, %arg9: memref<!tpu.dma_semaphore, #tpu.memory_space<semaphore_mem>>) attributes {dimension_semantics = [#tpu.dimension_semantics<core_parallel>, #tpu.dimension_semantics<subcore_parallel>], iteration_bounds = array<i64: 2, 16>, scalar_prefetch = 0 : i64, scratch_operands = 4 : i64, tpu.core_type = #tpu.core_type<sc_vector_subcore>, window_params = [{transform_indices = #map}, {transform_indices = #map1}, {transform_indices = #map1}, {transform_indices = #map}]} {
    %mul3A = arith.constant 2 : i32
    %mul3A_0 = arith.muli %arg1, %mul3A : i32
    %add3A = arith.addi %mul3A_0, %arg0 : i32
    %mul3A_1 = arith.constant 8 : i32
    %mul3A_2 = arith.muli %add3A, %mul3A_1 : i32
    "tpu.region"() ({
      %run_scoped3A = tpu.sem_alloc : memref<!tpu.dma_semaphore, #tpu.memory_space<semaphore_mem>>
      %dma_start3A_2631 = tpu.memref_slice %arg2[%mul3A_2] : memref<256xi32, #tpu.memory_space<hbm>> -> memref<8xi32, #tpu.memory_space<hbm>>
      %dma_start3A_2632 = tpu.memref_slice %arg2[%mul3A_2] : memref<256xi32, #tpu.memory_space<hbm>> -> memref<8xi32, #tpu.memory_space<hbm>>
      tpu.enqueue_dma source(%dma_start3A_2632 : memref<8xi32, #tpu.memory_space<hbm>>) target(%arg6 : memref<8xi32, #tpu.memory_space<vmem>>) target_semaphore(%run_scoped3A : memref<!tpu.dma_semaphore, #tpu.memory_space<semaphore_mem>>)
      %dma_wait3A_2633 = tpu.memref_slice %arg2[%mul3A_2] : memref<256xi32, #tpu.memory_space<hbm>> -> memref<8xi32, #tpu.memory_space<hbm>>
      %dma_wait3A_2634 = tpu.memref_slice %arg2[%mul3A_2] : memref<256xi32, #tpu.memory_space<hbm>> -> memref<8xi32, #tpu.memory_space<hbm>>
      tpu.wait_dma2 semaphore(%run_scoped3A : memref<!tpu.dma_semaphore, #tpu.memory_space<semaphore_mem>>) src(%dma_wait3A_2634 : memref<8xi32, #tpu.memory_space<hbm>>) dst(%arg6 : memref<8xi32, #tpu.memory_space<vmem>>)
      tpu.yield
    }) : () -> ()
    %dma_start3A = arith.constant 0 : i32
    %dma_start3A_3 = arith.constant 0 : i32
    %dma_start3A_4 = tpu.memref_slice %arg3[%dma_start3A, %dma_start3A_3] : memref<100000x1024xf32, #tpu.memory_space<hbm>> -> memref<100000x1024xf32, #tpu.memory_space<hbm>>
    tpu.enqueue_indirect_dma source(%dma_start3A_4 : memref<100000x1024xf32, #tpu.memory_space<hbm>>) target(%arg7 : memref<8x1024xf32, #tpu.memory_space<vmem>>) offsets(%arg6 : memref<8xi32, #tpu.memory_space<vmem>>) semaphore(%arg9 : memref<!tpu.dma_semaphore, #tpu.memory_space<semaphore_mem>>)
    %dma_wait3A = arith.constant 0 : i32
    %dma_wait3A_5 = arith.constant 0 : i32
    %dma_wait3A_6 = tpu.memref_slice %arg3[%dma_wait3A, %dma_wait3A_5] : memref<100000x1024xf32, #tpu.memory_space<hbm>> -> memref<100000x1024xf32, #tpu.memory_space<hbm>>
    tpu.wait_indirect_dma semaphore(%arg9 : memref<!tpu.dma_semaphore, #tpu.memory_space<semaphore_mem>>) src(%dma_wait3A_6 : memref<100000x1024xf32, #tpu.memory_space<hbm>>) dst(%arg7 : memref<8x1024xf32, #tpu.memory_space<vmem>>)
    %get3A = arith.constant 0 : i32
    %get3A_7 = arith.index_cast %get3A : i32 to index
    %get3A_8 = arith.constant 0 : index
    %get3A_9 = tpu.vector_load %arg7[%get3A_7, %get3A_8] {strides = array<i32>} : memref<8x1024xf32, #tpu.memory_space<vmem>>, vector<16xf32>,
    %get3A_10 = arith.constant 1 : i32
    %get3A_11 = arith.index_cast %get3A_10 : i32 to index
    %get3A_12 = arith.constant 0 : index
    %get3A_13 = tpu.vector_load %arg7[%get3A_11, %get3A_12] {strides = array<i32>} : memref<8x1024xf32, #tpu.memory_space<vmem>>, vector<16xf32>,
    %add3A_14 = arith.addf %get3A_9, %get3A_13 : vector<16xf32>
    %get3A_15 = arith.constant 2 : i32
    %get3A_16 = arith.index_cast %get3A_15 : i32 to index
    %get3A_17 = arith.constant 0 : index
    %get3A_18 = tpu.vector_load %arg7[%get3A_16, %get3A_17] {strides = array<i32>} : memref<8x1024xf32, #tpu.memory_space<vmem>>, vector<16xf32>,
    %add3A_19 = arith.addf %add3A_14, %get3A_18 : vector<16xf32>
    %get3A_20 = arith.constant 3 : i32
    %get3A_21 = arith.index_cast %get3A_20 : i32 to index
    %get3A_22 = arith.constant 0 : index
    %get3A_23 = tpu.vector_load %arg7[%get3A_21, %get3A_22] {strides = array<i32>} : memref<8x1024xf32, #tpu.memory_space<vmem>>, vector<16xf32>,
    %add3A_24 = arith.addf %add3A_19, %get3A_23 : vector<16xf32>
    %get3A_25 = arith.constant 4 : i32
    %get3A_26 = arith.index_cast %get3A_25 : i32 to index
    %get3A_27 = arith.constant 0 : index
    %get3A_28 = tpu.vector_load %arg7[%get3A_26, %get3A_27] {strides = array<i32>} : memref<8x1024xf32, #tpu.memory_space<vmem>>, vector<16xf32>,
    %add3A_29 = arith.addf %add3A_24, %get3A_28 : vector<16xf32>
    %get3A_30 = arith.constant 5 : i32
    %get3A_31 = arith.index_cast %get3A_30 : i32 to index
    %get3A_32 = arith.constant 0 : index
    %get3A_33 = tpu.vector_load %arg7[%get3A_31, %get3A_32] {strides = array<i32>} : memref<8x1024xf32, #tpu.memory_space<vmem>>, vector<16xf32>,
    %add3A_34 = arith.addf %add3A_29, %get3A_33 : vector<16xf32>
    %get3A_35 = arith.constant 6 : i32
    %get3A_36 = arith.index_cast %get3A_35 : i32 to index
    %get3A_37 = arith.constant 0 : index
    %get3A_38 = tpu.vector_load %arg7[%get3A_36, %get3A_37] {strides = array<i32>} : memref<8x1024xf32, #tpu.memory_space<vmem>>, vector<16xf32>,
    %add3A_39 = arith.addf %add3A_34, %get3A_38 : vector<16xf32>
    %get3A_40 = arith.constant 7 : i32
    %get3A_41 = arith.index_cast %get3A_40 : i32 to index
    %get3A_42 = arith.constant 0 : index
    %get3A_43 = tpu.vector_load %arg7[%get3A_41, %get3A_42] {strides = array<i32>} : memref<8x1024xf32, #tpu.memory_space<vmem>>, vector<16xf32>,
    %add3A_44 = arith.addf %add3A_39, %get3A_43 : vector<16xf32>
    %swap3A = arith.constant 0 : index
    %swap3A_45 = tpu.vector_load %arg8[%swap3A] {strides = array<i32>} : memref<1024xf32, #tpu.memory_space<vmem>>, vector<16xf32>,
    tpu.vector_store %arg8[%swap3A], %add3A_44 {strides = array<i32>} : memref<1024xf32, #tpu.memory_space<vmem>>, vector<16xf32>,
    %get3A_46 = arith.constant 0 : i32
    %get3A_47 = arith.index_cast %get3A_46 : i32 to index
    %get3A_48 = arith.constant 16 : index
    %get3A_49 = tpu.vector_load %arg7[%get3A_47, %get3A_48] {strides = array<i32>} : memref<8x1024xf32, #tpu.memory_space<vmem>>, vector<16xf32>,
    %get3A_50 = arith.constant 1 : i32
    %get3A_51 = arith.index_cast %get3A_50 : i32 to index
    %get3A_52 = arith.constant 16 : index
    %get3A_53 = tpu.vector_load %arg7[%get3A_51, %get3A_52] {strides = array<i32>} : memref<8x1024xf32, #tpu.memory_space<vmem>>, vector<16xf32>,
    %add3A_54 = arith.addf %get3A_49, %get3A_53 : vector<16xf32>
    %get3A_55 = arith.constant 2 : i32
    %get3A_56 = arith.index_cast %get3A_55 : i32 to index
    %get3A_57 = arith.constant 16 : index
    %get3A_58 = tpu.vector_load %arg7[%get3A_56, %get3A_57] {strides = array<i32>} : memref<8x1024xf32, #tpu.memory_space<vmem>>, vector<16xf32>,
    %add3A_59 = arith.addf %add3A_54, %get3A_58 : vector<16xf32>
    %get3A_60 = arith.constant 3 : i32
    %get3A_61 = arith.index_cast %get3A_60 : i32 to index
    %get3A_62 = arith.constant 16 : index
    %get3A_63 = tpu.vector_load %arg7[%get3A_61, %get3A_62] {strides = array<i32>} : memref<8x1024xf32, #tpu.memory_space<vmem>>, vector<16xf32>,
    %add3A_64 = arith.addf %add3A_59, %get3A_63 : vector<16xf32>
    %get3A_65 = arith.constant 4 : i32
    %get3A_66 = arith.index_cast %get3A_65 : i32 to index
    %get3A_67 = arith.constant 16 : index
    %get3A_68 = tpu.vector_load %arg7[%get3A_66, %get3A_67] {strides = array<i32>} : memref<8x1024xf32, #tpu.memory_space<vmem>>, vector<16xf32>,
    %add3A_69 = arith.addf %add3A_64, %get3A_68 : vector<16xf32>
    %get3A_70 = arith.constant 5 : i32
    %get3A_71 = arith.index_cast %get3A_70 : i32 to index
    %get3A_72 = arith.constant 16 : index
    %get3A_73 = tpu.vector_load %arg7[%get3A_71, %get3A_72] {strides = array<i32>} : memref<8x1024xf32, #tpu.memory_space<vmem>>, vector<16xf32>,
    %add3A_74 = arith.addf %add3A_69, %get3A_73 : vector<16xf32>
    %get3A_75 = arith.constant 6 : i32
    %get3A_76 = arith.index_cast %get3A_75 : i32 to index
    %get3A_77 = arith.constant 16 : index
    %get3A_78 = tpu.vector_load %arg7[%get3A_76, %get3A_77] {strides = array<i32>} : memref<8x1024xf32, #tpu.memory_space<vmem>>, vector<16xf32>,
    %add3A_79 = arith.addf %add3A_74, %get3A_78 : vector<16xf32>
    %get3A_80 = arith.constant 7 : i32
    %get3A_81 = arith.index_cast %get3A_80 : i32 to index
    %get3A_82 = arith.constant 16 : index
    %get3A_83 = tpu.vector_load %arg7[%get3A_81, %get3A_82] {strides = array<i32>} : memref<8x1024xf32, #tpu.memory_space<vmem>>, vector<16xf32>,
    %add3A_84 = arith.addf %add3A_79, %get3A_83 : vector<16xf32>
    %swap3A_85 = arith.constant 16 : index
    %swap3A_86 = tpu.vector_load %arg8[%swap3A_85] {strides = array<i32>} : memref<1024xf32, #tpu.memory_space<vmem>>, vector<16xf32>,
    tpu.vector_store %arg8[%swap3A_85], %add3A_84 {strides = array<i32>} : memref<1024xf32, #tpu.memory_space<vmem>>, vector<16xf32>,
    %get3A_87 = arith.constant 0 : i32
    %get3A_88 = arith.index_cast %get3A_87 : i32 to index
    %get3A_89 = arith.constant 32 : index
    %get3A_90 = tpu.vector_load %arg7[%get3A_88, %get3A_89] {strides = array<i32>} : memref<8x1024xf32, #tpu.memory_space<vmem>>, vector<16xf32>,
    %get3A_91 = arith.constant 1 : i32
    %get3A_92 = arith.index_cast %get3A_91 : i32 to index
    %get3A_93 = arith.constant 32 : index
    %get3A_94 = tpu.vector_load %arg7[%get3A_92, %get3A_93] {strides = array<i32>} : memref<8x1024xf32, #tpu.memory_space<vmem>>, vector<16xf32>,
    %add3A_95 = arith.addf %get3A_90, %get3A_94 : vector<16xf32>
    %get3A_96 = arith.constant 2 : i32
    %get3A_97 = arith.index_cast %get3A_96 : i32 to index
    %get3A_98 = arith.constant 32 : index
    %get3A_99 = tpu.vector_load %arg7[%get3A_97, %get3A_98] {strides = array<i32>} : memref<8x1024xf32, #tpu.memory_space<vmem>>, vector<16xf32>,
    %add3A_100 = arith.addf %add3A_95, %get3A_99 : vector<16xf32>
    %get3A_101 = arith.constant 3 : i32
    %get3A_102 = arith.index_cast %get3A_101 : i32 to index
    %get3A_103 = arith.constant 32 : index
    %get3A_104 = tpu.vector_load %arg7[%get3A_102, %get3A_103] {strides = array<i32>} : memref<8x1024xf32, #tpu.memory_space<vmem>>, vector<16xf32>,
    %add3A_105 = arith.addf %add3A_100, %get3A_104 : vector<16xf32>
    %get3A_106 = arith.constant 4 : i32
    %get3A_107 = arith.index_cast %get3A_106 : i32 to index
    %get3A_108 = arith.constant 32 : index
    %get3A_109 = tpu.vector_load %arg7[%get3A_107, %get3A_108] {strides = array<i32>} : memref<8x1024xf32, #tpu.memory_space<vmem>>, vector<16xf32>,
    %add3A_110 = arith.addf %add3A_105, %get3A_109 : vector<16xf32>
    %get3A_111 = arith.constant 5 : i32
    %get3A_112 = arith.index_cast %get3A_111 : i32 to index
    %get3A_113 = arith.constant 32 : index
    %get3A_114 = tpu.vector_load %arg7[%get3A_112, %get3A_113] {strides = array<i32>} : memref<8x1024xf32, #tpu.memory_space<vmem>>, vector<16xf32>,
    %add3A_115 = arith.addf %add3A_110, %get3A_114 : vector<16xf32>
    %get3A_116 = arith.constant 6 : i32
    %get3A_117 = arith.index_cast %get3A_116 : i32 to index
    %get3A_118 = arith.constant 32 : index
    %get3A_119 = tpu.vector_load %arg7[%get3A_117, %get3A_118] {strides = array<i32>} : memref<8x1024xf32, #tpu.memory_space<vmem>>, vector<16xf32>,
    %add3A_120 = arith.addf %add3A_115, %get3A_119 : vector<16xf32>
    %get3A_121 = arith.constant 7 : i32
    %get3A_122 = arith.index_cast %get3A_121 : i32 to index
    %get3A_123 = arith.constant 32 : index
    %get3A_124 = tpu.vector_load %arg7[%get3A_122, %get3A_123] {strides = array<i32>} : memref<8x1024xf32, #tpu.memory_space<vmem>>, vector<16xf32>,
    %add3A_125 = arith.addf %add3A_120, %get3A_124 : vector<16xf32>
    %swap3A_126 = arith.constant 32 : index
    %swap3A_127 = tpu.vector_load %arg8[%swap3A_126] {strides = array<i32>} : memref<1024xf32, #tpu.memory_space<vmem>>, vector<16xf32>,
    tpu.vector_store %arg8[%swap3A_126], %add3A_125 {strides = array<i32>} : memref<1024xf32, #tpu.memory_space<vmem>>, vector<16xf32>,
    %get3A_128 = arith.constant 0 : i32
    %get3A_129 = arith.index_cast %get3A_128 : i32 to index
    %get3A_130 = arith.constant 48 : index
    %get3A_131 = tpu.vector_load %arg7[%get3A_129, %get3A_130] {strides = array<i32>} : memref<8x1024xf32, #tpu.memory_space<vmem>>, vector<16xf32>,
    %get3A_132 = arith.constant 1 : i32
    %get3A_133 = arith.index_cast %get3A_132 : i32 to index
    %get3A_134 = arith.constant 48 : index
    %get3A_135 = tpu.vector_load %arg7[%get3A_133, %get3A_134] {strides = array<i32>} : memref<8x1024xf32, #tpu.memory_space<vmem>>, vector<16xf32>,
    %add3A_136 = arith.addf %get3A_131, %get3A_135 : vector<16xf32>
    %get3A_137 = arith.constant 2 : i32
    %get3A_138 = arith.index_cast %get3A_137 : i32 to index
    %get3A_139 = arith.constant 48 : index
    %get3A_140 = tpu.vector_load %arg7[%get3A_138, %get3A_139] {strides = array<i32>} : memref<8x1024xf32, #tpu.memory_space<vmem>>, vector<16xf32>,
    %add3A_141 = arith.addf %add3A_136, %get3A_140 : vector<16xf32>
    %get3A_142 = arith.constant 3 : i32
    %get3A_143 = arith.index_cast %get3A_142 : i32 to index
    %get3A_144 = arith.constant 48 : index
    %get3A_145 = tpu.vector_load %arg7[%get3A_143, %get3A_144] {strides = array<i32>} : memref<8x1024xf32, #tpu.memory_space<vmem>>, vector<16xf32>,
    %add3A_146 = arith.addf %add3A_141, %get3A_145 : vector<16xf32>
    %get3A_147 = arith.constant 4 : i32
    %get3A_148 = arith.index_cast %get3A_147 : i32 to index
    %get3A_149 = arith.constant 48 : index
    %get3A_150 = tpu.vector_load %arg7[%get3A_148, %get3A_149] {strides = array<i32>} : memref<8x1024xf32, #tpu.memory_space<vmem>>, vector<16xf32>,
    %add3A_151 = arith.addf %add3A_146, %get3A_150 : vector<16xf32>
    %get3A_152 = arith.constant 5 : i32
    %get3A_153 = arith.index_cast %get3A_152 : i32 to index
    %get3A_154 = arith.constant 48 : index
    %get3A_155 = tpu.vector_load %arg7[%get3A_153, %get3A_154] {strides = array<i32>} : memref<8x1024xf32, #tpu.memory_space<vmem>>, vector<16xf32>,
    %add3A_156 = arith.addf %add3A_151, %get3A_155 : vector<16xf32>
    %get3A_157 = arith.constant 6 : i32
    %get3A_158 = arith.index_cast %get3A_157 : i32 to index
    %get3A_159 = arith.constant 48 : index
    %get3A_160 = tpu.vector_load %arg7[%get3A_158, %get3A_159] {strides = array<i32>} : memref<8x1024xf32, #tpu.memory_space<vmem>>, vector<16xf32>,
    %add3A_161 = arith.addf %add3A_156, %get3A_160 : vector<16xf32>
    %get3A_162 = arith.constant 7 : i32
    %get3A_163 = arith.index_cast %get3A_162 : i32 to index
    %get3A_164 = arith.constant 48 : index
    %get3A_165 = tpu.vector_load %arg7[%get3A_163, %get3A_164] {strides = array<i32>} : memref<8x1024xf32, #tpu.memory_space<vmem>>, vector<16xf32>,
    %add3A_166 = arith.addf %add3A_161, %get3A_165 : vector<16xf32>
    %swap3A_167 = arith.constant 48 : index
    %swap3A_168 = tpu.vector_load %arg8[%swap3A_167] {strides = array<i32>} : memref<1024xf32, #tpu.memory_space<vmem>>, vector<16xf32>,
    tpu.vector_store %arg8[%swap3A_167], %add3A_166 {strides = array<i32>} : memref<1024xf32, #tpu.memory_space<vmem>>, vector<16xf32>,
    %get3A_169 = arith.constant 0 : i32
    %get3A_170 = arith.index_cast %get3A_169 : i32 to index
    %get3A_171 = arith.constant 64 : index
    %get3A_172 = tpu.vector_load %arg7[%get3A_170, %get3A_171] {strides = array<i32>} : memref<8x1024xf32, #tpu.memory_space<vmem>>, vector<16xf32>,
    %get3A_173 = arith.constant 1 : i32
    %get3A_174 = arith.index_cast %get3A_173 : i32 to index
    %get3A_175 = arith.constant 64 : index
    %get3A_176 = tpu.vector_load %arg7[%get3A_174, %get3A_175] {strides = array<i32>} : memref<8x1024xf32, #tpu.memory_space<vmem>>, vector<16xf32>,
    %add3A_177 = arith.addf %get3A_172, %get3A_176 : vector<16xf32>
    %get3A_178 = arith.constant 2 : i32
    %get3A_179 = arith.index_cast %get3A_178 : i32 to index
    %get3A_180 = arith.constant 64 : index
    %get3A_181 = tpu.vector_load %arg7[%get3A_179, %get3A_180] {strides = array<i32>} : memref<8x1024xf32, #tpu.memory_space<vmem>>, vector<16xf32>,
    %add3A_182 = arith.addf %add3A_177, %get3A_181 : vector<16xf32>
    %get3A_183 = arith.constant 3 : i32
    %get3A_184 = arith.index_cast %get3A_183 : i32 to index
    %get3A_185 = arith.constant 64 : index
    %get3A_186 = tpu.vector_load %arg7[%get3A_184, %get3A_185] {strides = array<i32>} : memref<8x1024xf32, #tpu.memory_space<vmem>>, vector<16xf32>,
    %add3A_187 = arith.addf %add3A_182, %get3A_186 : vector<16xf32>
    %get3A_188 = arith.constant 4 : i32
    %get3A_189 = arith.index_cast %get3A_188 : i32 to index
    %get3A_190 = arith.constant 64 : index
    %get3A_191 = tpu.vector_load %arg7[%get3A_189, %get3A_190] {strides = array<i32>} : memref<8x1024xf32, #tpu.memory_space<vmem>>, vector<16xf32>,
    %add3A_192 = arith.addf %add3A_187, %get3A_191 : vector<16xf32>
    %get3A_193 = arith.constant 5 : i32
    %get3A_194 = arith.index_cast %get3A_193 : i32 to index
    %get3A_195 = arith.constant 64 : index
    %get3A_196 = tpu.vector_load %arg7[%get3A_194, %get3A_195] {strides = array<i32>} : memref<8x1024xf32, #tpu.memory_space<vmem>>, vector<16xf32>,
    %add3A_197 = arith.addf %add3A_192, %get3A_196 : vector<16xf32>
    %get3A_198 = arith.constant 6 : i32
    %get3A_199 = arith.index_cast %get3A_198 : i32 to index
    %get3A_200 = arith.constant 64 : index
    %get3A_201 = tpu.vector_load %arg7[%get3A_199, %get3A_200] {strides = array<i32>} : memref<8x1024xf32, #tpu.memory_space<vmem>>, vector<16xf32>,
    %add3A_202 = arith.addf %add3A_197, %get3A_201 : vector<16xf32>
    %get3A_203 = arith.constant 7 : i32
    %get3A_204 = arith.index_cast %get3A_203 : i32 to index
    %get3A_205 = arith.constant 64 : index
    %get3A_206 = tpu.vector_load %arg7[%get3A_204, %get3A_205] {strides = array<i32>} : memref<8x1024xf32, #tpu.memory_space<vmem>>, vector<16xf32>,
    %add3A_207 = arith.addf %add3A_202, %get3A_206 : vector<16xf32>
    %swap3A_208 = arith.constant 64 : index
    %swap3A_209 = tpu.vector_load %arg8[%swap3A_208] {strides = array<i32>} : memref<1024xf32, #tpu.memory_space<vmem>>, vector<16xf32>,
    tpu.vector_store %arg8[%swap3A_208], %add3A_207 {strides = array<i32>} : memref<1024xf32, #tpu.memory_space<vmem>>, vector<16xf32>,
    %get3A_210 = arith.constant 0 : i32
    %get3A_211 = arith.index_cast %get3A_210 : i32 to index
    %get3A_212 = arith.constant 80 : index
    %get3A_213 = tpu.vector_load %arg7[%get3A_211, %get3A_212] {strides = array<i32>} : memref<8x1024xf32, #tpu.memory_space<vmem>>, vector<16xf32>,
    %get3A_214 = arith.constant 1 : i32
    %get3A_215 = arith.index_cast %get3A_214 : i32 to index
    %get3A_216 = arith.constant 80 : index
    %get3A_217 = tpu.vector_load %arg7[%get3A_215, %get3A_216] {strides = array<i32>} : memref<8x1024xf32, #tpu.memory_space<vmem>>, vector<16xf32>,
    %add3A_218 = arith.addf %get3A_213, %get3A_217 : vector<16xf32>
    %get3A_219 = arith.constant 2 : i32
    %get3A_220 = arith.index_cast %get3A_219 : i32 to index
    %get3A_221 = arith.constant 80 : index
    %get3A_222 = tpu.vector_load %arg7[%get3A_220, %get3A_221] {strides = array<i32>} : memref<8x1024xf32, #tpu.memory_space<vmem>>, vector<16xf32>,
    %add3A_223 = arith.addf %add3A_218, %get3A_222 : vector<16xf32>
    %get3A_224 = arith.constant 3 : i32
    %get3A_225 = arith.index_cast %get3A_224 : i32 to index
    %get3A_226 = arith.constant 80 : index
    %get3A_227 = tpu.vector_load %arg7[%get3A_225, %get3A_226] {strides = array<i32>} : memref<8x1024xf32, #tpu.memory_space<vmem>>, vector<16xf32>,
    %add3A_228 = arith.addf %add3A_223, %get3A_227 : vector<16xf32>
    %get3A_229 = arith.constant 4 : i32
    %get3A_230 = arith.index_cast %get3A_229 : i32 to index
    %get3A_231 = arith.constant 80 : index
    %get3A_232 = tpu.vector_load %arg7[%get3A_230, %get3A_231] {strides = array<i32>} : memref<8x1024xf32, #tpu.memory_space<vmem>>, vector<16xf32>,
    %add3A_233 = arith.addf %add3A_228, %get3A_232 : vector<16xf32>
    %get3A_234 = arith.constant 5 : i32
    %get3A_235 = arith.index_cast %get3A_234 : i32 to index
    %get3A_236 = arith.constant 80 : index
    %get3A_237 = tpu.vector_load %arg7[%get3A_235, %get3A_236] {strides = array<i32>} : memref<8x1024xf32, #tpu.memory_space<vmem>>, vector<16xf32>,
    %add3A_238 = arith.addf %add3A_233, %get3A_237 : vector<16xf32>
    %get3A_239 = arith.constant 6 : i32
    %get3A_240 = arith.index_cast %get3A_239 : i32 to index
    %get3A_241 = arith.constant 80 : index
    %get3A_242 = tpu.vector_load %arg7[%get3A_240, %get3A_241] {strides = array<i32>} : memref<8x1024xf32, #tpu.memory_space<vmem>>, vector<16xf32>,
    %add3A_243 = arith.addf %add3A_238, %get3A_242 : vector<16xf32>
    %get3A_244 = arith.constant 7 : i32
    %get3A_245 = arith.index_cast %get3A_244 : i32 to index
    %get3A_246 = arith.constant 80 : index
    %get3A_247 = tpu.vector_load %arg7[%get3A_245, %get3A_246] {strides = array<i32>} : memref<8x1024xf32, #tpu.memory_space<vmem>>, vector<16xf32>,
    %add3A_248 = arith.addf %add3A_243, %get3A_247 : vector<16xf32>
    %swap3A_249 = arith.constant 80 : index
    %swap3A_250 = tpu.vector_load %arg8[%swap3A_249] {strides = array<i32>} : memref<1024xf32, #tpu.memory_space<vmem>>, vector<16xf32>,
    tpu.vector_store %arg8[%swap3A_249], %add3A_248 {strides = array<i32>} : memref<1024xf32, #tpu.memory_space<vmem>>, vector<16xf32>,
    %get3A_251 = arith.constant 0 : i32
    %get3A_252 = arith.index_cast %get3A_251 : i32 to index
    %get3A_253 = arith.constant 96 : index
    %get3A_254 = tpu.vector_load %arg7[%get3A_252, %get3A_253] {strides = array<i32>} : memref<8x1024xf32, #tpu.memory_space<vmem>>, vector<16xf32>,
    %get3A_255 = arith.constant 1 : i32
    %get3A_256 = arith.index_cast %get3A_255 : i32 to index
    %get3A_257 = arith.constant 96 : index
    %get3A_258 = tpu.vector_load %arg7[%get3A_256, %get3A_257] {strides = array<i32>} : memref<8x1024xf32, #tpu.memory_space<vmem>>, vector<16xf32>,
    %add3A_259 = arith.addf %get3A_254, %get3A_258 : vector<16xf32>
    %get3A_260 = arith.constant 2 : i32
    %get3A_261 = arith.index_cast %get3A_260 : i32 to index
    %get3A_262 = arith.constant 96 : index
    %get3A_263 = tpu.vector_load %arg7[%get3A_261, %get3A_262] {strides = array<i32>} : memref<8x1024xf32, #tpu.memory_space<vmem>>, vector<16xf32>,
    %add3A_264 = arith.addf %add3A_259, %get3A_263 : vector<16xf32>
    %get3A_265 = arith.constant 3 : i32
    %get3A_266 = arith.index_cast %get3A_265 : i32 to index
    %get3A_267 = arith.constant 96 : index
    %get3A_268 = tpu.vector_load %arg7[%get3A_266, %get3A_267] {strides = array<i32>} : memref<8x1024xf32, #tpu.memory_space<vmem>>, vector<16xf32>,
    %add3A_269 = arith.addf %add3A_264, %get3A_268 : vector<16xf32>
    %get3A_270 = arith.constant 4 : i32
    %get3A_271 = arith.index_cast %get3A_270 : i32 to index
    %get3A_272 = arith.constant 96 : index
    %get3A_273 = tpu.vector_load %arg7[%get3A_271, %get3A_272] {strides = array<i32>} : memref<8x1024xf32, #tpu.memory_space<vmem>>, vector<16xf32>,
    %add3A_274 = arith.addf %add3A_269, %get3A_273 : vector<16xf32>
    %get3A_275 = arith.constant 5 : i32
    %get3A_276 = arith.index_cast %get3A_275 : i32 to index
    %get3A_277 = arith.constant 96 : index
    %get3A_278 = tpu.vector_load %arg7[%get3A_276, %get3A_277] {strides = array<i32>} : memref<8x1024xf32, #tpu.memory_space<vmem>>, vector<16xf32>,
    %add3A_279 = arith.addf %add3A_274, %get3A_278 : vector<16xf32>
    %get3A_280 = arith.constant 6 : i32
    %get3A_281 = arith.index_cast %get3A_280 : i32 to index
    %get3A_282 = arith.constant 96 : index
    %get3A_283 = tpu.vector_load %arg7[%get3A_281, %get3A_282] {strides = array<i32>} : memref<8x1024xf32, #tpu.memory_space<vmem>>, vector<16xf32>,
    %add3A_284 = arith.addf %add3A_279, %get3A_283 : vector<16xf32>
    %get3A_285 = arith.constant 7 : i32
    %get3A_286 = arith.index_cast %get3A_285 : i32 to index
    %get3A_287 = arith.constant 96 : index
    %get3A_288 = tpu.vector_load %arg7[%get3A_286, %get3A_287] {strides = array<i32>} : memref<8x1024xf32, #tpu.memory_space<vmem>>, vector<16xf32>,
    %add3A_289 = arith.addf %add3A_284, %get3A_288 : vector<16xf32>
    %swap3A_290 = arith.constant 96 : index
    %swap3A_291 = tpu.vector_load %arg8[%swap3A_290] {strides = array<i32>} : memref<1024xf32, #tpu.memory_space<vmem>>, vector<16xf32>,
    tpu.vector_store %arg8[%swap3A_290], %add3A_289 {strides = array<i32>} : memref<1024xf32, #tpu.memory_space<vmem>>, vector<16xf32>,
    %get3A_292 = arith.constant 0 : i32
    %get3A_293 = arith.index_cast %get3A_292 : i32 to index
    %get3A_294 = arith.constant 112 : index
    %get3A_295 = tpu.vector_load %arg7[%get3A_293, %get3A_294] {strides = array<i32>} : memref<8x1024xf32, #tpu.memory_space<vmem>>, vector<16xf32>,
    %get3A_296 = arith.constant 1 : i32
    %get3A_297 = arith.index_cast %get3A_296 : i32 to index
    %get3A_298 = arith.constant 112 : index
    %get3A_299 = tpu.vector_load %arg7[%get3A_297, %get3A_298] {strides = array<i32>} : memref<8x1024xf32, #tpu.memory_space<vmem>>, vector<16xf32>,
    %add3A_300 = arith.addf %get3A_295, %get3A_299 : vector<16xf32>
    %get3A_301 = arith.constant 2 : i32
    %get3A_302 = arith.index_cast %get3A_301 : i32 to index
    %get3A_303 = arith.constant 112 : index
    %get3A_304 = tpu.vector_load %arg7[%get3A_302, %get3A_303] {strides = array<i32>} : memref<8x1024xf32, #tpu.memory_space<vmem>>, vector<16xf32>,
    %add3A_305 = arith.addf %add3A_300, %get3A_304 : vector<16xf32>
    %get3A_306 = arith.constant 3 : i32
    %get3A_307 = arith.index_cast %get3A_306 : i32 to index
    %get3A_308 = arith.constant 112 : index
    %get3A_309 = tpu.vector_load %arg7[%get3A_307, %get3A_308] {strides = array<i32>} : memref<8x1024xf32, #tpu.memory_space<vmem>>, vector<16xf32>,
    %add3A_310 = arith.addf %add3A_305, %get3A_309 : vector<16xf32>
    %get3A_311 = arith.constant 4 : i32
    %get3A_312 = arith.index_cast %get3A_311 : i32 to index
    %get3A_313 = arith.constant 112 : index
    %get3A_314 = tpu.vector_load %arg7[%get3A_312, %get3A_313] {strides = array<i32>} : memref<8x1024xf32, #tpu.memory_space<vmem>>, vector<16xf32>,
    %add3A_315 = arith.addf %add3A_310, %get3A_314 : vector<16xf32>
    %get3A_316 = arith.constant 5 : i32
    %get3A_317 = arith.index_cast %get3A_316 : i32 to index
    %get3A_318 = arith.constant 112 : index
    %get3A_319 = tpu.vector_load %arg7[%get3A_317, %get3A_318] {strides = array<i32>} : memref<8x1024xf32, #tpu.memory_space<vmem>>, vector<16xf32>,
    %add3A_320 = arith.addf %add3A_315, %get3A_319 : vector<16xf32>
    %get3A_321 = arith.constant 6 : i32
    %get3A_322 = arith.index_cast %get3A_321 : i32 to index
    %get3A_323 = arith.constant 112 : index
    %get3A_324 = tpu.vector_load %arg7[%get3A_322, %get3A_323] {strides = array<i32>} : memref<8x1024xf32, #tpu.memory_space<vmem>>, vector<16xf32>,
    %add3A_325 = arith.addf %add3A_320, %get3A_324 : vector<16xf32>
    %get3A_326 = arith.constant 7 : i32
    %get3A_327 = arith.index_cast %get3A_326 : i32 to index
    %get3A_328 = arith.constant 112 : index
    %get3A_329 = tpu.vector_load %arg7[%get3A_327, %get3A_328] {strides = array<i32>} : memref<8x1024xf32, #tpu.memory_space<vmem>>, vector<16xf32>,
    %add3A_330 = arith.addf %add3A_325, %get3A_329 : vector<16xf32>
    %swap3A_331 = arith.constant 112 : index
    %swap3A_332 = tpu.vector_load %arg8[%swap3A_331] {strides = array<i32>} : memref<1024xf32, #tpu.memory_space<vmem>>, vector<16xf32>,
    tpu.vector_store %arg8[%swap3A_331], %add3A_330 {strides = array<i32>} : memref<1024xf32, #tpu.memory_space<vmem>>, vector<16xf32>,
    %get3A_333 = arith.constant 0 : i32
    %get3A_334 = arith.index_cast %get3A_333 : i32 to index
    %get3A_335 = arith.constant 128 : index
    %get3A_336 = tpu.vector_load %arg7[%get3A_334, %get3A_335] {strides = array<i32>} : memref<8x1024xf32, #tpu.memory_space<vmem>>, vector<16xf32>,
    %get3A_337 = arith.constant 1 : i32
    %get3A_338 = arith.index_cast %get3A_337 : i32 to index
    %get3A_339 = arith.constant 128 : index
    %get3A_340 = tpu.vector_load %arg7[%get3A_338, %get3A_339] {strides = array<i32>} : memref<8x1024xf32, #tpu.memory_space<vmem>>, vector<16xf32>,
    %add3A_341 = arith.addf %get3A_336, %get3A_340 : vector<16xf32>
    %get3A_342 = arith.constant 2 : i32
    %get3A_343 = arith.index_cast %get3A_342 : i32 to index
    %get3A_344 = arith.constant 128 : index
    %get3A_345 = tpu.vector_load %arg7[%get3A_343, %get3A_344] {strides = array<i32>} : memref<8x1024xf32, #tpu.memory_space<vmem>>, vector<16xf32>,
    %add3A_346 = arith.addf %add3A_341, %get3A_345 : vector<16xf32>
    %get3A_347 = arith.constant 3 : i32
    %get3A_348 = arith.index_cast %get3A_347 : i32 to index
    %get3A_349 = arith.constant 128 : index
    %get3A_350 = tpu.vector_load %arg7[%get3A_348, %get3A_349] {strides = array<i32>} : memref<8x1024xf32, #tpu.memory_space<vmem>>, vector<16xf32>,
    %add3A_351 = arith.addf %add3A_346, %get3A_350 : vector<16xf32>
    %get3A_352 = arith.constant 4 : i32
    %get3A_353 = arith.index_cast %get3A_352 : i32 to index
    %get3A_354 = arith.constant 128 : index
    %get3A_355 = tpu.vector_load %arg7[%get3A_353, %get3A_354] {strides = array<i32>} : memref<8x1024xf32, #tpu.memory_space<vmem>>, vector<16xf32>,
    %add3A_356 = arith.addf %add3A_351, %get3A_355 : vector<16xf32>
    %get3A_357 = arith.constant 5 : i32
    %get3A_358 = arith.index_cast %get3A_357 : i32 to index
    %get3A_359 = arith.constant 128 : index
    %get3A_360 = tpu.vector_load %arg7[%get3A_358, %get3A_359] {strides = array<i32>} : memref<8x1024xf32, #tpu.memory_space<vmem>>, vector<16xf32>,
    %add3A_361 = arith.addf %add3A_356, %get3A_360 : vector<16xf32>
    %get3A_362 = arith.constant 6 : i32
    %get3A_363 = arith.index_cast %get3A_362 : i32 to index
    %get3A_364 = arith.constant 128 : index
    %get3A_365 = tpu.vector_load %arg7[%get3A_363, %get3A_364] {strides = array<i32>} : memref<8x1024xf32, #tpu.memory_space<vmem>>, vector<16xf32>,
    %add3A_366 = arith.addf %add3A_361, %get3A_365 : vector<16xf32>
    %get3A_367 = arith.constant 7 : i32
    %get3A_368 = arith.index_cast %get3A_367 : i32 to index
    %get3A_369 = arith.constant 128 : index
    %get3A_370 = tpu.vector_load %arg7[%get3A_368, %get3A_369] {strides = array<i32>} : memref<8x1024xf32, #tpu.memory_space<vmem>>, vector<16xf32>,
    %add3A_371 = arith.addf %add3A_366, %get3A_370 : vector<16xf32>
    %swap3A_372 = arith.constant 128 : index
    %swap3A_373 = tpu.vector_load %arg8[%swap3A_372] {strides = array<i32>} : memref<1024xf32, #tpu.memory_space<vmem>>, vector<16xf32>,
    tpu.vector_store %arg8[%swap3A_372], %add3A_371 {strides = array<i32>} : memref<1024xf32, #tpu.memory_space<vmem>>, vector<16xf32>,
    %get3A_374 = arith.constant 0 : i32
    %get3A_375 = arith.index_cast %get3A_374 : i32 to index
    %get3A_376 = arith.constant 144 : index
    %get3A_377 = tpu.vector_load %arg7[%get3A_375, %get3A_376] {strides = array<i32>} : memref<8x1024xf32, #tpu.memory_space<vmem>>, vector<16xf32>,
    %get3A_378 = arith.constant 1 : i32
    %get3A_379 = arith.index_cast %get3A_378 : i32 to index
    %get3A_380 = arith.constant 144 : index
    %get3A_381 = tpu.vector_load %arg7[%get3A_379, %get3A_380] {strides = array<i32>} : memref<8x1024xf32, #tpu.memory_space<vmem>>, vector<16xf32>,
    %add3A_382 = arith.addf %get3A_377, %get3A_381 : vector<16xf32>
    %get3A_383 = arith.constant 2 : i32
    %get3A_384 = arith.index_cast %get3A_383 : i32 to index
    %get3A_385 = arith.constant 144 : index
    %get3A_386 = tpu.vector_load %arg7[%get3A_384, %get3A_385] {strides = array<i32>} : memref<8x1024xf32, #tpu.memory_space<vmem>>, vector<16xf32>,
    %add3A_387 = arith.addf %add3A_382, %get3A_386 : vector<16xf32>
    %get3A_388 = arith.constant 3 : i32
    %get3A_389 = arith.index_cast %get3A_388 : i32 to index
    %get3A_390 = arith.constant 144 : index
    %get3A_391 = tpu.vector_load %arg7[%get3A_389, %get3A_390] {strides = array<i32>} : memref<8x1024xf32, #tpu.memory_space<vmem>>, vector<16xf32>,
    %add3A_392 = arith.addf %add3A_387, %get3A_391 : vector<16xf32>
    %get3A_393 = arith.constant 4 : i32
    %get3A_394 = arith.index_cast %get3A_393 : i32 to index
    %get3A_395 = arith.constant 144 : index
    %get3A_396 = tpu.vector_load %arg7[%get3A_394, %get3A_395] {strides = array<i32>} : memref<8x1024xf32, #tpu.memory_space<vmem>>, vector<16xf32>,
    %add3A_397 = arith.addf %add3A_392, %get3A_396 : vector<16xf32>
    %get3A_398 = arith.constant 5 : i32
    %get3A_399 = arith.index_cast %get3A_398 : i32 to index
    %get3A_400 = arith.constant 144 : index
    %get3A_401 = tpu.vector_load %arg7[%get3A_399, %get3A_400] {strides = array<i32>} : memref<8x1024xf32, #tpu.memory_space<vmem>>, vector<16xf32>,
    %add3A_402 = arith.addf %add3A_397, %get3A_401 : vector<16xf32>
    %get3A_403 = arith.constant 6 : i32
    %get3A_404 = arith.index_cast %get3A_403 : i32 to index
    %get3A_405 = arith.constant 144 : index
    %get3A_406 = tpu.vector_load %arg7[%get3A_404, %get3A_405] {strides = array<i32>} : memref<8x1024xf32, #tpu.memory_space<vmem>>, vector<16xf32>,
    %add3A_407 = arith.addf %add3A_402, %get3A_406 : vector<16xf32>
    %get3A_408 = arith.constant 7 : i32
    %get3A_409 = arith.index_cast %get3A_408 : i32 to index
    %get3A_410 = arith.constant 144 : index
    %get3A_411 = tpu.vector_load %arg7[%get3A_409, %get3A_410] {strides = array<i32>} : memref<8x1024xf32, #tpu.memory_space<vmem>>, vector<16xf32>,
    %add3A_412 = arith.addf %add3A_407, %get3A_411 : vector<16xf32>
    %swap3A_413 = arith.constant 144 : index
    %swap3A_414 = tpu.vector_load %arg8[%swap3A_413] {strides = array<i32>} : memref<1024xf32, #tpu.memory_space<vmem>>, vector<16xf32>,
    tpu.vector_store %arg8[%swap3A_413], %add3A_412 {strides = array<i32>} : memref<1024xf32, #tpu.memory_space<vmem>>, vector<16xf32>,
    %get3A_415 = arith.constant 0 : i32
    %get3A_416 = arith.index_cast %get3A_415 : i32 to index
    %get3A_417 = arith.constant 160 : index
    %get3A_418 = tpu.vector_load %arg7[%get3A_416, %get3A_417] {strides = array<i32>} : memref<8x1024xf32, #tpu.memory_space<vmem>>, vector<16xf32>,
    %get3A_419 = arith.constant 1 : i32
    %get3A_420 = arith.index_cast %get3A_419 : i32 to index
    %get3A_421 = arith.constant 160 : index
    %get3A_422 = tpu.vector_load %arg7[%get3A_420, %get3A_421] {strides = array<i32>} : memref<8x1024xf32, #tpu.memory_space<vmem>>, vector<16xf32>,
    %add3A_423 = arith.addf %get3A_418, %get3A_422 : vector<16xf32>
    %get3A_424 = arith.constant 2 : i32
    %get3A_425 = arith.index_cast %get3A_424 : i32 to index
    %get3A_426 = arith.constant 160 : index
    %get3A_427 = tpu.vector_load %arg7[%get3A_425, %get3A_426] {strides = array<i32>} : memref<8x1024xf32, #tpu.memory_space<vmem>>, vector<16xf32>,
    %add3A_428 = arith.addf %add3A_423, %get3A_427 : vector<16xf32>
    %get3A_429 = arith.constant 3 : i32
    %get3A_430 = arith.index_cast %get3A_429 : i32 to index
    %get3A_431 = arith.constant 160 : index
    %get3A_432 = tpu.vector_load %arg7[%get3A_430, %get3A_431] {strides = array<i32>} : memref<8x1024xf32, #tpu.memory_space<vmem>>, vector<16xf32>,
    %add3A_433 = arith.addf %add3A_428, %get3A_432 : vector<16xf32>
    %get3A_434 = arith.constant 4 : i32
    %get3A_435 = arith.index_cast %get3A_434 : i32 to index
    %get3A_436 = arith.constant 160 : index
    %get3A_437 = tpu.vector_load %arg7[%get3A_435, %get3A_436] {strides = array<i32>} : memref<8x1024xf32, #tpu.memory_space<vmem>>, vector<16xf32>,
    %add3A_438 = arith.addf %add3A_433, %get3A_437 : vector<16xf32>
    %get3A_439 = arith.constant 5 : i32
    %get3A_440 = arith.index_cast %get3A_439 : i32 to index
    %get3A_441 = arith.constant 160 : index
    %get3A_442 = tpu.vector_load %arg7[%get3A_440, %get3A_441] {strides = array<i32>} : memref<8x1024xf32, #tpu.memory_space<vmem>>, vector<16xf32>,
    %add3A_443 = arith.addf %add3A_438, %get3A_442 : vector<16xf32>
    %get3A_444 = arith.constant 6 : i32
    %get3A_445 = arith.index_cast %get3A_444 : i32 to index
    %get3A_446 = arith.constant 160 : index
    %get3A_447 = tpu.vector_load %arg7[%get3A_445, %get3A_446] {strides = array<i32>} : memref<8x1024xf32, #tpu.memory_space<vmem>>, vector<16xf32>,
    %add3A_448 = arith.addf %add3A_443, %get3A_447 : vector<16xf32>
    %get3A_449 = arith.constant 7 : i32
    %get3A_450 = arith.index_cast %get3A_449 : i32 to index
    %get3A_451 = arith.constant 160 : index
    %get3A_452 = tpu.vector_load %arg7[%get3A_450, %get3A_451] {strides = array<i32>} : memref<8x1024xf32, #tpu.memory_space<vmem>>, vector<16xf32>,
    %add3A_453 = arith.addf %add3A_448, %get3A_452 : vector<16xf32>
    %swap3A_454 = arith.constant 160 : index
    %swap3A_455 = tpu.vector_load %arg8[%swap3A_454] {strides = array<i32>} : memref<1024xf32, #tpu.memory_space<vmem>>, vector<16xf32>,
    tpu.vector_store %arg8[%swap3A_454], %add3A_453 {strides = array<i32>} : memref<1024xf32, #tpu.memory_space<vmem>>, vector<16xf32>,
    %get3A_456 = arith.constant 0 : i32
    %get3A_457 = arith.index_cast %get3A_456 : i32 to index
    %get3A_458 = arith.constant 176 : index
    %get3A_459 = tpu.vector_load %arg7[%get3A_457, %get3A_458] {strides = array<i32>} : memref<8x1024xf32, #tpu.memory_space<vmem>>, vector<16xf32>,
    %get3A_460 = arith.constant 1 : i32
    %get3A_461 = arith.index_cast %get3A_460 : i32 to index
    %get3A_462 = arith.constant 176 : index
    %get3A_463 = tpu.vector_load %arg7[%get3A_461, %get3A_462] {strides = array<i32>} : memref<8x1024xf32, #tpu.memory_space<vmem>>, vector<16xf32>,
    %add3A_464 = arith.addf %get3A_459, %get3A_463 : vector<16xf32>
    %get3A_465 = arith.constant 2 : i32
    %get3A_466 = arith.index_cast %get3A_465 : i32 to index
    %get3A_467 = arith.constant 176 : index
    %get3A_468 = tpu.vector_load %arg7[%get3A_466, %get3A_467] {strides = array<i32>} : memref<8x1024xf32, #tpu.memory_space<vmem>>, vector<16xf32>,
    %add3A_469 = arith.addf %add3A_464, %get3A_468 : vector<16xf32>
    %get3A_470 = arith.constant 3 : i32
    %get3A_471 = arith.index_cast %get3A_470 : i32 to index
    %get3A_472 = arith.constant 176 : index
    %get3A_473 = tpu.vector_load %arg7[%get3A_471, %get3A_472] {strides = array<i32>} : memref<8x1024xf32, #tpu.memory_space<vmem>>, vector<16xf32>,
    %add3A_474 = arith.addf %add3A_469, %get3A_473 : vector<16xf32>
    %get3A_475 = arith.constant 4 : i32
    %get3A_476 = arith.index_cast %get3A_475 : i32 to index
    %get3A_477 = arith.constant 176 : index
    %get3A_478 = tpu.vector_load %arg7[%get3A_476, %get3A_477] {strides = array<i32>} : memref<8x1024xf32, #tpu.memory_space<vmem>>, vector<16xf32>,
    %add3A_479 = arith.addf %add3A_474, %get3A_478 : vector<16xf32>
    %get3A_480 = arith.constant 5 : i32
    %get3A_481 = arith.index_cast %get3A_480 : i32 to index
    %get3A_482 = arith.constant 176 : index
    %get3A_483 = tpu.vector_load %arg7[%get3A_481, %get3A_482] {strides = array<i32>} : memref<8x1024xf32, #tpu.memory_space<vmem>>, vector<16xf32>,
    %add3A_484 = arith.addf %add3A_479, %get3A_483 : vector<16xf32>
    %get3A_485 = arith.constant 6 : i32
    %get3A_486 = arith.index_cast %get3A_485 : i32 to index
    %get3A_487 = arith.constant 176 : index
    %get3A_488 = tpu.vector_load %arg7[%get3A_486, %get3A_487] {strides = array<i32>} : memref<8x1024xf32, #tpu.memory_space<vmem>>, vector<16xf32>,
    %add3A_489 = arith.addf %add3A_484, %get3A_488 : vector<16xf32>
    %get3A_490 = arith.constant 7 : i32
    %get3A_491 = arith.index_cast %get3A_490 : i32 to index
    %get3A_492 = arith.constant 176 : index
    %get3A_493 = tpu.vector_load %arg7[%get3A_491, %get3A_492] {strides = array<i32>} : memref<8x1024xf32, #tpu.memory_space<vmem>>, vector<16xf32>,
    %add3A_494 = arith.addf %add3A_489, %get3A_493 : vector<16xf32>
    %swap3A_495 = arith.constant 176 : index
    %swap3A_496 = tpu.vector_load %arg8[%swap3A_495] {strides = array<i32>} : memref<1024xf32, #tpu.memory_space<vmem>>, vector<16xf32>,
    tpu.vector_store %arg8[%swap3A_495], %add3A_494 {strides = array<i32>} : memref<1024xf32, #tpu.memory_space<vmem>>, vector<16xf32>,
    %get3A_497 = arith.constant 0 : i32
    %get3A_498 = arith.index_cast %get3A_497 : i32 to index
    %get3A_499 = arith.constant 192 : index
    %get3A_500 = tpu.vector_load %arg7[%get3A_498, %get3A_499] {strides = array<i32>} : memref<8x1024xf32, #tpu.memory_space<vmem>>, vector<16xf32>,
    %get3A_501 = arith.constant 1 : i32
    %get3A_502 = arith.index_cast %get3A_501 : i32 to index
    %get3A_503 = arith.constant 192 : index
    %get3A_504 = tpu.vector_load %arg7[%get3A_502, %get3A_503] {strides = array<i32>} : memref<8x1024xf32, #tpu.memory_space<vmem>>, vector<16xf32>,
    %add3A_505 = arith.addf %get3A_500, %get3A_504 : vector<16xf32>
    %get3A_506 = arith.constant 2 : i32
    %get3A_507 = arith.index_cast %get3A_506 : i32 to index
    %get3A_508 = arith.constant 192 : index
    %get3A_509 = tpu.vector_load %arg7[%get3A_507, %get3A_508] {strides = array<i32>} : memref<8x1024xf32, #tpu.memory_space<vmem>>, vector<16xf32>,
    %add3A_510 = arith.addf %add3A_505, %get3A_509 : vector<16xf32>
    %get3A_511 = arith.constant 3 : i32
    %get3A_512 = arith.index_cast %get3A_511 : i32 to index
    %get3A_513 = arith.constant 192 : index
    %get3A_514 = tpu.vector_load %arg7[%get3A_512, %get3A_513] {strides = array<i32>} : memref<8x1024xf32, #tpu.memory_space<vmem>>, vector<16xf32>,
    %add3A_515 = arith.addf %add3A_510, %get3A_514 : vector<16xf32>
    %get3A_516 = arith.constant 4 : i32
    %get3A_517 = arith.index_cast %get3A_516 : i32 to index
    %get3A_518 = arith.constant 192 : index
    %get3A_519 = tpu.vector_load %arg7[%get3A_517, %get3A_518] {strides = array<i32>} : memref<8x1024xf32, #tpu.memory_space<vmem>>, vector<16xf32>,
    %add3A_520 = arith.addf %add3A_515, %get3A_519 : vector<16xf32>
    %get3A_521 = arith.constant 5 : i32
    %get3A_522 = arith.index_cast %get3A_521 : i32 to index
    %get3A_523 = arith.constant 192 : index
    %get3A_524 = tpu.vector_load %arg7[%get3A_522, %get3A_523] {strides = array<i32>} : memref<8x1024xf32, #tpu.memory_space<vmem>>, vector<16xf32>,
    %add3A_525 = arith.addf %add3A_520, %get3A_524 : vector<16xf32>
    %get3A_526 = arith.constant 6 : i32
    %get3A_527 = arith.index_cast %get3A_526 : i32 to index
    %get3A_528 = arith.constant 192 : index
    %get3A_529 = tpu.vector_load %arg7[%get3A_527, %get3A_528] {strides = array<i32>} : memref<8x1024xf32, #tpu.memory_space<vmem>>, vector<16xf32>,
    %add3A_530 = arith.addf %add3A_525, %get3A_529 : vector<16xf32>
    %get3A_531 = arith.constant 7 : i32
    %get3A_532 = arith.index_cast %get3A_531 : i32 to index
    %get3A_533 = arith.constant 192 : index
    %get3A_534 = tpu.vector_load %arg7[%get3A_532, %get3A_533] {strides = array<i32>} : memref<8x1024xf32, #tpu.memory_space<vmem>>, vector<16xf32>,
    %add3A_535 = arith.addf %add3A_530, %get3A_534 : vector<16xf32>
    %swap3A_536 = arith.constant 192 : index
    %swap3A_537 = tpu.vector_load %arg8[%swap3A_536] {strides = array<i32>} : memref<1024xf32, #tpu.memory_space<vmem>>, vector<16xf32>,
    tpu.vector_store %arg8[%swap3A_536], %add3A_535 {strides = array<i32>} : memref<1024xf32, #tpu.memory_space<vmem>>, vector<16xf32>,
    %get3A_538 = arith.constant 0 : i32
    %get3A_539 = arith.index_cast %get3A_538 : i32 to index
    %get3A_540 = arith.constant 208 : index
    %get3A_541 = tpu.vector_load %arg7[%get3A_539, %get3A_540] {strides = array<i32>} : memref<8x1024xf32, #tpu.memory_space<vmem>>, vector<16xf32>,
    %get3A_542 = arith.constant 1 : i32
    %get3A_543 = arith.index_cast %get3A_542 : i32 to index
    %get3A_544 = arith.constant 208 : index
    %get3A_545 = tpu.vector_load %arg7[%get3A_543, %get3A_544] {strides = array<i32>} : memref<8x1024xf32, #tpu.memory_space<vmem>>, vector<16xf32>,
    %add3A_546 = arith.addf %get3A_541, %get3A_545 : vector<16xf32>
    %get3A_547 = arith.constant 2 : i32
    %get3A_548 = arith.index_cast %get3A_547 : i32 to index
    %get3A_549 = arith.constant 208 : index
    %get3A_550 = tpu.vector_load %arg7[%get3A_548, %get3A_549] {strides = array<i32>} : memref<8x1024xf32, #tpu.memory_space<vmem>>, vector<16xf32>,
    %add3A_551 = arith.addf %add3A_546, %get3A_550 : vector<16xf32>
    %get3A_552 = arith.constant 3 : i32
    %get3A_553 = arith.index_cast %get3A_552 : i32 to index
    %get3A_554 = arith.constant 208 : index
    %get3A_555 = tpu.vector_load %arg7[%get3A_553, %get3A_554] {strides = array<i32>} : memref<8x1024xf32, #tpu.memory_space<vmem>>, vector<16xf32>,
    %add3A_556 = arith.addf %add3A_551, %get3A_555 : vector<16xf32>
    %get3A_557 = arith.constant 4 : i32
    %get3A_558 = arith.index_cast %get3A_557 : i32 to index
    %get3A_559 = arith.constant 208 : index
    %get3A_560 = tpu.vector_load %arg7[%get3A_558, %get3A_559] {strides = array<i32>} : memref<8x1024xf32, #tpu.memory_space<vmem>>, vector<16xf32>,
    %add3A_561 = arith.addf %add3A_556, %get3A_560 : vector<16xf32>
    %get3A_562 = arith.constant 5 : i32
    %get3A_563 = arith.index_cast %get3A_562 : i32 to index
    %get3A_564 = arith.constant 208 : index
    %get3A_565 = tpu.vector_load %arg7[%get3A_563, %get3A_564] {strides = array<i32>} : memref<8x1024xf32, #tpu.memory_space<vmem>>, vector<16xf32>,
    %add3A_566 = arith.addf %add3A_561, %get3A_565 : vector<16xf32>
    %get3A_567 = arith.constant 6 : i32
    %get3A_568 = arith.index_cast %get3A_567 : i32 to index
    %get3A_569 = arith.constant 208 : index
    %get3A_570 = tpu.vector_load %arg7[%get3A_568, %get3A_569] {strides = array<i32>} : memref<8x1024xf32, #tpu.memory_space<vmem>>, vector<16xf32>,
    %add3A_571 = arith.addf %add3A_566, %get3A_570 : vector<16xf32>
    %get3A_572 = arith.constant 7 : i32
    %get3A_573 = arith.index_cast %get3A_572 : i32 to index
    %get3A_574 = arith.constant 208 : index
    %get3A_575 = tpu.vector_load %arg7[%get3A_573, %get3A_574] {strides = array<i32>} : memref<8x1024xf32, #tpu.memory_space<vmem>>, vector<16xf32>,
    %add3A_576 = arith.addf %add3A_571, %get3A_575 : vector<16xf32>
    %swap3A_577 = arith.constant 208 : index
    %swap3A_578 = tpu.vector_load %arg8[%swap3A_577] {strides = array<i32>} : memref<1024xf32, #tpu.memory_space<vmem>>, vector<16xf32>,
    tpu.vector_store %arg8[%swap3A_577], %add3A_576 {strides = array<i32>} : memref<1024xf32, #tpu.memory_space<vmem>>, vector<16xf32>,
    %get3A_579 = arith.constant 0 : i32
    %get3A_580 = arith.index_cast %get3A_579 : i32 to index
    %get3A_581 = arith.constant 224 : index
    %get3A_582 = tpu.vector_load %arg7[%get3A_580, %get3A_581] {strides = array<i32>} : memref<8x1024xf32, #tpu.memory_space<vmem>>, vector<16xf32>,
    %get3A_583 = arith.constant 1 : i32
    %get3A_584 = arith.index_cast %get3A_583 : i32 to index
    %get3A_585 = arith.constant 224 : index
    %get3A_586 = tpu.vector_load %arg7[%get3A_584, %get3A_585] {strides = array<i32>} : memref<8x1024xf32, #tpu.memory_space<vmem>>, vector<16xf32>,
    %add3A_587 = arith.addf %get3A_582, %get3A_586 : vector<16xf32>
    %get3A_588 = arith.constant 2 : i32
    %get3A_589 = arith.index_cast %get3A_588 : i32 to index
    %get3A_590 = arith.constant 224 : index
    %get3A_591 = tpu.vector_load %arg7[%get3A_589, %get3A_590] {strides = array<i32>} : memref<8x1024xf32, #tpu.memory_space<vmem>>, vector<16xf32>,
    %add3A_592 = arith.addf %add3A_587, %get3A_591 : vector<16xf32>
    %get3A_593 = arith.constant 3 : i32
    %get3A_594 = arith.index_cast %get3A_593 : i32 to index
    %get3A_595 = arith.constant 224 : index
    %get3A_596 = tpu.vector_load %arg7[%get3A_594, %get3A_595] {strides = array<i32>} : memref<8x1024xf32, #tpu.memory_space<vmem>>, vector<16xf32>,
    %add3A_597 = arith.addf %add3A_592, %get3A_596 : vector<16xf32>
    %get3A_598 = arith.constant 4 : i32
    %get3A_599 = arith.index_cast %get3A_598 : i32 to index
    %get3A_600 = arith.constant 224 : index
    %get3A_601 = tpu.vector_load %arg7[%get3A_599, %get3A_600] {strides = array<i32>} : memref<8x1024xf32, #tpu.memory_space<vmem>>, vector<16xf32>,
    %add3A_602 = arith.addf %add3A_597, %get3A_601 : vector<16xf32>
    %get3A_603 = arith.constant 5 : i32
    %get3A_604 = arith.index_cast %get3A_603 : i32 to index
    %get3A_605 = arith.constant 224 : index
    %get3A_606 = tpu.vector_load %arg7[%get3A_604, %get3A_605] {strides = array<i32>} : memref<8x1024xf32, #tpu.memory_space<vmem>>, vector<16xf32>,
    %add3A_607 = arith.addf %add3A_602, %get3A_606 : vector<16xf32>
    %get3A_608 = arith.constant 6 : i32
    %get3A_609 = arith.index_cast %get3A_608 : i32 to index
    %get3A_610 = arith.constant 224 : index
    %get3A_611 = tpu.vector_load %arg7[%get3A_609, %get3A_610] {strides = array<i32>} : memref<8x1024xf32, #tpu.memory_space<vmem>>, vector<16xf32>,
    %add3A_612 = arith.addf %add3A_607, %get3A_611 : vector<16xf32>
    %get3A_613 = arith.constant 7 : i32
    %get3A_614 = arith.index_cast %get3A_613 : i32 to index
    %get3A_615 = arith.constant 224 : index
    %get3A_616 = tpu.vector_load %arg7[%get3A_614, %get3A_615] {strides = array<i32>} : memref<8x1024xf32, #tpu.memory_space<vmem>>, vector<16xf32>,
    %add3A_617 = arith.addf %add3A_612, %get3A_616 : vector<16xf32>
    %swap3A_618 = arith.constant 224 : index
    %swap3A_619 = tpu.vector_load %arg8[%swap3A_618] {strides = array<i32>} : memref<1024xf32, #tpu.memory_space<vmem>>, vector<16xf32>,
    tpu.vector_store %arg8[%swap3A_618], %add3A_617 {strides = array<i32>} : memref<1024xf32, #tpu.memory_space<vmem>>, vector<16xf32>,
    %get3A_620 = arith.constant 0 : i32
    %get3A_621 = arith.index_cast %get3A_620 : i32 to index
    %get3A_622 = arith.constant 240 : index
    %get3A_623 = tpu.vector_load %arg7[%get3A_621, %get3A_622] {strides = array<i32>} : memref<8x1024xf32, #tpu.memory_space<vmem>>, vector<16xf32>,
    %get3A_624 = arith.constant 1 : i32
    %get3A_625 = arith.index_cast %get3A_624 : i32 to index
    %get3A_626 = arith.constant 240 : index
    %get3A_627 = tpu.vector_load %arg7[%get3A_625, %get3A_626] {strides = array<i32>} : memref<8x1024xf32, #tpu.memory_space<vmem>>, vector<16xf32>,
    %add3A_628 = arith.addf %get3A_623, %get3A_627 : vector<16xf32>
    %get3A_629 = arith.constant 2 : i32
    %get3A_630 = arith.index_cast %get3A_629 : i32 to index
    %get3A_631 = arith.constant 240 : index
    %get3A_632 = tpu.vector_load %arg7[%get3A_630, %get3A_631] {strides = array<i32>} : memref<8x1024xf32, #tpu.memory_space<vmem>>, vector<16xf32>,
    %add3A_633 = arith.addf %add3A_628, %get3A_632 : vector<16xf32>
    %get3A_634 = arith.constant 3 : i32
    %get3A_635 = arith.index_cast %get3A_634 : i32 to index
    %get3A_636 = arith.constant 240 : index
    %get3A_637 = tpu.vector_load %arg7[%get3A_635, %get3A_636] {strides = array<i32>} : memref<8x1024xf32, #tpu.memory_space<vmem>>, vector<16xf32>,
    %add3A_638 = arith.addf %add3A_633, %get3A_637 : vector<16xf32>
    %get3A_639 = arith.constant 4 : i32
    %get3A_640 = arith.index_cast %get3A_639 : i32 to index
    %get3A_641 = arith.constant 240 : index
    %get3A_642 = tpu.vector_load %arg7[%get3A_640, %get3A_641] {strides = array<i32>} : memref<8x1024xf32, #tpu.memory_space<vmem>>, vector<16xf32>,
    %add3A_643 = arith.addf %add3A_638, %get3A_642 : vector<16xf32>
    %get3A_644 = arith.constant 5 : i32
    %get3A_645 = arith.index_cast %get3A_644 : i32 to index
    %get3A_646 = arith.constant 240 : index
    %get3A_647 = tpu.vector_load %arg7[%get3A_645, %get3A_646] {strides = array<i32>} : memref<8x1024xf32, #tpu.memory_space<vmem>>, vector<16xf32>,
    %add3A_648 = arith.addf %add3A_643, %get3A_647 : vector<16xf32>
    %get3A_649 = arith.constant 6 : i32
    %get3A_650 = arith.index_cast %get3A_649 : i32 to index
    %get3A_651 = arith.constant 240 : index
    %get3A_652 = tpu.vector_load %arg7[%get3A_650, %get3A_651] {strides = array<i32>} : memref<8x1024xf32, #tpu.memory_space<vmem>>, vector<16xf32>,
    %add3A_653 = arith.addf %add3A_648, %get3A_652 : vector<16xf32>
    %get3A_654 = arith.constant 7 : i32
    %get3A_655 = arith.index_cast %get3A_654 : i32 to index
    %get3A_656 = arith.constant 240 : index
    %get3A_657 = tpu.vector_load %arg7[%get3A_655, %get3A_656] {strides = array<i32>} : memref<8x1024xf32, #tpu.memory_space<vmem>>, vector<16xf32>,
    %add3A_658 = arith.addf %add3A_653, %get3A_657 : vector<16xf32>
    %swap3A_659 = arith.constant 240 : index
    %swap3A_660 = tpu.vector_load %arg8[%swap3A_659] {strides = array<i32>} : memref<1024xf32, #tpu.memory_space<vmem>>, vector<16xf32>,
    tpu.vector_store %arg8[%swap3A_659], %add3A_658 {strides = array<i32>} : memref<1024xf32, #tpu.memory_space<vmem>>, vector<16xf32>,
    %get3A_661 = arith.constant 0 : i32
    %get3A_662 = arith.index_cast %get3A_661 : i32 to index
    %get3A_663 = arith.constant 256 : index
    %get3A_664 = tpu.vector_load %arg7[%get3A_662, %get3A_663] {strides = array<i32>} : memref<8x1024xf32, #tpu.memory_space<vmem>>, vector<16xf32>,
    %get3A_665 = arith.constant 1 : i32
    %get3A_666 = arith.index_cast %get3A_665 : i32 to index
    %get3A_667 = arith.constant 256 : index
    %get3A_668 = tpu.vector_load %arg7[%get3A_666, %get3A_667] {strides = array<i32>} : memref<8x1024xf32, #tpu.memory_space<vmem>>, vector<16xf32>,
    %add3A_669 = arith.addf %get3A_664, %get3A_668 : vector<16xf32>
    %get3A_670 = arith.constant 2 : i32
    %get3A_671 = arith.index_cast %get3A_670 : i32 to index
    %get3A_672 = arith.constant 256 : index
    %get3A_673 = tpu.vector_load %arg7[%get3A_671, %get3A_672] {strides = array<i32>} : memref<8x1024xf32, #tpu.memory_space<vmem>>, vector<16xf32>,
    %add3A_674 = arith.addf %add3A_669, %get3A_673 : vector<16xf32>
    %get3A_675 = arith.constant 3 : i32
    %get3A_676 = arith.index_cast %get3A_675 : i32 to index
    %get3A_677 = arith.constant 256 : index
    %get3A_678 = tpu.vector_load %arg7[%get3A_676, %get3A_677] {strides = array<i32>} : memref<8x1024xf32, #tpu.memory_space<vmem>>, vector<16xf32>,
    %add3A_679 = arith.addf %add3A_674, %get3A_678 : vector<16xf32>
    %get3A_680 = arith.constant 4 : i32
    %get3A_681 = arith.index_cast %get3A_680 : i32 to index
    %get3A_682 = arith.constant 256 : index
    %get3A_683 = tpu.vector_load %arg7[%get3A_681, %get3A_682] {strides = array<i32>} : memref<8x1024xf32, #tpu.memory_space<vmem>>, vector<16xf32>,
    %add3A_684 = arith.addf %add3A_679, %get3A_683 : vector<16xf32>
    %get3A_685 = arith.constant 5 : i32
    %get3A_686 = arith.index_cast %get3A_685 : i32 to index
    %get3A_687 = arith.constant 256 : index
    %get3A_688 = tpu.vector_load %arg7[%get3A_686, %get3A_687] {strides = array<i32>} : memref<8x1024xf32, #tpu.memory_space<vmem>>, vector<16xf32>,
    %add3A_689 = arith.addf %add3A_684, %get3A_688 : vector<16xf32>
    %get3A_690 = arith.constant 6 : i32
    %get3A_691 = arith.index_cast %get3A_690 : i32 to index
    %get3A_692 = arith.constant 256 : index
    %get3A_693 = tpu.vector_load %arg7[%get3A_691, %get3A_692] {strides = array<i32>} : memref<8x1024xf32, #tpu.memory_space<vmem>>, vector<16xf32>,
    %add3A_694 = arith.addf %add3A_689, %get3A_693 : vector<16xf32>
    %get3A_695 = arith.constant 7 : i32
    %get3A_696 = arith.index_cast %get3A_695 : i32 to index
    %get3A_697 = arith.constant 256 : index
    %get3A_698 = tpu.vector_load %arg7[%get3A_696, %get3A_697] {strides = array<i32>} : memref<8x1024xf32, #tpu.memory_space<vmem>>, vector<16xf32>,
    %add3A_699 = arith.addf %add3A_694, %get3A_698 : vector<16xf32>
    %swap3A_700 = arith.constant 256 : index
    %swap3A_701 = tpu.vector_load %arg8[%swap3A_700] {strides = array<i32>} : memref<1024xf32, #tpu.memory_space<vmem>>, vector<16xf32>,
    tpu.vector_store %arg8[%swap3A_700], %add3A_699 {strides = array<i32>} : memref<1024xf32, #tpu.memory_space<vmem>>, vector<16xf32>,
    %get3A_702 = arith.constant 0 : i32
    %get3A_703 = arith.index_cast %get3A_702 : i32 to index
    %get3A_704 = arith.constant 272 : index
    %get3A_705 = tpu.vector_load %arg7[%get3A_703, %get3A_704] {strides = array<i32>} : memref<8x1024xf32, #tpu.memory_space<vmem>>, vector<16xf32>,
    %get3A_706 = arith.constant 1 : i32
    %get3A_707 = arith.index_cast %get3A_706 : i32 to index
    %get3A_708 = arith.constant 272 : index
    %get3A_709 = tpu.vector_load %arg7[%get3A_707, %get3A_708] {strides = array<i32>} : memref<8x1024xf32, #tpu.memory_space<vmem>>, vector<16xf32>,
    %add3A_710 = arith.addf %get3A_705, %get3A_709 : vector<16xf32>
    %get3A_711 = arith.constant 2 : i32
    %get3A_712 = arith.index_cast %get3A_711 : i32 to index
    %get3A_713 = arith.constant 272 : index
    %get3A_714 = tpu.vector_load %arg7[%get3A_712, %get3A_713] {strides = array<i32>} : memref<8x1024xf32, #tpu.memory_space<vmem>>, vector<16xf32>,
    %add3A_715 = arith.addf %add3A_710, %get3A_714 : vector<16xf32>
    %get3A_716 = arith.constant 3 : i32
    %get3A_717 = arith.index_cast %get3A_716 : i32 to index
    %get3A_718 = arith.constant 272 : index
    %get3A_719 = tpu.vector_load %arg7[%get3A_717, %get3A_718] {strides = array<i32>} : memref<8x1024xf32, #tpu.memory_space<vmem>>, vector<16xf32>,
    %add3A_720 = arith.addf %add3A_715, %get3A_719 : vector<16xf32>
    %get3A_721 = arith.constant 4 : i32
    %get3A_722 = arith.index_cast %get3A_721 : i32 to index
    %get3A_723 = arith.constant 272 : index
    %get3A_724 = tpu.vector_load %arg7[%get3A_722, %get3A_723] {strides = array<i32>} : memref<8x1024xf32, #tpu.memory_space<vmem>>, vector<16xf32>,
    %add3A_725 = arith.addf %add3A_720, %get3A_724 : vector<16xf32>
    %get3A_726 = arith.constant 5 : i32
    %get3A_727 = arith.index_cast %get3A_726 : i32 to index
    %get3A_728 = arith.constant 272 : index
    %get3A_729 = tpu.vector_load %arg7[%get3A_727, %get3A_728] {strides = array<i32>} : memref<8x1024xf32, #tpu.memory_space<vmem>>, vector<16xf32>,
    %add3A_730 = arith.addf %add3A_725, %get3A_729 : vector<16xf32>
    %get3A_731 = arith.constant 6 : i32
    %get3A_732 = arith.index_cast %get3A_731 : i32 to index
    %get3A_733 = arith.constant 272 : index
    %get3A_734 = tpu.vector_load %arg7[%get3A_732, %get3A_733] {strides = array<i32>} : memref<8x1024xf32, #tpu.memory_space<vmem>>, vector<16xf32>,
    %add3A_735 = arith.addf %add3A_730, %get3A_734 : vector<16xf32>
    %get3A_736 = arith.constant 7 : i32
    %get3A_737 = arith.index_cast %get3A_736 : i32 to index
    %get3A_738 = arith.constant 272 : index
    %get3A_739 = tpu.vector_load %arg7[%get3A_737, %get3A_738] {strides = array<i32>} : memref<8x1024xf32, #tpu.memory_space<vmem>>, vector<16xf32>,
    %add3A_740 = arith.addf %add3A_735, %get3A_739 : vector<16xf32>
    %swap3A_741 = arith.constant 272 : index
    %swap3A_742 = tpu.vector_load %arg8[%swap3A_741] {strides = array<i32>} : memref<1024xf32, #tpu.memory_space<vmem>>, vector<16xf32>,
    tpu.vector_store %arg8[%swap3A_741], %add3A_740 {strides = array<i32>} : memref<1024xf32, #tpu.memory_space<vmem>>, vector<16xf32>,
    %get3A_743 = arith.constant 0 : i32
    %get3A_744 = arith.index_cast %get3A_743 : i32 to index
    %get3A_745 = arith.constant 288 : index
    %get3A_746 = tpu.vector_load %arg7[%get3A_744, %get3A_745] {strides = array<i32>} : memref<8x1024xf32, #tpu.memory_space<vmem>>, vector<16xf32>,
    %get3A_747 = arith.constant 1 : i32
    %get3A_748 = arith.index_cast %get3A_747 : i32 to index
    %get3A_749 = arith.constant 288 : index
    %get3A_750 = tpu.vector_load %arg7[%get3A_748, %get3A_749] {strides = array<i32>} : memref<8x1024xf32, #tpu.memory_space<vmem>>, vector<16xf32>,
    %add3A_751 = arith.addf %get3A_746, %get3A_750 : vector<16xf32>
    %get3A_752 = arith.constant 2 : i32
    %get3A_753 = arith.index_cast %get3A_752 : i32 to index
    %get3A_754 = arith.constant 288 : index
    %get3A_755 = tpu.vector_load %arg7[%get3A_753, %get3A_754] {strides = array<i32>} : memref<8x1024xf32, #tpu.memory_space<vmem>>, vector<16xf32>,
    %add3A_756 = arith.addf %add3A_751, %get3A_755 : vector<16xf32>
    %get3A_757 = arith.constant 3 : i32
    %get3A_758 = arith.index_cast %get3A_757 : i32 to index
    %get3A_759 = arith.constant 288 : index
    %get3A_760 = tpu.vector_load %arg7[%get3A_758, %get3A_759] {strides = array<i32>} : memref<8x1024xf32, #tpu.memory_space<vmem>>, vector<16xf32>,
    %add3A_761 = arith.addf %add3A_756, %get3A_760 : vector<16xf32>
    %get3A_762 = arith.constant 4 : i32
    %get3A_763 = arith.index_cast %get3A_762 : i32 to index
    %get3A_764 = arith.constant 288 : index
    %get3A_765 = tpu.vector_load %arg7[%get3A_763, %get3A_764] {strides = array<i32>} : memref<8x1024xf32, #tpu.memory_space<vmem>>, vector<16xf32>,
    %add3A_766 = arith.addf %add3A_761, %get3A_765 : vector<16xf32>
    %get3A_767 = arith.constant 5 : i32
    %get3A_768 = arith.index_cast %get3A_767 : i32 to index
    %get3A_769 = arith.constant 288 : index
    %get3A_770 = tpu.vector_load %arg7[%get3A_768, %get3A_769] {strides = array<i32>} : memref<8x1024xf32, #tpu.memory_space<vmem>>, vector<16xf32>,
    %add3A_771 = arith.addf %add3A_766, %get3A_770 : vector<16xf32>
    %get3A_772 = arith.constant 6 : i32
    %get3A_773 = arith.index_cast %get3A_772 : i32 to index
    %get3A_774 = arith.constant 288 : index
    %get3A_775 = tpu.vector_load %arg7[%get3A_773, %get3A_774] {strides = array<i32>} : memref<8x1024xf32, #tpu.memory_space<vmem>>, vector<16xf32>,
    %add3A_776 = arith.addf %add3A_771, %get3A_775 : vector<16xf32>
    %get3A_777 = arith.constant 7 : i32
    %get3A_778 = arith.index_cast %get3A_777 : i32 to index
    %get3A_779 = arith.constant 288 : index
    %get3A_780 = tpu.vector_load %arg7[%get3A_778, %get3A_779] {strides = array<i32>} : memref<8x1024xf32, #tpu.memory_space<vmem>>, vector<16xf32>,
    %add3A_781 = arith.addf %add3A_776, %get3A_780 : vector<16xf32>
    %swap3A_782 = arith.constant 288 : index
    %swap3A_783 = tpu.vector_load %arg8[%swap3A_782] {strides = array<i32>} : memref<1024xf32, #tpu.memory_space<vmem>>, vector<16xf32>,
    tpu.vector_store %arg8[%swap3A_782], %add3A_781 {strides = array<i32>} : memref<1024xf32, #tpu.memory_space<vmem>>, vector<16xf32>,
    %get3A_784 = arith.constant 0 : i32
    %get3A_785 = arith.index_cast %get3A_784 : i32 to index
    %get3A_786 = arith.constant 304 : index
    %get3A_787 = tpu.vector_load %arg7[%get3A_785, %get3A_786] {strides = array<i32>} : memref<8x1024xf32, #tpu.memory_space<vmem>>, vector<16xf32>,
    %get3A_788 = arith.constant 1 : i32
    %get3A_789 = arith.index_cast %get3A_788 : i32 to index
    %get3A_790 = arith.constant 304 : index
    %get3A_791 = tpu.vector_load %arg7[%get3A_789, %get3A_790] {strides = array<i32>} : memref<8x1024xf32, #tpu.memory_space<vmem>>, vector<16xf32>,
    %add3A_792 = arith.addf %get3A_787, %get3A_791 : vector<16xf32>
    %get3A_793 = arith.constant 2 : i32
    %get3A_794 = arith.index_cast %get3A_793 : i32 to index
    %get3A_795 = arith.constant 304 : index
    %get3A_796 = tpu.vector_load %arg7[%get3A_794, %get3A_795] {strides = array<i32>} : memref<8x1024xf32, #tpu.memory_space<vmem>>, vector<16xf32>,
    %add3A_797 = arith.addf %add3A_792, %get3A_796 : vector<16xf32>
    %get3A_798 = arith.constant 3 : i32
    %get3A_799 = arith.index_cast %get3A_798 : i32 to index
    %get3A_800 = arith.constant 304 : index
    %get3A_801 = tpu.vector_load %arg7[%get3A_799, %get3A_800] {strides = array<i32>} : memref<8x1024xf32, #tpu.memory_space<vmem>>, vector<16xf32>,
    %add3A_802 = arith.addf %add3A_797, %get3A_801 : vector<16xf32>
    %get3A_803 = arith.constant 4 : i32
    %get3A_804 = arith.index_cast %get3A_803 : i32 to index
    %get3A_805 = arith.constant 304 : index
    %get3A_806 = tpu.vector_load %arg7[%get3A_804, %get3A_805] {strides = array<i32>} : memref<8x1024xf32, #tpu.memory_space<vmem>>, vector<16xf32>,
    %add3A_807 = arith.addf %add3A_802, %get3A_806 : vector<16xf32>
    %get3A_808 = arith.constant 5 : i32
    %get3A_809 = arith.index_cast %get3A_808 : i32 to index
    %get3A_810 = arith.constant 304 : index
    %get3A_811 = tpu.vector_load %arg7[%get3A_809, %get3A_810] {strides = array<i32>} : memref<8x1024xf32, #tpu.memory_space<vmem>>, vector<16xf32>,
    %add3A_812 = arith.addf %add3A_807, %get3A_811 : vector<16xf32>
    %get3A_813 = arith.constant 6 : i32
    %get3A_814 = arith.index_cast %get3A_813 : i32 to index
    %get3A_815 = arith.constant 304 : index
    %get3A_816 = tpu.vector_load %arg7[%get3A_814, %get3A_815] {strides = array<i32>} : memref<8x1024xf32, #tpu.memory_space<vmem>>, vector<16xf32>,
    %add3A_817 = arith.addf %add3A_812, %get3A_816 : vector<16xf32>
    %get3A_818 = arith.constant 7 : i32
    %get3A_819 = arith.index_cast %get3A_818 : i32 to index
    %get3A_820 = arith.constant 304 : index
    %get3A_821 = tpu.vector_load %arg7[%get3A_819, %get3A_820] {strides = array<i32>} : memref<8x1024xf32, #tpu.memory_space<vmem>>, vector<16xf32>,
    %add3A_822 = arith.addf %add3A_817, %get3A_821 : vector<16xf32>
    %swap3A_823 = arith.constant 304 : index
    %swap3A_824 = tpu.vector_load %arg8[%swap3A_823] {strides = array<i32>} : memref<1024xf32, #tpu.memory_space<vmem>>, vector<16xf32>,
    tpu.vector_store %arg8[%swap3A_823], %add3A_822 {strides = array<i32>} : memref<1024xf32, #tpu.memory_space<vmem>>, vector<16xf32>,
    %get3A_825 = arith.constant 0 : i32
    %get3A_826 = arith.index_cast %get3A_825 : i32 to index
    %get3A_827 = arith.constant 320 : index
    %get3A_828 = tpu.vector_load %arg7[%get3A_826, %get3A_827] {strides = array<i32>} : memref<8x1024xf32, #tpu.memory_space<vmem>>, vector<16xf32>,
    %get3A_829 = arith.constant 1 : i32
    %get3A_830 = arith.index_cast %get3A_829 : i32 to index
    %get3A_831 = arith.constant 320 : index
    %get3A_832 = tpu.vector_load %arg7[%get3A_830, %get3A_831] {strides = array<i32>} : memref<8x1024xf32, #tpu.memory_space<vmem>>, vector<16xf32>,
    %add3A_833 = arith.addf %get3A_828, %get3A_832 : vector<16xf32>
    %get3A_834 = arith.constant 2 : i32
    %get3A_835 = arith.index_cast %get3A_834 : i32 to index
    %get3A_836 = arith.constant 320 : index
    %get3A_837 = tpu.vector_load %arg7[%get3A_835, %get3A_836] {strides = array<i32>} : memref<8x1024xf32, #tpu.memory_space<vmem>>, vector<16xf32>,
    %add3A_838 = arith.addf %add3A_833, %get3A_837 : vector<16xf32>
    %get3A_839 = arith.constant 3 : i32
    %get3A_840 = arith.index_cast %get3A_839 : i32 to index
    %get3A_841 = arith.constant 320 : index
    %get3A_842 = tpu.vector_load %arg7[%get3A_840, %get3A_841] {strides = array<i32>} : memref<8x1024xf32, #tpu.memory_space<vmem>>, vector<16xf32>,
    %add3A_843 = arith.addf %add3A_838, %get3A_842 : vector<16xf32>
    %get3A_844 = arith.constant 4 : i32
    %get3A_845 = arith.index_cast %get3A_844 : i32 to index
    %get3A_846 = arith.constant 320 : index
    %get3A_847 = tpu.vector_load %arg7[%get3A_845, %get3A_846] {strides = array<i32>} : memref<8x1024xf32, #tpu.memory_space<vmem>>, vector<16xf32>,
    %add3A_848 = arith.addf %add3A_843, %get3A_847 : vector<16xf32>
    %get3A_849 = arith.constant 5 : i32
    %get3A_850 = arith.index_cast %get3A_849 : i32 to index
    %get3A_851 = arith.constant 320 : index
    %get3A_852 = tpu.vector_load %arg7[%get3A_850, %get3A_851] {strides = array<i32>} : memref<8x1024xf32, #tpu.memory_space<vmem>>, vector<16xf32>,
    %add3A_853 = arith.addf %add3A_848, %get3A_852 : vector<16xf32>
    %get3A_854 = arith.constant 6 : i32
    %get3A_855 = arith.index_cast %get3A_854 : i32 to index
    %get3A_856 = arith.constant 320 : index
    %get3A_857 = tpu.vector_load %arg7[%get3A_855, %get3A_856] {strides = array<i32>} : memref<8x1024xf32, #tpu.memory_space<vmem>>, vector<16xf32>,
    %add3A_858 = arith.addf %add3A_853, %get3A_857 : vector<16xf32>
    %get3A_859 = arith.constant 7 : i32
    %get3A_860 = arith.index_cast %get3A_859 : i32 to index
    %get3A_861 = arith.constant 320 : index
    %get3A_862 = tpu.vector_load %arg7[%get3A_860, %get3A_861] {strides = array<i32>} : memref<8x1024xf32, #tpu.memory_space<vmem>>, vector<16xf32>,
    %add3A_863 = arith.addf %add3A_858, %get3A_862 : vector<16xf32>
    %swap3A_864 = arith.constant 320 : index
    %swap3A_865 = tpu.vector_load %arg8[%swap3A_864] {strides = array<i32>} : memref<1024xf32, #tpu.memory_space<vmem>>, vector<16xf32>,
    tpu.vector_store %arg8[%swap3A_864], %add3A_863 {strides = array<i32>} : memref<1024xf32, #tpu.memory_space<vmem>>, vector<16xf32>,
    %get3A_866 = arith.constant 0 : i32
    %get3A_867 = arith.index_cast %get3A_866 : i32 to index
    %get3A_868 = arith.constant 336 : index
    %get3A_869 = tpu.vector_load %arg7[%get3A_867, %get3A_868] {strides = array<i32>} : memref<8x1024xf32, #tpu.memory_space<vmem>>, vector<16xf32>,
    %get3A_870 = arith.constant 1 : i32
    %get3A_871 = arith.index_cast %get3A_870 : i32 to index
    %get3A_872 = arith.constant 336 : index
    %get3A_873 = tpu.vector_load %arg7[%get3A_871, %get3A_872] {strides = array<i32>} : memref<8x1024xf32, #tpu.memory_space<vmem>>, vector<16xf32>,
    %add3A_874 = arith.addf %get3A_869, %get3A_873 : vector<16xf32>
    %get3A_875 = arith.constant 2 : i32
    %get3A_876 = arith.index_cast %get3A_875 : i32 to index
    %get3A_877 = arith.constant 336 : index
    %get3A_878 = tpu.vector_load %arg7[%get3A_876, %get3A_877] {strides = array<i32>} : memref<8x1024xf32, #tpu.memory_space<vmem>>, vector<16xf32>,
    %add3A_879 = arith.addf %add3A_874, %get3A_878 : vector<16xf32>
    %get3A_880 = arith.constant 3 : i32
    %get3A_881 = arith.index_cast %get3A_880 : i32 to index
    %get3A_882 = arith.constant 336 : index
    %get3A_883 = tpu.vector_load %arg7[%get3A_881, %get3A_882] {strides = array<i32>} : memref<8x1024xf32, #tpu.memory_space<vmem>>, vector<16xf32>,
    %add3A_884 = arith.addf %add3A_879, %get3A_883 : vector<16xf32>
    %get3A_885 = arith.constant 4 : i32
    %get3A_886 = arith.index_cast %get3A_885 : i32 to index
    %get3A_887 = arith.constant 336 : index
    %get3A_888 = tpu.vector_load %arg7[%get3A_886, %get3A_887] {strides = array<i32>} : memref<8x1024xf32, #tpu.memory_space<vmem>>, vector<16xf32>,
    %add3A_889 = arith.addf %add3A_884, %get3A_888 : vector<16xf32>
    %get3A_890 = arith.constant 5 : i32
    %get3A_891 = arith.index_cast %get3A_890 : i32 to index
    %get3A_892 = arith.constant 336 : index
    %get3A_893 = tpu.vector_load %arg7[%get3A_891, %get3A_892] {strides = array<i32>} : memref<8x1024xf32, #tpu.memory_space<vmem>>, vector<16xf32>,
    %add3A_894 = arith.addf %add3A_889, %get3A_893 : vector<16xf32>
    %get3A_895 = arith.constant 6 : i32
    %get3A_896 = arith.index_cast %get3A_895 : i32 to index
    %get3A_897 = arith.constant 336 : index
    %get3A_898 = tpu.vector_load %arg7[%get3A_896, %get3A_897] {strides = array<i32>} : memref<8x1024xf32, #tpu.memory_space<vmem>>, vector<16xf32>,
    %add3A_899 = arith.addf %add3A_894, %get3A_898 : vector<16xf32>
    %get3A_900 = arith.constant 7 : i32
    %get3A_901 = arith.index_cast %get3A_900 : i32 to index
    %get3A_902 = arith.constant 336 : index
    %get3A_903 = tpu.vector_load %arg7[%get3A_901, %get3A_902] {strides = array<i32>} : memref<8x1024xf32, #tpu.memory_space<vmem>>, vector<16xf32>,
    %add3A_904 = arith.addf %add3A_899, %get3A_903 : vector<16xf32>
    %swap3A_905 = arith.constant 336 : index
    %swap3A_906 = tpu.vector_load %arg8[%swap3A_905] {strides = array<i32>} : memref<1024xf32, #tpu.memory_space<vmem>>, vector<16xf32>,
    tpu.vector_store %arg8[%swap3A_905], %add3A_904 {strides = array<i32>} : memref<1024xf32, #tpu.memory_space<vmem>>, vector<16xf32>,
    %get3A_907 = arith.constant 0 : i32
    %get3A_908 = arith.index_cast %get3A_907 : i32 to index
    %get3A_909 = arith.constant 352 : index
    %get3A_910 = tpu.vector_load %arg7[%get3A_908, %get3A_909] {strides = array<i32>} : memref<8x1024xf32, #tpu.memory_space<vmem>>, vector<16xf32>,
    %get3A_911 = arith.constant 1 : i32
    %get3A_912 = arith.index_cast %get3A_911 : i32 to index
    %get3A_913 = arith.constant 352 : index
    %get3A_914 = tpu.vector_load %arg7[%get3A_912, %get3A_913] {strides = array<i32>} : memref<8x1024xf32, #tpu.memory_space<vmem>>, vector<16xf32>,
    %add3A_915 = arith.addf %get3A_910, %get3A_914 : vector<16xf32>
    %get3A_916 = arith.constant 2 : i32
    %get3A_917 = arith.index_cast %get3A_916 : i32 to index
    %get3A_918 = arith.constant 352 : index
    %get3A_919 = tpu.vector_load %arg7[%get3A_917, %get3A_918] {strides = array<i32>} : memref<8x1024xf32, #tpu.memory_space<vmem>>, vector<16xf32>,
    %add3A_920 = arith.addf %add3A_915, %get3A_919 : vector<16xf32>
    %get3A_921 = arith.constant 3 : i32
    %get3A_922 = arith.index_cast %get3A_921 : i32 to index
    %get3A_923 = arith.constant 352 : index
    %get3A_924 = tpu.vector_load %arg7[%get3A_922, %get3A_923] {strides = array<i32>} : memref<8x1024xf32, #tpu.memory_space<vmem>>, vector<16xf32>,
    %add3A_925 = arith.addf %add3A_920, %get3A_924 : vector<16xf32>
    %get3A_926 = arith.constant 4 : i32
    %get3A_927 = arith.index_cast %get3A_926 : i32 to index
    %get3A_928 = arith.constant 352 : index
    %get3A_929 = tpu.vector_load %arg7[%get3A_927, %get3A_928] {strides = array<i32>} : memref<8x1024xf32, #tpu.memory_space<vmem>>, vector<16xf32>,
    %add3A_930 = arith.addf %add3A_925, %get3A_929 : vector<16xf32>
    %get3A_931 = arith.constant 5 : i32
    %get3A_932 = arith.index_cast %get3A_931 : i32 to index
    %get3A_933 = arith.constant 352 : index
    %get3A_934 = tpu.vector_load %arg7[%get3A_932, %get3A_933] {strides = array<i32>} : memref<8x1024xf32, #tpu.memory_space<vmem>>, vector<16xf32>,
    %add3A_935 = arith.addf %add3A_930, %get3A_934 : vector<16xf32>
    %get3A_936 = arith.constant 6 : i32
    %get3A_937 = arith.index_cast %get3A_936 : i32 to index
    %get3A_938 = arith.constant 352 : index
    %get3A_939 = tpu.vector_load %arg7[%get3A_937, %get3A_938] {strides = array<i32>} : memref<8x1024xf32, #tpu.memory_space<vmem>>, vector<16xf32>,
    %add3A_940 = arith.addf %add3A_935, %get3A_939 : vector<16xf32>
    %get3A_941 = arith.constant 7 : i32
    %get3A_942 = arith.index_cast %get3A_941 : i32 to index
    %get3A_943 = arith.constant 352 : index
    %get3A_944 = tpu.vector_load %arg7[%get3A_942, %get3A_943] {strides = array<i32>} : memref<8x1024xf32, #tpu.memory_space<vmem>>, vector<16xf32>,
    %add3A_945 = arith.addf %add3A_940, %get3A_944 : vector<16xf32>
    %swap3A_946 = arith.constant 352 : index
    %swap3A_947 = tpu.vector_load %arg8[%swap3A_946] {strides = array<i32>} : memref<1024xf32, #tpu.memory_space<vmem>>, vector<16xf32>,
    tpu.vector_store %arg8[%swap3A_946], %add3A_945 {strides = array<i32>} : memref<1024xf32, #tpu.memory_space<vmem>>, vector<16xf32>,
    %get3A_948 = arith.constant 0 : i32
    %get3A_949 = arith.index_cast %get3A_948 : i32 to index
    %get3A_950 = arith.constant 368 : index
    %get3A_951 = tpu.vector_load %arg7[%get3A_949, %get3A_950] {strides = array<i32>} : memref<8x1024xf32, #tpu.memory_space<vmem>>, vector<16xf32>,
    %get3A_952 = arith.constant 1 : i32
    %get3A_953 = arith.index_cast %get3A_952 : i32 to index
    %get3A_954 = arith.constant 368 : index
    %get3A_955 = tpu.vector_load %arg7[%get3A_953, %get3A_954] {strides = array<i32>} : memref<8x1024xf32, #tpu.memory_space<vmem>>, vector<16xf32>,
    %add3A_956 = arith.addf %get3A_951, %get3A_955 : vector<16xf32>
    %get3A_957 = arith.constant 2 : i32
    %get3A_958 = arith.index_cast %get3A_957 : i32 to index
    %get3A_959 = arith.constant 368 : index
    %get3A_960 = tpu.vector_load %arg7[%get3A_958, %get3A_959] {strides = array<i32>} : memref<8x1024xf32, #tpu.memory_space<vmem>>, vector<16xf32>,
    %add3A_961 = arith.addf %add3A_956, %get3A_960 : vector<16xf32>
    %get3A_962 = arith.constant 3 : i32
    %get3A_963 = arith.index_cast %get3A_962 : i32 to index
    %get3A_964 = arith.constant 368 : index
    %get3A_965 = tpu.vector_load %arg7[%get3A_963, %get3A_964] {strides = array<i32>} : memref<8x1024xf32, #tpu.memory_space<vmem>>, vector<16xf32>,
    %add3A_966 = arith.addf %add3A_961, %get3A_965 : vector<16xf32>
    %get3A_967 = arith.constant 4 : i32
    %get3A_968 = arith.index_cast %get3A_967 : i32 to index
    %get3A_969 = arith.constant 368 : index
    %get3A_970 = tpu.vector_load %arg7[%get3A_968, %get3A_969] {strides = array<i32>} : memref<8x1024xf32, #tpu.memory_space<vmem>>, vector<16xf32>,
    %add3A_971 = arith.addf %add3A_966, %get3A_970 : vector<16xf32>
    %get3A_972 = arith.constant 5 : i32
    %get3A_973 = arith.index_cast %get3A_972 : i32 to index
    %get3A_974 = arith.constant 368 : index
    %get3A_975 = tpu.vector_load %arg7[%get3A_973, %get3A_974] {strides = array<i32>} : memref<8x1024xf32, #tpu.memory_space<vmem>>, vector<16xf32>,
    %add3A_976 = arith.addf %add3A_971, %get3A_975 : vector<16xf32>
    %get3A_977 = arith.constant 6 : i32
    %get3A_978 = arith.index_cast %get3A_977 : i32 to index
    %get3A_979 = arith.constant 368 : index
    %get3A_980 = tpu.vector_load %arg7[%get3A_978, %get3A_979] {strides = array<i32>} : memref<8x1024xf32, #tpu.memory_space<vmem>>, vector<16xf32>,
    %add3A_981 = arith.addf %add3A_976, %get3A_980 : vector<16xf32>
    %get3A_982 = arith.constant 7 : i32
    %get3A_983 = arith.index_cast %get3A_982 : i32 to index
    %get3A_984 = arith.constant 368 : index
    %get3A_985 = tpu.vector_load %arg7[%get3A_983, %get3A_984] {strides = array<i32>} : memref<8x1024xf32, #tpu.memory_space<vmem>>, vector<16xf32>,
    %add3A_986 = arith.addf %add3A_981, %get3A_985 : vector<16xf32>
    %swap3A_987 = arith.constant 368 : index
    %swap3A_988 = tpu.vector_load %arg8[%swap3A_987] {strides = array<i32>} : memref<1024xf32, #tpu.memory_space<vmem>>, vector<16xf32>,
    tpu.vector_store %arg8[%swap3A_987], %add3A_986 {strides = array<i32>} : memref<1024xf32, #tpu.memory_space<vmem>>, vector<16xf32>,
    %get3A_989 = arith.constant 0 : i32
    %get3A_990 = arith.index_cast %get3A_989 : i32 to index
    %get3A_991 = arith.constant 384 : index
    %get3A_992 = tpu.vector_load %arg7[%get3A_990, %get3A_991] {strides = array<i32>} : memref<8x1024xf32, #tpu.memory_space<vmem>>, vector<16xf32>,
    %get3A_993 = arith.constant 1 : i32
    %get3A_994 = arith.index_cast %get3A_993 : i32 to index
    %get3A_995 = arith.constant 384 : index
    %get3A_996 = tpu.vector_load %arg7[%get3A_994, %get3A_995] {strides = array<i32>} : memref<8x1024xf32, #tpu.memory_space<vmem>>, vector<16xf32>,
    %add3A_997 = arith.addf %get3A_992, %get3A_996 : vector<16xf32>
    %get3A_998 = arith.constant 2 : i32
    %get3A_999 = arith.index_cast %get3A_998 : i32 to index
    %get3A_1000 = arith.constant 384 : index
    %get3A_1001 = tpu.vector_load %arg7[%get3A_999, %get3A_1000] {strides = array<i32>} : memref<8x1024xf32, #tpu.memory_space<vmem>>, vector<16xf32>,
    %add3A_1002 = arith.addf %add3A_997, %get3A_1001 : vector<16xf32>
    %get3A_1003 = arith.constant 3 : i32
    %get3A_1004 = arith.index_cast %get3A_1003 : i32 to index
    %get3A_1005 = arith.constant 384 : index
    %get3A_1006 = tpu.vector_load %arg7[%get3A_1004, %get3A_1005] {strides = array<i32>} : memref<8x1024xf32, #tpu.memory_space<vmem>>, vector<16xf32>,
    %add3A_1007 = arith.addf %add3A_1002, %get3A_1006 : vector<16xf32>
    %get3A_1008 = arith.constant 4 : i32
    %get3A_1009 = arith.index_cast %get3A_1008 : i32 to index
    %get3A_1010 = arith.constant 384 : index
    %get3A_1011 = tpu.vector_load %arg7[%get3A_1009, %get3A_1010] {strides = array<i32>} : memref<8x1024xf32, #tpu.memory_space<vmem>>, vector<16xf32>,
    %add3A_1012 = arith.addf %add3A_1007, %get3A_1011 : vector<16xf32>
    %get3A_1013 = arith.constant 5 : i32
    %get3A_1014 = arith.index_cast %get3A_1013 : i32 to index
    %get3A_1015 = arith.constant 384 : index
    %get3A_1016 = tpu.vector_load %arg7[%get3A_1014, %get3A_1015] {strides = array<i32>} : memref<8x1024xf32, #tpu.memory_space<vmem>>, vector<16xf32>,
    %add3A_1017 = arith.addf %add3A_1012, %get3A_1016 : vector<16xf32>
    %get3A_1018 = arith.constant 6 : i32
    %get3A_1019 = arith.index_cast %get3A_1018 : i32 to index
    %get3A_1020 = arith.constant 384 : index
    %get3A_1021 = tpu.vector_load %arg7[%get3A_1019, %get3A_1020] {strides = array<i32>} : memref<8x1024xf32, #tpu.memory_space<vmem>>, vector<16xf32>,
    %add3A_1022 = arith.addf %add3A_1017, %get3A_1021 : vector<16xf32>
    %get3A_1023 = arith.constant 7 : i32
    %get3A_1024 = arith.index_cast %get3A_1023 : i32 to index
    %get3A_1025 = arith.constant 384 : index
    %get3A_1026 = tpu.vector_load %arg7[%get3A_1024, %get3A_1025] {strides = array<i32>} : memref<8x1024xf32, #tpu.memory_space<vmem>>, vector<16xf32>,
    %add3A_1027 = arith.addf %add3A_1022, %get3A_1026 : vector<16xf32>
    %swap3A_1028 = arith.constant 384 : index
    %swap3A_1029 = tpu.vector_load %arg8[%swap3A_1028] {strides = array<i32>} : memref<1024xf32, #tpu.memory_space<vmem>>, vector<16xf32>,
    tpu.vector_store %arg8[%swap3A_1028], %add3A_1027 {strides = array<i32>} : memref<1024xf32, #tpu.memory_space<vmem>>, vector<16xf32>,
    %get3A_1030 = arith.constant 0 : i32
    %get3A_1031 = arith.index_cast %get3A_1030 : i32 to index
    %get3A_1032 = arith.constant 400 : index
    %get3A_1033 = tpu.vector_load %arg7[%get3A_1031, %get3A_1032] {strides = array<i32>} : memref<8x1024xf32, #tpu.memory_space<vmem>>, vector<16xf32>,
    %get3A_1034 = arith.constant 1 : i32
    %get3A_1035 = arith.index_cast %get3A_1034 : i32 to index
    %get3A_1036 = arith.constant 400 : index
    %get3A_1037 = tpu.vector_load %arg7[%get3A_1035, %get3A_1036] {strides = array<i32>} : memref<8x1024xf32, #tpu.memory_space<vmem>>, vector<16xf32>,
    %add3A_1038 = arith.addf %get3A_1033, %get3A_1037 : vector<16xf32>
    %get3A_1039 = arith.constant 2 : i32
    %get3A_1040 = arith.index_cast %get3A_1039 : i32 to index
    %get3A_1041 = arith.constant 400 : index
    %get3A_1042 = tpu.vector_load %arg7[%get3A_1040, %get3A_1041] {strides = array<i32>} : memref<8x1024xf32, #tpu.memory_space<vmem>>, vector<16xf32>,
    %add3A_1043 = arith.addf %add3A_1038, %get3A_1042 : vector<16xf32>
    %get3A_1044 = arith.constant 3 : i32
    %get3A_1045 = arith.index_cast %get3A_1044 : i32 to index
    %get3A_1046 = arith.constant 400 : index
    %get3A_1047 = tpu.vector_load %arg7[%get3A_1045, %get3A_1046] {strides = array<i32>} : memref<8x1024xf32, #tpu.memory_space<vmem>>, vector<16xf32>,
    %add3A_1048 = arith.addf %add3A_1043, %get3A_1047 : vector<16xf32>
    %get3A_1049 = arith.constant 4 : i32
    %get3A_1050 = arith.index_cast %get3A_1049 : i32 to index
    %get3A_1051 = arith.constant 400 : index
    %get3A_1052 = tpu.vector_load %arg7[%get3A_1050, %get3A_1051] {strides = array<i32>} : memref<8x1024xf32, #tpu.memory_space<vmem>>, vector<16xf32>,
    %add3A_1053 = arith.addf %add3A_1048, %get3A_1052 : vector<16xf32>
    %get3A_1054 = arith.constant 5 : i32
    %get3A_1055 = arith.index_cast %get3A_1054 : i32 to index
    %get3A_1056 = arith.constant 400 : index
    %get3A_1057 = tpu.vector_load %arg7[%get3A_1055, %get3A_1056] {strides = array<i32>} : memref<8x1024xf32, #tpu.memory_space<vmem>>, vector<16xf32>,
    %add3A_1058 = arith.addf %add3A_1053, %get3A_1057 : vector<16xf32>
    %get3A_1059 = arith.constant 6 : i32
    %get3A_1060 = arith.index_cast %get3A_1059 : i32 to index
    %get3A_1061 = arith.constant 400 : index
    %get3A_1062 = tpu.vector_load %arg7[%get3A_1060, %get3A_1061] {strides = array<i32>} : memref<8x1024xf32, #tpu.memory_space<vmem>>, vector<16xf32>,
    %add3A_1063 = arith.addf %add3A_1058, %get3A_1062 : vector<16xf32>
    %get3A_1064 = arith.constant 7 : i32
    %get3A_1065 = arith.index_cast %get3A_1064 : i32 to index
    %get3A_1066 = arith.constant 400 : index
    %get3A_1067 = tpu.vector_load %arg7[%get3A_1065, %get3A_1066] {strides = array<i32>} : memref<8x1024xf32, #tpu.memory_space<vmem>>, vector<16xf32>,
    %add3A_1068 = arith.addf %add3A_1063, %get3A_1067 : vector<16xf32>
    %swap3A_1069 = arith.constant 400 : index
    %swap3A_1070 = tpu.vector_load %arg8[%swap3A_1069] {strides = array<i32>} : memref<1024xf32, #tpu.memory_space<vmem>>, vector<16xf32>,
    tpu.vector_store %arg8[%swap3A_1069], %add3A_1068 {strides = array<i32>} : memref<1024xf32, #tpu.memory_space<vmem>>, vector<16xf32>,
    %get3A_1071 = arith.constant 0 : i32
    %get3A_1072 = arith.index_cast %get3A_1071 : i32 to index
    %get3A_1073 = arith.constant 416 : index
    %get3A_1074 = tpu.vector_load %arg7[%get3A_1072, %get3A_1073] {strides = array<i32>} : memref<8x1024xf32, #tpu.memory_space<vmem>>, vector<16xf32>,
    %get3A_1075 = arith.constant 1 : i32
    %get3A_1076 = arith.index_cast %get3A_1075 : i32 to index
    %get3A_1077 = arith.constant 416 : index
    %get3A_1078 = tpu.vector_load %arg7[%get3A_1076, %get3A_1077] {strides = array<i32>} : memref<8x1024xf32, #tpu.memory_space<vmem>>, vector<16xf32>,
    %add3A_1079 = arith.addf %get3A_1074, %get3A_1078 : vector<16xf32>
    %get3A_1080 = arith.constant 2 : i32
    %get3A_1081 = arith.index_cast %get3A_1080 : i32 to index
    %get3A_1082 = arith.constant 416 : index
    %get3A_1083 = tpu.vector_load %arg7[%get3A_1081, %get3A_1082] {strides = array<i32>} : memref<8x1024xf32, #tpu.memory_space<vmem>>, vector<16xf32>,
    %add3A_1084 = arith.addf %add3A_1079, %get3A_1083 : vector<16xf32>
    %get3A_1085 = arith.constant 3 : i32
    %get3A_1086 = arith.index_cast %get3A_1085 : i32 to index
    %get3A_1087 = arith.constant 416 : index
    %get3A_1088 = tpu.vector_load %arg7[%get3A_1086, %get3A_1087] {strides = array<i32>} : memref<8x1024xf32, #tpu.memory_space<vmem>>, vector<16xf32>,
    %add3A_1089 = arith.addf %add3A_1084, %get3A_1088 : vector<16xf32>
    %get3A_1090 = arith.constant 4 : i32
    %get3A_1091 = arith.index_cast %get3A_1090 : i32 to index
    %get3A_1092 = arith.constant 416 : index
    %get3A_1093 = tpu.vector_load %arg7[%get3A_1091, %get3A_1092] {strides = array<i32>} : memref<8x1024xf32, #tpu.memory_space<vmem>>, vector<16xf32>,
    %add3A_1094 = arith.addf %add3A_1089, %get3A_1093 : vector<16xf32>
    %get3A_1095 = arith.constant 5 : i32
    %get3A_1096 = arith.index_cast %get3A_1095 : i32 to index
    %get3A_1097 = arith.constant 416 : index
    %get3A_1098 = tpu.vector_load %arg7[%get3A_1096, %get3A_1097] {strides = array<i32>} : memref<8x1024xf32, #tpu.memory_space<vmem>>, vector<16xf32>,
    %add3A_1099 = arith.addf %add3A_1094, %get3A_1098 : vector<16xf32>
    %get3A_1100 = arith.constant 6 : i32
    %get3A_1101 = arith.index_cast %get3A_1100 : i32 to index
    %get3A_1102 = arith.constant 416 : index
    %get3A_1103 = tpu.vector_load %arg7[%get3A_1101, %get3A_1102] {strides = array<i32>} : memref<8x1024xf32, #tpu.memory_space<vmem>>, vector<16xf32>,
    %add3A_1104 = arith.addf %add3A_1099, %get3A_1103 : vector<16xf32>
    %get3A_1105 = arith.constant 7 : i32
    %get3A_1106 = arith.index_cast %get3A_1105 : i32 to index
    %get3A_1107 = arith.constant 416 : index
    %get3A_1108 = tpu.vector_load %arg7[%get3A_1106, %get3A_1107] {strides = array<i32>} : memref<8x1024xf32, #tpu.memory_space<vmem>>, vector<16xf32>,
    %add3A_1109 = arith.addf %add3A_1104, %get3A_1108 : vector<16xf32>
    %swap3A_1110 = arith.constant 416 : index
    %swap3A_1111 = tpu.vector_load %arg8[%swap3A_1110] {strides = array<i32>} : memref<1024xf32, #tpu.memory_space<vmem>>, vector<16xf32>,
    tpu.vector_store %arg8[%swap3A_1110], %add3A_1109 {strides = array<i32>} : memref<1024xf32, #tpu.memory_space<vmem>>, vector<16xf32>,
    %get3A_1112 = arith.constant 0 : i32
    %get3A_1113 = arith.index_cast %get3A_1112 : i32 to index
    %get3A_1114 = arith.constant 432 : index
    %get3A_1115 = tpu.vector_load %arg7[%get3A_1113, %get3A_1114] {strides = array<i32>} : memref<8x1024xf32, #tpu.memory_space<vmem>>, vector<16xf32>,
    %get3A_1116 = arith.constant 1 : i32
    %get3A_1117 = arith.index_cast %get3A_1116 : i32 to index
    %get3A_1118 = arith.constant 432 : index
    %get3A_1119 = tpu.vector_load %arg7[%get3A_1117, %get3A_1118] {strides = array<i32>} : memref<8x1024xf32, #tpu.memory_space<vmem>>, vector<16xf32>,
    %add3A_1120 = arith.addf %get3A_1115, %get3A_1119 : vector<16xf32>
    %get3A_1121 = arith.constant 2 : i32
    %get3A_1122 = arith.index_cast %get3A_1121 : i32 to index
    %get3A_1123 = arith.constant 432 : index
    %get3A_1124 = tpu.vector_load %arg7[%get3A_1122, %get3A_1123] {strides = array<i32>} : memref<8x1024xf32, #tpu.memory_space<vmem>>, vector<16xf32>,
    %add3A_1125 = arith.addf %add3A_1120, %get3A_1124 : vector<16xf32>
    %get3A_1126 = arith.constant 3 : i32
    %get3A_1127 = arith.index_cast %get3A_1126 : i32 to index
    %get3A_1128 = arith.constant 432 : index
    %get3A_1129 = tpu.vector_load %arg7[%get3A_1127, %get3A_1128] {strides = array<i32>} : memref<8x1024xf32, #tpu.memory_space<vmem>>, vector<16xf32>,
    %add3A_1130 = arith.addf %add3A_1125, %get3A_1129 : vector<16xf32>
    %get3A_1131 = arith.constant 4 : i32
    %get3A_1132 = arith.index_cast %get3A_1131 : i32 to index
    %get3A_1133 = arith.constant 432 : index
    %get3A_1134 = tpu.vector_load %arg7[%get3A_1132, %get3A_1133] {strides = array<i32>} : memref<8x1024xf32, #tpu.memory_space<vmem>>, vector<16xf32>,
    %add3A_1135 = arith.addf %add3A_1130, %get3A_1134 : vector<16xf32>
    %get3A_1136 = arith.constant 5 : i32
    %get3A_1137 = arith.index_cast %get3A_1136 : i32 to index
    %get3A_1138 = arith.constant 432 : index
    %get3A_1139 = tpu.vector_load %arg7[%get3A_1137, %get3A_1138] {strides = array<i32>} : memref<8x1024xf32, #tpu.memory_space<vmem>>, vector<16xf32>,
    %add3A_1140 = arith.addf %add3A_1135, %get3A_1139 : vector<16xf32>
    %get3A_1141 = arith.constant 6 : i32
    %get3A_1142 = arith.index_cast %get3A_1141 : i32 to index
    %get3A_1143 = arith.constant 432 : index
    %get3A_1144 = tpu.vector_load %arg7[%get3A_1142, %get3A_1143] {strides = array<i32>} : memref<8x1024xf32, #tpu.memory_space<vmem>>, vector<16xf32>,
    %add3A_1145 = arith.addf %add3A_1140, %get3A_1144 : vector<16xf32>
    %get3A_1146 = arith.constant 7 : i32
    %get3A_1147 = arith.index_cast %get3A_1146 : i32 to index
    %get3A_1148 = arith.constant 432 : index
    %get3A_1149 = tpu.vector_load %arg7[%get3A_1147, %get3A_1148] {strides = array<i32>} : memref<8x1024xf32, #tpu.memory_space<vmem>>, vector<16xf32>,
    %add3A_1150 = arith.addf %add3A_1145, %get3A_1149 : vector<16xf32>
    %swap3A_1151 = arith.constant 432 : index
    %swap3A_1152 = tpu.vector_load %arg8[%swap3A_1151] {strides = array<i32>} : memref<1024xf32, #tpu.memory_space<vmem>>, vector<16xf32>,
    tpu.vector_store %arg8[%swap3A_1151], %add3A_1150 {strides = array<i32>} : memref<1024xf32, #tpu.memory_space<vmem>>, vector<16xf32>,
    %get3A_1153 = arith.constant 0 : i32
    %get3A_1154 = arith.index_cast %get3A_1153 : i32 to index
    %get3A_1155 = arith.constant 448 : index
    %get3A_1156 = tpu.vector_load %arg7[%get3A_1154, %get3A_1155] {strides = array<i32>} : memref<8x1024xf32, #tpu.memory_space<vmem>>, vector<16xf32>,
    %get3A_1157 = arith.constant 1 : i32
    %get3A_1158 = arith.index_cast %get3A_1157 : i32 to index
    %get3A_1159 = arith.constant 448 : index
    %get3A_1160 = tpu.vector_load %arg7[%get3A_1158, %get3A_1159] {strides = array<i32>} : memref<8x1024xf32, #tpu.memory_space<vmem>>, vector<16xf32>,
    %add3A_1161 = arith.addf %get3A_1156, %get3A_1160 : vector<16xf32>
    %get3A_1162 = arith.constant 2 : i32
    %get3A_1163 = arith.index_cast %get3A_1162 : i32 to index
    %get3A_1164 = arith.constant 448 : index
    %get3A_1165 = tpu.vector_load %arg7[%get3A_1163, %get3A_1164] {strides = array<i32>} : memref<8x1024xf32, #tpu.memory_space<vmem>>, vector<16xf32>,
    %add3A_1166 = arith.addf %add3A_1161, %get3A_1165 : vector<16xf32>
    %get3A_1167 = arith.constant 3 : i32
    %get3A_1168 = arith.index_cast %get3A_1167 : i32 to index
    %get3A_1169 = arith.constant 448 : index
    %get3A_1170 = tpu.vector_load %arg7[%get3A_1168, %get3A_1169] {strides = array<i32>} : memref<8x1024xf32, #tpu.memory_space<vmem>>, vector<16xf32>,
    %add3A_1171 = arith.addf %add3A_1166, %get3A_1170 : vector<16xf32>
    %get3A_1172 = arith.constant 4 : i32
    %get3A_1173 = arith.index_cast %get3A_1172 : i32 to index
    %get3A_1174 = arith.constant 448 : index
    %get3A_1175 = tpu.vector_load %arg7[%get3A_1173, %get3A_1174] {strides = array<i32>} : memref<8x1024xf32, #tpu.memory_space<vmem>>, vector<16xf32>,
    %add3A_1176 = arith.addf %add3A_1171, %get3A_1175 : vector<16xf32>
    %get3A_1177 = arith.constant 5 : i32
    %get3A_1178 = arith.index_cast %get3A_1177 : i32 to index
    %get3A_1179 = arith.constant 448 : index
    %get3A_1180 = tpu.vector_load %arg7[%get3A_1178, %get3A_1179] {strides = array<i32>} : memref<8x1024xf32, #tpu.memory_space<vmem>>, vector<16xf32>,
    %add3A_1181 = arith.addf %add3A_1176, %get3A_1180 : vector<16xf32>
    %get3A_1182 = arith.constant 6 : i32
    %get3A_1183 = arith.index_cast %get3A_1182 : i32 to index
    %get3A_1184 = arith.constant 448 : index
    %get3A_1185 = tpu.vector_load %arg7[%get3A_1183, %get3A_1184] {strides = array<i32>} : memref<8x1024xf32, #tpu.memory_space<vmem>>, vector<16xf32>,
    %add3A_1186 = arith.addf %add3A_1181, %get3A_1185 : vector<16xf32>
    %get3A_1187 = arith.constant 7 : i32
    %get3A_1188 = arith.index_cast %get3A_1187 : i32 to index
    %get3A_1189 = arith.constant 448 : index
    %get3A_1190 = tpu.vector_load %arg7[%get3A_1188, %get3A_1189] {strides = array<i32>} : memref<8x1024xf32, #tpu.memory_space<vmem>>, vector<16xf32>,
    %add3A_1191 = arith.addf %add3A_1186, %get3A_1190 : vector<16xf32>
    %swap3A_1192 = arith.constant 448 : index
    %swap3A_1193 = tpu.vector_load %arg8[%swap3A_1192] {strides = array<i32>} : memref<1024xf32, #tpu.memory_space<vmem>>, vector<16xf32>,
    tpu.vector_store %arg8[%swap3A_1192], %add3A_1191 {strides = array<i32>} : memref<1024xf32, #tpu.memory_space<vmem>>, vector<16xf32>,
    %get3A_1194 = arith.constant 0 : i32
    %get3A_1195 = arith.index_cast %get3A_1194 : i32 to index
    %get3A_1196 = arith.constant 464 : index
    %get3A_1197 = tpu.vector_load %arg7[%get3A_1195, %get3A_1196] {strides = array<i32>} : memref<8x1024xf32, #tpu.memory_space<vmem>>, vector<16xf32>,
    %get3A_1198 = arith.constant 1 : i32
    %get3A_1199 = arith.index_cast %get3A_1198 : i32 to index
    %get3A_1200 = arith.constant 464 : index
    %get3A_1201 = tpu.vector_load %arg7[%get3A_1199, %get3A_1200] {strides = array<i32>} : memref<8x1024xf32, #tpu.memory_space<vmem>>, vector<16xf32>,
    %add3A_1202 = arith.addf %get3A_1197, %get3A_1201 : vector<16xf32>
    %get3A_1203 = arith.constant 2 : i32
    %get3A_1204 = arith.index_cast %get3A_1203 : i32 to index
    %get3A_1205 = arith.constant 464 : index
    %get3A_1206 = tpu.vector_load %arg7[%get3A_1204, %get3A_1205] {strides = array<i32>} : memref<8x1024xf32, #tpu.memory_space<vmem>>, vector<16xf32>,
    %add3A_1207 = arith.addf %add3A_1202, %get3A_1206 : vector<16xf32>
    %get3A_1208 = arith.constant 3 : i32
    %get3A_1209 = arith.index_cast %get3A_1208 : i32 to index
    %get3A_1210 = arith.constant 464 : index
    %get3A_1211 = tpu.vector_load %arg7[%get3A_1209, %get3A_1210] {strides = array<i32>} : memref<8x1024xf32, #tpu.memory_space<vmem>>, vector<16xf32>,
    %add3A_1212 = arith.addf %add3A_1207, %get3A_1211 : vector<16xf32>
    %get3A_1213 = arith.constant 4 : i32
    %get3A_1214 = arith.index_cast %get3A_1213 : i32 to index
    %get3A_1215 = arith.constant 464 : index
    %get3A_1216 = tpu.vector_load %arg7[%get3A_1214, %get3A_1215] {strides = array<i32>} : memref<8x1024xf32, #tpu.memory_space<vmem>>, vector<16xf32>,
    %add3A_1217 = arith.addf %add3A_1212, %get3A_1216 : vector<16xf32>
    %get3A_1218 = arith.constant 5 : i32
    %get3A_1219 = arith.index_cast %get3A_1218 : i32 to index
    %get3A_1220 = arith.constant 464 : index
    %get3A_1221 = tpu.vector_load %arg7[%get3A_1219, %get3A_1220] {strides = array<i32>} : memref<8x1024xf32, #tpu.memory_space<vmem>>, vector<16xf32>,
    %add3A_1222 = arith.addf %add3A_1217, %get3A_1221 : vector<16xf32>
    %get3A_1223 = arith.constant 6 : i32
    %get3A_1224 = arith.index_cast %get3A_1223 : i32 to index
    %get3A_1225 = arith.constant 464 : index
    %get3A_1226 = tpu.vector_load %arg7[%get3A_1224, %get3A_1225] {strides = array<i32>} : memref<8x1024xf32, #tpu.memory_space<vmem>>, vector<16xf32>,
    %add3A_1227 = arith.addf %add3A_1222, %get3A_1226 : vector<16xf32>
    %get3A_1228 = arith.constant 7 : i32
    %get3A_1229 = arith.index_cast %get3A_1228 : i32 to index
    %get3A_1230 = arith.constant 464 : index
    %get3A_1231 = tpu.vector_load %arg7[%get3A_1229, %get3A_1230] {strides = array<i32>} : memref<8x1024xf32, #tpu.memory_space<vmem>>, vector<16xf32>,
    %add3A_1232 = arith.addf %add3A_1227, %get3A_1231 : vector<16xf32>
    %swap3A_1233 = arith.constant 464 : index
    %swap3A_1234 = tpu.vector_load %arg8[%swap3A_1233] {strides = array<i32>} : memref<1024xf32, #tpu.memory_space<vmem>>, vector<16xf32>,
    tpu.vector_store %arg8[%swap3A_1233], %add3A_1232 {strides = array<i32>} : memref<1024xf32, #tpu.memory_space<vmem>>, vector<16xf32>,
    %get3A_1235 = arith.constant 0 : i32
    %get3A_1236 = arith.index_cast %get3A_1235 : i32 to index
    %get3A_1237 = arith.constant 480 : index
    %get3A_1238 = tpu.vector_load %arg7[%get3A_1236, %get3A_1237] {strides = array<i32>} : memref<8x1024xf32, #tpu.memory_space<vmem>>, vector<16xf32>,
    %get3A_1239 = arith.constant 1 : i32
    %get3A_1240 = arith.index_cast %get3A_1239 : i32 to index
    %get3A_1241 = arith.constant 480 : index
    %get3A_1242 = tpu.vector_load %arg7[%get3A_1240, %get3A_1241] {strides = array<i32>} : memref<8x1024xf32, #tpu.memory_space<vmem>>, vector<16xf32>,
    %add3A_1243 = arith.addf %get3A_1238, %get3A_1242 : vector<16xf32>
    %get3A_1244 = arith.constant 2 : i32
    %get3A_1245 = arith.index_cast %get3A_1244 : i32 to index
    %get3A_1246 = arith.constant 480 : index
    %get3A_1247 = tpu.vector_load %arg7[%get3A_1245, %get3A_1246] {strides = array<i32>} : memref<8x1024xf32, #tpu.memory_space<vmem>>, vector<16xf32>,
    %add3A_1248 = arith.addf %add3A_1243, %get3A_1247 : vector<16xf32>
    %get3A_1249 = arith.constant 3 : i32
    %get3A_1250 = arith.index_cast %get3A_1249 : i32 to index
    %get3A_1251 = arith.constant 480 : index
    %get3A_1252 = tpu.vector_load %arg7[%get3A_1250, %get3A_1251] {strides = array<i32>} : memref<8x1024xf32, #tpu.memory_space<vmem>>, vector<16xf32>,
    %add3A_1253 = arith.addf %add3A_1248, %get3A_1252 : vector<16xf32>
    %get3A_1254 = arith.constant 4 : i32
    %get3A_1255 = arith.index_cast %get3A_1254 : i32 to index
    %get3A_1256 = arith.constant 480 : index
    %get3A_1257 = tpu.vector_load %arg7[%get3A_1255, %get3A_1256] {strides = array<i32>} : memref<8x1024xf32, #tpu.memory_space<vmem>>, vector<16xf32>,
    %add3A_1258 = arith.addf %add3A_1253, %get3A_1257 : vector<16xf32>
    %get3A_1259 = arith.constant 5 : i32
    %get3A_1260 = arith.index_cast %get3A_1259 : i32 to index
    %get3A_1261 = arith.constant 480 : index
    %get3A_1262 = tpu.vector_load %arg7[%get3A_1260, %get3A_1261] {strides = array<i32>} : memref<8x1024xf32, #tpu.memory_space<vmem>>, vector<16xf32>,
    %add3A_1263 = arith.addf %add3A_1258, %get3A_1262 : vector<16xf32>
    %get3A_1264 = arith.constant 6 : i32
    %get3A_1265 = arith.index_cast %get3A_1264 : i32 to index
    %get3A_1266 = arith.constant 480 : index
    %get3A_1267 = tpu.vector_load %arg7[%get3A_1265, %get3A_1266] {strides = array<i32>} : memref<8x1024xf32, #tpu.memory_space<vmem>>, vector<16xf32>,
    %add3A_1268 = arith.addf %add3A_1263, %get3A_1267 : vector<16xf32>
    %get3A_1269 = arith.constant 7 : i32
    %get3A_1270 = arith.index_cast %get3A_1269 : i32 to index
    %get3A_1271 = arith.constant 480 : index
    %get3A_1272 = tpu.vector_load %arg7[%get3A_1270, %get3A_1271] {strides = array<i32>} : memref<8x1024xf32, #tpu.memory_space<vmem>>, vector<16xf32>,
    %add3A_1273 = arith.addf %add3A_1268, %get3A_1272 : vector<16xf32>
    %swap3A_1274 = arith.constant 480 : index
    %swap3A_1275 = tpu.vector_load %arg8[%swap3A_1274] {strides = array<i32>} : memref<1024xf32, #tpu.memory_space<vmem>>, vector<16xf32>,
    tpu.vector_store %arg8[%swap3A_1274], %add3A_1273 {strides = array<i32>} : memref<1024xf32, #tpu.memory_space<vmem>>, vector<16xf32>,
    %get3A_1276 = arith.constant 0 : i32
    %get3A_1277 = arith.index_cast %get3A_1276 : i32 to index
    %get3A_1278 = arith.constant 496 : index
    %get3A_1279 = tpu.vector_load %arg7[%get3A_1277, %get3A_1278] {strides = array<i32>} : memref<8x1024xf32, #tpu.memory_space<vmem>>, vector<16xf32>,
    %get3A_1280 = arith.constant 1 : i32
    %get3A_1281 = arith.index_cast %get3A_1280 : i32 to index
    %get3A_1282 = arith.constant 496 : index
    %get3A_1283 = tpu.vector_load %arg7[%get3A_1281, %get3A_1282] {strides = array<i32>} : memref<8x1024xf32, #tpu.memory_space<vmem>>, vector<16xf32>,
    %add3A_1284 = arith.addf %get3A_1279, %get3A_1283 : vector<16xf32>
    %get3A_1285 = arith.constant 2 : i32
    %get3A_1286 = arith.index_cast %get3A_1285 : i32 to index
    %get3A_1287 = arith.constant 496 : index
    %get3A_1288 = tpu.vector_load %arg7[%get3A_1286, %get3A_1287] {strides = array<i32>} : memref<8x1024xf32, #tpu.memory_space<vmem>>, vector<16xf32>,
    %add3A_1289 = arith.addf %add3A_1284, %get3A_1288 : vector<16xf32>
    %get3A_1290 = arith.constant 3 : i32
    %get3A_1291 = arith.index_cast %get3A_1290 : i32 to index
    %get3A_1292 = arith.constant 496 : index
    %get3A_1293 = tpu.vector_load %arg7[%get3A_1291, %get3A_1292] {strides = array<i32>} : memref<8x1024xf32, #tpu.memory_space<vmem>>, vector<16xf32>,
    %add3A_1294 = arith.addf %add3A_1289, %get3A_1293 : vector<16xf32>
    %get3A_1295 = arith.constant 4 : i32
    %get3A_1296 = arith.index_cast %get3A_1295 : i32 to index
    %get3A_1297 = arith.constant 496 : index
    %get3A_1298 = tpu.vector_load %arg7[%get3A_1296, %get3A_1297] {strides = array<i32>} : memref<8x1024xf32, #tpu.memory_space<vmem>>, vector<16xf32>,
    %add3A_1299 = arith.addf %add3A_1294, %get3A_1298 : vector<16xf32>
    %get3A_1300 = arith.constant 5 : i32
    %get3A_1301 = arith.index_cast %get3A_1300 : i32 to index
    %get3A_1302 = arith.constant 496 : index
    %get3A_1303 = tpu.vector_load %arg7[%get3A_1301, %get3A_1302] {strides = array<i32>} : memref<8x1024xf32, #tpu.memory_space<vmem>>, vector<16xf32>,
    %add3A_1304 = arith.addf %add3A_1299, %get3A_1303 : vector<16xf32>
    %get3A_1305 = arith.constant 6 : i32
    %get3A_1306 = arith.index_cast %get3A_1305 : i32 to index
    %get3A_1307 = arith.constant 496 : index
    %get3A_1308 = tpu.vector_load %arg7[%get3A_1306, %get3A_1307] {strides = array<i32>} : memref<8x1024xf32, #tpu.memory_space<vmem>>, vector<16xf32>,
    %add3A_1309 = arith.addf %add3A_1304, %get3A_1308 : vector<16xf32>
    %get3A_1310 = arith.constant 7 : i32
    %get3A_1311 = arith.index_cast %get3A_1310 : i32 to index
    %get3A_1312 = arith.constant 496 : index
    %get3A_1313 = tpu.vector_load %arg7[%get3A_1311, %get3A_1312] {strides = array<i32>} : memref<8x1024xf32, #tpu.memory_space<vmem>>, vector<16xf32>,
    %add3A_1314 = arith.addf %add3A_1309, %get3A_1313 : vector<16xf32>
    %swap3A_1315 = arith.constant 496 : index
    %swap3A_1316 = tpu.vector_load %arg8[%swap3A_1315] {strides = array<i32>} : memref<1024xf32, #tpu.memory_space<vmem>>, vector<16xf32>,
    tpu.vector_store %arg8[%swap3A_1315], %add3A_1314 {strides = array<i32>} : memref<1024xf32, #tpu.memory_space<vmem>>, vector<16xf32>,
    %get3A_1317 = arith.constant 0 : i32
    %get3A_1318 = arith.index_cast %get3A_1317 : i32 to index
    %get3A_1319 = arith.constant 512 : index
    %get3A_1320 = tpu.vector_load %arg7[%get3A_1318, %get3A_1319] {strides = array<i32>} : memref<8x1024xf32, #tpu.memory_space<vmem>>, vector<16xf32>,
    %get3A_1321 = arith.constant 1 : i32
    %get3A_1322 = arith.index_cast %get3A_1321 : i32 to index
    %get3A_1323 = arith.constant 512 : index
    %get3A_1324 = tpu.vector_load %arg7[%get3A_1322, %get3A_1323] {strides = array<i32>} : memref<8x1024xf32, #tpu.memory_space<vmem>>, vector<16xf32>,
    %add3A_1325 = arith.addf %get3A_1320, %get3A_1324 : vector<16xf32>
    %get3A_1326 = arith.constant 2 : i32
    %get3A_1327 = arith.index_cast %get3A_1326 : i32 to index
    %get3A_1328 = arith.constant 512 : index
    %get3A_1329 = tpu.vector_load %arg7[%get3A_1327, %get3A_1328] {strides = array<i32>} : memref<8x1024xf32, #tpu.memory_space<vmem>>, vector<16xf32>,
    %add3A_1330 = arith.addf %add3A_1325, %get3A_1329 : vector<16xf32>
    %get3A_1331 = arith.constant 3 : i32
    %get3A_1332 = arith.index_cast %get3A_1331 : i32 to index
    %get3A_1333 = arith.constant 512 : index
    %get3A_1334 = tpu.vector_load %arg7[%get3A_1332, %get3A_1333] {strides = array<i32>} : memref<8x1024xf32, #tpu.memory_space<vmem>>, vector<16xf32>,
    %add3A_1335 = arith.addf %add3A_1330, %get3A_1334 : vector<16xf32>
    %get3A_1336 = arith.constant 4 : i32
    %get3A_1337 = arith.index_cast %get3A_1336 : i32 to index
    %get3A_1338 = arith.constant 512 : index
    %get3A_1339 = tpu.vector_load %arg7[%get3A_1337, %get3A_1338] {strides = array<i32>} : memref<8x1024xf32, #tpu.memory_space<vmem>>, vector<16xf32>,
    %add3A_1340 = arith.addf %add3A_1335, %get3A_1339 : vector<16xf32>
    %get3A_1341 = arith.constant 5 : i32
    %get3A_1342 = arith.index_cast %get3A_1341 : i32 to index
    %get3A_1343 = arith.constant 512 : index
    %get3A_1344 = tpu.vector_load %arg7[%get3A_1342, %get3A_1343] {strides = array<i32>} : memref<8x1024xf32, #tpu.memory_space<vmem>>, vector<16xf32>,
    %add3A_1345 = arith.addf %add3A_1340, %get3A_1344 : vector<16xf32>
    %get3A_1346 = arith.constant 6 : i32
    %get3A_1347 = arith.index_cast %get3A_1346 : i32 to index
    %get3A_1348 = arith.constant 512 : index
    %get3A_1349 = tpu.vector_load %arg7[%get3A_1347, %get3A_1348] {strides = array<i32>} : memref<8x1024xf32, #tpu.memory_space<vmem>>, vector<16xf32>,
    %add3A_1350 = arith.addf %add3A_1345, %get3A_1349 : vector<16xf32>
    %get3A_1351 = arith.constant 7 : i32
    %get3A_1352 = arith.index_cast %get3A_1351 : i32 to index
    %get3A_1353 = arith.constant 512 : index
    %get3A_1354 = tpu.vector_load %arg7[%get3A_1352, %get3A_1353] {strides = array<i32>} : memref<8x1024xf32, #tpu.memory_space<vmem>>, vector<16xf32>,
    %add3A_1355 = arith.addf %add3A_1350, %get3A_1354 : vector<16xf32>
    %swap3A_1356 = arith.constant 512 : index
    %swap3A_1357 = tpu.vector_load %arg8[%swap3A_1356] {strides = array<i32>} : memref<1024xf32, #tpu.memory_space<vmem>>, vector<16xf32>,
    tpu.vector_store %arg8[%swap3A_1356], %add3A_1355 {strides = array<i32>} : memref<1024xf32, #tpu.memory_space<vmem>>, vector<16xf32>,
    %get3A_1358 = arith.constant 0 : i32
    %get3A_1359 = arith.index_cast %get3A_1358 : i32 to index
    %get3A_1360 = arith.constant 528 : index
    %get3A_1361 = tpu.vector_load %arg7[%get3A_1359, %get3A_1360] {strides = array<i32>} : memref<8x1024xf32, #tpu.memory_space<vmem>>, vector<16xf32>,
    %get3A_1362 = arith.constant 1 : i32
    %get3A_1363 = arith.index_cast %get3A_1362 : i32 to index
    %get3A_1364 = arith.constant 528 : index
    %get3A_1365 = tpu.vector_load %arg7[%get3A_1363, %get3A_1364] {strides = array<i32>} : memref<8x1024xf32, #tpu.memory_space<vmem>>, vector<16xf32>,
    %add3A_1366 = arith.addf %get3A_1361, %get3A_1365 : vector<16xf32>
    %get3A_1367 = arith.constant 2 : i32
    %get3A_1368 = arith.index_cast %get3A_1367 : i32 to index
    %get3A_1369 = arith.constant 528 : index
    %get3A_1370 = tpu.vector_load %arg7[%get3A_1368, %get3A_1369] {strides = array<i32>} : memref<8x1024xf32, #tpu.memory_space<vmem>>, vector<16xf32>,
    %add3A_1371 = arith.addf %add3A_1366, %get3A_1370 : vector<16xf32>
    %get3A_1372 = arith.constant 3 : i32
    %get3A_1373 = arith.index_cast %get3A_1372 : i32 to index
    %get3A_1374 = arith.constant 528 : index
    %get3A_1375 = tpu.vector_load %arg7[%get3A_1373, %get3A_1374] {strides = array<i32>} : memref<8x1024xf32, #tpu.memory_space<vmem>>, vector<16xf32>,
    %add3A_1376 = arith.addf %add3A_1371, %get3A_1375 : vector<16xf32>
    %get3A_1377 = arith.constant 4 : i32
    %get3A_1378 = arith.index_cast %get3A_1377 : i32 to index
    %get3A_1379 = arith.constant 528 : index
    %get3A_1380 = tpu.vector_load %arg7[%get3A_1378, %get3A_1379] {strides = array<i32>} : memref<8x1024xf32, #tpu.memory_space<vmem>>, vector<16xf32>,
    %add3A_1381 = arith.addf %add3A_1376, %get3A_1380 : vector<16xf32>
    %get3A_1382 = arith.constant 5 : i32
    %get3A_1383 = arith.index_cast %get3A_1382 : i32 to index
    %get3A_1384 = arith.constant 528 : index
    %get3A_1385 = tpu.vector_load %arg7[%get3A_1383, %get3A_1384] {strides = array<i32>} : memref<8x1024xf32, #tpu.memory_space<vmem>>, vector<16xf32>,
    %add3A_1386 = arith.addf %add3A_1381, %get3A_1385 : vector<16xf32>
    %get3A_1387 = arith.constant 6 : i32
    %get3A_1388 = arith.index_cast %get3A_1387 : i32 to index
    %get3A_1389 = arith.constant 528 : index
    %get3A_1390 = tpu.vector_load %arg7[%get3A_1388, %get3A_1389] {strides = array<i32>} : memref<8x1024xf32, #tpu.memory_space<vmem>>, vector<16xf32>,
    %add3A_1391 = arith.addf %add3A_1386, %get3A_1390 : vector<16xf32>
    %get3A_1392 = arith.constant 7 : i32
    %get3A_1393 = arith.index_cast %get3A_1392 : i32 to index
    %get3A_1394 = arith.constant 528 : index
    %get3A_1395 = tpu.vector_load %arg7[%get3A_1393, %get3A_1394] {strides = array<i32>} : memref<8x1024xf32, #tpu.memory_space<vmem>>, vector<16xf32>,
    %add3A_1396 = arith.addf %add3A_1391, %get3A_1395 : vector<16xf32>
    %swap3A_1397 = arith.constant 528 : index
    %swap3A_1398 = tpu.vector_load %arg8[%swap3A_1397] {strides = array<i32>} : memref<1024xf32, #tpu.memory_space<vmem>>, vector<16xf32>,
    tpu.vector_store %arg8[%swap3A_1397], %add3A_1396 {strides = array<i32>} : memref<1024xf32, #tpu.memory_space<vmem>>, vector<16xf32>,
    %get3A_1399 = arith.constant 0 : i32
    %get3A_1400 = arith.index_cast %get3A_1399 : i32 to index
    %get3A_1401 = arith.constant 544 : index
    %get3A_1402 = tpu.vector_load %arg7[%get3A_1400, %get3A_1401] {strides = array<i32>} : memref<8x1024xf32, #tpu.memory_space<vmem>>, vector<16xf32>,
    %get3A_1403 = arith.constant 1 : i32
    %get3A_1404 = arith.index_cast %get3A_1403 : i32 to index
    %get3A_1405 = arith.constant 544 : index
    %get3A_1406 = tpu.vector_load %arg7[%get3A_1404, %get3A_1405] {strides = array<i32>} : memref<8x1024xf32, #tpu.memory_space<vmem>>, vector<16xf32>,
    %add3A_1407 = arith.addf %get3A_1402, %get3A_1406 : vector<16xf32>
    %get3A_1408 = arith.constant 2 : i32
    %get3A_1409 = arith.index_cast %get3A_1408 : i32 to index
    %get3A_1410 = arith.constant 544 : index
    %get3A_1411 = tpu.vector_load %arg7[%get3A_1409, %get3A_1410] {strides = array<i32>} : memref<8x1024xf32, #tpu.memory_space<vmem>>, vector<16xf32>,
    %add3A_1412 = arith.addf %add3A_1407, %get3A_1411 : vector<16xf32>
    %get3A_1413 = arith.constant 3 : i32
    %get3A_1414 = arith.index_cast %get3A_1413 : i32 to index
    %get3A_1415 = arith.constant 544 : index
    %get3A_1416 = tpu.vector_load %arg7[%get3A_1414, %get3A_1415] {strides = array<i32>} : memref<8x1024xf32, #tpu.memory_space<vmem>>, vector<16xf32>,
    %add3A_1417 = arith.addf %add3A_1412, %get3A_1416 : vector<16xf32>
    %get3A_1418 = arith.constant 4 : i32
    %get3A_1419 = arith.index_cast %get3A_1418 : i32 to index
    %get3A_1420 = arith.constant 544 : index
    %get3A_1421 = tpu.vector_load %arg7[%get3A_1419, %get3A_1420] {strides = array<i32>} : memref<8x1024xf32, #tpu.memory_space<vmem>>, vector<16xf32>,
    %add3A_1422 = arith.addf %add3A_1417, %get3A_1421 : vector<16xf32>
    %get3A_1423 = arith.constant 5 : i32
    %get3A_1424 = arith.index_cast %get3A_1423 : i32 to index
    %get3A_1425 = arith.constant 544 : index
    %get3A_1426 = tpu.vector_load %arg7[%get3A_1424, %get3A_1425] {strides = array<i32>} : memref<8x1024xf32, #tpu.memory_space<vmem>>, vector<16xf32>,
    %add3A_1427 = arith.addf %add3A_1422, %get3A_1426 : vector<16xf32>
    %get3A_1428 = arith.constant 6 : i32
    %get3A_1429 = arith.index_cast %get3A_1428 : i32 to index
    %get3A_1430 = arith.constant 544 : index
    %get3A_1431 = tpu.vector_load %arg7[%get3A_1429, %get3A_1430] {strides = array<i32>} : memref<8x1024xf32, #tpu.memory_space<vmem>>, vector<16xf32>,
    %add3A_1432 = arith.addf %add3A_1427, %get3A_1431 : vector<16xf32>
    %get3A_1433 = arith.constant 7 : i32
    %get3A_1434 = arith.index_cast %get3A_1433 : i32 to index
    %get3A_1435 = arith.constant 544 : index
    %get3A_1436 = tpu.vector_load %arg7[%get3A_1434, %get3A_1435] {strides = array<i32>} : memref<8x1024xf32, #tpu.memory_space<vmem>>, vector<16xf32>,
    %add3A_1437 = arith.addf %add3A_1432, %get3A_1436 : vector<16xf32>
    %swap3A_1438 = arith.constant 544 : index
    %swap3A_1439 = tpu.vector_load %arg8[%swap3A_1438] {strides = array<i32>} : memref<1024xf32, #tpu.memory_space<vmem>>, vector<16xf32>,
    tpu.vector_store %arg8[%swap3A_1438], %add3A_1437 {strides = array<i32>} : memref<1024xf32, #tpu.memory_space<vmem>>, vector<16xf32>,
    %get3A_1440 = arith.constant 0 : i32
    %get3A_1441 = arith.index_cast %get3A_1440 : i32 to index
    %get3A_1442 = arith.constant 560 : index
    %get3A_1443 = tpu.vector_load %arg7[%get3A_1441, %get3A_1442] {strides = array<i32>} : memref<8x1024xf32, #tpu.memory_space<vmem>>, vector<16xf32>,
    %get3A_1444 = arith.constant 1 : i32
    %get3A_1445 = arith.index_cast %get3A_1444 : i32 to index
    %get3A_1446 = arith.constant 560 : index
    %get3A_1447 = tpu.vector_load %arg7[%get3A_1445, %get3A_1446] {strides = array<i32>} : memref<8x1024xf32, #tpu.memory_space<vmem>>, vector<16xf32>,
    %add3A_1448 = arith.addf %get3A_1443, %get3A_1447 : vector<16xf32>
    %get3A_1449 = arith.constant 2 : i32
    %get3A_1450 = arith.index_cast %get3A_1449 : i32 to index
    %get3A_1451 = arith.constant 560 : index
    %get3A_1452 = tpu.vector_load %arg7[%get3A_1450, %get3A_1451] {strides = array<i32>} : memref<8x1024xf32, #tpu.memory_space<vmem>>, vector<16xf32>,
    %add3A_1453 = arith.addf %add3A_1448, %get3A_1452 : vector<16xf32>
    %get3A_1454 = arith.constant 3 : i32
    %get3A_1455 = arith.index_cast %get3A_1454 : i32 to index
    %get3A_1456 = arith.constant 560 : index
    %get3A_1457 = tpu.vector_load %arg7[%get3A_1455, %get3A_1456] {strides = array<i32>} : memref<8x1024xf32, #tpu.memory_space<vmem>>, vector<16xf32>,
    %add3A_1458 = arith.addf %add3A_1453, %get3A_1457 : vector<16xf32>
    %get3A_1459 = arith.constant 4 : i32
    %get3A_1460 = arith.index_cast %get3A_1459 : i32 to index
    %get3A_1461 = arith.constant 560 : index
    %get3A_1462 = tpu.vector_load %arg7[%get3A_1460, %get3A_1461] {strides = array<i32>} : memref<8x1024xf32, #tpu.memory_space<vmem>>, vector<16xf32>,
    %add3A_1463 = arith.addf %add3A_1458, %get3A_1462 : vector<16xf32>
    %get3A_1464 = arith.constant 5 : i32
    %get3A_1465 = arith.index_cast %get3A_1464 : i32 to index
    %get3A_1466 = arith.constant 560 : index
    %get3A_1467 = tpu.vector_load %arg7[%get3A_1465, %get3A_1466] {strides = array<i32>} : memref<8x1024xf32, #tpu.memory_space<vmem>>, vector<16xf32>,
    %add3A_1468 = arith.addf %add3A_1463, %get3A_1467 : vector<16xf32>
    %get3A_1469 = arith.constant 6 : i32
    %get3A_1470 = arith.index_cast %get3A_1469 : i32 to index
    %get3A_1471 = arith.constant 560 : index
    %get3A_1472 = tpu.vector_load %arg7[%get3A_1470, %get3A_1471] {strides = array<i32>} : memref<8x1024xf32, #tpu.memory_space<vmem>>, vector<16xf32>,
    %add3A_1473 = arith.addf %add3A_1468, %get3A_1472 : vector<16xf32>
    %get3A_1474 = arith.constant 7 : i32
    %get3A_1475 = arith.index_cast %get3A_1474 : i32 to index
    %get3A_1476 = arith.constant 560 : index
    %get3A_1477 = tpu.vector_load %arg7[%get3A_1475, %get3A_1476] {strides = array<i32>} : memref<8x1024xf32, #tpu.memory_space<vmem>>, vector<16xf32>,
    %add3A_1478 = arith.addf %add3A_1473, %get3A_1477 : vector<16xf32>
    %swap3A_1479 = arith.constant 560 : index
    %swap3A_1480 = tpu.vector_load %arg8[%swap3A_1479] {strides = array<i32>} : memref<1024xf32, #tpu.memory_space<vmem>>, vector<16xf32>,
    tpu.vector_store %arg8[%swap3A_1479], %add3A_1478 {strides = array<i32>} : memref<1024xf32, #tpu.memory_space<vmem>>, vector<16xf32>,
    %get3A_1481 = arith.constant 0 : i32
    %get3A_1482 = arith.index_cast %get3A_1481 : i32 to index
    %get3A_1483 = arith.constant 576 : index
    %get3A_1484 = tpu.vector_load %arg7[%get3A_1482, %get3A_1483] {strides = array<i32>} : memref<8x1024xf32, #tpu.memory_space<vmem>>, vector<16xf32>,
    %get3A_1485 = arith.constant 1 : i32
    %get3A_1486 = arith.index_cast %get3A_1485 : i32 to index
    %get3A_1487 = arith.constant 576 : index
    %get3A_1488 = tpu.vector_load %arg7[%get3A_1486, %get3A_1487] {strides = array<i32>} : memref<8x1024xf32, #tpu.memory_space<vmem>>, vector<16xf32>,
    %add3A_1489 = arith.addf %get3A_1484, %get3A_1488 : vector<16xf32>
    %get3A_1490 = arith.constant 2 : i32
    %get3A_1491 = arith.index_cast %get3A_1490 : i32 to index
    %get3A_1492 = arith.constant 576 : index
    %get3A_1493 = tpu.vector_load %arg7[%get3A_1491, %get3A_1492] {strides = array<i32>} : memref<8x1024xf32, #tpu.memory_space<vmem>>, vector<16xf32>,
    %add3A_1494 = arith.addf %add3A_1489, %get3A_1493 : vector<16xf32>
    %get3A_1495 = arith.constant 3 : i32
    %get3A_1496 = arith.index_cast %get3A_1495 : i32 to index
    %get3A_1497 = arith.constant 576 : index
    %get3A_1498 = tpu.vector_load %arg7[%get3A_1496, %get3A_1497] {strides = array<i32>} : memref<8x1024xf32, #tpu.memory_space<vmem>>, vector<16xf32>,
    %add3A_1499 = arith.addf %add3A_1494, %get3A_1498 : vector<16xf32>
    %get3A_1500 = arith.constant 4 : i32
    %get3A_1501 = arith.index_cast %get3A_1500 : i32 to index
    %get3A_1502 = arith.constant 576 : index
    %get3A_1503 = tpu.vector_load %arg7[%get3A_1501, %get3A_1502] {strides = array<i32>} : memref<8x1024xf32, #tpu.memory_space<vmem>>, vector<16xf32>,
    %add3A_1504 = arith.addf %add3A_1499, %get3A_1503 : vector<16xf32>
    %get3A_1505 = arith.constant 5 : i32
    %get3A_1506 = arith.index_cast %get3A_1505 : i32 to index
    %get3A_1507 = arith.constant 576 : index
    %get3A_1508 = tpu.vector_load %arg7[%get3A_1506, %get3A_1507] {strides = array<i32>} : memref<8x1024xf32, #tpu.memory_space<vmem>>, vector<16xf32>,
    %add3A_1509 = arith.addf %add3A_1504, %get3A_1508 : vector<16xf32>
    %get3A_1510 = arith.constant 6 : i32
    %get3A_1511 = arith.index_cast %get3A_1510 : i32 to index
    %get3A_1512 = arith.constant 576 : index
    %get3A_1513 = tpu.vector_load %arg7[%get3A_1511, %get3A_1512] {strides = array<i32>} : memref<8x1024xf32, #tpu.memory_space<vmem>>, vector<16xf32>,
    %add3A_1514 = arith.addf %add3A_1509, %get3A_1513 : vector<16xf32>
    %get3A_1515 = arith.constant 7 : i32
    %get3A_1516 = arith.index_cast %get3A_1515 : i32 to index
    %get3A_1517 = arith.constant 576 : index
    %get3A_1518 = tpu.vector_load %arg7[%get3A_1516, %get3A_1517] {strides = array<i32>} : memref<8x1024xf32, #tpu.memory_space<vmem>>, vector<16xf32>,
    %add3A_1519 = arith.addf %add3A_1514, %get3A_1518 : vector<16xf32>
    %swap3A_1520 = arith.constant 576 : index
    %swap3A_1521 = tpu.vector_load %arg8[%swap3A_1520] {strides = array<i32>} : memref<1024xf32, #tpu.memory_space<vmem>>, vector<16xf32>,
    tpu.vector_store %arg8[%swap3A_1520], %add3A_1519 {strides = array<i32>} : memref<1024xf32, #tpu.memory_space<vmem>>, vector<16xf32>,
    %get3A_1522 = arith.constant 0 : i32
    %get3A_1523 = arith.index_cast %get3A_1522 : i32 to index
    %get3A_1524 = arith.constant 592 : index
    %get3A_1525 = tpu.vector_load %arg7[%get3A_1523, %get3A_1524] {strides = array<i32>} : memref<8x1024xf32, #tpu.memory_space<vmem>>, vector<16xf32>,
    %get3A_1526 = arith.constant 1 : i32
    %get3A_1527 = arith.index_cast %get3A_1526 : i32 to index
    %get3A_1528 = arith.constant 592 : index
    %get3A_1529 = tpu.vector_load %arg7[%get3A_1527, %get3A_1528] {strides = array<i32>} : memref<8x1024xf32, #tpu.memory_space<vmem>>, vector<16xf32>,
    %add3A_1530 = arith.addf %get3A_1525, %get3A_1529 : vector<16xf32>
    %get3A_1531 = arith.constant 2 : i32
    %get3A_1532 = arith.index_cast %get3A_1531 : i32 to index
    %get3A_1533 = arith.constant 592 : index
    %get3A_1534 = tpu.vector_load %arg7[%get3A_1532, %get3A_1533] {strides = array<i32>} : memref<8x1024xf32, #tpu.memory_space<vmem>>, vector<16xf32>,
    %add3A_1535 = arith.addf %add3A_1530, %get3A_1534 : vector<16xf32>
    %get3A_1536 = arith.constant 3 : i32
    %get3A_1537 = arith.index_cast %get3A_1536 : i32 to index
    %get3A_1538 = arith.constant 592 : index
    %get3A_1539 = tpu.vector_load %arg7[%get3A_1537, %get3A_1538] {strides = array<i32>} : memref<8x1024xf32, #tpu.memory_space<vmem>>, vector<16xf32>,
    %add3A_1540 = arith.addf %add3A_1535, %get3A_1539 : vector<16xf32>
    %get3A_1541 = arith.constant 4 : i32
    %get3A_1542 = arith.index_cast %get3A_1541 : i32 to index
    %get3A_1543 = arith.constant 592 : index
    %get3A_1544 = tpu.vector_load %arg7[%get3A_1542, %get3A_1543] {strides = array<i32>} : memref<8x1024xf32, #tpu.memory_space<vmem>>, vector<16xf32>,
    %add3A_1545 = arith.addf %add3A_1540, %get3A_1544 : vector<16xf32>
    %get3A_1546 = arith.constant 5 : i32
    %get3A_1547 = arith.index_cast %get3A_1546 : i32 to index
    %get3A_1548 = arith.constant 592 : index
    %get3A_1549 = tpu.vector_load %arg7[%get3A_1547, %get3A_1548] {strides = array<i32>} : memref<8x1024xf32, #tpu.memory_space<vmem>>, vector<16xf32>,
    %add3A_1550 = arith.addf %add3A_1545, %get3A_1549 : vector<16xf32>
    %get3A_1551 = arith.constant 6 : i32
    %get3A_1552 = arith.index_cast %get3A_1551 : i32 to index
    %get3A_1553 = arith.constant 592 : index
    %get3A_1554 = tpu.vector_load %arg7[%get3A_1552, %get3A_1553] {strides = array<i32>} : memref<8x1024xf32, #tpu.memory_space<vmem>>, vector<16xf32>,
    %add3A_1555 = arith.addf %add3A_1550, %get3A_1554 : vector<16xf32>
    %get3A_1556 = arith.constant 7 : i32
    %get3A_1557 = arith.index_cast %get3A_1556 : i32 to index
    %get3A_1558 = arith.constant 592 : index
    %get3A_1559 = tpu.vector_load %arg7[%get3A_1557, %get3A_1558] {strides = array<i32>} : memref<8x1024xf32, #tpu.memory_space<vmem>>, vector<16xf32>,
    %add3A_1560 = arith.addf %add3A_1555, %get3A_1559 : vector<16xf32>
    %swap3A_1561 = arith.constant 592 : index
    %swap3A_1562 = tpu.vector_load %arg8[%swap3A_1561] {strides = array<i32>} : memref<1024xf32, #tpu.memory_space<vmem>>, vector<16xf32>,
    tpu.vector_store %arg8[%swap3A_1561], %add3A_1560 {strides = array<i32>} : memref<1024xf32, #tpu.memory_space<vmem>>, vector<16xf32>,
    %get3A_1563 = arith.constant 0 : i32
    %get3A_1564 = arith.index_cast %get3A_1563 : i32 to index
    %get3A_1565 = arith.constant 608 : index
    %get3A_1566 = tpu.vector_load %arg7[%get3A_1564, %get3A_1565] {strides = array<i32>} : memref<8x1024xf32, #tpu.memory_space<vmem>>, vector<16xf32>,
    %get3A_1567 = arith.constant 1 : i32
    %get3A_1568 = arith.index_cast %get3A_1567 : i32 to index
    %get3A_1569 = arith.constant 608 : index
    %get3A_1570 = tpu.vector_load %arg7[%get3A_1568, %get3A_1569] {strides = array<i32>} : memref<8x1024xf32, #tpu.memory_space<vmem>>, vector<16xf32>,
    %add3A_1571 = arith.addf %get3A_1566, %get3A_1570 : vector<16xf32>
    %get3A_1572 = arith.constant 2 : i32
    %get3A_1573 = arith.index_cast %get3A_1572 : i32 to index
    %get3A_1574 = arith.constant 608 : index
    %get3A_1575 = tpu.vector_load %arg7[%get3A_1573, %get3A_1574] {strides = array<i32>} : memref<8x1024xf32, #tpu.memory_space<vmem>>, vector<16xf32>,
    %add3A_1576 = arith.addf %add3A_1571, %get3A_1575 : vector<16xf32>
    %get3A_1577 = arith.constant 3 : i32
    %get3A_1578 = arith.index_cast %get3A_1577 : i32 to index
    %get3A_1579 = arith.constant 608 : index
    %get3A_1580 = tpu.vector_load %arg7[%get3A_1578, %get3A_1579] {strides = array<i32>} : memref<8x1024xf32, #tpu.memory_space<vmem>>, vector<16xf32>,
    %add3A_1581 = arith.addf %add3A_1576, %get3A_1580 : vector<16xf32>
    %get3A_1582 = arith.constant 4 : i32
    %get3A_1583 = arith.index_cast %get3A_1582 : i32 to index
    %get3A_1584 = arith.constant 608 : index
    %get3A_1585 = tpu.vector_load %arg7[%get3A_1583, %get3A_1584] {strides = array<i32>} : memref<8x1024xf32, #tpu.memory_space<vmem>>, vector<16xf32>,
    %add3A_1586 = arith.addf %add3A_1581, %get3A_1585 : vector<16xf32>
    %get3A_1587 = arith.constant 5 : i32
    %get3A_1588 = arith.index_cast %get3A_1587 : i32 to index
    %get3A_1589 = arith.constant 608 : index
    %get3A_1590 = tpu.vector_load %arg7[%get3A_1588, %get3A_1589] {strides = array<i32>} : memref<8x1024xf32, #tpu.memory_space<vmem>>, vector<16xf32>,
    %add3A_1591 = arith.addf %add3A_1586, %get3A_1590 : vector<16xf32>
    %get3A_1592 = arith.constant 6 : i32
    %get3A_1593 = arith.index_cast %get3A_1592 : i32 to index
    %get3A_1594 = arith.constant 608 : index
    %get3A_1595 = tpu.vector_load %arg7[%get3A_1593, %get3A_1594] {strides = array<i32>} : memref<8x1024xf32, #tpu.memory_space<vmem>>, vector<16xf32>,
    %add3A_1596 = arith.addf %add3A_1591, %get3A_1595 : vector<16xf32>
    %get3A_1597 = arith.constant 7 : i32
    %get3A_1598 = arith.index_cast %get3A_1597 : i32 to index
    %get3A_1599 = arith.constant 608 : index
    %get3A_1600 = tpu.vector_load %arg7[%get3A_1598, %get3A_1599] {strides = array<i32>} : memref<8x1024xf32, #tpu.memory_space<vmem>>, vector<16xf32>,
    %add3A_1601 = arith.addf %add3A_1596, %get3A_1600 : vector<16xf32>
    %swap3A_1602 = arith.constant 608 : index
    %swap3A_1603 = tpu.vector_load %arg8[%swap3A_1602] {strides = array<i32>} : memref<1024xf32, #tpu.memory_space<vmem>>, vector<16xf32>,
    tpu.vector_store %arg8[%swap3A_1602], %add3A_1601 {strides = array<i32>} : memref<1024xf32, #tpu.memory_space<vmem>>, vector<16xf32>,
    %get3A_1604 = arith.constant 0 : i32
    %get3A_1605 = arith.index_cast %get3A_1604 : i32 to index
    %get3A_1606 = arith.constant 624 : index
    %get3A_1607 = tpu.vector_load %arg7[%get3A_1605, %get3A_1606] {strides = array<i32>} : memref<8x1024xf32, #tpu.memory_space<vmem>>, vector<16xf32>,
    %get3A_1608 = arith.constant 1 : i32
    %get3A_1609 = arith.index_cast %get3A_1608 : i32 to index
    %get3A_1610 = arith.constant 624 : index
    %get3A_1611 = tpu.vector_load %arg7[%get3A_1609, %get3A_1610] {strides = array<i32>} : memref<8x1024xf32, #tpu.memory_space<vmem>>, vector<16xf32>,
    %add3A_1612 = arith.addf %get3A_1607, %get3A_1611 : vector<16xf32>
    %get3A_1613 = arith.constant 2 : i32
    %get3A_1614 = arith.index_cast %get3A_1613 : i32 to index
    %get3A_1615 = arith.constant 624 : index
    %get3A_1616 = tpu.vector_load %arg7[%get3A_1614, %get3A_1615] {strides = array<i32>} : memref<8x1024xf32, #tpu.memory_space<vmem>>, vector<16xf32>,
    %add3A_1617 = arith.addf %add3A_1612, %get3A_1616 : vector<16xf32>
    %get3A_1618 = arith.constant 3 : i32
    %get3A_1619 = arith.index_cast %get3A_1618 : i32 to index
    %get3A_1620 = arith.constant 624 : index
    %get3A_1621 = tpu.vector_load %arg7[%get3A_1619, %get3A_1620] {strides = array<i32>} : memref<8x1024xf32, #tpu.memory_space<vmem>>, vector<16xf32>,
    %add3A_1622 = arith.addf %add3A_1617, %get3A_1621 : vector<16xf32>
    %get3A_1623 = arith.constant 4 : i32
    %get3A_1624 = arith.index_cast %get3A_1623 : i32 to index
    %get3A_1625 = arith.constant 624 : index
    %get3A_1626 = tpu.vector_load %arg7[%get3A_1624, %get3A_1625] {strides = array<i32>} : memref<8x1024xf32, #tpu.memory_space<vmem>>, vector<16xf32>,
    %add3A_1627 = arith.addf %add3A_1622, %get3A_1626 : vector<16xf32>
    %get3A_1628 = arith.constant 5 : i32
    %get3A_1629 = arith.index_cast %get3A_1628 : i32 to index
    %get3A_1630 = arith.constant 624 : index
    %get3A_1631 = tpu.vector_load %arg7[%get3A_1629, %get3A_1630] {strides = array<i32>} : memref<8x1024xf32, #tpu.memory_space<vmem>>, vector<16xf32>,
    %add3A_1632 = arith.addf %add3A_1627, %get3A_1631 : vector<16xf32>
    %get3A_1633 = arith.constant 6 : i32
    %get3A_1634 = arith.index_cast %get3A_1633 : i32 to index
    %get3A_1635 = arith.constant 624 : index
    %get3A_1636 = tpu.vector_load %arg7[%get3A_1634, %get3A_1635] {strides = array<i32>} : memref<8x1024xf32, #tpu.memory_space<vmem>>, vector<16xf32>,
    %add3A_1637 = arith.addf %add3A_1632, %get3A_1636 : vector<16xf32>
    %get3A_1638 = arith.constant 7 : i32
    %get3A_1639 = arith.index_cast %get3A_1638 : i32 to index
    %get3A_1640 = arith.constant 624 : index
    %get3A_1641 = tpu.vector_load %arg7[%get3A_1639, %get3A_1640] {strides = array<i32>} : memref<8x1024xf32, #tpu.memory_space<vmem>>, vector<16xf32>,
    %add3A_1642 = arith.addf %add3A_1637, %get3A_1641 : vector<16xf32>
    %swap3A_1643 = arith.constant 624 : index
    %swap3A_1644 = tpu.vector_load %arg8[%swap3A_1643] {strides = array<i32>} : memref<1024xf32, #tpu.memory_space<vmem>>, vector<16xf32>,
    tpu.vector_store %arg8[%swap3A_1643], %add3A_1642 {strides = array<i32>} : memref<1024xf32, #tpu.memory_space<vmem>>, vector<16xf32>,
    %get3A_1645 = arith.constant 0 : i32
    %get3A_1646 = arith.index_cast %get3A_1645 : i32 to index
    %get3A_1647 = arith.constant 640 : index
    %get3A_1648 = tpu.vector_load %arg7[%get3A_1646, %get3A_1647] {strides = array<i32>} : memref<8x1024xf32, #tpu.memory_space<vmem>>, vector<16xf32>,
    %get3A_1649 = arith.constant 1 : i32
    %get3A_1650 = arith.index_cast %get3A_1649 : i32 to index
    %get3A_1651 = arith.constant 640 : index
    %get3A_1652 = tpu.vector_load %arg7[%get3A_1650, %get3A_1651] {strides = array<i32>} : memref<8x1024xf32, #tpu.memory_space<vmem>>, vector<16xf32>,
    %add3A_1653 = arith.addf %get3A_1648, %get3A_1652 : vector<16xf32>
    %get3A_1654 = arith.constant 2 : i32
    %get3A_1655 = arith.index_cast %get3A_1654 : i32 to index
    %get3A_1656 = arith.constant 640 : index
    %get3A_1657 = tpu.vector_load %arg7[%get3A_1655, %get3A_1656] {strides = array<i32>} : memref<8x1024xf32, #tpu.memory_space<vmem>>, vector<16xf32>,
    %add3A_1658 = arith.addf %add3A_1653, %get3A_1657 : vector<16xf32>
    %get3A_1659 = arith.constant 3 : i32
    %get3A_1660 = arith.index_cast %get3A_1659 : i32 to index
    %get3A_1661 = arith.constant 640 : index
    %get3A_1662 = tpu.vector_load %arg7[%get3A_1660, %get3A_1661] {strides = array<i32>} : memref<8x1024xf32, #tpu.memory_space<vmem>>, vector<16xf32>,
    %add3A_1663 = arith.addf %add3A_1658, %get3A_1662 : vector<16xf32>
    %get3A_1664 = arith.constant 4 : i32
    %get3A_1665 = arith.index_cast %get3A_1664 : i32 to index
    %get3A_1666 = arith.constant 640 : index
    %get3A_1667 = tpu.vector_load %arg7[%get3A_1665, %get3A_1666] {strides = array<i32>} : memref<8x1024xf32, #tpu.memory_space<vmem>>, vector<16xf32>,
    %add3A_1668 = arith.addf %add3A_1663, %get3A_1667 : vector<16xf32>
    %get3A_1669 = arith.constant 5 : i32
    %get3A_1670 = arith.index_cast %get3A_1669 : i32 to index
    %get3A_1671 = arith.constant 640 : index
    %get3A_1672 = tpu.vector_load %arg7[%get3A_1670, %get3A_1671] {strides = array<i32>} : memref<8x1024xf32, #tpu.memory_space<vmem>>, vector<16xf32>,
    %add3A_1673 = arith.addf %add3A_1668, %get3A_1672 : vector<16xf32>
    %get3A_1674 = arith.constant 6 : i32
    %get3A_1675 = arith.index_cast %get3A_1674 : i32 to index
    %get3A_1676 = arith.constant 640 : index
    %get3A_1677 = tpu.vector_load %arg7[%get3A_1675, %get3A_1676] {strides = array<i32>} : memref<8x1024xf32, #tpu.memory_space<vmem>>, vector<16xf32>,
    %add3A_1678 = arith.addf %add3A_1673, %get3A_1677 : vector<16xf32>
    %get3A_1679 = arith.constant 7 : i32
    %get3A_1680 = arith.index_cast %get3A_1679 : i32 to index
    %get3A_1681 = arith.constant 640 : index
    %get3A_1682 = tpu.vector_load %arg7[%get3A_1680, %get3A_1681] {strides = array<i32>} : memref<8x1024xf32, #tpu.memory_space<vmem>>, vector<16xf32>,
    %add3A_1683 = arith.addf %add3A_1678, %get3A_1682 : vector<16xf32>
    %swap3A_1684 = arith.constant 640 : index
    %swap3A_1685 = tpu.vector_load %arg8[%swap3A_1684] {strides = array<i32>} : memref<1024xf32, #tpu.memory_space<vmem>>, vector<16xf32>,
    tpu.vector_store %arg8[%swap3A_1684], %add3A_1683 {strides = array<i32>} : memref<1024xf32, #tpu.memory_space<vmem>>, vector<16xf32>,
    %get3A_1686 = arith.constant 0 : i32
    %get3A_1687 = arith.index_cast %get3A_1686 : i32 to index
    %get3A_1688 = arith.constant 656 : index
    %get3A_1689 = tpu.vector_load %arg7[%get3A_1687, %get3A_1688] {strides = array<i32>} : memref<8x1024xf32, #tpu.memory_space<vmem>>, vector<16xf32>,
    %get3A_1690 = arith.constant 1 : i32
    %get3A_1691 = arith.index_cast %get3A_1690 : i32 to index
    %get3A_1692 = arith.constant 656 : index
    %get3A_1693 = tpu.vector_load %arg7[%get3A_1691, %get3A_1692] {strides = array<i32>} : memref<8x1024xf32, #tpu.memory_space<vmem>>, vector<16xf32>,
    %add3A_1694 = arith.addf %get3A_1689, %get3A_1693 : vector<16xf32>
    %get3A_1695 = arith.constant 2 : i32
    %get3A_1696 = arith.index_cast %get3A_1695 : i32 to index
    %get3A_1697 = arith.constant 656 : index
    %get3A_1698 = tpu.vector_load %arg7[%get3A_1696, %get3A_1697] {strides = array<i32>} : memref<8x1024xf32, #tpu.memory_space<vmem>>, vector<16xf32>,
    %add3A_1699 = arith.addf %add3A_1694, %get3A_1698 : vector<16xf32>
    %get3A_1700 = arith.constant 3 : i32
    %get3A_1701 = arith.index_cast %get3A_1700 : i32 to index
    %get3A_1702 = arith.constant 656 : index
    %get3A_1703 = tpu.vector_load %arg7[%get3A_1701, %get3A_1702] {strides = array<i32>} : memref<8x1024xf32, #tpu.memory_space<vmem>>, vector<16xf32>,
    %add3A_1704 = arith.addf %add3A_1699, %get3A_1703 : vector<16xf32>
    %get3A_1705 = arith.constant 4 : i32
    %get3A_1706 = arith.index_cast %get3A_1705 : i32 to index
    %get3A_1707 = arith.constant 656 : index
    %get3A_1708 = tpu.vector_load %arg7[%get3A_1706, %get3A_1707] {strides = array<i32>} : memref<8x1024xf32, #tpu.memory_space<vmem>>, vector<16xf32>,
    %add3A_1709 = arith.addf %add3A_1704, %get3A_1708 : vector<16xf32>
    %get3A_1710 = arith.constant 5 : i32
    %get3A_1711 = arith.index_cast %get3A_1710 : i32 to index
    %get3A_1712 = arith.constant 656 : index
    %get3A_1713 = tpu.vector_load %arg7[%get3A_1711, %get3A_1712] {strides = array<i32>} : memref<8x1024xf32, #tpu.memory_space<vmem>>, vector<16xf32>,
    %add3A_1714 = arith.addf %add3A_1709, %get3A_1713 : vector<16xf32>
    %get3A_1715 = arith.constant 6 : i32
    %get3A_1716 = arith.index_cast %get3A_1715 : i32 to index
    %get3A_1717 = arith.constant 656 : index
    %get3A_1718 = tpu.vector_load %arg7[%get3A_1716, %get3A_1717] {strides = array<i32>} : memref<8x1024xf32, #tpu.memory_space<vmem>>, vector<16xf32>,
    %add3A_1719 = arith.addf %add3A_1714, %get3A_1718 : vector<16xf32>
    %get3A_1720 = arith.constant 7 : i32
    %get3A_1721 = arith.index_cast %get3A_1720 : i32 to index
    %get3A_1722 = arith.constant 656 : index
    %get3A_1723 = tpu.vector_load %arg7[%get3A_1721, %get3A_1722] {strides = array<i32>} : memref<8x1024xf32, #tpu.memory_space<vmem>>, vector<16xf32>,
    %add3A_1724 = arith.addf %add3A_1719, %get3A_1723 : vector<16xf32>
    %swap3A_1725 = arith.constant 656 : index
    %swap3A_1726 = tpu.vector_load %arg8[%swap3A_1725] {strides = array<i32>} : memref<1024xf32, #tpu.memory_space<vmem>>, vector<16xf32>,
    tpu.vector_store %arg8[%swap3A_1725], %add3A_1724 {strides = array<i32>} : memref<1024xf32, #tpu.memory_space<vmem>>, vector<16xf32>,
    %get3A_1727 = arith.constant 0 : i32
    %get3A_1728 = arith.index_cast %get3A_1727 : i32 to index
    %get3A_1729 = arith.constant 672 : index
    %get3A_1730 = tpu.vector_load %arg7[%get3A_1728, %get3A_1729] {strides = array<i32>} : memref<8x1024xf32, #tpu.memory_space<vmem>>, vector<16xf32>,
    %get3A_1731 = arith.constant 1 : i32
    %get3A_1732 = arith.index_cast %get3A_1731 : i32 to index
    %get3A_1733 = arith.constant 672 : index
    %get3A_1734 = tpu.vector_load %arg7[%get3A_1732, %get3A_1733] {strides = array<i32>} : memref<8x1024xf32, #tpu.memory_space<vmem>>, vector<16xf32>,
    %add3A_1735 = arith.addf %get3A_1730, %get3A_1734 : vector<16xf32>
    %get3A_1736 = arith.constant 2 : i32
    %get3A_1737 = arith.index_cast %get3A_1736 : i32 to index
    %get3A_1738 = arith.constant 672 : index
    %get3A_1739 = tpu.vector_load %arg7[%get3A_1737, %get3A_1738] {strides = array<i32>} : memref<8x1024xf32, #tpu.memory_space<vmem>>, vector<16xf32>,
    %add3A_1740 = arith.addf %add3A_1735, %get3A_1739 : vector<16xf32>
    %get3A_1741 = arith.constant 3 : i32
    %get3A_1742 = arith.index_cast %get3A_1741 : i32 to index
    %get3A_1743 = arith.constant 672 : index
    %get3A_1744 = tpu.vector_load %arg7[%get3A_1742, %get3A_1743] {strides = array<i32>} : memref<8x1024xf32, #tpu.memory_space<vmem>>, vector<16xf32>,
    %add3A_1745 = arith.addf %add3A_1740, %get3A_1744 : vector<16xf32>
    %get3A_1746 = arith.constant 4 : i32
    %get3A_1747 = arith.index_cast %get3A_1746 : i32 to index
    %get3A_1748 = arith.constant 672 : index
    %get3A_1749 = tpu.vector_load %arg7[%get3A_1747, %get3A_1748] {strides = array<i32>} : memref<8x1024xf32, #tpu.memory_space<vmem>>, vector<16xf32>,
    %add3A_1750 = arith.addf %add3A_1745, %get3A_1749 : vector<16xf32>
    %get3A_1751 = arith.constant 5 : i32
    %get3A_1752 = arith.index_cast %get3A_1751 : i32 to index
    %get3A_1753 = arith.constant 672 : index
    %get3A_1754 = tpu.vector_load %arg7[%get3A_1752, %get3A_1753] {strides = array<i32>} : memref<8x1024xf32, #tpu.memory_space<vmem>>, vector<16xf32>,
    %add3A_1755 = arith.addf %add3A_1750, %get3A_1754 : vector<16xf32>
    %get3A_1756 = arith.constant 6 : i32
    %get3A_1757 = arith.index_cast %get3A_1756 : i32 to index
    %get3A_1758 = arith.constant 672 : index
    %get3A_1759 = tpu.vector_load %arg7[%get3A_1757, %get3A_1758] {strides = array<i32>} : memref<8x1024xf32, #tpu.memory_space<vmem>>, vector<16xf32>,
    %add3A_1760 = arith.addf %add3A_1755, %get3A_1759 : vector<16xf32>
    %get3A_1761 = arith.constant 7 : i32
    %get3A_1762 = arith.index_cast %get3A_1761 : i32 to index
    %get3A_1763 = arith.constant 672 : index
    %get3A_1764 = tpu.vector_load %arg7[%get3A_1762, %get3A_1763] {strides = array<i32>} : memref<8x1024xf32, #tpu.memory_space<vmem>>, vector<16xf32>,
    %add3A_1765 = arith.addf %add3A_1760, %get3A_1764 : vector<16xf32>
    %swap3A_1766 = arith.constant 672 : index
    %swap3A_1767 = tpu.vector_load %arg8[%swap3A_1766] {strides = array<i32>} : memref<1024xf32, #tpu.memory_space<vmem>>, vector<16xf32>,
    tpu.vector_store %arg8[%swap3A_1766], %add3A_1765 {strides = array<i32>} : memref<1024xf32, #tpu.memory_space<vmem>>, vector<16xf32>,
    %get3A_1768 = arith.constant 0 : i32
    %get3A_1769 = arith.index_cast %get3A_1768 : i32 to index
    %get3A_1770 = arith.constant 688 : index
    %get3A_1771 = tpu.vector_load %arg7[%get3A_1769, %get3A_1770] {strides = array<i32>} : memref<8x1024xf32, #tpu.memory_space<vmem>>, vector<16xf32>,
    %get3A_1772 = arith.constant 1 : i32
    %get3A_1773 = arith.index_cast %get3A_1772 : i32 to index
    %get3A_1774 = arith.constant 688 : index
    %get3A_1775 = tpu.vector_load %arg7[%get3A_1773, %get3A_1774] {strides = array<i32>} : memref<8x1024xf32, #tpu.memory_space<vmem>>, vector<16xf32>,
    %add3A_1776 = arith.addf %get3A_1771, %get3A_1775 : vector<16xf32>
    %get3A_1777 = arith.constant 2 : i32
    %get3A_1778 = arith.index_cast %get3A_1777 : i32 to index
    %get3A_1779 = arith.constant 688 : index
    %get3A_1780 = tpu.vector_load %arg7[%get3A_1778, %get3A_1779] {strides = array<i32>} : memref<8x1024xf32, #tpu.memory_space<vmem>>, vector<16xf32>,
    %add3A_1781 = arith.addf %add3A_1776, %get3A_1780 : vector<16xf32>
    %get3A_1782 = arith.constant 3 : i32
    %get3A_1783 = arith.index_cast %get3A_1782 : i32 to index
    %get3A_1784 = arith.constant 688 : index
    %get3A_1785 = tpu.vector_load %arg7[%get3A_1783, %get3A_1784] {strides = array<i32>} : memref<8x1024xf32, #tpu.memory_space<vmem>>, vector<16xf32>,
    %add3A_1786 = arith.addf %add3A_1781, %get3A_1785 : vector<16xf32>
    %get3A_1787 = arith.constant 4 : i32
    %get3A_1788 = arith.index_cast %get3A_1787 : i32 to index
    %get3A_1789 = arith.constant 688 : index
    %get3A_1790 = tpu.vector_load %arg7[%get3A_1788, %get3A_1789] {strides = array<i32>} : memref<8x1024xf32, #tpu.memory_space<vmem>>, vector<16xf32>,
    %add3A_1791 = arith.addf %add3A_1786, %get3A_1790 : vector<16xf32>
    %get3A_1792 = arith.constant 5 : i32
    %get3A_1793 = arith.index_cast %get3A_1792 : i32 to index
    %get3A_1794 = arith.constant 688 : index
    %get3A_1795 = tpu.vector_load %arg7[%get3A_1793, %get3A_1794] {strides = array<i32>} : memref<8x1024xf32, #tpu.memory_space<vmem>>, vector<16xf32>,
    %add3A_1796 = arith.addf %add3A_1791, %get3A_1795 : vector<16xf32>
    %get3A_1797 = arith.constant 6 : i32
    %get3A_1798 = arith.index_cast %get3A_1797 : i32 to index
    %get3A_1799 = arith.constant 688 : index
    %get3A_1800 = tpu.vector_load %arg7[%get3A_1798, %get3A_1799] {strides = array<i32>} : memref<8x1024xf32, #tpu.memory_space<vmem>>, vector<16xf32>,
    %add3A_1801 = arith.addf %add3A_1796, %get3A_1800 : vector<16xf32>
    %get3A_1802 = arith.constant 7 : i32
    %get3A_1803 = arith.index_cast %get3A_1802 : i32 to index
    %get3A_1804 = arith.constant 688 : index
    %get3A_1805 = tpu.vector_load %arg7[%get3A_1803, %get3A_1804] {strides = array<i32>} : memref<8x1024xf32, #tpu.memory_space<vmem>>, vector<16xf32>,
    %add3A_1806 = arith.addf %add3A_1801, %get3A_1805 : vector<16xf32>
    %swap3A_1807 = arith.constant 688 : index
    %swap3A_1808 = tpu.vector_load %arg8[%swap3A_1807] {strides = array<i32>} : memref<1024xf32, #tpu.memory_space<vmem>>, vector<16xf32>,
    tpu.vector_store %arg8[%swap3A_1807], %add3A_1806 {strides = array<i32>} : memref<1024xf32, #tpu.memory_space<vmem>>, vector<16xf32>,
    %get3A_1809 = arith.constant 0 : i32
    %get3A_1810 = arith.index_cast %get3A_1809 : i32 to index
    %get3A_1811 = arith.constant 704 : index
    %get3A_1812 = tpu.vector_load %arg7[%get3A_1810, %get3A_1811] {strides = array<i32>} : memref<8x1024xf32, #tpu.memory_space<vmem>>, vector<16xf32>,
    %get3A_1813 = arith.constant 1 : i32
    %get3A_1814 = arith.index_cast %get3A_1813 : i32 to index
    %get3A_1815 = arith.constant 704 : index
    %get3A_1816 = tpu.vector_load %arg7[%get3A_1814, %get3A_1815] {strides = array<i32>} : memref<8x1024xf32, #tpu.memory_space<vmem>>, vector<16xf32>,
    %add3A_1817 = arith.addf %get3A_1812, %get3A_1816 : vector<16xf32>
    %get3A_1818 = arith.constant 2 : i32
    %get3A_1819 = arith.index_cast %get3A_1818 : i32 to index
    %get3A_1820 = arith.constant 704 : index
    %get3A_1821 = tpu.vector_load %arg7[%get3A_1819, %get3A_1820] {strides = array<i32>} : memref<8x1024xf32, #tpu.memory_space<vmem>>, vector<16xf32>,
    %add3A_1822 = arith.addf %add3A_1817, %get3A_1821 : vector<16xf32>
    %get3A_1823 = arith.constant 3 : i32
    %get3A_1824 = arith.index_cast %get3A_1823 : i32 to index
    %get3A_1825 = arith.constant 704 : index
    %get3A_1826 = tpu.vector_load %arg7[%get3A_1824, %get3A_1825] {strides = array<i32>} : memref<8x1024xf32, #tpu.memory_space<vmem>>, vector<16xf32>,
    %add3A_1827 = arith.addf %add3A_1822, %get3A_1826 : vector<16xf32>
    %get3A_1828 = arith.constant 4 : i32
    %get3A_1829 = arith.index_cast %get3A_1828 : i32 to index
    %get3A_1830 = arith.constant 704 : index
    %get3A_1831 = tpu.vector_load %arg7[%get3A_1829, %get3A_1830] {strides = array<i32>} : memref<8x1024xf32, #tpu.memory_space<vmem>>, vector<16xf32>,
    %add3A_1832 = arith.addf %add3A_1827, %get3A_1831 : vector<16xf32>
    %get3A_1833 = arith.constant 5 : i32
    %get3A_1834 = arith.index_cast %get3A_1833 : i32 to index
    %get3A_1835 = arith.constant 704 : index
    %get3A_1836 = tpu.vector_load %arg7[%get3A_1834, %get3A_1835] {strides = array<i32>} : memref<8x1024xf32, #tpu.memory_space<vmem>>, vector<16xf32>,
    %add3A_1837 = arith.addf %add3A_1832, %get3A_1836 : vector<16xf32>
    %get3A_1838 = arith.constant 6 : i32
    %get3A_1839 = arith.index_cast %get3A_1838 : i32 to index
    %get3A_1840 = arith.constant 704 : index
    %get3A_1841 = tpu.vector_load %arg7[%get3A_1839, %get3A_1840] {strides = array<i32>} : memref<8x1024xf32, #tpu.memory_space<vmem>>, vector<16xf32>,
    %add3A_1842 = arith.addf %add3A_1837, %get3A_1841 : vector<16xf32>
    %get3A_1843 = arith.constant 7 : i32
    %get3A_1844 = arith.index_cast %get3A_1843 : i32 to index
    %get3A_1845 = arith.constant 704 : index
    %get3A_1846 = tpu.vector_load %arg7[%get3A_1844, %get3A_1845] {strides = array<i32>} : memref<8x1024xf32, #tpu.memory_space<vmem>>, vector<16xf32>,
    %add3A_1847 = arith.addf %add3A_1842, %get3A_1846 : vector<16xf32>
    %swap3A_1848 = arith.constant 704 : index
    %swap3A_1849 = tpu.vector_load %arg8[%swap3A_1848] {strides = array<i32>} : memref<1024xf32, #tpu.memory_space<vmem>>, vector<16xf32>,
    tpu.vector_store %arg8[%swap3A_1848], %add3A_1847 {strides = array<i32>} : memref<1024xf32, #tpu.memory_space<vmem>>, vector<16xf32>,
    %get3A_1850 = arith.constant 0 : i32
    %get3A_1851 = arith.index_cast %get3A_1850 : i32 to index
    %get3A_1852 = arith.constant 720 : index
    %get3A_1853 = tpu.vector_load %arg7[%get3A_1851, %get3A_1852] {strides = array<i32>} : memref<8x1024xf32, #tpu.memory_space<vmem>>, vector<16xf32>,
    %get3A_1854 = arith.constant 1 : i32
    %get3A_1855 = arith.index_cast %get3A_1854 : i32 to index
    %get3A_1856 = arith.constant 720 : index
    %get3A_1857 = tpu.vector_load %arg7[%get3A_1855, %get3A_1856] {strides = array<i32>} : memref<8x1024xf32, #tpu.memory_space<vmem>>, vector<16xf32>,
    %add3A_1858 = arith.addf %get3A_1853, %get3A_1857 : vector<16xf32>
    %get3A_1859 = arith.constant 2 : i32
    %get3A_1860 = arith.index_cast %get3A_1859 : i32 to index
    %get3A_1861 = arith.constant 720 : index
    %get3A_1862 = tpu.vector_load %arg7[%get3A_1860, %get3A_1861] {strides = array<i32>} : memref<8x1024xf32, #tpu.memory_space<vmem>>, vector<16xf32>,
    %add3A_1863 = arith.addf %add3A_1858, %get3A_1862 : vector<16xf32>
    %get3A_1864 = arith.constant 3 : i32
    %get3A_1865 = arith.index_cast %get3A_1864 : i32 to index
    %get3A_1866 = arith.constant 720 : index
    %get3A_1867 = tpu.vector_load %arg7[%get3A_1865, %get3A_1866] {strides = array<i32>} : memref<8x1024xf32, #tpu.memory_space<vmem>>, vector<16xf32>,
    %add3A_1868 = arith.addf %add3A_1863, %get3A_1867 : vector<16xf32>
    %get3A_1869 = arith.constant 4 : i32
    %get3A_1870 = arith.index_cast %get3A_1869 : i32 to index
    %get3A_1871 = arith.constant 720 : index
    %get3A_1872 = tpu.vector_load %arg7[%get3A_1870, %get3A_1871] {strides = array<i32>} : memref<8x1024xf32, #tpu.memory_space<vmem>>, vector<16xf32>,
    %add3A_1873 = arith.addf %add3A_1868, %get3A_1872 : vector<16xf32>
    %get3A_1874 = arith.constant 5 : i32
    %get3A_1875 = arith.index_cast %get3A_1874 : i32 to index
    %get3A_1876 = arith.constant 720 : index
    %get3A_1877 = tpu.vector_load %arg7[%get3A_1875, %get3A_1876] {strides = array<i32>} : memref<8x1024xf32, #tpu.memory_space<vmem>>, vector<16xf32>,
    %add3A_1878 = arith.addf %add3A_1873, %get3A_1877 : vector<16xf32>
    %get3A_1879 = arith.constant 6 : i32
    %get3A_1880 = arith.index_cast %get3A_1879 : i32 to index
    %get3A_1881 = arith.constant 720 : index
    %get3A_1882 = tpu.vector_load %arg7[%get3A_1880, %get3A_1881] {strides = array<i32>} : memref<8x1024xf32, #tpu.memory_space<vmem>>, vector<16xf32>,
    %add3A_1883 = arith.addf %add3A_1878, %get3A_1882 : vector<16xf32>
    %get3A_1884 = arith.constant 7 : i32
    %get3A_1885 = arith.index_cast %get3A_1884 : i32 to index
    %get3A_1886 = arith.constant 720 : index
    %get3A_1887 = tpu.vector_load %arg7[%get3A_1885, %get3A_1886] {strides = array<i32>} : memref<8x1024xf32, #tpu.memory_space<vmem>>, vector<16xf32>,
    %add3A_1888 = arith.addf %add3A_1883, %get3A_1887 : vector<16xf32>
    %swap3A_1889 = arith.constant 720 : index
    %swap3A_1890 = tpu.vector_load %arg8[%swap3A_1889] {strides = array<i32>} : memref<1024xf32, #tpu.memory_space<vmem>>, vector<16xf32>,
    tpu.vector_store %arg8[%swap3A_1889], %add3A_1888 {strides = array<i32>} : memref<1024xf32, #tpu.memory_space<vmem>>, vector<16xf32>,
    %get3A_1891 = arith.constant 0 : i32
    %get3A_1892 = arith.index_cast %get3A_1891 : i32 to index
    %get3A_1893 = arith.constant 736 : index
    %get3A_1894 = tpu.vector_load %arg7[%get3A_1892, %get3A_1893] {strides = array<i32>} : memref<8x1024xf32, #tpu.memory_space<vmem>>, vector<16xf32>,
    %get3A_1895 = arith.constant 1 : i32
    %get3A_1896 = arith.index_cast %get3A_1895 : i32 to index
    %get3A_1897 = arith.constant 736 : index
    %get3A_1898 = tpu.vector_load %arg7[%get3A_1896, %get3A_1897] {strides = array<i32>} : memref<8x1024xf32, #tpu.memory_space<vmem>>, vector<16xf32>,
    %add3A_1899 = arith.addf %get3A_1894, %get3A_1898 : vector<16xf32>
    %get3A_1900 = arith.constant 2 : i32
    %get3A_1901 = arith.index_cast %get3A_1900 : i32 to index
    %get3A_1902 = arith.constant 736 : index
    %get3A_1903 = tpu.vector_load %arg7[%get3A_1901, %get3A_1902] {strides = array<i32>} : memref<8x1024xf32, #tpu.memory_space<vmem>>, vector<16xf32>,
    %add3A_1904 = arith.addf %add3A_1899, %get3A_1903 : vector<16xf32>
    %get3A_1905 = arith.constant 3 : i32
    %get3A_1906 = arith.index_cast %get3A_1905 : i32 to index
    %get3A_1907 = arith.constant 736 : index
    %get3A_1908 = tpu.vector_load %arg7[%get3A_1906, %get3A_1907] {strides = array<i32>} : memref<8x1024xf32, #tpu.memory_space<vmem>>, vector<16xf32>,
    %add3A_1909 = arith.addf %add3A_1904, %get3A_1908 : vector<16xf32>
    %get3A_1910 = arith.constant 4 : i32
    %get3A_1911 = arith.index_cast %get3A_1910 : i32 to index
    %get3A_1912 = arith.constant 736 : index
    %get3A_1913 = tpu.vector_load %arg7[%get3A_1911, %get3A_1912] {strides = array<i32>} : memref<8x1024xf32, #tpu.memory_space<vmem>>, vector<16xf32>,
    %add3A_1914 = arith.addf %add3A_1909, %get3A_1913 : vector<16xf32>
    %get3A_1915 = arith.constant 5 : i32
    %get3A_1916 = arith.index_cast %get3A_1915 : i32 to index
    %get3A_1917 = arith.constant 736 : index
    %get3A_1918 = tpu.vector_load %arg7[%get3A_1916, %get3A_1917] {strides = array<i32>} : memref<8x1024xf32, #tpu.memory_space<vmem>>, vector<16xf32>,
    %add3A_1919 = arith.addf %add3A_1914, %get3A_1918 : vector<16xf32>
    %get3A_1920 = arith.constant 6 : i32
    %get3A_1921 = arith.index_cast %get3A_1920 : i32 to index
    %get3A_1922 = arith.constant 736 : index
    %get3A_1923 = tpu.vector_load %arg7[%get3A_1921, %get3A_1922] {strides = array<i32>} : memref<8x1024xf32, #tpu.memory_space<vmem>>, vector<16xf32>,
    %add3A_1924 = arith.addf %add3A_1919, %get3A_1923 : vector<16xf32>
    %get3A_1925 = arith.constant 7 : i32
    %get3A_1926 = arith.index_cast %get3A_1925 : i32 to index
    %get3A_1927 = arith.constant 736 : index
    %get3A_1928 = tpu.vector_load %arg7[%get3A_1926, %get3A_1927] {strides = array<i32>} : memref<8x1024xf32, #tpu.memory_space<vmem>>, vector<16xf32>,
    %add3A_1929 = arith.addf %add3A_1924, %get3A_1928 : vector<16xf32>
    %swap3A_1930 = arith.constant 736 : index
    %swap3A_1931 = tpu.vector_load %arg8[%swap3A_1930] {strides = array<i32>} : memref<1024xf32, #tpu.memory_space<vmem>>, vector<16xf32>,
    tpu.vector_store %arg8[%swap3A_1930], %add3A_1929 {strides = array<i32>} : memref<1024xf32, #tpu.memory_space<vmem>>, vector<16xf32>,
    %get3A_1932 = arith.constant 0 : i32
    %get3A_1933 = arith.index_cast %get3A_1932 : i32 to index
    %get3A_1934 = arith.constant 752 : index
    %get3A_1935 = tpu.vector_load %arg7[%get3A_1933, %get3A_1934] {strides = array<i32>} : memref<8x1024xf32, #tpu.memory_space<vmem>>, vector<16xf32>,
    %get3A_1936 = arith.constant 1 : i32
    %get3A_1937 = arith.index_cast %get3A_1936 : i32 to index
    %get3A_1938 = arith.constant 752 : index
    %get3A_1939 = tpu.vector_load %arg7[%get3A_1937, %get3A_1938] {strides = array<i32>} : memref<8x1024xf32, #tpu.memory_space<vmem>>, vector<16xf32>,
    %add3A_1940 = arith.addf %get3A_1935, %get3A_1939 : vector<16xf32>
    %get3A_1941 = arith.constant 2 : i32
    %get3A_1942 = arith.index_cast %get3A_1941 : i32 to index
    %get3A_1943 = arith.constant 752 : index
    %get3A_1944 = tpu.vector_load %arg7[%get3A_1942, %get3A_1943] {strides = array<i32>} : memref<8x1024xf32, #tpu.memory_space<vmem>>, vector<16xf32>,
    %add3A_1945 = arith.addf %add3A_1940, %get3A_1944 : vector<16xf32>
    %get3A_1946 = arith.constant 3 : i32
    %get3A_1947 = arith.index_cast %get3A_1946 : i32 to index
    %get3A_1948 = arith.constant 752 : index
    %get3A_1949 = tpu.vector_load %arg7[%get3A_1947, %get3A_1948] {strides = array<i32>} : memref<8x1024xf32, #tpu.memory_space<vmem>>, vector<16xf32>,
    %add3A_1950 = arith.addf %add3A_1945, %get3A_1949 : vector<16xf32>
    %get3A_1951 = arith.constant 4 : i32
    %get3A_1952 = arith.index_cast %get3A_1951 : i32 to index
    %get3A_1953 = arith.constant 752 : index
    %get3A_1954 = tpu.vector_load %arg7[%get3A_1952, %get3A_1953] {strides = array<i32>} : memref<8x1024xf32, #tpu.memory_space<vmem>>, vector<16xf32>,
    %add3A_1955 = arith.addf %add3A_1950, %get3A_1954 : vector<16xf32>
    %get3A_1956 = arith.constant 5 : i32
    %get3A_1957 = arith.index_cast %get3A_1956 : i32 to index
    %get3A_1958 = arith.constant 752 : index
    %get3A_1959 = tpu.vector_load %arg7[%get3A_1957, %get3A_1958] {strides = array<i32>} : memref<8x1024xf32, #tpu.memory_space<vmem>>, vector<16xf32>,
    %add3A_1960 = arith.addf %add3A_1955, %get3A_1959 : vector<16xf32>
    %get3A_1961 = arith.constant 6 : i32
    %get3A_1962 = arith.index_cast %get3A_1961 : i32 to index
    %get3A_1963 = arith.constant 752 : index
    %get3A_1964 = tpu.vector_load %arg7[%get3A_1962, %get3A_1963] {strides = array<i32>} : memref<8x1024xf32, #tpu.memory_space<vmem>>, vector<16xf32>,
    %add3A_1965 = arith.addf %add3A_1960, %get3A_1964 : vector<16xf32>
    %get3A_1966 = arith.constant 7 : i32
    %get3A_1967 = arith.index_cast %get3A_1966 : i32 to index
    %get3A_1968 = arith.constant 752 : index
    %get3A_1969 = tpu.vector_load %arg7[%get3A_1967, %get3A_1968] {strides = array<i32>} : memref<8x1024xf32, #tpu.memory_space<vmem>>, vector<16xf32>,
    %add3A_1970 = arith.addf %add3A_1965, %get3A_1969 : vector<16xf32>
    %swap3A_1971 = arith.constant 752 : index
    %swap3A_1972 = tpu.vector_load %arg8[%swap3A_1971] {strides = array<i32>} : memref<1024xf32, #tpu.memory_space<vmem>>, vector<16xf32>,
    tpu.vector_store %arg8[%swap3A_1971], %add3A_1970 {strides = array<i32>} : memref<1024xf32, #tpu.memory_space<vmem>>, vector<16xf32>,
    %get3A_1973 = arith.constant 0 : i32
    %get3A_1974 = arith.index_cast %get3A_1973 : i32 to index
    %get3A_1975 = arith.constant 768 : index
    %get3A_1976 = tpu.vector_load %arg7[%get3A_1974, %get3A_1975] {strides = array<i32>} : memref<8x1024xf32, #tpu.memory_space<vmem>>, vector<16xf32>,
    %get3A_1977 = arith.constant 1 : i32
    %get3A_1978 = arith.index_cast %get3A_1977 : i32 to index
    %get3A_1979 = arith.constant 768 : index
    %get3A_1980 = tpu.vector_load %arg7[%get3A_1978, %get3A_1979] {strides = array<i32>} : memref<8x1024xf32, #tpu.memory_space<vmem>>, vector<16xf32>,
    %add3A_1981 = arith.addf %get3A_1976, %get3A_1980 : vector<16xf32>
    %get3A_1982 = arith.constant 2 : i32
    %get3A_1983 = arith.index_cast %get3A_1982 : i32 to index
    %get3A_1984 = arith.constant 768 : index
    %get3A_1985 = tpu.vector_load %arg7[%get3A_1983, %get3A_1984] {strides = array<i32>} : memref<8x1024xf32, #tpu.memory_space<vmem>>, vector<16xf32>,
    %add3A_1986 = arith.addf %add3A_1981, %get3A_1985 : vector<16xf32>
    %get3A_1987 = arith.constant 3 : i32
    %get3A_1988 = arith.index_cast %get3A_1987 : i32 to index
    %get3A_1989 = arith.constant 768 : index
    %get3A_1990 = tpu.vector_load %arg7[%get3A_1988, %get3A_1989] {strides = array<i32>} : memref<8x1024xf32, #tpu.memory_space<vmem>>, vector<16xf32>,
    %add3A_1991 = arith.addf %add3A_1986, %get3A_1990 : vector<16xf32>
    %get3A_1992 = arith.constant 4 : i32
    %get3A_1993 = arith.index_cast %get3A_1992 : i32 to index
    %get3A_1994 = arith.constant 768 : index
    %get3A_1995 = tpu.vector_load %arg7[%get3A_1993, %get3A_1994] {strides = array<i32>} : memref<8x1024xf32, #tpu.memory_space<vmem>>, vector<16xf32>,
    %add3A_1996 = arith.addf %add3A_1991, %get3A_1995 : vector<16xf32>
    %get3A_1997 = arith.constant 5 : i32
    %get3A_1998 = arith.index_cast %get3A_1997 : i32 to index
    %get3A_1999 = arith.constant 768 : index
    %get3A_2000 = tpu.vector_load %arg7[%get3A_1998, %get3A_1999] {strides = array<i32>} : memref<8x1024xf32, #tpu.memory_space<vmem>>, vector<16xf32>,
    %add3A_2001 = arith.addf %add3A_1996, %get3A_2000 : vector<16xf32>
    %get3A_2002 = arith.constant 6 : i32
    %get3A_2003 = arith.index_cast %get3A_2002 : i32 to index
    %get3A_2004 = arith.constant 768 : index
    %get3A_2005 = tpu.vector_load %arg7[%get3A_2003, %get3A_2004] {strides = array<i32>} : memref<8x1024xf32, #tpu.memory_space<vmem>>, vector<16xf32>,
    %add3A_2006 = arith.addf %add3A_2001, %get3A_2005 : vector<16xf32>
    %get3A_2007 = arith.constant 7 : i32
    %get3A_2008 = arith.index_cast %get3A_2007 : i32 to index
    %get3A_2009 = arith.constant 768 : index
    %get3A_2010 = tpu.vector_load %arg7[%get3A_2008, %get3A_2009] {strides = array<i32>} : memref<8x1024xf32, #tpu.memory_space<vmem>>, vector<16xf32>,
    %add3A_2011 = arith.addf %add3A_2006, %get3A_2010 : vector<16xf32>
    %swap3A_2012 = arith.constant 768 : index
    %swap3A_2013 = tpu.vector_load %arg8[%swap3A_2012] {strides = array<i32>} : memref<1024xf32, #tpu.memory_space<vmem>>, vector<16xf32>,
    tpu.vector_store %arg8[%swap3A_2012], %add3A_2011 {strides = array<i32>} : memref<1024xf32, #tpu.memory_space<vmem>>, vector<16xf32>,
    %get3A_2014 = arith.constant 0 : i32
    %get3A_2015 = arith.index_cast %get3A_2014 : i32 to index
    %get3A_2016 = arith.constant 784 : index
    %get3A_2017 = tpu.vector_load %arg7[%get3A_2015, %get3A_2016] {strides = array<i32>} : memref<8x1024xf32, #tpu.memory_space<vmem>>, vector<16xf32>,
    %get3A_2018 = arith.constant 1 : i32
    %get3A_2019 = arith.index_cast %get3A_2018 : i32 to index
    %get3A_2020 = arith.constant 784 : index
    %get3A_2021 = tpu.vector_load %arg7[%get3A_2019, %get3A_2020] {strides = array<i32>} : memref<8x1024xf32, #tpu.memory_space<vmem>>, vector<16xf32>,
    %add3A_2022 = arith.addf %get3A_2017, %get3A_2021 : vector<16xf32>
    %get3A_2023 = arith.constant 2 : i32
    %get3A_2024 = arith.index_cast %get3A_2023 : i32 to index
    %get3A_2025 = arith.constant 784 : index
    %get3A_2026 = tpu.vector_load %arg7[%get3A_2024, %get3A_2025] {strides = array<i32>} : memref<8x1024xf32, #tpu.memory_space<vmem>>, vector<16xf32>,
    %add3A_2027 = arith.addf %add3A_2022, %get3A_2026 : vector<16xf32>
    %get3A_2028 = arith.constant 3 : i32
    %get3A_2029 = arith.index_cast %get3A_2028 : i32 to index
    %get3A_2030 = arith.constant 784 : index
    %get3A_2031 = tpu.vector_load %arg7[%get3A_2029, %get3A_2030] {strides = array<i32>} : memref<8x1024xf32, #tpu.memory_space<vmem>>, vector<16xf32>,
    %add3A_2032 = arith.addf %add3A_2027, %get3A_2031 : vector<16xf32>
    %get3A_2033 = arith.constant 4 : i32
    %get3A_2034 = arith.index_cast %get3A_2033 : i32 to index
    %get3A_2035 = arith.constant 784 : index
    %get3A_2036 = tpu.vector_load %arg7[%get3A_2034, %get3A_2035] {strides = array<i32>} : memref<8x1024xf32, #tpu.memory_space<vmem>>, vector<16xf32>,
    %add3A_2037 = arith.addf %add3A_2032, %get3A_2036 : vector<16xf32>
    %get3A_2038 = arith.constant 5 : i32
    %get3A_2039 = arith.index_cast %get3A_2038 : i32 to index
    %get3A_2040 = arith.constant 784 : index
    %get3A_2041 = tpu.vector_load %arg7[%get3A_2039, %get3A_2040] {strides = array<i32>} : memref<8x1024xf32, #tpu.memory_space<vmem>>, vector<16xf32>,
    %add3A_2042 = arith.addf %add3A_2037, %get3A_2041 : vector<16xf32>
    %get3A_2043 = arith.constant 6 : i32
    %get3A_2044 = arith.index_cast %get3A_2043 : i32 to index
    %get3A_2045 = arith.constant 784 : index
    %get3A_2046 = tpu.vector_load %arg7[%get3A_2044, %get3A_2045] {strides = array<i32>} : memref<8x1024xf32, #tpu.memory_space<vmem>>, vector<16xf32>,
    %add3A_2047 = arith.addf %add3A_2042, %get3A_2046 : vector<16xf32>
    %get3A_2048 = arith.constant 7 : i32
    %get3A_2049 = arith.index_cast %get3A_2048 : i32 to index
    %get3A_2050 = arith.constant 784 : index
    %get3A_2051 = tpu.vector_load %arg7[%get3A_2049, %get3A_2050] {strides = array<i32>} : memref<8x1024xf32, #tpu.memory_space<vmem>>, vector<16xf32>,
    %add3A_2052 = arith.addf %add3A_2047, %get3A_2051 : vector<16xf32>
    %swap3A_2053 = arith.constant 784 : index
    %swap3A_2054 = tpu.vector_load %arg8[%swap3A_2053] {strides = array<i32>} : memref<1024xf32, #tpu.memory_space<vmem>>, vector<16xf32>,
    tpu.vector_store %arg8[%swap3A_2053], %add3A_2052 {strides = array<i32>} : memref<1024xf32, #tpu.memory_space<vmem>>, vector<16xf32>,
    %get3A_2055 = arith.constant 0 : i32
    %get3A_2056 = arith.index_cast %get3A_2055 : i32 to index
    %get3A_2057 = arith.constant 800 : index
    %get3A_2058 = tpu.vector_load %arg7[%get3A_2056, %get3A_2057] {strides = array<i32>} : memref<8x1024xf32, #tpu.memory_space<vmem>>, vector<16xf32>,
    %get3A_2059 = arith.constant 1 : i32
    %get3A_2060 = arith.index_cast %get3A_2059 : i32 to index
    %get3A_2061 = arith.constant 800 : index
    %get3A_2062 = tpu.vector_load %arg7[%get3A_2060, %get3A_2061] {strides = array<i32>} : memref<8x1024xf32, #tpu.memory_space<vmem>>, vector<16xf32>,
    %add3A_2063 = arith.addf %get3A_2058, %get3A_2062 : vector<16xf32>
    %get3A_2064 = arith.constant 2 : i32
    %get3A_2065 = arith.index_cast %get3A_2064 : i32 to index
    %get3A_2066 = arith.constant 800 : index
    %get3A_2067 = tpu.vector_load %arg7[%get3A_2065, %get3A_2066] {strides = array<i32>} : memref<8x1024xf32, #tpu.memory_space<vmem>>, vector<16xf32>,
    %add3A_2068 = arith.addf %add3A_2063, %get3A_2067 : vector<16xf32>
    %get3A_2069 = arith.constant 3 : i32
    %get3A_2070 = arith.index_cast %get3A_2069 : i32 to index
    %get3A_2071 = arith.constant 800 : index
    %get3A_2072 = tpu.vector_load %arg7[%get3A_2070, %get3A_2071] {strides = array<i32>} : memref<8x1024xf32, #tpu.memory_space<vmem>>, vector<16xf32>,
    %add3A_2073 = arith.addf %add3A_2068, %get3A_2072 : vector<16xf32>
    %get3A_2074 = arith.constant 4 : i32
    %get3A_2075 = arith.index_cast %get3A_2074 : i32 to index
    %get3A_2076 = arith.constant 800 : index
    %get3A_2077 = tpu.vector_load %arg7[%get3A_2075, %get3A_2076] {strides = array<i32>} : memref<8x1024xf32, #tpu.memory_space<vmem>>, vector<16xf32>,
    %add3A_2078 = arith.addf %add3A_2073, %get3A_2077 : vector<16xf32>
    %get3A_2079 = arith.constant 5 : i32
    %get3A_2080 = arith.index_cast %get3A_2079 : i32 to index
    %get3A_2081 = arith.constant 800 : index
    %get3A_2082 = tpu.vector_load %arg7[%get3A_2080, %get3A_2081] {strides = array<i32>} : memref<8x1024xf32, #tpu.memory_space<vmem>>, vector<16xf32>,
    %add3A_2083 = arith.addf %add3A_2078, %get3A_2082 : vector<16xf32>
    %get3A_2084 = arith.constant 6 : i32
    %get3A_2085 = arith.index_cast %get3A_2084 : i32 to index
    %get3A_2086 = arith.constant 800 : index
    %get3A_2087 = tpu.vector_load %arg7[%get3A_2085, %get3A_2086] {strides = array<i32>} : memref<8x1024xf32, #tpu.memory_space<vmem>>, vector<16xf32>,
    %add3A_2088 = arith.addf %add3A_2083, %get3A_2087 : vector<16xf32>
    %get3A_2089 = arith.constant 7 : i32
    %get3A_2090 = arith.index_cast %get3A_2089 : i32 to index
    %get3A_2091 = arith.constant 800 : index
    %get3A_2092 = tpu.vector_load %arg7[%get3A_2090, %get3A_2091] {strides = array<i32>} : memref<8x1024xf32, #tpu.memory_space<vmem>>, vector<16xf32>,
    %add3A_2093 = arith.addf %add3A_2088, %get3A_2092 : vector<16xf32>
    %swap3A_2094 = arith.constant 800 : index
    %swap3A_2095 = tpu.vector_load %arg8[%swap3A_2094] {strides = array<i32>} : memref<1024xf32, #tpu.memory_space<vmem>>, vector<16xf32>,
    tpu.vector_store %arg8[%swap3A_2094], %add3A_2093 {strides = array<i32>} : memref<1024xf32, #tpu.memory_space<vmem>>, vector<16xf32>,
    %get3A_2096 = arith.constant 0 : i32
    %get3A_2097 = arith.index_cast %get3A_2096 : i32 to index
    %get3A_2098 = arith.constant 816 : index
    %get3A_2099 = tpu.vector_load %arg7[%get3A_2097, %get3A_2098] {strides = array<i32>} : memref<8x1024xf32, #tpu.memory_space<vmem>>, vector<16xf32>,
    %get3A_2100 = arith.constant 1 : i32
    %get3A_2101 = arith.index_cast %get3A_2100 : i32 to index
    %get3A_2102 = arith.constant 816 : index
    %get3A_2103 = tpu.vector_load %arg7[%get3A_2101, %get3A_2102] {strides = array<i32>} : memref<8x1024xf32, #tpu.memory_space<vmem>>, vector<16xf32>,
    %add3A_2104 = arith.addf %get3A_2099, %get3A_2103 : vector<16xf32>
    %get3A_2105 = arith.constant 2 : i32
    %get3A_2106 = arith.index_cast %get3A_2105 : i32 to index
    %get3A_2107 = arith.constant 816 : index
    %get3A_2108 = tpu.vector_load %arg7[%get3A_2106, %get3A_2107] {strides = array<i32>} : memref<8x1024xf32, #tpu.memory_space<vmem>>, vector<16xf32>,
    %add3A_2109 = arith.addf %add3A_2104, %get3A_2108 : vector<16xf32>
    %get3A_2110 = arith.constant 3 : i32
    %get3A_2111 = arith.index_cast %get3A_2110 : i32 to index
    %get3A_2112 = arith.constant 816 : index
    %get3A_2113 = tpu.vector_load %arg7[%get3A_2111, %get3A_2112] {strides = array<i32>} : memref<8x1024xf32, #tpu.memory_space<vmem>>, vector<16xf32>,
    %add3A_2114 = arith.addf %add3A_2109, %get3A_2113 : vector<16xf32>
    %get3A_2115 = arith.constant 4 : i32
    %get3A_2116 = arith.index_cast %get3A_2115 : i32 to index
    %get3A_2117 = arith.constant 816 : index
    %get3A_2118 = tpu.vector_load %arg7[%get3A_2116, %get3A_2117] {strides = array<i32>} : memref<8x1024xf32, #tpu.memory_space<vmem>>, vector<16xf32>,
    %add3A_2119 = arith.addf %add3A_2114, %get3A_2118 : vector<16xf32>
    %get3A_2120 = arith.constant 5 : i32
    %get3A_2121 = arith.index_cast %get3A_2120 : i32 to index
    %get3A_2122 = arith.constant 816 : index
    %get3A_2123 = tpu.vector_load %arg7[%get3A_2121, %get3A_2122] {strides = array<i32>} : memref<8x1024xf32, #tpu.memory_space<vmem>>, vector<16xf32>,
    %add3A_2124 = arith.addf %add3A_2119, %get3A_2123 : vector<16xf32>
    %get3A_2125 = arith.constant 6 : i32
    %get3A_2126 = arith.index_cast %get3A_2125 : i32 to index
    %get3A_2127 = arith.constant 816 : index
    %get3A_2128 = tpu.vector_load %arg7[%get3A_2126, %get3A_2127] {strides = array<i32>} : memref<8x1024xf32, #tpu.memory_space<vmem>>, vector<16xf32>,
    %add3A_2129 = arith.addf %add3A_2124, %get3A_2128 : vector<16xf32>
    %get3A_2130 = arith.constant 7 : i32
    %get3A_2131 = arith.index_cast %get3A_2130 : i32 to index
    %get3A_2132 = arith.constant 816 : index
    %get3A_2133 = tpu.vector_load %arg7[%get3A_2131, %get3A_2132] {strides = array<i32>} : memref<8x1024xf32, #tpu.memory_space<vmem>>, vector<16xf32>,
    %add3A_2134 = arith.addf %add3A_2129, %get3A_2133 : vector<16xf32>
    %swap3A_2135 = arith.constant 816 : index
    %swap3A_2136 = tpu.vector_load %arg8[%swap3A_2135] {strides = array<i32>} : memref<1024xf32, #tpu.memory_space<vmem>>, vector<16xf32>,
    tpu.vector_store %arg8[%swap3A_2135], %add3A_2134 {strides = array<i32>} : memref<1024xf32, #tpu.memory_space<vmem>>, vector<16xf32>,
    %get3A_2137 = arith.constant 0 : i32
    %get3A_2138 = arith.index_cast %get3A_2137 : i32 to index
    %get3A_2139 = arith.constant 832 : index
    %get3A_2140 = tpu.vector_load %arg7[%get3A_2138, %get3A_2139] {strides = array<i32>} : memref<8x1024xf32, #tpu.memory_space<vmem>>, vector<16xf32>,
    %get3A_2141 = arith.constant 1 : i32
    %get3A_2142 = arith.index_cast %get3A_2141 : i32 to index
    %get3A_2143 = arith.constant 832 : index
    %get3A_2144 = tpu.vector_load %arg7[%get3A_2142, %get3A_2143] {strides = array<i32>} : memref<8x1024xf32, #tpu.memory_space<vmem>>, vector<16xf32>,
    %add3A_2145 = arith.addf %get3A_2140, %get3A_2144 : vector<16xf32>
    %get3A_2146 = arith.constant 2 : i32
    %get3A_2147 = arith.index_cast %get3A_2146 : i32 to index
    %get3A_2148 = arith.constant 832 : index
    %get3A_2149 = tpu.vector_load %arg7[%get3A_2147, %get3A_2148] {strides = array<i32>} : memref<8x1024xf32, #tpu.memory_space<vmem>>, vector<16xf32>,
    %add3A_2150 = arith.addf %add3A_2145, %get3A_2149 : vector<16xf32>
    %get3A_2151 = arith.constant 3 : i32
    %get3A_2152 = arith.index_cast %get3A_2151 : i32 to index
    %get3A_2153 = arith.constant 832 : index
    %get3A_2154 = tpu.vector_load %arg7[%get3A_2152, %get3A_2153] {strides = array<i32>} : memref<8x1024xf32, #tpu.memory_space<vmem>>, vector<16xf32>,
    %add3A_2155 = arith.addf %add3A_2150, %get3A_2154 : vector<16xf32>
    %get3A_2156 = arith.constant 4 : i32
    %get3A_2157 = arith.index_cast %get3A_2156 : i32 to index
    %get3A_2158 = arith.constant 832 : index
    %get3A_2159 = tpu.vector_load %arg7[%get3A_2157, %get3A_2158] {strides = array<i32>} : memref<8x1024xf32, #tpu.memory_space<vmem>>, vector<16xf32>,
    %add3A_2160 = arith.addf %add3A_2155, %get3A_2159 : vector<16xf32>
    %get3A_2161 = arith.constant 5 : i32
    %get3A_2162 = arith.index_cast %get3A_2161 : i32 to index
    %get3A_2163 = arith.constant 832 : index
    %get3A_2164 = tpu.vector_load %arg7[%get3A_2162, %get3A_2163] {strides = array<i32>} : memref<8x1024xf32, #tpu.memory_space<vmem>>, vector<16xf32>,
    %add3A_2165 = arith.addf %add3A_2160, %get3A_2164 : vector<16xf32>
    %get3A_2166 = arith.constant 6 : i32
    %get3A_2167 = arith.index_cast %get3A_2166 : i32 to index
    %get3A_2168 = arith.constant 832 : index
    %get3A_2169 = tpu.vector_load %arg7[%get3A_2167, %get3A_2168] {strides = array<i32>} : memref<8x1024xf32, #tpu.memory_space<vmem>>, vector<16xf32>,
    %add3A_2170 = arith.addf %add3A_2165, %get3A_2169 : vector<16xf32>
    %get3A_2171 = arith.constant 7 : i32
    %get3A_2172 = arith.index_cast %get3A_2171 : i32 to index
    %get3A_2173 = arith.constant 832 : index
    %get3A_2174 = tpu.vector_load %arg7[%get3A_2172, %get3A_2173] {strides = array<i32>} : memref<8x1024xf32, #tpu.memory_space<vmem>>, vector<16xf32>,
    %add3A_2175 = arith.addf %add3A_2170, %get3A_2174 : vector<16xf32>
    %swap3A_2176 = arith.constant 832 : index
    %swap3A_2177 = tpu.vector_load %arg8[%swap3A_2176] {strides = array<i32>} : memref<1024xf32, #tpu.memory_space<vmem>>, vector<16xf32>,
    tpu.vector_store %arg8[%swap3A_2176], %add3A_2175 {strides = array<i32>} : memref<1024xf32, #tpu.memory_space<vmem>>, vector<16xf32>,
    %get3A_2178 = arith.constant 0 : i32
    %get3A_2179 = arith.index_cast %get3A_2178 : i32 to index
    %get3A_2180 = arith.constant 848 : index
    %get3A_2181 = tpu.vector_load %arg7[%get3A_2179, %get3A_2180] {strides = array<i32>} : memref<8x1024xf32, #tpu.memory_space<vmem>>, vector<16xf32>,
    %get3A_2182 = arith.constant 1 : i32
    %get3A_2183 = arith.index_cast %get3A_2182 : i32 to index
    %get3A_2184 = arith.constant 848 : index
    %get3A_2185 = tpu.vector_load %arg7[%get3A_2183, %get3A_2184] {strides = array<i32>} : memref<8x1024xf32, #tpu.memory_space<vmem>>, vector<16xf32>,
    %add3A_2186 = arith.addf %get3A_2181, %get3A_2185 : vector<16xf32>
    %get3A_2187 = arith.constant 2 : i32
    %get3A_2188 = arith.index_cast %get3A_2187 : i32 to index
    %get3A_2189 = arith.constant 848 : index
    %get3A_2190 = tpu.vector_load %arg7[%get3A_2188, %get3A_2189] {strides = array<i32>} : memref<8x1024xf32, #tpu.memory_space<vmem>>, vector<16xf32>,
    %add3A_2191 = arith.addf %add3A_2186, %get3A_2190 : vector<16xf32>
    %get3A_2192 = arith.constant 3 : i32
    %get3A_2193 = arith.index_cast %get3A_2192 : i32 to index
    %get3A_2194 = arith.constant 848 : index
    %get3A_2195 = tpu.vector_load %arg7[%get3A_2193, %get3A_2194] {strides = array<i32>} : memref<8x1024xf32, #tpu.memory_space<vmem>>, vector<16xf32>,
    %add3A_2196 = arith.addf %add3A_2191, %get3A_2195 : vector<16xf32>
    %get3A_2197 = arith.constant 4 : i32
    %get3A_2198 = arith.index_cast %get3A_2197 : i32 to index
    %get3A_2199 = arith.constant 848 : index
    %get3A_2200 = tpu.vector_load %arg7[%get3A_2198, %get3A_2199] {strides = array<i32>} : memref<8x1024xf32, #tpu.memory_space<vmem>>, vector<16xf32>,
    %add3A_2201 = arith.addf %add3A_2196, %get3A_2200 : vector<16xf32>
    %get3A_2202 = arith.constant 5 : i32
    %get3A_2203 = arith.index_cast %get3A_2202 : i32 to index
    %get3A_2204 = arith.constant 848 : index
    %get3A_2205 = tpu.vector_load %arg7[%get3A_2203, %get3A_2204] {strides = array<i32>} : memref<8x1024xf32, #tpu.memory_space<vmem>>, vector<16xf32>,
    %add3A_2206 = arith.addf %add3A_2201, %get3A_2205 : vector<16xf32>
    %get3A_2207 = arith.constant 6 : i32
    %get3A_2208 = arith.index_cast %get3A_2207 : i32 to index
    %get3A_2209 = arith.constant 848 : index
    %get3A_2210 = tpu.vector_load %arg7[%get3A_2208, %get3A_2209] {strides = array<i32>} : memref<8x1024xf32, #tpu.memory_space<vmem>>, vector<16xf32>,
    %add3A_2211 = arith.addf %add3A_2206, %get3A_2210 : vector<16xf32>
    %get3A_2212 = arith.constant 7 : i32
    %get3A_2213 = arith.index_cast %get3A_2212 : i32 to index
    %get3A_2214 = arith.constant 848 : index
    %get3A_2215 = tpu.vector_load %arg7[%get3A_2213, %get3A_2214] {strides = array<i32>} : memref<8x1024xf32, #tpu.memory_space<vmem>>, vector<16xf32>,
    %add3A_2216 = arith.addf %add3A_2211, %get3A_2215 : vector<16xf32>
    %swap3A_2217 = arith.constant 848 : index
    %swap3A_2218 = tpu.vector_load %arg8[%swap3A_2217] {strides = array<i32>} : memref<1024xf32, #tpu.memory_space<vmem>>, vector<16xf32>,
    tpu.vector_store %arg8[%swap3A_2217], %add3A_2216 {strides = array<i32>} : memref<1024xf32, #tpu.memory_space<vmem>>, vector<16xf32>,
    %get3A_2219 = arith.constant 0 : i32
    %get3A_2220 = arith.index_cast %get3A_2219 : i32 to index
    %get3A_2221 = arith.constant 864 : index
    %get3A_2222 = tpu.vector_load %arg7[%get3A_2220, %get3A_2221] {strides = array<i32>} : memref<8x1024xf32, #tpu.memory_space<vmem>>, vector<16xf32>,
    %get3A_2223 = arith.constant 1 : i32
    %get3A_2224 = arith.index_cast %get3A_2223 : i32 to index
    %get3A_2225 = arith.constant 864 : index
    %get3A_2226 = tpu.vector_load %arg7[%get3A_2224, %get3A_2225] {strides = array<i32>} : memref<8x1024xf32, #tpu.memory_space<vmem>>, vector<16xf32>,
    %add3A_2227 = arith.addf %get3A_2222, %get3A_2226 : vector<16xf32>
    %get3A_2228 = arith.constant 2 : i32
    %get3A_2229 = arith.index_cast %get3A_2228 : i32 to index
    %get3A_2230 = arith.constant 864 : index
    %get3A_2231 = tpu.vector_load %arg7[%get3A_2229, %get3A_2230] {strides = array<i32>} : memref<8x1024xf32, #tpu.memory_space<vmem>>, vector<16xf32>,
    %add3A_2232 = arith.addf %add3A_2227, %get3A_2231 : vector<16xf32>
    %get3A_2233 = arith.constant 3 : i32
    %get3A_2234 = arith.index_cast %get3A_2233 : i32 to index
    %get3A_2235 = arith.constant 864 : index
    %get3A_2236 = tpu.vector_load %arg7[%get3A_2234, %get3A_2235] {strides = array<i32>} : memref<8x1024xf32, #tpu.memory_space<vmem>>, vector<16xf32>,
    %add3A_2237 = arith.addf %add3A_2232, %get3A_2236 : vector<16xf32>
    %get3A_2238 = arith.constant 4 : i32
    %get3A_2239 = arith.index_cast %get3A_2238 : i32 to index
    %get3A_2240 = arith.constant 864 : index
    %get3A_2241 = tpu.vector_load %arg7[%get3A_2239, %get3A_2240] {strides = array<i32>} : memref<8x1024xf32, #tpu.memory_space<vmem>>, vector<16xf32>,
    %add3A_2242 = arith.addf %add3A_2237, %get3A_2241 : vector<16xf32>
    %get3A_2243 = arith.constant 5 : i32
    %get3A_2244 = arith.index_cast %get3A_2243 : i32 to index
    %get3A_2245 = arith.constant 864 : index
    %get3A_2246 = tpu.vector_load %arg7[%get3A_2244, %get3A_2245] {strides = array<i32>} : memref<8x1024xf32, #tpu.memory_space<vmem>>, vector<16xf32>,
    %add3A_2247 = arith.addf %add3A_2242, %get3A_2246 : vector<16xf32>
    %get3A_2248 = arith.constant 6 : i32
    %get3A_2249 = arith.index_cast %get3A_2248 : i32 to index
    %get3A_2250 = arith.constant 864 : index
    %get3A_2251 = tpu.vector_load %arg7[%get3A_2249, %get3A_2250] {strides = array<i32>} : memref<8x1024xf32, #tpu.memory_space<vmem>>, vector<16xf32>,
    %add3A_2252 = arith.addf %add3A_2247, %get3A_2251 : vector<16xf32>
    %get3A_2253 = arith.constant 7 : i32
    %get3A_2254 = arith.index_cast %get3A_2253 : i32 to index
    %get3A_2255 = arith.constant 864 : index
    %get3A_2256 = tpu.vector_load %arg7[%get3A_2254, %get3A_2255] {strides = array<i32>} : memref<8x1024xf32, #tpu.memory_space<vmem>>, vector<16xf32>,
    %add3A_2257 = arith.addf %add3A_2252, %get3A_2256 : vector<16xf32>
    %swap3A_2258 = arith.constant 864 : index
    %swap3A_2259 = tpu.vector_load %arg8[%swap3A_2258] {strides = array<i32>} : memref<1024xf32, #tpu.memory_space<vmem>>, vector<16xf32>,
    tpu.vector_store %arg8[%swap3A_2258], %add3A_2257 {strides = array<i32>} : memref<1024xf32, #tpu.memory_space<vmem>>, vector<16xf32>,
    %get3A_2260 = arith.constant 0 : i32
    %get3A_2261 = arith.index_cast %get3A_2260 : i32 to index
    %get3A_2262 = arith.constant 880 : index
    %get3A_2263 = tpu.vector_load %arg7[%get3A_2261, %get3A_2262] {strides = array<i32>} : memref<8x1024xf32, #tpu.memory_space<vmem>>, vector<16xf32>,
    %get3A_2264 = arith.constant 1 : i32
    %get3A_2265 = arith.index_cast %get3A_2264 : i32 to index
    %get3A_2266 = arith.constant 880 : index
    %get3A_2267 = tpu.vector_load %arg7[%get3A_2265, %get3A_2266] {strides = array<i32>} : memref<8x1024xf32, #tpu.memory_space<vmem>>, vector<16xf32>,
    %add3A_2268 = arith.addf %get3A_2263, %get3A_2267 : vector<16xf32>
    %get3A_2269 = arith.constant 2 : i32
    %get3A_2270 = arith.index_cast %get3A_2269 : i32 to index
    %get3A_2271 = arith.constant 880 : index
    %get3A_2272 = tpu.vector_load %arg7[%get3A_2270, %get3A_2271] {strides = array<i32>} : memref<8x1024xf32, #tpu.memory_space<vmem>>, vector<16xf32>,
    %add3A_2273 = arith.addf %add3A_2268, %get3A_2272 : vector<16xf32>
    %get3A_2274 = arith.constant 3 : i32
    %get3A_2275 = arith.index_cast %get3A_2274 : i32 to index
    %get3A_2276 = arith.constant 880 : index
    %get3A_2277 = tpu.vector_load %arg7[%get3A_2275, %get3A_2276] {strides = array<i32>} : memref<8x1024xf32, #tpu.memory_space<vmem>>, vector<16xf32>,
    %add3A_2278 = arith.addf %add3A_2273, %get3A_2277 : vector<16xf32>
    %get3A_2279 = arith.constant 4 : i32
    %get3A_2280 = arith.index_cast %get3A_2279 : i32 to index
    %get3A_2281 = arith.constant 880 : index
    %get3A_2282 = tpu.vector_load %arg7[%get3A_2280, %get3A_2281] {strides = array<i32>} : memref<8x1024xf32, #tpu.memory_space<vmem>>, vector<16xf32>,
    %add3A_2283 = arith.addf %add3A_2278, %get3A_2282 : vector<16xf32>
    %get3A_2284 = arith.constant 5 : i32
    %get3A_2285 = arith.index_cast %get3A_2284 : i32 to index
    %get3A_2286 = arith.constant 880 : index
    %get3A_2287 = tpu.vector_load %arg7[%get3A_2285, %get3A_2286] {strides = array<i32>} : memref<8x1024xf32, #tpu.memory_space<vmem>>, vector<16xf32>,
    %add3A_2288 = arith.addf %add3A_2283, %get3A_2287 : vector<16xf32>
    %get3A_2289 = arith.constant 6 : i32
    %get3A_2290 = arith.index_cast %get3A_2289 : i32 to index
    %get3A_2291 = arith.constant 880 : index
    %get3A_2292 = tpu.vector_load %arg7[%get3A_2290, %get3A_2291] {strides = array<i32>} : memref<8x1024xf32, #tpu.memory_space<vmem>>, vector<16xf32>,
    %add3A_2293 = arith.addf %add3A_2288, %get3A_2292 : vector<16xf32>
    %get3A_2294 = arith.constant 7 : i32
    %get3A_2295 = arith.index_cast %get3A_2294 : i32 to index
    %get3A_2296 = arith.constant 880 : index
    %get3A_2297 = tpu.vector_load %arg7[%get3A_2295, %get3A_2296] {strides = array<i32>} : memref<8x1024xf32, #tpu.memory_space<vmem>>, vector<16xf32>,
    %add3A_2298 = arith.addf %add3A_2293, %get3A_2297 : vector<16xf32>
    %swap3A_2299 = arith.constant 880 : index
    %swap3A_2300 = tpu.vector_load %arg8[%swap3A_2299] {strides = array<i32>} : memref<1024xf32, #tpu.memory_space<vmem>>, vector<16xf32>,
    tpu.vector_store %arg8[%swap3A_2299], %add3A_2298 {strides = array<i32>} : memref<1024xf32, #tpu.memory_space<vmem>>, vector<16xf32>,
    %get3A_2301 = arith.constant 0 : i32
    %get3A_2302 = arith.index_cast %get3A_2301 : i32 to index
    %get3A_2303 = arith.constant 896 : index
    %get3A_2304 = tpu.vector_load %arg7[%get3A_2302, %get3A_2303] {strides = array<i32>} : memref<8x1024xf32, #tpu.memory_space<vmem>>, vector<16xf32>,
    %get3A_2305 = arith.constant 1 : i32
    %get3A_2306 = arith.index_cast %get3A_2305 : i32 to index
    %get3A_2307 = arith.constant 896 : index
    %get3A_2308 = tpu.vector_load %arg7[%get3A_2306, %get3A_2307] {strides = array<i32>} : memref<8x1024xf32, #tpu.memory_space<vmem>>, vector<16xf32>,
    %add3A_2309 = arith.addf %get3A_2304, %get3A_2308 : vector<16xf32>
    %get3A_2310 = arith.constant 2 : i32
    %get3A_2311 = arith.index_cast %get3A_2310 : i32 to index
    %get3A_2312 = arith.constant 896 : index
    %get3A_2313 = tpu.vector_load %arg7[%get3A_2311, %get3A_2312] {strides = array<i32>} : memref<8x1024xf32, #tpu.memory_space<vmem>>, vector<16xf32>,
    %add3A_2314 = arith.addf %add3A_2309, %get3A_2313 : vector<16xf32>
    %get3A_2315 = arith.constant 3 : i32
    %get3A_2316 = arith.index_cast %get3A_2315 : i32 to index
    %get3A_2317 = arith.constant 896 : index
    %get3A_2318 = tpu.vector_load %arg7[%get3A_2316, %get3A_2317] {strides = array<i32>} : memref<8x1024xf32, #tpu.memory_space<vmem>>, vector<16xf32>,
    %add3A_2319 = arith.addf %add3A_2314, %get3A_2318 : vector<16xf32>
    %get3A_2320 = arith.constant 4 : i32
    %get3A_2321 = arith.index_cast %get3A_2320 : i32 to index
    %get3A_2322 = arith.constant 896 : index
    %get3A_2323 = tpu.vector_load %arg7[%get3A_2321, %get3A_2322] {strides = array<i32>} : memref<8x1024xf32, #tpu.memory_space<vmem>>, vector<16xf32>,
    %add3A_2324 = arith.addf %add3A_2319, %get3A_2323 : vector<16xf32>
    %get3A_2325 = arith.constant 5 : i32
    %get3A_2326 = arith.index_cast %get3A_2325 : i32 to index
    %get3A_2327 = arith.constant 896 : index
    %get3A_2328 = tpu.vector_load %arg7[%get3A_2326, %get3A_2327] {strides = array<i32>} : memref<8x1024xf32, #tpu.memory_space<vmem>>, vector<16xf32>,
    %add3A_2329 = arith.addf %add3A_2324, %get3A_2328 : vector<16xf32>
    %get3A_2330 = arith.constant 6 : i32
    %get3A_2331 = arith.index_cast %get3A_2330 : i32 to index
    %get3A_2332 = arith.constant 896 : index
    %get3A_2333 = tpu.vector_load %arg7[%get3A_2331, %get3A_2332] {strides = array<i32>} : memref<8x1024xf32, #tpu.memory_space<vmem>>, vector<16xf32>,
    %add3A_2334 = arith.addf %add3A_2329, %get3A_2333 : vector<16xf32>
    %get3A_2335 = arith.constant 7 : i32
    %get3A_2336 = arith.index_cast %get3A_2335 : i32 to index
    %get3A_2337 = arith.constant 896 : index
    %get3A_2338 = tpu.vector_load %arg7[%get3A_2336, %get3A_2337] {strides = array<i32>} : memref<8x1024xf32, #tpu.memory_space<vmem>>, vector<16xf32>,
    %add3A_2339 = arith.addf %add3A_2334, %get3A_2338 : vector<16xf32>
    %swap3A_2340 = arith.constant 896 : index
    %swap3A_2341 = tpu.vector_load %arg8[%swap3A_2340] {strides = array<i32>} : memref<1024xf32, #tpu.memory_space<vmem>>, vector<16xf32>,
    tpu.vector_store %arg8[%swap3A_2340], %add3A_2339 {strides = array<i32>} : memref<1024xf32, #tpu.memory_space<vmem>>, vector<16xf32>,
    %get3A_2342 = arith.constant 0 : i32
    %get3A_2343 = arith.index_cast %get3A_2342 : i32 to index
    %get3A_2344 = arith.constant 912 : index
    %get3A_2345 = tpu.vector_load %arg7[%get3A_2343, %get3A_2344] {strides = array<i32>} : memref<8x1024xf32, #tpu.memory_space<vmem>>, vector<16xf32>,
    %get3A_2346 = arith.constant 1 : i32
    %get3A_2347 = arith.index_cast %get3A_2346 : i32 to index
    %get3A_2348 = arith.constant 912 : index
    %get3A_2349 = tpu.vector_load %arg7[%get3A_2347, %get3A_2348] {strides = array<i32>} : memref<8x1024xf32, #tpu.memory_space<vmem>>, vector<16xf32>,
    %add3A_2350 = arith.addf %get3A_2345, %get3A_2349 : vector<16xf32>
    %get3A_2351 = arith.constant 2 : i32
    %get3A_2352 = arith.index_cast %get3A_2351 : i32 to index
    %get3A_2353 = arith.constant 912 : index
    %get3A_2354 = tpu.vector_load %arg7[%get3A_2352, %get3A_2353] {strides = array<i32>} : memref<8x1024xf32, #tpu.memory_space<vmem>>, vector<16xf32>,
    %add3A_2355 = arith.addf %add3A_2350, %get3A_2354 : vector<16xf32>
    %get3A_2356 = arith.constant 3 : i32
    %get3A_2357 = arith.index_cast %get3A_2356 : i32 to index
    %get3A_2358 = arith.constant 912 : index
    %get3A_2359 = tpu.vector_load %arg7[%get3A_2357, %get3A_2358] {strides = array<i32>} : memref<8x1024xf32, #tpu.memory_space<vmem>>, vector<16xf32>,
    %add3A_2360 = arith.addf %add3A_2355, %get3A_2359 : vector<16xf32>
    %get3A_2361 = arith.constant 4 : i32
    %get3A_2362 = arith.index_cast %get3A_2361 : i32 to index
    %get3A_2363 = arith.constant 912 : index
    %get3A_2364 = tpu.vector_load %arg7[%get3A_2362, %get3A_2363] {strides = array<i32>} : memref<8x1024xf32, #tpu.memory_space<vmem>>, vector<16xf32>,
    %add3A_2365 = arith.addf %add3A_2360, %get3A_2364 : vector<16xf32>
    %get3A_2366 = arith.constant 5 : i32
    %get3A_2367 = arith.index_cast %get3A_2366 : i32 to index
    %get3A_2368 = arith.constant 912 : index
    %get3A_2369 = tpu.vector_load %arg7[%get3A_2367, %get3A_2368] {strides = array<i32>} : memref<8x1024xf32, #tpu.memory_space<vmem>>, vector<16xf32>,
    %add3A_2370 = arith.addf %add3A_2365, %get3A_2369 : vector<16xf32>
    %get3A_2371 = arith.constant 6 : i32
    %get3A_2372 = arith.index_cast %get3A_2371 : i32 to index
    %get3A_2373 = arith.constant 912 : index
    %get3A_2374 = tpu.vector_load %arg7[%get3A_2372, %get3A_2373] {strides = array<i32>} : memref<8x1024xf32, #tpu.memory_space<vmem>>, vector<16xf32>,
    %add3A_2375 = arith.addf %add3A_2370, %get3A_2374 : vector<16xf32>
    %get3A_2376 = arith.constant 7 : i32
    %get3A_2377 = arith.index_cast %get3A_2376 : i32 to index
    %get3A_2378 = arith.constant 912 : index
    %get3A_2379 = tpu.vector_load %arg7[%get3A_2377, %get3A_2378] {strides = array<i32>} : memref<8x1024xf32, #tpu.memory_space<vmem>>, vector<16xf32>,
    %add3A_2380 = arith.addf %add3A_2375, %get3A_2379 : vector<16xf32>
    %swap3A_2381 = arith.constant 912 : index
    %swap3A_2382 = tpu.vector_load %arg8[%swap3A_2381] {strides = array<i32>} : memref<1024xf32, #tpu.memory_space<vmem>>, vector<16xf32>,
    tpu.vector_store %arg8[%swap3A_2381], %add3A_2380 {strides = array<i32>} : memref<1024xf32, #tpu.memory_space<vmem>>, vector<16xf32>,
    %get3A_2383 = arith.constant 0 : i32
    %get3A_2384 = arith.index_cast %get3A_2383 : i32 to index
    %get3A_2385 = arith.constant 928 : index
    %get3A_2386 = tpu.vector_load %arg7[%get3A_2384, %get3A_2385] {strides = array<i32>} : memref<8x1024xf32, #tpu.memory_space<vmem>>, vector<16xf32>,
    %get3A_2387 = arith.constant 1 : i32
    %get3A_2388 = arith.index_cast %get3A_2387 : i32 to index
    %get3A_2389 = arith.constant 928 : index
    %get3A_2390 = tpu.vector_load %arg7[%get3A_2388, %get3A_2389] {strides = array<i32>} : memref<8x1024xf32, #tpu.memory_space<vmem>>, vector<16xf32>,
    %add3A_2391 = arith.addf %get3A_2386, %get3A_2390 : vector<16xf32>
    %get3A_2392 = arith.constant 2 : i32
    %get3A_2393 = arith.index_cast %get3A_2392 : i32 to index
    %get3A_2394 = arith.constant 928 : index
    %get3A_2395 = tpu.vector_load %arg7[%get3A_2393, %get3A_2394] {strides = array<i32>} : memref<8x1024xf32, #tpu.memory_space<vmem>>, vector<16xf32>,
    %add3A_2396 = arith.addf %add3A_2391, %get3A_2395 : vector<16xf32>
    %get3A_2397 = arith.constant 3 : i32
    %get3A_2398 = arith.index_cast %get3A_2397 : i32 to index
    %get3A_2399 = arith.constant 928 : index
    %get3A_2400 = tpu.vector_load %arg7[%get3A_2398, %get3A_2399] {strides = array<i32>} : memref<8x1024xf32, #tpu.memory_space<vmem>>, vector<16xf32>,
    %add3A_2401 = arith.addf %add3A_2396, %get3A_2400 : vector<16xf32>
    %get3A_2402 = arith.constant 4 : i32
    %get3A_2403 = arith.index_cast %get3A_2402 : i32 to index
    %get3A_2404 = arith.constant 928 : index
    %get3A_2405 = tpu.vector_load %arg7[%get3A_2403, %get3A_2404] {strides = array<i32>} : memref<8x1024xf32, #tpu.memory_space<vmem>>, vector<16xf32>,
    %add3A_2406 = arith.addf %add3A_2401, %get3A_2405 : vector<16xf32>
    %get3A_2407 = arith.constant 5 : i32
    %get3A_2408 = arith.index_cast %get3A_2407 : i32 to index
    %get3A_2409 = arith.constant 928 : index
    %get3A_2410 = tpu.vector_load %arg7[%get3A_2408, %get3A_2409] {strides = array<i32>} : memref<8x1024xf32, #tpu.memory_space<vmem>>, vector<16xf32>,
    %add3A_2411 = arith.addf %add3A_2406, %get3A_2410 : vector<16xf32>
    %get3A_2412 = arith.constant 6 : i32
    %get3A_2413 = arith.index_cast %get3A_2412 : i32 to index
    %get3A_2414 = arith.constant 928 : index
    %get3A_2415 = tpu.vector_load %arg7[%get3A_2413, %get3A_2414] {strides = array<i32>} : memref<8x1024xf32, #tpu.memory_space<vmem>>, vector<16xf32>,
    %add3A_2416 = arith.addf %add3A_2411, %get3A_2415 : vector<16xf32>
    %get3A_2417 = arith.constant 7 : i32
    %get3A_2418 = arith.index_cast %get3A_2417 : i32 to index
    %get3A_2419 = arith.constant 928 : index
    %get3A_2420 = tpu.vector_load %arg7[%get3A_2418, %get3A_2419] {strides = array<i32>} : memref<8x1024xf32, #tpu.memory_space<vmem>>, vector<16xf32>,
    %add3A_2421 = arith.addf %add3A_2416, %get3A_2420 : vector<16xf32>
    %swap3A_2422 = arith.constant 928 : index
    %swap3A_2423 = tpu.vector_load %arg8[%swap3A_2422] {strides = array<i32>} : memref<1024xf32, #tpu.memory_space<vmem>>, vector<16xf32>,
    tpu.vector_store %arg8[%swap3A_2422], %add3A_2421 {strides = array<i32>} : memref<1024xf32, #tpu.memory_space<vmem>>, vector<16xf32>,
    %get3A_2424 = arith.constant 0 : i32
    %get3A_2425 = arith.index_cast %get3A_2424 : i32 to index
    %get3A_2426 = arith.constant 944 : index
    %get3A_2427 = tpu.vector_load %arg7[%get3A_2425, %get3A_2426] {strides = array<i32>} : memref<8x1024xf32, #tpu.memory_space<vmem>>, vector<16xf32>,
    %get3A_2428 = arith.constant 1 : i32
    %get3A_2429 = arith.index_cast %get3A_2428 : i32 to index
    %get3A_2430 = arith.constant 944 : index
    %get3A_2431 = tpu.vector_load %arg7[%get3A_2429, %get3A_2430] {strides = array<i32>} : memref<8x1024xf32, #tpu.memory_space<vmem>>, vector<16xf32>,
    %add3A_2432 = arith.addf %get3A_2427, %get3A_2431 : vector<16xf32>
    %get3A_2433 = arith.constant 2 : i32
    %get3A_2434 = arith.index_cast %get3A_2433 : i32 to index
    %get3A_2435 = arith.constant 944 : index
    %get3A_2436 = tpu.vector_load %arg7[%get3A_2434, %get3A_2435] {strides = array<i32>} : memref<8x1024xf32, #tpu.memory_space<vmem>>, vector<16xf32>,
    %add3A_2437 = arith.addf %add3A_2432, %get3A_2436 : vector<16xf32>
    %get3A_2438 = arith.constant 3 : i32
    %get3A_2439 = arith.index_cast %get3A_2438 : i32 to index
    %get3A_2440 = arith.constant 944 : index
    %get3A_2441 = tpu.vector_load %arg7[%get3A_2439, %get3A_2440] {strides = array<i32>} : memref<8x1024xf32, #tpu.memory_space<vmem>>, vector<16xf32>,
    %add3A_2442 = arith.addf %add3A_2437, %get3A_2441 : vector<16xf32>
    %get3A_2443 = arith.constant 4 : i32
    %get3A_2444 = arith.index_cast %get3A_2443 : i32 to index
    %get3A_2445 = arith.constant 944 : index
    %get3A_2446 = tpu.vector_load %arg7[%get3A_2444, %get3A_2445] {strides = array<i32>} : memref<8x1024xf32, #tpu.memory_space<vmem>>, vector<16xf32>,
    %add3A_2447 = arith.addf %add3A_2442, %get3A_2446 : vector<16xf32>
    %get3A_2448 = arith.constant 5 : i32
    %get3A_2449 = arith.index_cast %get3A_2448 : i32 to index
    %get3A_2450 = arith.constant 944 : index
    %get3A_2451 = tpu.vector_load %arg7[%get3A_2449, %get3A_2450] {strides = array<i32>} : memref<8x1024xf32, #tpu.memory_space<vmem>>, vector<16xf32>,
    %add3A_2452 = arith.addf %add3A_2447, %get3A_2451 : vector<16xf32>
    %get3A_2453 = arith.constant 6 : i32
    %get3A_2454 = arith.index_cast %get3A_2453 : i32 to index
    %get3A_2455 = arith.constant 944 : index
    %get3A_2456 = tpu.vector_load %arg7[%get3A_2454, %get3A_2455] {strides = array<i32>} : memref<8x1024xf32, #tpu.memory_space<vmem>>, vector<16xf32>,
    %add3A_2457 = arith.addf %add3A_2452, %get3A_2456 : vector<16xf32>
    %get3A_2458 = arith.constant 7 : i32
    %get3A_2459 = arith.index_cast %get3A_2458 : i32 to index
    %get3A_2460 = arith.constant 944 : index
    %get3A_2461 = tpu.vector_load %arg7[%get3A_2459, %get3A_2460] {strides = array<i32>} : memref<8x1024xf32, #tpu.memory_space<vmem>>, vector<16xf32>,
    %add3A_2462 = arith.addf %add3A_2457, %get3A_2461 : vector<16xf32>
    %swap3A_2463 = arith.constant 944 : index
    %swap3A_2464 = tpu.vector_load %arg8[%swap3A_2463] {strides = array<i32>} : memref<1024xf32, #tpu.memory_space<vmem>>, vector<16xf32>,
    tpu.vector_store %arg8[%swap3A_2463], %add3A_2462 {strides = array<i32>} : memref<1024xf32, #tpu.memory_space<vmem>>, vector<16xf32>,
    %get3A_2465 = arith.constant 0 : i32
    %get3A_2466 = arith.index_cast %get3A_2465 : i32 to index
    %get3A_2467 = arith.constant 960 : index
    %get3A_2468 = tpu.vector_load %arg7[%get3A_2466, %get3A_2467] {strides = array<i32>} : memref<8x1024xf32, #tpu.memory_space<vmem>>, vector<16xf32>,
    %get3A_2469 = arith.constant 1 : i32
    %get3A_2470 = arith.index_cast %get3A_2469 : i32 to index
    %get3A_2471 = arith.constant 960 : index
    %get3A_2472 = tpu.vector_load %arg7[%get3A_2470, %get3A_2471] {strides = array<i32>} : memref<8x1024xf32, #tpu.memory_space<vmem>>, vector<16xf32>,
    %add3A_2473 = arith.addf %get3A_2468, %get3A_2472 : vector<16xf32>
    %get3A_2474 = arith.constant 2 : i32
    %get3A_2475 = arith.index_cast %get3A_2474 : i32 to index
    %get3A_2476 = arith.constant 960 : index
    %get3A_2477 = tpu.vector_load %arg7[%get3A_2475, %get3A_2476] {strides = array<i32>} : memref<8x1024xf32, #tpu.memory_space<vmem>>, vector<16xf32>,
    %add3A_2478 = arith.addf %add3A_2473, %get3A_2477 : vector<16xf32>
    %get3A_2479 = arith.constant 3 : i32
    %get3A_2480 = arith.index_cast %get3A_2479 : i32 to index
    %get3A_2481 = arith.constant 960 : index
    %get3A_2482 = tpu.vector_load %arg7[%get3A_2480, %get3A_2481] {strides = array<i32>} : memref<8x1024xf32, #tpu.memory_space<vmem>>, vector<16xf32>,
    %add3A_2483 = arith.addf %add3A_2478, %get3A_2482 : vector<16xf32>
    %get3A_2484 = arith.constant 4 : i32
    %get3A_2485 = arith.index_cast %get3A_2484 : i32 to index
    %get3A_2486 = arith.constant 960 : index
    %get3A_2487 = tpu.vector_load %arg7[%get3A_2485, %get3A_2486] {strides = array<i32>} : memref<8x1024xf32, #tpu.memory_space<vmem>>, vector<16xf32>,
    %add3A_2488 = arith.addf %add3A_2483, %get3A_2487 : vector<16xf32>
    %get3A_2489 = arith.constant 5 : i32
    %get3A_2490 = arith.index_cast %get3A_2489 : i32 to index
    %get3A_2491 = arith.constant 960 : index
    %get3A_2492 = tpu.vector_load %arg7[%get3A_2490, %get3A_2491] {strides = array<i32>} : memref<8x1024xf32, #tpu.memory_space<vmem>>, vector<16xf32>,
    %add3A_2493 = arith.addf %add3A_2488, %get3A_2492 : vector<16xf32>
    %get3A_2494 = arith.constant 6 : i32
    %get3A_2495 = arith.index_cast %get3A_2494 : i32 to index
    %get3A_2496 = arith.constant 960 : index
    %get3A_2497 = tpu.vector_load %arg7[%get3A_2495, %get3A_2496] {strides = array<i32>} : memref<8x1024xf32, #tpu.memory_space<vmem>>, vector<16xf32>,
    %add3A_2498 = arith.addf %add3A_2493, %get3A_2497 : vector<16xf32>
    %get3A_2499 = arith.constant 7 : i32
    %get3A_2500 = arith.index_cast %get3A_2499 : i32 to index
    %get3A_2501 = arith.constant 960 : index
    %get3A_2502 = tpu.vector_load %arg7[%get3A_2500, %get3A_2501] {strides = array<i32>} : memref<8x1024xf32, #tpu.memory_space<vmem>>, vector<16xf32>,
    %add3A_2503 = arith.addf %add3A_2498, %get3A_2502 : vector<16xf32>
    %swap3A_2504 = arith.constant 960 : index
    %swap3A_2505 = tpu.vector_load %arg8[%swap3A_2504] {strides = array<i32>} : memref<1024xf32, #tpu.memory_space<vmem>>, vector<16xf32>,
    tpu.vector_store %arg8[%swap3A_2504], %add3A_2503 {strides = array<i32>} : memref<1024xf32, #tpu.memory_space<vmem>>, vector<16xf32>,
    %get3A_2506 = arith.constant 0 : i32
    %get3A_2507 = arith.index_cast %get3A_2506 : i32 to index
    %get3A_2508 = arith.constant 976 : index
    %get3A_2509 = tpu.vector_load %arg7[%get3A_2507, %get3A_2508] {strides = array<i32>} : memref<8x1024xf32, #tpu.memory_space<vmem>>, vector<16xf32>,
    %get3A_2510 = arith.constant 1 : i32
    %get3A_2511 = arith.index_cast %get3A_2510 : i32 to index
    %get3A_2512 = arith.constant 976 : index
    %get3A_2513 = tpu.vector_load %arg7[%get3A_2511, %get3A_2512] {strides = array<i32>} : memref<8x1024xf32, #tpu.memory_space<vmem>>, vector<16xf32>,
    %add3A_2514 = arith.addf %get3A_2509, %get3A_2513 : vector<16xf32>
    %get3A_2515 = arith.constant 2 : i32
    %get3A_2516 = arith.index_cast %get3A_2515 : i32 to index
    %get3A_2517 = arith.constant 976 : index
    %get3A_2518 = tpu.vector_load %arg7[%get3A_2516, %get3A_2517] {strides = array<i32>} : memref<8x1024xf32, #tpu.memory_space<vmem>>, vector<16xf32>,
    %add3A_2519 = arith.addf %add3A_2514, %get3A_2518 : vector<16xf32>
    %get3A_2520 = arith.constant 3 : i32
    %get3A_2521 = arith.index_cast %get3A_2520 : i32 to index
    %get3A_2522 = arith.constant 976 : index
    %get3A_2523 = tpu.vector_load %arg7[%get3A_2521, %get3A_2522] {strides = array<i32>} : memref<8x1024xf32, #tpu.memory_space<vmem>>, vector<16xf32>,
    %add3A_2524 = arith.addf %add3A_2519, %get3A_2523 : vector<16xf32>
    %get3A_2525 = arith.constant 4 : i32
    %get3A_2526 = arith.index_cast %get3A_2525 : i32 to index
    %get3A_2527 = arith.constant 976 : index
    %get3A_2528 = tpu.vector_load %arg7[%get3A_2526, %get3A_2527] {strides = array<i32>} : memref<8x1024xf32, #tpu.memory_space<vmem>>, vector<16xf32>,
    %add3A_2529 = arith.addf %add3A_2524, %get3A_2528 : vector<16xf32>
    %get3A_2530 = arith.constant 5 : i32
    %get3A_2531 = arith.index_cast %get3A_2530 : i32 to index
    %get3A_2532 = arith.constant 976 : index
    %get3A_2533 = tpu.vector_load %arg7[%get3A_2531, %get3A_2532] {strides = array<i32>} : memref<8x1024xf32, #tpu.memory_space<vmem>>, vector<16xf32>,
    %add3A_2534 = arith.addf %add3A_2529, %get3A_2533 : vector<16xf32>
    %get3A_2535 = arith.constant 6 : i32
    %get3A_2536 = arith.index_cast %get3A_2535 : i32 to index
    %get3A_2537 = arith.constant 976 : index
    %get3A_2538 = tpu.vector_load %arg7[%get3A_2536, %get3A_2537] {strides = array<i32>} : memref<8x1024xf32, #tpu.memory_space<vmem>>, vector<16xf32>,
    %add3A_2539 = arith.addf %add3A_2534, %get3A_2538 : vector<16xf32>
    %get3A_2540 = arith.constant 7 : i32
    %get3A_2541 = arith.index_cast %get3A_2540 : i32 to index
    %get3A_2542 = arith.constant 976 : index
    %get3A_2543 = tpu.vector_load %arg7[%get3A_2541, %get3A_2542] {strides = array<i32>} : memref<8x1024xf32, #tpu.memory_space<vmem>>, vector<16xf32>,
    %add3A_2544 = arith.addf %add3A_2539, %get3A_2543 : vector<16xf32>
    %swap3A_2545 = arith.constant 976 : index
    %swap3A_2546 = tpu.vector_load %arg8[%swap3A_2545] {strides = array<i32>} : memref<1024xf32, #tpu.memory_space<vmem>>, vector<16xf32>,
    tpu.vector_store %arg8[%swap3A_2545], %add3A_2544 {strides = array<i32>} : memref<1024xf32, #tpu.memory_space<vmem>>, vector<16xf32>,
    %get3A_2547 = arith.constant 0 : i32
    %get3A_2548 = arith.index_cast %get3A_2547 : i32 to index
    %get3A_2549 = arith.constant 992 : index
    %get3A_2550 = tpu.vector_load %arg7[%get3A_2548, %get3A_2549] {strides = array<i32>} : memref<8x1024xf32, #tpu.memory_space<vmem>>, vector<16xf32>,
    %get3A_2551 = arith.constant 1 : i32
    %get3A_2552 = arith.index_cast %get3A_2551 : i32 to index
    %get3A_2553 = arith.constant 992 : index
    %get3A_2554 = tpu.vector_load %arg7[%get3A_2552, %get3A_2553] {strides = array<i32>} : memref<8x1024xf32, #tpu.memory_space<vmem>>, vector<16xf32>,
    %add3A_2555 = arith.addf %get3A_2550, %get3A_2554 : vector<16xf32>
    %get3A_2556 = arith.constant 2 : i32
    %get3A_2557 = arith.index_cast %get3A_2556 : i32 to index
    %get3A_2558 = arith.constant 992 : index
    %get3A_2559 = tpu.vector_load %arg7[%get3A_2557, %get3A_2558] {strides = array<i32>} : memref<8x1024xf32, #tpu.memory_space<vmem>>, vector<16xf32>,
    %add3A_2560 = arith.addf %add3A_2555, %get3A_2559 : vector<16xf32>
    %get3A_2561 = arith.constant 3 : i32
    %get3A_2562 = arith.index_cast %get3A_2561 : i32 to index
    %get3A_2563 = arith.constant 992 : index
    %get3A_2564 = tpu.vector_load %arg7[%get3A_2562, %get3A_2563] {strides = array<i32>} : memref<8x1024xf32, #tpu.memory_space<vmem>>, vector<16xf32>,
    %add3A_2565 = arith.addf %add3A_2560, %get3A_2564 : vector<16xf32>
    %get3A_2566 = arith.constant 4 : i32
    %get3A_2567 = arith.index_cast %get3A_2566 : i32 to index
    %get3A_2568 = arith.constant 992 : index
    %get3A_2569 = tpu.vector_load %arg7[%get3A_2567, %get3A_2568] {strides = array<i32>} : memref<8x1024xf32, #tpu.memory_space<vmem>>, vector<16xf32>,
    %add3A_2570 = arith.addf %add3A_2565, %get3A_2569 : vector<16xf32>
    %get3A_2571 = arith.constant 5 : i32
    %get3A_2572 = arith.index_cast %get3A_2571 : i32 to index
    %get3A_2573 = arith.constant 992 : index
    %get3A_2574 = tpu.vector_load %arg7[%get3A_2572, %get3A_2573] {strides = array<i32>} : memref<8x1024xf32, #tpu.memory_space<vmem>>, vector<16xf32>,
    %add3A_2575 = arith.addf %add3A_2570, %get3A_2574 : vector<16xf32>
    %get3A_2576 = arith.constant 6 : i32
    %get3A_2577 = arith.index_cast %get3A_2576 : i32 to index
    %get3A_2578 = arith.constant 992 : index
    %get3A_2579 = tpu.vector_load %arg7[%get3A_2577, %get3A_2578] {strides = array<i32>} : memref<8x1024xf32, #tpu.memory_space<vmem>>, vector<16xf32>,
    %add3A_2580 = arith.addf %add3A_2575, %get3A_2579 : vector<16xf32>
    %get3A_2581 = arith.constant 7 : i32
    %get3A_2582 = arith.index_cast %get3A_2581 : i32 to index
    %get3A_2583 = arith.constant 992 : index
    %get3A_2584 = tpu.vector_load %arg7[%get3A_2582, %get3A_2583] {strides = array<i32>} : memref<8x1024xf32, #tpu.memory_space<vmem>>, vector<16xf32>,
    %add3A_2585 = arith.addf %add3A_2580, %get3A_2584 : vector<16xf32>
    %swap3A_2586 = arith.constant 992 : index
    %swap3A_2587 = tpu.vector_load %arg8[%swap3A_2586] {strides = array<i32>} : memref<1024xf32, #tpu.memory_space<vmem>>, vector<16xf32>,
    tpu.vector_store %arg8[%swap3A_2586], %add3A_2585 {strides = array<i32>} : memref<1024xf32, #tpu.memory_space<vmem>>, vector<16xf32>,
    %get3A_2588 = arith.constant 0 : i32
    %get3A_2589 = arith.index_cast %get3A_2588 : i32 to index
    %get3A_2590 = arith.constant 1008 : index
    %get3A_2591 = tpu.vector_load %arg7[%get3A_2589, %get3A_2590] {strides = array<i32>} : memref<8x1024xf32, #tpu.memory_space<vmem>>, vector<16xf32>,
    %get3A_2592 = arith.constant 1 : i32
    %get3A_2593 = arith.index_cast %get3A_2592 : i32 to index
    %get3A_2594 = arith.constant 1008 : index
    %get3A_2595 = tpu.vector_load %arg7[%get3A_2593, %get3A_2594] {strides = array<i32>} : memref<8x1024xf32, #tpu.memory_space<vmem>>, vector<16xf32>,
    %add3A_2596 = arith.addf %get3A_2591, %get3A_2595 : vector<16xf32>
    %get3A_2597 = arith.constant 2 : i32
    %get3A_2598 = arith.index_cast %get3A_2597 : i32 to index
    %get3A_2599 = arith.constant 1008 : index
    %get3A_2600 = tpu.vector_load %arg7[%get3A_2598, %get3A_2599] {strides = array<i32>} : memref<8x1024xf32, #tpu.memory_space<vmem>>, vector<16xf32>,
    %add3A_2601 = arith.addf %add3A_2596, %get3A_2600 : vector<16xf32>
    %get3A_2602 = arith.constant 3 : i32
    %get3A_2603 = arith.index_cast %get3A_2602 : i32 to index
    %get3A_2604 = arith.constant 1008 : index
    %get3A_2605 = tpu.vector_load %arg7[%get3A_2603, %get3A_2604] {strides = array<i32>} : memref<8x1024xf32, #tpu.memory_space<vmem>>, vector<16xf32>,
    %add3A_2606 = arith.addf %add3A_2601, %get3A_2605 : vector<16xf32>
    %get3A_2607 = arith.constant 4 : i32
    %get3A_2608 = arith.index_cast %get3A_2607 : i32 to index
    %get3A_2609 = arith.constant 1008 : index
    %get3A_2610 = tpu.vector_load %arg7[%get3A_2608, %get3A_2609] {strides = array<i32>} : memref<8x1024xf32, #tpu.memory_space<vmem>>, vector<16xf32>,
    %add3A_2611 = arith.addf %add3A_2606, %get3A_2610 : vector<16xf32>
    %get3A_2612 = arith.constant 5 : i32
    %get3A_2613 = arith.index_cast %get3A_2612 : i32 to index
    %get3A_2614 = arith.constant 1008 : index
    %get3A_2615 = tpu.vector_load %arg7[%get3A_2613, %get3A_2614] {strides = array<i32>} : memref<8x1024xf32, #tpu.memory_space<vmem>>, vector<16xf32>,
    %add3A_2616 = arith.addf %add3A_2611, %get3A_2615 : vector<16xf32>
    %get3A_2617 = arith.constant 6 : i32
    %get3A_2618 = arith.index_cast %get3A_2617 : i32 to index
    %get3A_2619 = arith.constant 1008 : index
    %get3A_2620 = tpu.vector_load %arg7[%get3A_2618, %get3A_2619] {strides = array<i32>} : memref<8x1024xf32, #tpu.memory_space<vmem>>, vector<16xf32>,
    %add3A_2621 = arith.addf %add3A_2616, %get3A_2620 : vector<16xf32>
    %get3A_2622 = arith.constant 7 : i32
    %get3A_2623 = arith.index_cast %get3A_2622 : i32 to index
    %get3A_2624 = arith.constant 1008 : index
    %get3A_2625 = tpu.vector_load %arg7[%get3A_2623, %get3A_2624] {strides = array<i32>} : memref<8x1024xf32, #tpu.memory_space<vmem>>, vector<16xf32>,
    %add3A_2626 = arith.addf %add3A_2621, %get3A_2625 : vector<16xf32>
    %swap3A_2627 = arith.constant 1008 : index
    %swap3A_2628 = tpu.vector_load %arg8[%swap3A_2627] {strides = array<i32>} : memref<1024xf32, #tpu.memory_space<vmem>>, vector<16xf32>,
    tpu.vector_store %arg8[%swap3A_2627], %add3A_2626 {strides = array<i32>} : memref<1024xf32, #tpu.memory_space<vmem>>, vector<16xf32>,
    "tpu.region"() ({
      %run_scoped3A = tpu.sem_alloc : memref<!tpu.dma_semaphore, #tpu.memory_space<semaphore_mem>>
      %dma_start3A_2631 = arith.constant 0 : i32
      %dma_start3A_2632 = tpu.memref_slice %arg4[%add3A, %dma_start3A_2631] : memref<32x1024xf32, #tpu.memory_space<hbm>> -> memref<1x1024xf32, #tpu.memory_space<hbm>>
      %dma_start3A_2633 = tpu.memref_squeeze %dma_start3A_2632 : memref<1x1024xf32, #tpu.memory_space<hbm>> -> memref<1024xf32, #tpu.memory_space<hbm>>
      %dma_start3A_2634 = arith.constant 0 : i32
      %dma_start3A_2635 = tpu.memref_slice %arg4[%add3A, %dma_start3A_2634] : memref<32x1024xf32, #tpu.memory_space<hbm>> -> memref<1x1024xf32, #tpu.memory_space<hbm>>
      %dma_start3A_2636 = tpu.memref_squeeze %dma_start3A_2635 : memref<1x1024xf32, #tpu.memory_space<hbm>> -> memref<1024xf32, #tpu.memory_space<hbm>>
      tpu.enqueue_dma source(%arg8 : memref<1024xf32, #tpu.memory_space<vmem>>) target(%dma_start3A_2636 : memref<1024xf32, #tpu.memory_space<hbm>>) target_semaphore(%run_scoped3A : memref<!tpu.dma_semaphore, #tpu.memory_space<semaphore_mem>>)
      %dma_wait3A_2637 = arith.constant 0 : i32
      %dma_wait3A_2638 = tpu.memref_slice %arg4[%add3A, %dma_wait3A_2637] : memref<32x1024xf32, #tpu.memory_space<hbm>> -> memref<1x1024xf32, #tpu.memory_space<hbm>>
      %dma_wait3A_2639 = tpu.memref_squeeze %dma_wait3A_2638 : memref<1x1024xf32, #tpu.memory_space<hbm>> -> memref<1024xf32, #tpu.memory_space<hbm>>
      %dma_wait3A_2640 = arith.constant 0 : i32
      %dma_wait3A_2641 = tpu.memref_slice %arg4[%add3A, %dma_wait3A_2640] : memref<32x1024xf32, #tpu.memory_space<hbm>> -> memref<1x1024xf32, #tpu.memory_space<hbm>>
      %dma_wait3A_2642 = tpu.memref_squeeze %dma_wait3A_2641 : memref<1x1024xf32, #tpu.memory_space<hbm>> -> memref<1024xf32, #tpu.memory_space<hbm>>
      tpu.wait_dma2 semaphore(%run_scoped3A : memref<!tpu.dma_semaphore, #tpu.memory_space<semaphore_mem>>) src(%arg8 : memref<1024xf32, #tpu.memory_space<vmem>>) dst(%dma_wait3A_2642 : memref<1024xf32, #tpu.memory_space<hbm>>)
      tpu.yield
    }) : () -> ()
    %eq3A = arith.constant 0 : i32
    %eq3A_2629 = arith.cmpi eq, %add3A, %eq3A : i32
    %convert_element_type3A = arith.extui %eq3A_2629 : i1 to i32
    %cond3A = arith.constant 0 : i32
    %cond3A_2630 = arith.cmpi ne, %convert_element_type3A, %cond3A : i32
    scf.if %cond3A_2630 {
      %run_scoped3A = arith.constant 7 : i32
      "tpu.region"() ({
        %run_scoped3A_2631 = tpu.sem_alloc : memref<!tpu.dma_semaphore, #tpu.memory_space<semaphore_mem>>
        %dma_start3A_2632 = arith.constant 0 : i32
        %dma_start3A_2633 = tpu.memref_slice %arg7[%run_scoped3A, %dma_start3A_2632] : memref<8x1024xf32, #tpu.memory_space<vmem>> -> memref<1x1024xf32, #tpu.memory_space<vmem>>
        %dma_start3A_2634 = tpu.memref_squeeze %dma_start3A_2633 : memref<1x1024xf32, #tpu.memory_space<vmem>> -> memref<1024xf32, #tpu.memory_space<vmem>>
        %dma_start3A_2635 = arith.constant 0 : i32
        %dma_start3A_2636 = tpu.memref_slice %arg7[%run_scoped3A, %dma_start3A_2635] : memref<8x1024xf32, #tpu.memory_space<vmem>> -> memref<1x1024xf32, #tpu.memory_space<vmem>>
        %dma_start3A_2637 = tpu.memref_squeeze %dma_start3A_2636 : memref<1x1024xf32, #tpu.memory_space<vmem>> -> memref<1024xf32, #tpu.memory_space<vmem>>
        tpu.enqueue_dma source(%dma_start3A_2637 : memref<1024xf32, #tpu.memory_space<vmem>>) target(%arg5 : memref<1024xf32, #tpu.memory_space<hbm>>) target_semaphore(%run_scoped3A_2631 : memref<!tpu.dma_semaphore, #tpu.memory_space<semaphore_mem>>)
        %dma_wait3A_2638 = arith.constant 0 : i32
        %dma_wait3A_2639 = tpu.memref_slice %arg7[%run_scoped3A, %dma_wait3A_2638] : memref<8x1024xf32, #tpu.memory_space<vmem>> -> memref<1x1024xf32, #tpu.memory_space<vmem>>
        %dma_wait3A_2640 = tpu.memref_squeeze %dma_wait3A_2639 : memref<1x1024xf32, #tpu.memory_space<vmem>> -> memref<1024xf32, #tpu.memory_space<vmem>>
        %dma_wait3A_2641 = arith.constant 0 : i32
        %dma_wait3A_2642 = tpu.memref_slice %arg7[%run_scoped3A, %dma_wait3A_2641] : memref<8x1024xf32, #tpu.memory_space<vmem>> -> memref<1x1024xf32, #tpu.memory_space<vmem>>
        %dma_wait3A_2643 = tpu.memref_squeeze %dma_wait3A_2642 : memref<1x1024xf32, #tpu.memory_space<vmem>> -> memref<1024xf32, #tpu.memory_space<vmem>>
        tpu.wait_dma2 semaphore(%run_scoped3A_2631 : memref<!tpu.dma_semaphore, #tpu.memory_space<semaphore_mem>>) src(%dma_wait3A_2643 : memref<1024xf32, #tpu.memory_space<vmem>>) dst(%arg5 : memref<1024xf32, #tpu.memory_space<hbm>>)
        tpu.yield
      }) : () -> ()
    } else {
    }
    return
  }
}

#map = affine_map<(d0, d1) -> (0)>
#map1 = affine_map<(d0, d1) -> (0, 0)>
module attributes {stable_mosaic.version = 14 : i64} {
  func.func @_topk_body(%arg0: i32, %arg1: i32, %arg2: memref<100352xf32, #tpu.memory_space<hbm>>, %arg3: memref<32x64xf32, #tpu.memory_space<hbm>>, %arg4: memref<32x64xi32, #tpu.memory_space<hbm>>, %arg5: memref<3136xf32, #tpu.memory_space<vmem>>, %arg6: memref<64xf32, #tpu.memory_space<vmem>>, %arg7: memref<64xi32, #tpu.memory_space<vmem>>) attributes {dimension_semantics = [#tpu.dimension_semantics<core_parallel>, #tpu.dimension_semantics<subcore_parallel>], iteration_bounds = array<i64: 2, 16>, scalar_prefetch = 0 : i64, scratch_operands = 3 : i64, tpu.core_type = #tpu.core_type<sc_vector_subcore>, window_params = [{transform_indices = #map}, {transform_indices = #map1}, {transform_indices = #map1}]} {
    %mul3A = arith.constant 2 : i32
    %mul3A_0 = arith.muli %arg1, %mul3A : i32
    %add3A = arith.addi %mul3A_0, %arg0 : i32
    %mul3A_1 = arith.constant 3136 : i32
    %mul3A_2 = arith.muli %add3A, %mul3A_1 : i32
    "tpu.region"() ({
      %run_scoped3A = tpu.sem_alloc : memref<!tpu.dma_semaphore, #tpu.memory_space<semaphore_mem>>
      %dma_start3A = tpu.memref_slice %arg2[%mul3A_2] : memref<100352xf32, #tpu.memory_space<hbm>> -> memref<3136xf32, #tpu.memory_space<hbm>>
      %dma_start3A_38 = tpu.memref_slice %arg2[%mul3A_2] : memref<100352xf32, #tpu.memory_space<hbm>> -> memref<3136xf32, #tpu.memory_space<hbm>>
      tpu.enqueue_dma source(%dma_start3A_38 : memref<3136xf32, #tpu.memory_space<hbm>>) target(%arg5 : memref<3136xf32, #tpu.memory_space<vmem>>) target_semaphore(%run_scoped3A : memref<!tpu.dma_semaphore, #tpu.memory_space<semaphore_mem>>)
      %dma_wait3A = tpu.memref_slice %arg2[%mul3A_2] : memref<100352xf32, #tpu.memory_space<hbm>> -> memref<3136xf32, #tpu.memory_space<hbm>>
      %dma_wait3A_39 = tpu.memref_slice %arg2[%mul3A_2] : memref<100352xf32, #tpu.memory_space<hbm>> -> memref<3136xf32, #tpu.memory_space<hbm>>
      tpu.wait_dma2 semaphore(%run_scoped3A : memref<!tpu.dma_semaphore, #tpu.memory_space<semaphore_mem>>) src(%dma_wait3A_39 : memref<3136xf32, #tpu.memory_space<hbm>>) dst(%arg5 : memref<3136xf32, #tpu.memory_space<vmem>>)
      tpu.yield
    }) : () -> ()
    %iota3A = tpu.iota {dimensions = array<i32: 0>} : vector<16xi32>
    %broadcast_in_dim3A = arith.constant -3.000000e+38 : f32
    %broadcast_in_dim3A_3 = vector.broadcast %broadcast_in_dim3A : f32 to vector<16xf32>
    %swap3A = arith.constant 0 : index
    %swap3A_4 = tpu.vector_load %arg6[%swap3A] {strides = array<i32>} : memref<64xf32, #tpu.memory_space<vmem>>, vector<16xf32>,
    tpu.vector_store %arg6[%swap3A], %broadcast_in_dim3A_3 {strides = array<i32>} : memref<64xf32, #tpu.memory_space<vmem>>, vector<16xf32>,
    %broadcast_in_dim3A_5 = arith.constant 0 : i32
    %broadcast_in_dim3A_6 = vector.broadcast %broadcast_in_dim3A_5 : i32 to vector<16xi32>
    %swap3A_7 = arith.constant 0 : index
    %swap3A_8 = tpu.vector_load %arg7[%swap3A_7] {strides = array<i32>} : memref<64xi32, #tpu.memory_space<vmem>>, vector<16xi32>,
    tpu.vector_store %arg7[%swap3A_7], %broadcast_in_dim3A_6 {strides = array<i32>} : memref<64xi32, #tpu.memory_space<vmem>>, vector<16xi32>,
    %broadcast_in_dim3A_9 = arith.constant -3.000000e+38 : f32
    %broadcast_in_dim3A_10 = vector.broadcast %broadcast_in_dim3A_9 : f32 to vector<16xf32>
    %swap3A_11 = arith.constant 16 : index
    %swap3A_12 = tpu.vector_load %arg6[%swap3A_11] {strides = array<i32>} : memref<64xf32, #tpu.memory_space<vmem>>, vector<16xf32>,
    tpu.vector_store %arg6[%swap3A_11], %broadcast_in_dim3A_10 {strides = array<i32>} : memref<64xf32, #tpu.memory_space<vmem>>, vector<16xf32>,
    %broadcast_in_dim3A_13 = arith.constant 0 : i32
    %broadcast_in_dim3A_14 = vector.broadcast %broadcast_in_dim3A_13 : i32 to vector<16xi32>
    %swap3A_15 = arith.constant 16 : index
    %swap3A_16 = tpu.vector_load %arg7[%swap3A_15] {strides = array<i32>} : memref<64xi32, #tpu.memory_space<vmem>>, vector<16xi32>,
    tpu.vector_store %arg7[%swap3A_15], %broadcast_in_dim3A_14 {strides = array<i32>} : memref<64xi32, #tpu.memory_space<vmem>>, vector<16xi32>,
    %broadcast_in_dim3A_17 = arith.constant -3.000000e+38 : f32
    %broadcast_in_dim3A_18 = vector.broadcast %broadcast_in_dim3A_17 : f32 to vector<16xf32>
    %swap3A_19 = arith.constant 32 : index
    %swap3A_20 = tpu.vector_load %arg6[%swap3A_19] {strides = array<i32>} : memref<64xf32, #tpu.memory_space<vmem>>, vector<16xf32>,
    tpu.vector_store %arg6[%swap3A_19], %broadcast_in_dim3A_18 {strides = array<i32>} : memref<64xf32, #tpu.memory_space<vmem>>, vector<16xf32>,
    %broadcast_in_dim3A_21 = arith.constant 0 : i32
    %broadcast_in_dim3A_22 = vector.broadcast %broadcast_in_dim3A_21 : i32 to vector<16xi32>
    %swap3A_23 = arith.constant 32 : index
    %swap3A_24 = tpu.vector_load %arg7[%swap3A_23] {strides = array<i32>} : memref<64xi32, #tpu.memory_space<vmem>>, vector<16xi32>,
    tpu.vector_store %arg7[%swap3A_23], %broadcast_in_dim3A_22 {strides = array<i32>} : memref<64xi32, #tpu.memory_space<vmem>>, vector<16xi32>,
    %broadcast_in_dim3A_25 = arith.constant -3.000000e+38 : f32
    %broadcast_in_dim3A_26 = vector.broadcast %broadcast_in_dim3A_25 : f32 to vector<16xf32>
    %swap3A_27 = arith.constant 48 : index
    %swap3A_28 = tpu.vector_load %arg6[%swap3A_27] {strides = array<i32>} : memref<64xf32, #tpu.memory_space<vmem>>, vector<16xf32>,
    tpu.vector_store %arg6[%swap3A_27], %broadcast_in_dim3A_26 {strides = array<i32>} : memref<64xf32, #tpu.memory_space<vmem>>, vector<16xf32>,
    %broadcast_in_dim3A_29 = arith.constant 0 : i32
    %broadcast_in_dim3A_30 = vector.broadcast %broadcast_in_dim3A_29 : i32 to vector<16xi32>
    %swap3A_31 = arith.constant 48 : index
    %swap3A_32 = tpu.vector_load %arg7[%swap3A_31] {strides = array<i32>} : memref<64xi32, #tpu.memory_space<vmem>>, vector<16xi32>,
    tpu.vector_store %arg7[%swap3A_31], %broadcast_in_dim3A_30 {strides = array<i32>} : memref<64xi32, #tpu.memory_space<vmem>>, vector<16xi32>,
    %scan3A = arith.constant 0 : i32
    %scan3A_33 = arith.constant 0 : i32
    %scan3A_34 = arith.constant 50 : i32
    %scan3A_35 = arith.addi %scan3A_33, %scan3A_34 : i32
    %scan3A_36 = arith.constant 1 : i32
    scf.for %scan3A_38 = %scan3A_33 to %scan3A_35 step %scan3A_36  : i32 {
      %broadcast_in_dim3A_39 = arith.constant -3.000000e+38 : f32
      %broadcast_in_dim3A_40 = vector.broadcast %broadcast_in_dim3A_39 : f32 to vector<16xf32>
      %broadcast_in_dim3A_41 = arith.constant 0 : i32
      %broadcast_in_dim3A_42 = vector.broadcast %broadcast_in_dim3A_41 : i32 to vector<16xi32>
      %scan3A_43 = arith.constant 0 : i32
      %scan3A_44 = arith.constant 196 : i32
      %scan3A_45 = arith.addi %scan3A_43, %scan3A_44 : i32
      %scan3A_46 = arith.constant 1 : i32
      %scan3A_47:2 = scf.for %scan3A_166 = %scan3A_43 to %scan3A_45 step %scan3A_46 iter_args(%scan3A_167 = %broadcast_in_dim3A_40, %scan3A_168 = %broadcast_in_dim3A_42) -> (vector<16xf32>, vector<16xi32>)  : i32 {
        %mul3A_169 = arith.constant 16 : i32
        %mul3A_170 = arith.muli %scan3A_166, %mul3A_169 : i32
        %multiple_of3A_171 = tpu.assume_multiple %mul3A_170, 16 : i32
        %get3A_172 = arith.index_cast %multiple_of3A_171 : i32 to index
        %get3A_173 = tpu.vector_load %arg5[%get3A_172] {strides = array<i32>} : memref<3136xf32, #tpu.memory_space<vmem>>, vector<16xf32>,
        %gt3A = arith.cmpf ogt, %get3A_173, %scan3A_167 : vector<16xf32>
        %select_n3A_174 = arith.select %gt3A, %get3A_173, %scan3A_167 : vector<16xi1>, vector<16xf32>
        %broadcast_in_dim3A_175 = vector.broadcast %scan3A_166 : i32 to vector<16xi32>
        %select_n3A_176 = arith.select %gt3A, %broadcast_in_dim3A_175, %scan3A_168 : vector<16xi1>, vector<16xi32>
        scf.yield %select_n3A_174, %select_n3A_176 : vector<16xf32>, vector<16xi32>
      }
      %scan3A_48 = arith.constant 196 : i32
      %reduce_max3A = arith.constant true
      %reduce_max3A_49 = vector.broadcast %reduce_max3A : i1 to vector<16xi1>
      %reduce_max3A_50 = tpu.scan <max>, %scan3A_47#0 masked %reduce_max3A_49 : vector<16xf32>, vector<16xi1> -> vector<16xf32>
      %reduce_max3A_51 = vector.extract %reduce_max3A_50[15] : f32 from vector<16xf32>
      %eq3A = vector.broadcast %reduce_max3A_51 : f32 to vector<16xf32>
      %eq3A_52 = arith.cmpf oeq, %scan3A_47#0, %eq3A : vector<16xf32>
      %mul3A_53 = arith.constant 16 : i32
      %mul3A_54 = vector.broadcast %mul3A_53 : i32 to vector<16xi32>
      %mul3A_55 = arith.muli %scan3A_47#1, %mul3A_54 : vector<16xi32>
      %add3A_56 = arith.addi %mul3A_55, %iota3A : vector<16xi32>
      %jit3A = arith.constant 1073741824 : i32
      %broadcast_in_dim3A_57 = vector.broadcast %jit3A : i32 to vector<16xi32>
      %select_n3A = arith.select %eq3A_52, %add3A_56, %broadcast_in_dim3A_57 : vector<16xi1>, vector<16xi32>
      %reduce_min3A = arith.constant true
      %reduce_min3A_58 = vector.broadcast %reduce_min3A : i1 to vector<16xi1>
      %reduce_min3A_59 = arith.constant -2147483648 : i32
      %reduce_min3A_60 = vector.broadcast %reduce_min3A_59 : i32 to vector<16xi32>
      %reduce_min3A_61 = arith.xori %select_n3A, %reduce_min3A_60 : vector<16xi32>
      %reduce_min3A_62 = tpu.scan <min>, %reduce_min3A_61 masked %reduce_min3A_58 : vector<16xi32>, vector<16xi1> -> vector<16xi32>
      %reduce_min3A_63 = arith.xori %reduce_min3A_62, %reduce_min3A_60 : vector<16xi32>
      %reduce_min3A_64 = vector.extract %reduce_min3A_63[15] : i32 from vector<16xi32>
      %jit3A_65 = arith.constant 16 : i32
      %div3A = arith.divsi %scan3A_38, %jit3A_65 : i32
      %sign3A = arith.constant 0 : i32
      %sign3A_66 = arith.cmpi sgt, %scan3A_38, %sign3A : i32
      %sign3A_67 = arith.extui %sign3A_66 : i1 to i32
      %sign3A_68 = arith.constant 0 : i32
      %sign3A_69 = arith.cmpi slt, %scan3A_38, %sign3A_68 : i32
      %sign3A_70 = arith.extui %sign3A_69 : i1 to i32
      %sign3A_71 = arith.subi %sign3A_67, %sign3A_70 : i32
      %sign3A_72 = arith.constant 0 : i32
      %sign3A_73 = arith.cmpi sgt, %jit3A_65, %sign3A_72 : i32
      %sign3A_74 = arith.extui %sign3A_73 : i1 to i32
      %sign3A_75 = arith.constant 0 : i32
      %sign3A_76 = arith.cmpi slt, %jit3A_65, %sign3A_75 : i32
      %sign3A_77 = arith.extui %sign3A_76 : i1 to i32
      %sign3A_78 = arith.subi %sign3A_74, %sign3A_77 : i32
      %ne3A = arith.cmpi ne, %sign3A_71, %sign3A_78 : i32
      %rem3A = arith.remsi %scan3A_38, %jit3A_65 : i32
      %ne3A_79 = arith.constant 0 : i32
      %ne3A_80 = arith.cmpi ne, %rem3A, %ne3A_79 : i32
      %and3A = arith.andi %ne3A, %ne3A_80 : i1
      %sub3A = arith.constant 1 : i32
      %sub3A_81 = arith.subi %div3A, %sub3A : i32
      %select_n3A_82 = arith.select %and3A, %sub3A_81, %div3A : i32
      %mul3A_83 = arith.constant 16 : i32
      %mul3A_84 = arith.muli %select_n3A_82, %mul3A_83 : i32
      %multiple_of3A = tpu.assume_multiple %mul3A_84, 16 : i32
      %jit3A_85 = arith.constant 16 : i32
      %eq3A_86 = arith.constant 0 : i32
      %eq3A_87 = arith.cmpi eq, %jit3A_85, %eq3A_86 : i32
      %jit3A_88 = arith.constant 1 : i32
      %select_n3A_89 = arith.select %eq3A_87, %jit3A_88, %jit3A_85 : i32
      %rem3A_90 = arith.remsi %scan3A_38, %select_n3A_89 : i32
      %ne3A_91 = arith.constant 0 : i32
      %ne3A_92 = arith.cmpi ne, %rem3A_90, %ne3A_91 : i32
      %lt3A = arith.constant 0 : i32
      %lt3A_93 = arith.cmpi slt, %rem3A_90, %lt3A : i32
      %lt3A_94 = arith.constant 0 : i32
      %lt3A_95 = arith.cmpi slt, %select_n3A_89, %lt3A_94 : i32
      %ne3A_96 = arith.xori %lt3A_93, %lt3A_95 : i1
      %and3A_97 = arith.andi %ne3A_96, %ne3A_92 : i1
      %add3A_98 = arith.addi %rem3A_90, %select_n3A_89 : i32
      %select_n3A_99 = arith.select %and3A_97, %add3A_98, %rem3A_90 : i32
      %eq3A_100 = vector.broadcast %select_n3A_99 : i32 to vector<16xi32>
      %eq3A_101 = arith.cmpi eq, %iota3A, %eq3A_100 : vector<16xi32>
      %get3A = arith.index_cast %multiple_of3A : i32 to index
      %get3A_102 = tpu.vector_load %arg6[%get3A] {strides = array<i32>} : memref<64xf32, #tpu.memory_space<vmem>>, vector<16xf32>,
      %broadcast_in_dim3A_103 = vector.broadcast %reduce_max3A_51 : f32 to vector<16xf32>
      %select_n3A_104 = arith.select %eq3A_101, %broadcast_in_dim3A_103, %get3A_102 : vector<16xi1>, vector<16xf32>
      %swap3A_105 = arith.index_cast %multiple_of3A : i32 to index
      %swap3A_106 = tpu.vector_load %arg6[%swap3A_105] {strides = array<i32>} : memref<64xf32, #tpu.memory_space<vmem>>, vector<16xf32>,
      tpu.vector_store %arg6[%swap3A_105], %select_n3A_104 {strides = array<i32>} : memref<64xf32, #tpu.memory_space<vmem>>, vector<16xf32>,
      %add3A_107 = arith.addi %mul3A_2, %reduce_min3A_64 : i32
      %get3A_108 = arith.index_cast %multiple_of3A : i32 to index
      %get3A_109 = tpu.vector_load %arg7[%get3A_108] {strides = array<i32>} : memref<64xi32, #tpu.memory_space<vmem>>, vector<16xi32>,
      %broadcast_in_dim3A_110 = vector.broadcast %add3A_107 : i32 to vector<16xi32>
      %select_n3A_111 = arith.select %eq3A_101, %broadcast_in_dim3A_110, %get3A_109 : vector<16xi1>, vector<16xi32>
      %swap3A_112 = arith.index_cast %multiple_of3A : i32 to index
      %swap3A_113 = tpu.vector_load %arg7[%swap3A_112] {strides = array<i32>} : memref<64xi32, #tpu.memory_space<vmem>>, vector<16xi32>,
      tpu.vector_store %arg7[%swap3A_112], %select_n3A_111 {strides = array<i32>} : memref<64xi32, #tpu.memory_space<vmem>>, vector<16xi32>,
      %jit3A_114 = arith.constant 16 : i32
      %div3A_115 = arith.divsi %reduce_min3A_64, %jit3A_114 : i32
      %sign3A_116 = arith.constant 0 : i32
      %sign3A_117 = arith.cmpi sgt, %reduce_min3A_64, %sign3A_116 : i32
      %sign3A_118 = arith.extui %sign3A_117 : i1 to i32
      %sign3A_119 = arith.constant 0 : i32
      %sign3A_120 = arith.cmpi slt, %reduce_min3A_64, %sign3A_119 : i32
      %sign3A_121 = arith.extui %sign3A_120 : i1 to i32
      %sign3A_122 = arith.subi %sign3A_118, %sign3A_121 : i32
      %sign3A_123 = arith.constant 0 : i32
      %sign3A_124 = arith.cmpi sgt, %jit3A_114, %sign3A_123 : i32
      %sign3A_125 = arith.extui %sign3A_124 : i1 to i32
      %sign3A_126 = arith.constant 0 : i32
      %sign3A_127 = arith.cmpi slt, %jit3A_114, %sign3A_126 : i32
      %sign3A_128 = arith.extui %sign3A_127 : i1 to i32
      %sign3A_129 = arith.subi %sign3A_125, %sign3A_128 : i32
      %ne3A_130 = arith.cmpi ne, %sign3A_122, %sign3A_129 : i32
      %rem3A_131 = arith.remsi %reduce_min3A_64, %jit3A_114 : i32
      %ne3A_132 = arith.constant 0 : i32
      %ne3A_133 = arith.cmpi ne, %rem3A_131, %ne3A_132 : i32
      %and3A_134 = arith.andi %ne3A_130, %ne3A_133 : i1
      %sub3A_135 = arith.constant 1 : i32
      %sub3A_136 = arith.subi %div3A_115, %sub3A_135 : i32
      %select_n3A_137 = arith.select %and3A_134, %sub3A_136, %div3A_115 : i32
      %mul3A_138 = arith.constant 16 : i32
      %mul3A_139 = arith.muli %select_n3A_137, %mul3A_138 : i32
      %multiple_of3A_140 = tpu.assume_multiple %mul3A_139, 16 : i32
      %jit3A_141 = arith.constant 16 : i32
      %eq3A_142 = arith.constant 0 : i32
      %eq3A_143 = arith.cmpi eq, %jit3A_141, %eq3A_142 : i32
      %jit3A_144 = arith.constant 1 : i32
      %select_n3A_145 = arith.select %eq3A_143, %jit3A_144, %jit3A_141 : i32
      %rem3A_146 = arith.remsi %reduce_min3A_64, %select_n3A_145 : i32
      %ne3A_147 = arith.constant 0 : i32
      %ne3A_148 = arith.cmpi ne, %rem3A_146, %ne3A_147 : i32
      %lt3A_149 = arith.constant 0 : i32
      %lt3A_150 = arith.cmpi slt, %rem3A_146, %lt3A_149 : i32
      %lt3A_151 = arith.constant 0 : i32
      %lt3A_152 = arith.cmpi slt, %select_n3A_145, %lt3A_151 : i32
      %ne3A_153 = arith.xori %lt3A_150, %lt3A_152 : i1
      %and3A_154 = arith.andi %ne3A_153, %ne3A_148 : i1
      %add3A_155 = arith.addi %rem3A_146, %select_n3A_145 : i32
      %select_n3A_156 = arith.select %and3A_154, %add3A_155, %rem3A_146 : i32
      %eq3A_157 = vector.broadcast %select_n3A_156 : i32 to vector<16xi32>
      %eq3A_158 = arith.cmpi eq, %iota3A, %eq3A_157 : vector<16xi32>
      %get3A_159 = arith.index_cast %multiple_of3A_140 : i32 to index
      %get3A_160 = tpu.vector_load %arg5[%get3A_159] {strides = array<i32>} : memref<3136xf32, #tpu.memory_space<vmem>>, vector<16xf32>,
      %jit3A_161 = arith.constant -3.000000e+38 : f32
      %broadcast_in_dim3A_162 = vector.broadcast %jit3A_161 : f32 to vector<16xf32>
      %select_n3A_163 = arith.select %eq3A_158, %broadcast_in_dim3A_162, %get3A_160 : vector<16xi1>, vector<16xf32>
      %swap3A_164 = arith.index_cast %multiple_of3A_140 : i32 to index
      %swap3A_165 = tpu.vector_load %arg5[%swap3A_164] {strides = array<i32>} : memref<3136xf32, #tpu.memory_space<vmem>>, vector<16xf32>,
      tpu.vector_store %arg5[%swap3A_164], %select_n3A_163 {strides = array<i32>} : memref<3136xf32, #tpu.memory_space<vmem>>, vector<16xf32>,
    }
    %scan3A_37 = arith.constant 50 : i32
    "tpu.region"() ({
      %run_scoped3A = tpu.sem_alloc : memref<!tpu.dma_semaphore, #tpu.memory_space<semaphore_mem>>
      %dma_start3A = arith.constant 0 : i32
      %dma_start3A_38 = tpu.memref_slice %arg3[%add3A, %dma_start3A] : memref<32x64xf32, #tpu.memory_space<hbm>> -> memref<1x64xf32, #tpu.memory_space<hbm>>
      %dma_start3A_39 = tpu.memref_squeeze %dma_start3A_38 : memref<1x64xf32, #tpu.memory_space<hbm>> -> memref<64xf32, #tpu.memory_space<hbm>>
      %dma_start3A_40 = arith.constant 0 : i32
      %dma_start3A_41 = tpu.memref_slice %arg3[%add3A, %dma_start3A_40] : memref<32x64xf32, #tpu.memory_space<hbm>> -> memref<1x64xf32, #tpu.memory_space<hbm>>
      %dma_start3A_42 = tpu.memref_squeeze %dma_start3A_41 : memref<1x64xf32, #tpu.memory_space<hbm>> -> memref<64xf32, #tpu.memory_space<hbm>>
      tpu.enqueue_dma source(%arg6 : memref<64xf32, #tpu.memory_space<vmem>>) target(%dma_start3A_42 : memref<64xf32, #tpu.memory_space<hbm>>) target_semaphore(%run_scoped3A : memref<!tpu.dma_semaphore, #tpu.memory_space<semaphore_mem>>)
      %dma_wait3A = arith.constant 0 : i32
      %dma_wait3A_43 = tpu.memref_slice %arg3[%add3A, %dma_wait3A] : memref<32x64xf32, #tpu.memory_space<hbm>> -> memref<1x64xf32, #tpu.memory_space<hbm>>
      %dma_wait3A_44 = tpu.memref_squeeze %dma_wait3A_43 : memref<1x64xf32, #tpu.memory_space<hbm>> -> memref<64xf32, #tpu.memory_space<hbm>>
      %dma_wait3A_45 = arith.constant 0 : i32
      %dma_wait3A_46 = tpu.memref_slice %arg3[%add3A, %dma_wait3A_45] : memref<32x64xf32, #tpu.memory_space<hbm>> -> memref<1x64xf32, #tpu.memory_space<hbm>>
      %dma_wait3A_47 = tpu.memref_squeeze %dma_wait3A_46 : memref<1x64xf32, #tpu.memory_space<hbm>> -> memref<64xf32, #tpu.memory_space<hbm>>
      tpu.wait_dma2 semaphore(%run_scoped3A : memref<!tpu.dma_semaphore, #tpu.memory_space<semaphore_mem>>) src(%arg6 : memref<64xf32, #tpu.memory_space<vmem>>) dst(%dma_wait3A_47 : memref<64xf32, #tpu.memory_space<hbm>>)
      tpu.yield
    }) : () -> ()
    "tpu.region"() ({
      %run_scoped3A = tpu.sem_alloc : memref<!tpu.dma_semaphore, #tpu.memory_space<semaphore_mem>>
      %dma_start3A = arith.constant 0 : i32
      %dma_start3A_38 = tpu.memref_slice %arg4[%add3A, %dma_start3A] : memref<32x64xi32, #tpu.memory_space<hbm>> -> memref<1x64xi32, #tpu.memory_space<hbm>>
      %dma_start3A_39 = tpu.memref_squeeze %dma_start3A_38 : memref<1x64xi32, #tpu.memory_space<hbm>> -> memref<64xi32, #tpu.memory_space<hbm>>
      %dma_start3A_40 = arith.constant 0 : i32
      %dma_start3A_41 = tpu.memref_slice %arg4[%add3A, %dma_start3A_40] : memref<32x64xi32, #tpu.memory_space<hbm>> -> memref<1x64xi32, #tpu.memory_space<hbm>>
      %dma_start3A_42 = tpu.memref_squeeze %dma_start3A_41 : memref<1x64xi32, #tpu.memory_space<hbm>> -> memref<64xi32, #tpu.memory_space<hbm>>
      tpu.enqueue_dma source(%arg7 : memref<64xi32, #tpu.memory_space<vmem>>) target(%dma_start3A_42 : memref<64xi32, #tpu.memory_space<hbm>>) target_semaphore(%run_scoped3A : memref<!tpu.dma_semaphore, #tpu.memory_space<semaphore_mem>>)
      %dma_wait3A = arith.constant 0 : i32
      %dma_wait3A_43 = tpu.memref_slice %arg4[%add3A, %dma_wait3A] : memref<32x64xi32, #tpu.memory_space<hbm>> -> memref<1x64xi32, #tpu.memory_space<hbm>>
      %dma_wait3A_44 = tpu.memref_squeeze %dma_wait3A_43 : memref<1x64xi32, #tpu.memory_space<hbm>> -> memref<64xi32, #tpu.memory_space<hbm>>
      %dma_wait3A_45 = arith.constant 0 : i32
      %dma_wait3A_46 = tpu.memref_slice %arg4[%add3A, %dma_wait3A_45] : memref<32x64xi32, #tpu.memory_space<hbm>> -> memref<1x64xi32, #tpu.memory_space<hbm>>
      %dma_wait3A_47 = tpu.memref_squeeze %dma_wait3A_46 : memref<1x64xi32, #tpu.memory_space<hbm>> -> memref<64xi32, #tpu.memory_space<hbm>>
      tpu.wait_dma2 semaphore(%run_scoped3A : memref<!tpu.dma_semaphore, #tpu.memory_space<semaphore_mem>>) src(%arg7 : memref<64xi32, #tpu.memory_space<vmem>>) dst(%dma_wait3A_47 : memref<64xi32, #tpu.memory_space<hbm>>)
      tpu.yield
    }) : () -> ()
    return
  }
}

#map = affine_map<(d0, d1) -> (0)>
module attributes {stable_mosaic.version = 14 : i64} {
  func.func @_merge_body(%arg0: i32, %arg1: i32, %arg2: memref<2048xf32, #tpu.memory_space<hbm>>, %arg3: memref<2048xi32, #tpu.memory_space<hbm>>, %arg4: memref<64xf32, #tpu.memory_space<hbm>>, %arg5: memref<16xi32, #tpu.memory_space<hbm>>, %arg6: memref<2048xf32, #tpu.memory_space<vmem>>, %arg7: memref<2048xi32, #tpu.memory_space<vmem>>, %arg8: memref<64xf32, #tpu.memory_space<vmem>>, %arg9: memref<64xi32, #tpu.memory_space<vmem>>, %arg10: memref<64xf32, #tpu.memory_space<vmem>>, %arg11: memref<16xi32, #tpu.memory_space<vmem>>) attributes {dimension_semantics = [#tpu.dimension_semantics<core_parallel>, #tpu.dimension_semantics<subcore_parallel>], iteration_bounds = array<i64: 2, 16>, scalar_prefetch = 0 : i64, scratch_operands = 6 : i64, tpu.core_type = #tpu.core_type<sc_vector_subcore>, window_params = [{transform_indices = #map}, {transform_indices = #map}, {transform_indices = #map}, {transform_indices = #map}]} {
    %mul3A = arith.constant 2 : i32
    %mul3A_0 = arith.muli %arg1, %mul3A : i32
    %add3A = arith.addi %mul3A_0, %arg0 : i32
    %eq3A = arith.constant 0 : i32
    %eq3A_1 = arith.cmpi eq, %add3A, %eq3A : i32
    %convert_element_type3A = arith.extui %eq3A_1 : i1 to i32
    %cond3A = arith.constant 0 : i32
    %cond3A_2 = arith.cmpi ne, %convert_element_type3A, %cond3A : i32
    scf.if %cond3A_2 {
      %iota3A = tpu.iota {dimensions = array<i32: 0>} : vector<16xi32>
      "tpu.region"() ({
        %run_scoped3A = tpu.sem_alloc : memref<!tpu.dma_semaphore, #tpu.memory_space<semaphore_mem>>
        tpu.enqueue_dma source(%arg2 : memref<2048xf32, #tpu.memory_space<hbm>>) target(%arg6 : memref<2048xf32, #tpu.memory_space<vmem>>) target_semaphore(%run_scoped3A : memref<!tpu.dma_semaphore, #tpu.memory_space<semaphore_mem>>)
        tpu.wait_dma2 semaphore(%run_scoped3A : memref<!tpu.dma_semaphore, #tpu.memory_space<semaphore_mem>>) src(%arg2 : memref<2048xf32, #tpu.memory_space<hbm>>) dst(%arg6 : memref<2048xf32, #tpu.memory_space<vmem>>)
        tpu.yield
      }) : () -> ()
      "tpu.region"() ({
        %run_scoped3A = tpu.sem_alloc : memref<!tpu.dma_semaphore, #tpu.memory_space<semaphore_mem>>
        tpu.enqueue_dma source(%arg3 : memref<2048xi32, #tpu.memory_space<hbm>>) target(%arg7 : memref<2048xi32, #tpu.memory_space<vmem>>) target_semaphore(%run_scoped3A : memref<!tpu.dma_semaphore, #tpu.memory_space<semaphore_mem>>)
        tpu.wait_dma2 semaphore(%run_scoped3A : memref<!tpu.dma_semaphore, #tpu.memory_space<semaphore_mem>>) src(%arg3 : memref<2048xi32, #tpu.memory_space<hbm>>) dst(%arg7 : memref<2048xi32, #tpu.memory_space<vmem>>)
        tpu.yield
      }) : () -> ()
      "tpu.region"() ({
        %run_scoped3A = tpu.sem_alloc : memref<!tpu.dma_semaphore, #tpu.memory_space<semaphore_mem>>
        tpu.enqueue_dma source(%arg4 : memref<64xf32, #tpu.memory_space<hbm>>) target(%arg10 : memref<64xf32, #tpu.memory_space<vmem>>) target_semaphore(%run_scoped3A : memref<!tpu.dma_semaphore, #tpu.memory_space<semaphore_mem>>)
        tpu.wait_dma2 semaphore(%run_scoped3A : memref<!tpu.dma_semaphore, #tpu.memory_space<semaphore_mem>>) src(%arg4 : memref<64xf32, #tpu.memory_space<hbm>>) dst(%arg10 : memref<64xf32, #tpu.memory_space<vmem>>)
        tpu.yield
      }) : () -> ()
      %iota3A_3 = tpu.iota {dimensions = array<i32: 0>} : vector<16xi32>
      %broadcast_in_dim3A = arith.constant -3.000000e+38 : f32
      %broadcast_in_dim3A_4 = vector.broadcast %broadcast_in_dim3A : f32 to vector<16xf32>
      %swap3A = arith.constant 0 : index
      %swap3A_5 = tpu.vector_load %arg8[%swap3A] {strides = array<i32>} : memref<64xf32, #tpu.memory_space<vmem>>, vector<16xf32>,
      tpu.vector_store %arg8[%swap3A], %broadcast_in_dim3A_4 {strides = array<i32>} : memref<64xf32, #tpu.memory_space<vmem>>, vector<16xf32>,
      %broadcast_in_dim3A_6 = arith.constant 0 : i32
      %broadcast_in_dim3A_7 = vector.broadcast %broadcast_in_dim3A_6 : i32 to vector<16xi32>
      %swap3A_8 = arith.constant 0 : index
      %swap3A_9 = tpu.vector_load %arg9[%swap3A_8] {strides = array<i32>} : memref<64xi32, #tpu.memory_space<vmem>>, vector<16xi32>,
      tpu.vector_store %arg9[%swap3A_8], %broadcast_in_dim3A_7 {strides = array<i32>} : memref<64xi32, #tpu.memory_space<vmem>>, vector<16xi32>,
      %broadcast_in_dim3A_10 = arith.constant -3.000000e+38 : f32
      %broadcast_in_dim3A_11 = vector.broadcast %broadcast_in_dim3A_10 : f32 to vector<16xf32>
      %swap3A_12 = arith.constant 16 : index
      %swap3A_13 = tpu.vector_load %arg8[%swap3A_12] {strides = array<i32>} : memref<64xf32, #tpu.memory_space<vmem>>, vector<16xf32>,
      tpu.vector_store %arg8[%swap3A_12], %broadcast_in_dim3A_11 {strides = array<i32>} : memref<64xf32, #tpu.memory_space<vmem>>, vector<16xf32>,
      %broadcast_in_dim3A_14 = arith.constant 0 : i32
      %broadcast_in_dim3A_15 = vector.broadcast %broadcast_in_dim3A_14 : i32 to vector<16xi32>
      %swap3A_16 = arith.constant 16 : index
      %swap3A_17 = tpu.vector_load %arg9[%swap3A_16] {strides = array<i32>} : memref<64xi32, #tpu.memory_space<vmem>>, vector<16xi32>,
      tpu.vector_store %arg9[%swap3A_16], %broadcast_in_dim3A_15 {strides = array<i32>} : memref<64xi32, #tpu.memory_space<vmem>>, vector<16xi32>,
      %broadcast_in_dim3A_18 = arith.constant -3.000000e+38 : f32
      %broadcast_in_dim3A_19 = vector.broadcast %broadcast_in_dim3A_18 : f32 to vector<16xf32>
      %swap3A_20 = arith.constant 32 : index
      %swap3A_21 = tpu.vector_load %arg8[%swap3A_20] {strides = array<i32>} : memref<64xf32, #tpu.memory_space<vmem>>, vector<16xf32>,
      tpu.vector_store %arg8[%swap3A_20], %broadcast_in_dim3A_19 {strides = array<i32>} : memref<64xf32, #tpu.memory_space<vmem>>, vector<16xf32>,
      %broadcast_in_dim3A_22 = arith.constant 0 : i32
      %broadcast_in_dim3A_23 = vector.broadcast %broadcast_in_dim3A_22 : i32 to vector<16xi32>
      %swap3A_24 = arith.constant 32 : index
      %swap3A_25 = tpu.vector_load %arg9[%swap3A_24] {strides = array<i32>} : memref<64xi32, #tpu.memory_space<vmem>>, vector<16xi32>,
      tpu.vector_store %arg9[%swap3A_24], %broadcast_in_dim3A_23 {strides = array<i32>} : memref<64xi32, #tpu.memory_space<vmem>>, vector<16xi32>,
      %broadcast_in_dim3A_26 = arith.constant -3.000000e+38 : f32
      %broadcast_in_dim3A_27 = vector.broadcast %broadcast_in_dim3A_26 : f32 to vector<16xf32>
      %swap3A_28 = arith.constant 48 : index
      %swap3A_29 = tpu.vector_load %arg8[%swap3A_28] {strides = array<i32>} : memref<64xf32, #tpu.memory_space<vmem>>, vector<16xf32>,
      tpu.vector_store %arg8[%swap3A_28], %broadcast_in_dim3A_27 {strides = array<i32>} : memref<64xf32, #tpu.memory_space<vmem>>, vector<16xf32>,
      %broadcast_in_dim3A_30 = arith.constant 0 : i32
      %broadcast_in_dim3A_31 = vector.broadcast %broadcast_in_dim3A_30 : i32 to vector<16xi32>
      %swap3A_32 = arith.constant 48 : index
      %swap3A_33 = tpu.vector_load %arg9[%swap3A_32] {strides = array<i32>} : memref<64xi32, #tpu.memory_space<vmem>>, vector<16xi32>,
      tpu.vector_store %arg9[%swap3A_32], %broadcast_in_dim3A_31 {strides = array<i32>} : memref<64xi32, #tpu.memory_space<vmem>>, vector<16xi32>,
      %scan3A = arith.constant 0 : i32
      %scan3A_34 = arith.constant 0 : i32
      %scan3A_35 = arith.constant 50 : i32
      %scan3A_36 = arith.addi %scan3A_34, %scan3A_35 : i32
      %scan3A_37 = arith.constant 1 : i32
      scf.for %scan3A_201 = %scan3A_34 to %scan3A_36 step %scan3A_37  : i32 {
        %broadcast_in_dim3A_202 = arith.constant -3.000000e+38 : f32
        %broadcast_in_dim3A_203 = vector.broadcast %broadcast_in_dim3A_202 : f32 to vector<16xf32>
        %broadcast_in_dim3A_204 = arith.constant 0 : i32
        %broadcast_in_dim3A_205 = vector.broadcast %broadcast_in_dim3A_204 : i32 to vector<16xi32>
        %scan3A_206 = arith.constant 0 : i32
        %scan3A_207 = arith.constant 128 : i32
        %scan3A_208 = arith.addi %scan3A_206, %scan3A_207 : i32
        %scan3A_209 = arith.constant 1 : i32
        %scan3A_210:2 = scf.for %scan3A_400 = %scan3A_206 to %scan3A_208 step %scan3A_209 iter_args(%scan3A_401 = %broadcast_in_dim3A_203, %scan3A_402 = %broadcast_in_dim3A_205) -> (vector<16xf32>, vector<16xi32>)  : i32 {
          %mul3A_403 = arith.constant 16 : i32
          %mul3A_404 = arith.muli %scan3A_400, %mul3A_403 : i32
          %multiple_of3A_405 = tpu.assume_multiple %mul3A_404, 16 : i32
          %get3A_406 = arith.index_cast %multiple_of3A_405 : i32 to index
          %get3A_407 = tpu.vector_load %arg6[%get3A_406] {strides = array<i32>} : memref<2048xf32, #tpu.memory_space<vmem>>, vector<16xf32>,
          %gt3A = arith.cmpf ogt, %get3A_407, %scan3A_401 : vector<16xf32>
          %select_n3A_408 = arith.select %gt3A, %get3A_407, %scan3A_401 : vector<16xi1>, vector<16xf32>
          %broadcast_in_dim3A_409 = vector.broadcast %scan3A_400 : i32 to vector<16xi32>
          %select_n3A_410 = arith.select %gt3A, %broadcast_in_dim3A_409, %scan3A_402 : vector<16xi1>, vector<16xi32>
          scf.yield %select_n3A_408, %select_n3A_410 : vector<16xf32>, vector<16xi32>
        }
        %scan3A_211 = arith.constant 128 : i32
        %reduce_max3A_212 = arith.constant true
        %reduce_max3A_213 = vector.broadcast %reduce_max3A_212 : i1 to vector<16xi1>
        %reduce_max3A_214 = tpu.scan <max>, %scan3A_210#0 masked %reduce_max3A_213 : vector<16xf32>, vector<16xi1> -> vector<16xf32>
        %reduce_max3A_215 = vector.extract %reduce_max3A_214[15] : f32 from vector<16xf32>
        %eq3A_216 = vector.broadcast %reduce_max3A_215 : f32 to vector<16xf32>
        %eq3A_217 = arith.cmpf oeq, %scan3A_210#0, %eq3A_216 : vector<16xf32>
        %mul3A_218 = arith.constant 16 : i32
        %mul3A_219 = vector.broadcast %mul3A_218 : i32 to vector<16xi32>
        %mul3A_220 = arith.muli %scan3A_210#1, %mul3A_219 : vector<16xi32>
        %add3A_221 = arith.addi %mul3A_220, %iota3A_3 : vector<16xi32>
        %jit3A_222 = arith.constant 1073741824 : i32
        %broadcast_in_dim3A_223 = vector.broadcast %jit3A_222 : i32 to vector<16xi32>
        %select_n3A_224 = arith.select %eq3A_217, %add3A_221, %broadcast_in_dim3A_223 : vector<16xi1>, vector<16xi32>
        %reduce_min3A_225 = arith.constant true
        %reduce_min3A_226 = vector.broadcast %reduce_min3A_225 : i1 to vector<16xi1>
        %reduce_min3A_227 = arith.constant -2147483648 : i32
        %reduce_min3A_228 = vector.broadcast %reduce_min3A_227 : i32 to vector<16xi32>
        %reduce_min3A_229 = arith.xori %select_n3A_224, %reduce_min3A_228 : vector<16xi32>
        %reduce_min3A_230 = tpu.scan <min>, %reduce_min3A_229 masked %reduce_min3A_226 : vector<16xi32>, vector<16xi1> -> vector<16xi32>
        %reduce_min3A_231 = arith.xori %reduce_min3A_230, %reduce_min3A_228 : vector<16xi32>
        %reduce_min3A_232 = vector.extract %reduce_min3A_231[15] : i32 from vector<16xi32>
        %jit3A_233 = arith.constant 16 : i32
        %div3A_234 = arith.divsi %scan3A_201, %jit3A_233 : i32
        %sign3A_235 = arith.constant 0 : i32
        %sign3A_236 = arith.cmpi sgt, %scan3A_201, %sign3A_235 : i32
        %sign3A_237 = arith.extui %sign3A_236 : i1 to i32
        %sign3A_238 = arith.constant 0 : i32
        %sign3A_239 = arith.cmpi slt, %scan3A_201, %sign3A_238 : i32
        %sign3A_240 = arith.extui %sign3A_239 : i1 to i32
        %sign3A_241 = arith.subi %sign3A_237, %sign3A_240 : i32
        %sign3A_242 = arith.constant 0 : i32
        %sign3A_243 = arith.cmpi sgt, %jit3A_233, %sign3A_242 : i32
        %sign3A_244 = arith.extui %sign3A_243 : i1 to i32
        %sign3A_245 = arith.constant 0 : i32
        %sign3A_246 = arith.cmpi slt, %jit3A_233, %sign3A_245 : i32
        %sign3A_247 = arith.extui %sign3A_246 : i1 to i32
        %sign3A_248 = arith.subi %sign3A_244, %sign3A_247 : i32
        %ne3A_249 = arith.cmpi ne, %sign3A_241, %sign3A_248 : i32
        %rem3A_250 = arith.remsi %scan3A_201, %jit3A_233 : i32
        %ne3A_251 = arith.constant 0 : i32
        %ne3A_252 = arith.cmpi ne, %rem3A_250, %ne3A_251 : i32
        %and3A_253 = arith.andi %ne3A_249, %ne3A_252 : i1
        %sub3A_254 = arith.constant 1 : i32
        %sub3A_255 = arith.subi %div3A_234, %sub3A_254 : i32
        %select_n3A_256 = arith.select %and3A_253, %sub3A_255, %div3A_234 : i32
        %mul3A_257 = arith.constant 16 : i32
        %mul3A_258 = arith.muli %select_n3A_256, %mul3A_257 : i32
        %multiple_of3A_259 = tpu.assume_multiple %mul3A_258, 16 : i32
        %jit3A_260 = arith.constant 16 : i32
        %eq3A_261 = arith.constant 0 : i32
        %eq3A_262 = arith.cmpi eq, %jit3A_260, %eq3A_261 : i32
        %jit3A_263 = arith.constant 1 : i32
        %select_n3A_264 = arith.select %eq3A_262, %jit3A_263, %jit3A_260 : i32
        %rem3A_265 = arith.remsi %scan3A_201, %select_n3A_264 : i32
        %ne3A_266 = arith.constant 0 : i32
        %ne3A_267 = arith.cmpi ne, %rem3A_265, %ne3A_266 : i32
        %lt3A_268 = arith.constant 0 : i32
        %lt3A_269 = arith.cmpi slt, %rem3A_265, %lt3A_268 : i32
        %lt3A_270 = arith.constant 0 : i32
        %lt3A_271 = arith.cmpi slt, %select_n3A_264, %lt3A_270 : i32
        %ne3A_272 = arith.xori %lt3A_269, %lt3A_271 : i1
        %and3A_273 = arith.andi %ne3A_272, %ne3A_267 : i1
        %add3A_274 = arith.addi %rem3A_265, %select_n3A_264 : i32
        %select_n3A_275 = arith.select %and3A_273, %add3A_274, %rem3A_265 : i32
        %eq3A_276 = vector.broadcast %select_n3A_275 : i32 to vector<16xi32>
        %eq3A_277 = arith.cmpi eq, %iota3A_3, %eq3A_276 : vector<16xi32>
        %get3A_278 = arith.index_cast %multiple_of3A_259 : i32 to index
        %get3A_279 = tpu.vector_load %arg8[%get3A_278] {strides = array<i32>} : memref<64xf32, #tpu.memory_space<vmem>>, vector<16xf32>,
        %broadcast_in_dim3A_280 = vector.broadcast %reduce_max3A_215 : f32 to vector<16xf32>
        %select_n3A_281 = arith.select %eq3A_277, %broadcast_in_dim3A_280, %get3A_279 : vector<16xi1>, vector<16xf32>
        %swap3A_282 = arith.index_cast %multiple_of3A_259 : i32 to index
        %swap3A_283 = tpu.vector_load %arg8[%swap3A_282] {strides = array<i32>} : memref<64xf32, #tpu.memory_space<vmem>>, vector<16xf32>,
        tpu.vector_store %arg8[%swap3A_282], %select_n3A_281 {strides = array<i32>} : memref<64xf32, #tpu.memory_space<vmem>>, vector<16xf32>,
        %jit3A_284 = arith.constant 16 : i32
        %div3A_285 = arith.divsi %reduce_min3A_232, %jit3A_284 : i32
        %sign3A_286 = arith.constant 0 : i32
        %sign3A_287 = arith.cmpi sgt, %reduce_min3A_232, %sign3A_286 : i32
        %sign3A_288 = arith.extui %sign3A_287 : i1 to i32
        %sign3A_289 = arith.constant 0 : i32
        %sign3A_290 = arith.cmpi slt, %reduce_min3A_232, %sign3A_289 : i32
        %sign3A_291 = arith.extui %sign3A_290 : i1 to i32
        %sign3A_292 = arith.subi %sign3A_288, %sign3A_291 : i32
        %sign3A_293 = arith.constant 0 : i32
        %sign3A_294 = arith.cmpi sgt, %jit3A_284, %sign3A_293 : i32
        %sign3A_295 = arith.extui %sign3A_294 : i1 to i32
        %sign3A_296 = arith.constant 0 : i32
        %sign3A_297 = arith.cmpi slt, %jit3A_284, %sign3A_296 : i32
        %sign3A_298 = arith.extui %sign3A_297 : i1 to i32
        %sign3A_299 = arith.subi %sign3A_295, %sign3A_298 : i32
        %ne3A_300 = arith.cmpi ne, %sign3A_292, %sign3A_299 : i32
        %rem3A_301 = arith.remsi %reduce_min3A_232, %jit3A_284 : i32
        %ne3A_302 = arith.constant 0 : i32
        %ne3A_303 = arith.cmpi ne, %rem3A_301, %ne3A_302 : i32
        %and3A_304 = arith.andi %ne3A_300, %ne3A_303 : i1
        %sub3A_305 = arith.constant 1 : i32
        %sub3A_306 = arith.subi %div3A_285, %sub3A_305 : i32
        %select_n3A_307 = arith.select %and3A_304, %sub3A_306, %div3A_285 : i32
        %mul3A_308 = arith.constant 16 : i32
        %mul3A_309 = arith.muli %select_n3A_307, %mul3A_308 : i32
        %multiple_of3A_310 = tpu.assume_multiple %mul3A_309, 16 : i32
        %get3A_311 = arith.index_cast %multiple_of3A_310 : i32 to index
        %get3A_312 = tpu.vector_load %arg7[%get3A_311] {strides = array<i32>} : memref<2048xi32, #tpu.memory_space<vmem>>, vector<16xi32>,
        %jit3A_313 = arith.constant 16 : i32
        %eq3A_314 = arith.constant 0 : i32
        %eq3A_315 = arith.cmpi eq, %jit3A_313, %eq3A_314 : i32
        %jit3A_316 = arith.constant 1 : i32
        %select_n3A_317 = arith.select %eq3A_315, %jit3A_316, %jit3A_313 : i32
        %rem3A_318 = arith.remsi %reduce_min3A_232, %select_n3A_317 : i32
        %ne3A_319 = arith.constant 0 : i32
        %ne3A_320 = arith.cmpi ne, %rem3A_318, %ne3A_319 : i32
        %lt3A_321 = arith.constant 0 : i32
        %lt3A_322 = arith.cmpi slt, %rem3A_318, %lt3A_321 : i32
        %lt3A_323 = arith.constant 0 : i32
        %lt3A_324 = arith.cmpi slt, %select_n3A_317, %lt3A_323 : i32
        %ne3A_325 = arith.xori %lt3A_322, %lt3A_324 : i1
        %and3A_326 = arith.andi %ne3A_325, %ne3A_320 : i1
        %add3A_327 = arith.addi %rem3A_318, %select_n3A_317 : i32
        %select_n3A_328 = arith.select %and3A_326, %add3A_327, %rem3A_318 : i32
        %eq3A_329 = vector.broadcast %select_n3A_328 : i32 to vector<16xi32>
        %eq3A_330 = arith.cmpi eq, %iota3A, %eq3A_329 : vector<16xi32>
        %jit3A_331 = arith.constant -1 : i32
        %broadcast_in_dim3A_332 = vector.broadcast %jit3A_331 : i32 to vector<16xi32>
        %select_n3A_333 = arith.select %eq3A_330, %get3A_312, %broadcast_in_dim3A_332 : vector<16xi1>, vector<16xi32>
        %reduce_max3A_334 = arith.constant true
        %reduce_max3A_335 = vector.broadcast %reduce_max3A_334 : i1 to vector<16xi1>
        %reduce_max3A_336 = arith.constant -2147483648 : i32
        %reduce_max3A_337 = vector.broadcast %reduce_max3A_336 : i32 to vector<16xi32>
        %reduce_max3A_338 = arith.xori %select_n3A_333, %reduce_max3A_337 : vector<16xi32>
        %reduce_max3A_339 = tpu.scan <max>, %reduce_max3A_338 masked %reduce_max3A_335 : vector<16xi32>, vector<16xi1> -> vector<16xi32>
        %reduce_max3A_340 = arith.xori %reduce_max3A_339, %reduce_max3A_337 : vector<16xi32>
        %reduce_max3A_341 = vector.extract %reduce_max3A_340[15] : i32 from vector<16xi32>
        %get3A_342 = arith.index_cast %multiple_of3A_259 : i32 to index
        %get3A_343 = tpu.vector_load %arg9[%get3A_342] {strides = array<i32>} : memref<64xi32, #tpu.memory_space<vmem>>, vector<16xi32>,
        %broadcast_in_dim3A_344 = vector.broadcast %reduce_max3A_341 : i32 to vector<16xi32>
        %select_n3A_345 = arith.select %eq3A_277, %broadcast_in_dim3A_344, %get3A_343 : vector<16xi1>, vector<16xi32>
        %swap3A_346 = arith.index_cast %multiple_of3A_259 : i32 to index
        %swap3A_347 = tpu.vector_load %arg9[%swap3A_346] {strides = array<i32>} : memref<64xi32, #tpu.memory_space<vmem>>, vector<16xi32>,
        tpu.vector_store %arg9[%swap3A_346], %select_n3A_345 {strides = array<i32>} : memref<64xi32, #tpu.memory_space<vmem>>, vector<16xi32>,
        %jit3A_348 = arith.constant 16 : i32
        %div3A_349 = arith.divsi %reduce_min3A_232, %jit3A_348 : i32
        %sign3A_350 = arith.constant 0 : i32
        %sign3A_351 = arith.cmpi sgt, %reduce_min3A_232, %sign3A_350 : i32
        %sign3A_352 = arith.extui %sign3A_351 : i1 to i32
        %sign3A_353 = arith.constant 0 : i32
        %sign3A_354 = arith.cmpi slt, %reduce_min3A_232, %sign3A_353 : i32
        %sign3A_355 = arith.extui %sign3A_354 : i1 to i32
        %sign3A_356 = arith.subi %sign3A_352, %sign3A_355 : i32
        %sign3A_357 = arith.constant 0 : i32
        %sign3A_358 = arith.cmpi sgt, %jit3A_348, %sign3A_357 : i32
        %sign3A_359 = arith.extui %sign3A_358 : i1 to i32
        %sign3A_360 = arith.constant 0 : i32
        %sign3A_361 = arith.cmpi slt, %jit3A_348, %sign3A_360 : i32
        %sign3A_362 = arith.extui %sign3A_361 : i1 to i32
        %sign3A_363 = arith.subi %sign3A_359, %sign3A_362 : i32
        %ne3A_364 = arith.cmpi ne, %sign3A_356, %sign3A_363 : i32
        %rem3A_365 = arith.remsi %reduce_min3A_232, %jit3A_348 : i32
        %ne3A_366 = arith.constant 0 : i32
        %ne3A_367 = arith.cmpi ne, %rem3A_365, %ne3A_366 : i32
        %and3A_368 = arith.andi %ne3A_364, %ne3A_367 : i1
        %sub3A_369 = arith.constant 1 : i32
        %sub3A_370 = arith.subi %div3A_349, %sub3A_369 : i32
        %select_n3A_371 = arith.select %and3A_368, %sub3A_370, %div3A_349 : i32
        %mul3A_372 = arith.constant 16 : i32
        %mul3A_373 = arith.muli %select_n3A_371, %mul3A_372 : i32
        %multiple_of3A_374 = tpu.assume_multiple %mul3A_373, 16 : i32
        %jit3A_375 = arith.constant 16 : i32
        %eq3A_376 = arith.constant 0 : i32
        %eq3A_377 = arith.cmpi eq, %jit3A_375, %eq3A_376 : i32
        %jit3A_378 = arith.constant 1 : i32
        %select_n3A_379 = arith.select %eq3A_377, %jit3A_378, %jit3A_375 : i32
        %rem3A_380 = arith.remsi %reduce_min3A_232, %select_n3A_379 : i32
        %ne3A_381 = arith.constant 0 : i32
        %ne3A_382 = arith.cmpi ne, %rem3A_380, %ne3A_381 : i32
        %lt3A_383 = arith.constant 0 : i32
        %lt3A_384 = arith.cmpi slt, %rem3A_380, %lt3A_383 : i32
        %lt3A_385 = arith.constant 0 : i32
        %lt3A_386 = arith.cmpi slt, %select_n3A_379, %lt3A_385 : i32
        %ne3A_387 = arith.xori %lt3A_384, %lt3A_386 : i1
        %and3A_388 = arith.andi %ne3A_387, %ne3A_382 : i1
        %add3A_389 = arith.addi %rem3A_380, %select_n3A_379 : i32
        %select_n3A_390 = arith.select %and3A_388, %add3A_389, %rem3A_380 : i32
        %eq3A_391 = vector.broadcast %select_n3A_390 : i32 to vector<16xi32>
        %eq3A_392 = arith.cmpi eq, %iota3A_3, %eq3A_391 : vector<16xi32>
        %get3A_393 = arith.index_cast %multiple_of3A_374 : i32 to index
        %get3A_394 = tpu.vector_load %arg6[%get3A_393] {strides = array<i32>} : memref<2048xf32, #tpu.memory_space<vmem>>, vector<16xf32>,
        %jit3A_395 = arith.constant -3.000000e+38 : f32
        %broadcast_in_dim3A_396 = vector.broadcast %jit3A_395 : f32 to vector<16xf32>
        %select_n3A_397 = arith.select %eq3A_392, %broadcast_in_dim3A_396, %get3A_394 : vector<16xi1>, vector<16xf32>
        %swap3A_398 = arith.index_cast %multiple_of3A_374 : i32 to index
        %swap3A_399 = tpu.vector_load %arg6[%swap3A_398] {strides = array<i32>} : memref<2048xf32, #tpu.memory_space<vmem>>, vector<16xf32>,
        tpu.vector_store %arg6[%swap3A_398], %select_n3A_397 {strides = array<i32>} : memref<2048xf32, #tpu.memory_space<vmem>>, vector<16xf32>,
      }
      %scan3A_38 = arith.constant 50 : i32
      %get3A = arith.constant 0 : index
      %get3A_39 = tpu.vector_load %arg8[%get3A] {strides = array<i32>} : memref<64xf32, #tpu.memory_space<vmem>>, vector<16xf32>,
      %reduce_max3A = arith.constant true
      %reduce_max3A_40 = vector.broadcast %reduce_max3A : i1 to vector<16xi1>
      %reduce_max3A_41 = tpu.scan <max>, %get3A_39 masked %reduce_max3A_40 : vector<16xf32>, vector<16xi1> -> vector<16xf32>
      %reduce_max3A_42 = vector.extract %reduce_max3A_41[15] : f32 from vector<16xf32>
      %get3A_43 = arith.constant 0 : index
      %get3A_44 = tpu.vector_load %arg8[%get3A_43] {strides = array<i32>} : memref<64xf32, #tpu.memory_space<vmem>>, vector<16xf32>,
      %sub3A = vector.broadcast %reduce_max3A_42 : f32 to vector<16xf32>
      %sub3A_45 = arith.subf %get3A_44, %sub3A : vector<16xf32>
      %exp3A = math.exp %sub3A_45 : vector<16xf32>
      %get3A_46 = arith.constant 16 : index
      %get3A_47 = tpu.vector_load %arg8[%get3A_46] {strides = array<i32>} : memref<64xf32, #tpu.memory_space<vmem>>, vector<16xf32>,
      %sub3A_48 = vector.broadcast %reduce_max3A_42 : f32 to vector<16xf32>
      %sub3A_49 = arith.subf %get3A_47, %sub3A_48 : vector<16xf32>
      %exp3A_50 = math.exp %sub3A_49 : vector<16xf32>
      %get3A_51 = arith.constant 32 : index
      %get3A_52 = tpu.vector_load %arg8[%get3A_51] {strides = array<i32>} : memref<64xf32, #tpu.memory_space<vmem>>, vector<16xf32>,
      %sub3A_53 = vector.broadcast %reduce_max3A_42 : f32 to vector<16xf32>
      %sub3A_54 = arith.subf %get3A_52, %sub3A_53 : vector<16xf32>
      %exp3A_55 = math.exp %sub3A_54 : vector<16xf32>
      %get3A_56 = arith.constant 48 : index
      %get3A_57 = tpu.vector_load %arg8[%get3A_56] {strides = array<i32>} : memref<64xf32, #tpu.memory_space<vmem>>, vector<16xf32>,
      %sub3A_58 = vector.broadcast %reduce_max3A_42 : f32 to vector<16xf32>
      %sub3A_59 = arith.subf %get3A_57, %sub3A_58 : vector<16xf32>
      %exp3A_60 = math.exp %sub3A_59 : vector<16xf32>
      %add3A_61 = arith.addf %exp3A, %exp3A_50 : vector<16xf32>
      %add3A_62 = arith.addf %add3A_61, %exp3A_55 : vector<16xf32>
      %add3A_63 = arith.addf %add3A_62, %exp3A_60 : vector<16xf32>
      %reduce_sum3A = arith.constant true
      %reduce_sum3A_64 = vector.broadcast %reduce_sum3A : i1 to vector<16xi1>
      %reduce_sum3A_65 = tpu.scan <sum>, %add3A_63 masked %reduce_sum3A_64 : vector<16xf32>, vector<16xi1> -> vector<16xf32>
      %reduce_sum3A_66 = vector.extract %reduce_sum3A_65[15] : f32 from vector<16xf32>
      %div3A = vector.broadcast %reduce_sum3A_66 : f32 to vector<16xf32>
      %div3A_67 = arith.divf %exp3A, %div3A : vector<16xf32>
      %add3A_68 = arith.constant 9.99999971E-10 : f32
      %add3A_69 = vector.broadcast %add3A_68 : f32 to vector<16xf32>
      %add3A_70 = arith.addf %div3A_67, %add3A_69 : vector<16xf32>
      %get3A_71 = arith.constant 0 : index
      %get3A_72 = tpu.vector_load %arg10[%get3A_71] {strides = array<i32>} : memref<64xf32, #tpu.memory_space<vmem>>, vector<16xf32>,
      %mul3A_73 = arith.mulf %add3A_70, %get3A_72 : vector<16xf32>
      %div3A_74 = vector.broadcast %reduce_sum3A_66 : f32 to vector<16xf32>
      %div3A_75 = arith.divf %exp3A_50, %div3A_74 : vector<16xf32>
      %add3A_76 = arith.constant 9.99999971E-10 : f32
      %add3A_77 = vector.broadcast %add3A_76 : f32 to vector<16xf32>
      %add3A_78 = arith.addf %div3A_75, %add3A_77 : vector<16xf32>
      %get3A_79 = arith.constant 16 : index
      %get3A_80 = tpu.vector_load %arg10[%get3A_79] {strides = array<i32>} : memref<64xf32, #tpu.memory_space<vmem>>, vector<16xf32>,
      %mul3A_81 = arith.mulf %add3A_78, %get3A_80 : vector<16xf32>
      %div3A_82 = vector.broadcast %reduce_sum3A_66 : f32 to vector<16xf32>
      %div3A_83 = arith.divf %exp3A_55, %div3A_82 : vector<16xf32>
      %add3A_84 = arith.constant 9.99999971E-10 : f32
      %add3A_85 = vector.broadcast %add3A_84 : f32 to vector<16xf32>
      %add3A_86 = arith.addf %div3A_83, %add3A_85 : vector<16xf32>
      %get3A_87 = arith.constant 32 : index
      %get3A_88 = tpu.vector_load %arg10[%get3A_87] {strides = array<i32>} : memref<64xf32, #tpu.memory_space<vmem>>, vector<16xf32>,
      %mul3A_89 = arith.mulf %add3A_86, %get3A_88 : vector<16xf32>
      %div3A_90 = vector.broadcast %reduce_sum3A_66 : f32 to vector<16xf32>
      %div3A_91 = arith.divf %exp3A_60, %div3A_90 : vector<16xf32>
      %add3A_92 = arith.constant 9.99999971E-10 : f32
      %add3A_93 = vector.broadcast %add3A_92 : f32 to vector<16xf32>
      %add3A_94 = arith.addf %div3A_91, %add3A_93 : vector<16xf32>
      %get3A_95 = arith.constant 48 : index
      %get3A_96 = tpu.vector_load %arg10[%get3A_95] {strides = array<i32>} : memref<64xf32, #tpu.memory_space<vmem>>, vector<16xf32>,
      %mul3A_97 = arith.mulf %add3A_94, %get3A_96 : vector<16xf32>
      %max3A = arith.maximumf %mul3A_73, %mul3A_81 : vector<16xf32>
      %max3A_98 = arith.maximumf %mul3A_89, %mul3A_97 : vector<16xf32>
      %max3A_99 = arith.maximumf %max3A, %max3A_98 : vector<16xf32>
      %reduce_max3A_100 = arith.constant true
      %reduce_max3A_101 = vector.broadcast %reduce_max3A_100 : i1 to vector<16xi1>
      %reduce_max3A_102 = tpu.scan <max>, %max3A_99 masked %reduce_max3A_101 : vector<16xf32>, vector<16xi1> -> vector<16xf32>
      %reduce_max3A_103 = vector.extract %reduce_max3A_102[15] : f32 from vector<16xf32>
      %eq3A_104 = vector.broadcast %reduce_max3A_103 : f32 to vector<16xf32>
      %eq3A_105 = arith.cmpf oeq, %mul3A_73, %eq3A_104 : vector<16xf32>
      %add3A_106 = arith.constant 0 : i32
      %add3A_107 = vector.broadcast %add3A_106 : i32 to vector<16xi32>
      %add3A_108 = arith.addi %add3A_107, %iota3A : vector<16xi32>
      %jit3A = arith.constant 1073741824 : i32
      %broadcast_in_dim3A_109 = vector.broadcast %jit3A : i32 to vector<16xi32>
      %select_n3A = arith.select %eq3A_105, %add3A_108, %broadcast_in_dim3A_109 : vector<16xi1>, vector<16xi32>
      %eq3A_110 = vector.broadcast %reduce_max3A_103 : f32 to vector<16xf32>
      %eq3A_111 = arith.cmpf oeq, %mul3A_81, %eq3A_110 : vector<16xf32>
      %add3A_112 = arith.constant 16 : i32
      %add3A_113 = vector.broadcast %add3A_112 : i32 to vector<16xi32>
      %add3A_114 = arith.addi %add3A_113, %iota3A : vector<16xi32>
      %jit3A_115 = arith.constant 1073741824 : i32
      %broadcast_in_dim3A_116 = vector.broadcast %jit3A_115 : i32 to vector<16xi32>
      %select_n3A_117 = arith.select %eq3A_111, %add3A_114, %broadcast_in_dim3A_116 : vector<16xi1>, vector<16xi32>
      %eq3A_118 = vector.broadcast %reduce_max3A_103 : f32 to vector<16xf32>
      %eq3A_119 = arith.cmpf oeq, %mul3A_89, %eq3A_118 : vector<16xf32>
      %add3A_120 = arith.constant 32 : i32
      %add3A_121 = vector.broadcast %add3A_120 : i32 to vector<16xi32>
      %add3A_122 = arith.addi %add3A_121, %iota3A : vector<16xi32>
      %jit3A_123 = arith.constant 1073741824 : i32
      %broadcast_in_dim3A_124 = vector.broadcast %jit3A_123 : i32 to vector<16xi32>
      %select_n3A_125 = arith.select %eq3A_119, %add3A_122, %broadcast_in_dim3A_124 : vector<16xi1>, vector<16xi32>
      %eq3A_126 = vector.broadcast %reduce_max3A_103 : f32 to vector<16xf32>
      %eq3A_127 = arith.cmpf oeq, %mul3A_97, %eq3A_126 : vector<16xf32>
      %add3A_128 = arith.constant 48 : i32
      %add3A_129 = vector.broadcast %add3A_128 : i32 to vector<16xi32>
      %add3A_130 = arith.addi %add3A_129, %iota3A : vector<16xi32>
      %jit3A_131 = arith.constant 1073741824 : i32
      %broadcast_in_dim3A_132 = vector.broadcast %jit3A_131 : i32 to vector<16xi32>
      %select_n3A_133 = arith.select %eq3A_127, %add3A_130, %broadcast_in_dim3A_132 : vector<16xi1>, vector<16xi32>
      %min3A = arith.minsi %select_n3A, %select_n3A_117 : vector<16xi32>
      %min3A_134 = arith.minsi %select_n3A_125, %select_n3A_133 : vector<16xi32>
      %min3A_135 = arith.minsi %min3A, %min3A_134 : vector<16xi32>
      %reduce_min3A = arith.constant true
      %reduce_min3A_136 = vector.broadcast %reduce_min3A : i1 to vector<16xi1>
      %reduce_min3A_137 = arith.constant -2147483648 : i32
      %reduce_min3A_138 = vector.broadcast %reduce_min3A_137 : i32 to vector<16xi32>
      %reduce_min3A_139 = arith.xori %min3A_135, %reduce_min3A_138 : vector<16xi32>
      %reduce_min3A_140 = tpu.scan <min>, %reduce_min3A_139 masked %reduce_min3A_136 : vector<16xi32>, vector<16xi1> -> vector<16xi32>
      %reduce_min3A_141 = arith.xori %reduce_min3A_140, %reduce_min3A_138 : vector<16xi32>
      %reduce_min3A_142 = vector.extract %reduce_min3A_141[15] : i32 from vector<16xi32>
      %jit3A_143 = arith.constant 16 : i32
      %div3A_144 = arith.divsi %reduce_min3A_142, %jit3A_143 : i32
      %sign3A = arith.constant 0 : i32
      %sign3A_145 = arith.cmpi sgt, %reduce_min3A_142, %sign3A : i32
      %sign3A_146 = arith.extui %sign3A_145 : i1 to i32
      %sign3A_147 = arith.constant 0 : i32
      %sign3A_148 = arith.cmpi slt, %reduce_min3A_142, %sign3A_147 : i32
      %sign3A_149 = arith.extui %sign3A_148 : i1 to i32
      %sign3A_150 = arith.subi %sign3A_146, %sign3A_149 : i32
      %sign3A_151 = arith.constant 0 : i32
      %sign3A_152 = arith.cmpi sgt, %jit3A_143, %sign3A_151 : i32
      %sign3A_153 = arith.extui %sign3A_152 : i1 to i32
      %sign3A_154 = arith.constant 0 : i32
      %sign3A_155 = arith.cmpi slt, %jit3A_143, %sign3A_154 : i32
      %sign3A_156 = arith.extui %sign3A_155 : i1 to i32
      %sign3A_157 = arith.subi %sign3A_153, %sign3A_156 : i32
      %ne3A = arith.cmpi ne, %sign3A_150, %sign3A_157 : i32
      %rem3A = arith.remsi %reduce_min3A_142, %jit3A_143 : i32
      %ne3A_158 = arith.constant 0 : i32
      %ne3A_159 = arith.cmpi ne, %rem3A, %ne3A_158 : i32
      %and3A = arith.andi %ne3A, %ne3A_159 : i1
      %sub3A_160 = arith.constant 1 : i32
      %sub3A_161 = arith.subi %div3A_144, %sub3A_160 : i32
      %select_n3A_162 = arith.select %and3A, %sub3A_161, %div3A_144 : i32
      %mul3A_163 = arith.constant 16 : i32
      %mul3A_164 = arith.muli %select_n3A_162, %mul3A_163 : i32
      %multiple_of3A = tpu.assume_multiple %mul3A_164, 16 : i32
      %get3A_165 = arith.index_cast %multiple_of3A : i32 to index
      %get3A_166 = tpu.vector_load %arg9[%get3A_165] {strides = array<i32>} : memref<64xi32, #tpu.memory_space<vmem>>, vector<16xi32>,
      %jit3A_167 = arith.constant 16 : i32
      %eq3A_168 = arith.constant 0 : i32
      %eq3A_169 = arith.cmpi eq, %jit3A_167, %eq3A_168 : i32
      %jit3A_170 = arith.constant 1 : i32
      %select_n3A_171 = arith.select %eq3A_169, %jit3A_170, %jit3A_167 : i32
      %rem3A_172 = arith.remsi %reduce_min3A_142, %select_n3A_171 : i32
      %ne3A_173 = arith.constant 0 : i32
      %ne3A_174 = arith.cmpi ne, %rem3A_172, %ne3A_173 : i32
      %lt3A = arith.constant 0 : i32
      %lt3A_175 = arith.cmpi slt, %rem3A_172, %lt3A : i32
      %lt3A_176 = arith.constant 0 : i32
      %lt3A_177 = arith.cmpi slt, %select_n3A_171, %lt3A_176 : i32
      %ne3A_178 = arith.xori %lt3A_175, %lt3A_177 : i1
      %and3A_179 = arith.andi %ne3A_178, %ne3A_174 : i1
      %add3A_180 = arith.addi %rem3A_172, %select_n3A_171 : i32
      %select_n3A_181 = arith.select %and3A_179, %add3A_180, %rem3A_172 : i32
      %eq3A_182 = vector.broadcast %select_n3A_181 : i32 to vector<16xi32>
      %eq3A_183 = arith.cmpi eq, %iota3A, %eq3A_182 : vector<16xi32>
      %jit3A_184 = arith.constant -1 : i32
      %broadcast_in_dim3A_185 = vector.broadcast %jit3A_184 : i32 to vector<16xi32>
      %select_n3A_186 = arith.select %eq3A_183, %get3A_166, %broadcast_in_dim3A_185 : vector<16xi1>, vector<16xi32>
      %reduce_max3A_187 = arith.constant true
      %reduce_max3A_188 = vector.broadcast %reduce_max3A_187 : i1 to vector<16xi1>
      %reduce_max3A_189 = arith.constant -2147483648 : i32
      %reduce_max3A_190 = vector.broadcast %reduce_max3A_189 : i32 to vector<16xi32>
      %reduce_max3A_191 = arith.xori %select_n3A_186, %reduce_max3A_190 : vector<16xi32>
      %reduce_max3A_192 = tpu.scan <max>, %reduce_max3A_191 masked %reduce_max3A_188 : vector<16xi32>, vector<16xi1> -> vector<16xi32>
      %reduce_max3A_193 = arith.xori %reduce_max3A_192, %reduce_max3A_190 : vector<16xi32>
      %reduce_max3A_194 = vector.extract %reduce_max3A_193[15] : i32 from vector<16xi32>
      %broadcast_in_dim3A_195 = arith.constant 0 : i32
      %broadcast_in_dim3A_196 = vector.broadcast %broadcast_in_dim3A_195 : i32 to vector<16xi32>
      %add3A_197 = vector.broadcast %reduce_max3A_194 : i32 to vector<16xi32>
      %add3A_198 = arith.addi %broadcast_in_dim3A_196, %add3A_197 : vector<16xi32>
      %swap3A_199 = arith.constant 0 : index
      %swap3A_200 = tpu.vector_load %arg11[%swap3A_199] {strides = array<i32>} : memref<16xi32, #tpu.memory_space<vmem>>, vector<16xi32>,
      tpu.vector_store %arg11[%swap3A_199], %add3A_198 {strides = array<i32>} : memref<16xi32, #tpu.memory_space<vmem>>, vector<16xi32>,
      "tpu.region"() ({
        %run_scoped3A = tpu.sem_alloc : memref<!tpu.dma_semaphore, #tpu.memory_space<semaphore_mem>>
        tpu.enqueue_dma source(%arg11 : memref<16xi32, #tpu.memory_space<vmem>>) target(%arg5 : memref<16xi32, #tpu.memory_space<hbm>>) target_semaphore(%run_scoped3A : memref<!tpu.dma_semaphore, #tpu.memory_space<semaphore_mem>>)
        tpu.wait_dma2 semaphore(%run_scoped3A : memref<!tpu.dma_semaphore, #tpu.memory_space<semaphore_mem>>) src(%arg11 : memref<16xi32, #tpu.memory_space<vmem>>) dst(%arg5 : memref<16xi32, #tpu.memory_space<hbm>>)
        tpu.yield
      }) : () -> ()
    } else {
    }
    return
  }
}

module attributes {stable_mosaic.version = 14 : i64} {
  func.func @_tc_body(%arg0: i32, %arg1: memref<4x32x1024xf32, #tpu.memory_space<vmem>>, %arg2: memref<32x1024xf32, #tpu.memory_space<vmem>>, %arg3: memref<1x1024xf32, #tpu.memory_space<vmem>>, %arg4: memref<1024x1024xf32, #tpu.memory_space<vmem>>, %arg5: memref<1024x2048xf32, #tpu.memory_space<vmem>>, %arg6: memref<4x32x1024xf32, #tpu.memory_space<vmem>>, %arg7: memref<1x2048xf32, #tpu.memory_space<vmem>>, %arg8: memref<1x1024xf32, #tpu.memory_space<vmem>>) attributes {dimension_semantics = [#tpu.dimension_semantics<arbitrary>], iteration_bounds = array<i64: 49>, scalar_prefetch = 0 : i64, scratch_operands = 1 : i64, tpu.core_type = #tpu.core_type<tc>, window_params = [{pipeline_mode = #tpu.pipeline_mode<synchronous>, transform_indices = @transform_0, window_bounds = array<i64: 4, 32, 1024>}, {pipeline_mode = #tpu.pipeline_mode<synchronous>, transform_indices = @transform_1, window_bounds = array<i64: 32, 1024>}, {pipeline_mode = #tpu.pipeline_mode<synchronous>, transform_indices = @transform_2, window_bounds = array<i64: 1, 1024>}, {pipeline_mode = #tpu.pipeline_mode<synchronous>, transform_indices = @transform_3, window_bounds = array<i64: 1024, 1024>}, {transform_indices = @transform_4, window_bounds = array<i64: 1024, 2048>}, {pipeline_mode = #tpu.pipeline_mode<synchronous>, transform_indices = @transform_5, window_bounds = array<i64: 4, 32, 1024>}, {transform_indices = @transform_6, window_bounds = array<i64: 1, 2048>}]} {
    %eq3A = arith.constant 0 : i32
    %eq3A_0 = arith.cmpi eq, %arg0, %eq3A : i32
    %convert_element_type3A = arith.extui %eq3A_0 : i1 to i32
    %cond3A = arith.constant 0 : i32
    %cond3A_1 = arith.cmpi ne, %convert_element_type3A, %cond3A : i32
    scf.if %cond3A_1 {
      %get3A_14 = arith.constant 0 : index
      %get3A_15 = arith.constant 0 : index
      %get3A_16 = arith.constant 0 : index
      %get3A_17 = vector.load %arg1[%get3A_14, %get3A_15, %get3A_16] : memref<4x32x1024xf32, #tpu.memory_space<vmem>>, vector<4x32x1024xf32>
      %reduce_sum3A = arith.constant dense<0.000000e+00> : vector<32x1024xf32>
      %reduce_sum3A_18 = vector.multi_reduction <add>, %get3A_17, %reduce_sum3A [0] : vector<4x32x1024xf32> to vector<32x1024xf32>
      %get3A_19 = arith.constant 0 : index
      %get3A_20 = arith.constant 0 : index
      %get3A_21 = vector.load %arg2[%get3A_19, %get3A_20] : memref<32x1024xf32, #tpu.memory_space<vmem>>, vector<32x1024xf32>
      %mul3A_22 = arith.constant 1.250000e-01 : f32
      %mul3A_23 = vector.broadcast %mul3A_22 : f32 to vector<32x1024xf32>
      %mul3A_24 = arith.mulf %get3A_21, %mul3A_23 : vector<32x1024xf32>
      %add3A_25 = arith.addf %mul3A_24, %reduce_sum3A_18 : vector<32x1024xf32>
      %get3A_26 = arith.constant 0 : index
      %get3A_27 = arith.constant 0 : index
      %get3A_28 = vector.load %arg4[%get3A_26, %get3A_27] : memref<1024x1024xf32, #tpu.memory_space<vmem>>, vector<1024x1024xf32>
      %dot_general3A_29 = arith.constant dense<0.000000e+00> : vector<32x1024xf32>
      %dot_general3A_30 = tpu.matmul %add3A_25, %get3A_28, %dot_general3A_29 {dimension_numbers = #tpu.dot_dimension_numbers<[1], [0], [0], [1], [0, 0, 1, 1], [], []>, transpose_lhs_hint = false} : vector<32x1024xf32>, vector<1024x1024xf32>, vector<32x1024xf32> -> vector<32x1024xf32>
      %broadcast_in_dim3A_31 = vector.shape_cast %dot_general3A_30 : vector<32x1024xf32> to vector<1x32x1024xf32>
      %add3A_32 = vector.broadcast %broadcast_in_dim3A_31 : vector<1x32x1024xf32> to vector<4x32x1024xf32>
      %add3A_33 = arith.addf %add3A_32, %get3A_17 : vector<4x32x1024xf32>
      %tanh3A = math.tanh %add3A_33 : vector<4x32x1024xf32>
      %swap3A_34 = arith.constant 0 : index
      %swap3A_35 = arith.constant 0 : index
      %swap3A_36 = arith.constant 0 : index
      %swap3A_37 = vector.load %arg6[%swap3A_34, %swap3A_35, %swap3A_36] : memref<4x32x1024xf32, #tpu.memory_space<vmem>>, vector<4x32x1024xf32>
      tpu.vector_store %arg6[%swap3A_34, %swap3A_35, %swap3A_36], %tanh3A {strides = array<i32>} : memref<4x32x1024xf32, #tpu.memory_space<vmem>>, vector<4x32x1024xf32>,
      %get3A_38 = arith.constant 0 : index
      %get3A_39 = arith.constant 0 : index
      %get3A_40 = vector.load %arg3[%get3A_38, %get3A_39] : memref<1x1024xf32, #tpu.memory_space<vmem>>, vector<1x1024xf32>
      %slice3A = vector.extract_strided_slice %reduce_sum3A_18 {offsets = [0, 0], sizes = [1, 1024], strides = [1, 1]} : vector<32x1024xf32> to vector<1x1024xf32>
      %add3A_41 = arith.addf %get3A_40, %slice3A : vector<1x1024xf32>
      %swap3A_42 = arith.constant 0 : index
      %swap3A_43 = arith.constant 0 : index
      %swap3A_44 = vector.load %arg8[%swap3A_42, %swap3A_43] : memref<1x1024xf32, #tpu.memory_space<vmem>>, vector<1x1024xf32>
      tpu.vector_store %arg8[%swap3A_42, %swap3A_43], %add3A_41 {strides = array<i32>} : memref<1x1024xf32, #tpu.memory_space<vmem>>, vector<1x1024xf32>,
    } else {
    }
    %get3A = arith.constant 0 : index
    %get3A_2 = arith.constant 0 : index
    %get3A_3 = vector.load %arg8[%get3A, %get3A_2] : memref<1x1024xf32, #tpu.memory_space<vmem>>, vector<1x1024xf32>
    %get3A_4 = arith.constant 0 : index
    %get3A_5 = arith.constant 0 : index
    %get3A_6 = vector.load %arg5[%get3A_4, %get3A_5] : memref<1024x2048xf32, #tpu.memory_space<vmem>>, vector<1024x2048xf32>
    %dot_general3A = arith.constant dense<0.000000e+00> : vector<1x2048xf32>
    %dot_general3A_7 = tpu.matmul %get3A_3, %get3A_6, %dot_general3A {dimension_numbers = #tpu.dot_dimension_numbers<[1], [0], [0], [1], [0, 0, 1, 1], [], []>, transpose_lhs_hint = false} : vector<1x1024xf32>, vector<1024x2048xf32>, vector<1x2048xf32> -> vector<1x2048xf32>
    %mul3A = arith.constant 2048 : i32
    %mul3A_8 = arith.muli %arg0, %mul3A : i32
    %iota3A = tpu.iota {dimensions = array<i32: 1>} : vector<1x2048xi32>
    %add3A = vector.broadcast %mul3A_8 : i32 to vector<1x2048xi32>
    %add3A_9 = arith.addi %add3A, %iota3A : vector<1x2048xi32>
    %lt3A = arith.constant 100000 : i32
    %lt3A_10 = vector.broadcast %lt3A : i32 to vector<1x2048xi32>
    %lt3A_11 = arith.cmpi slt, %add3A_9, %lt3A_10 : vector<1x2048xi32>
    %jit3A = arith.constant -3.000000e+38 : f32
    %broadcast_in_dim3A = vector.broadcast %jit3A : f32 to vector<1x2048xf32>
    %select_n3A = arith.select %lt3A_11, %dot_general3A_7, %broadcast_in_dim3A : vector<1x2048xi1>, vector<1x2048xf32>
    %swap3A = arith.constant 0 : index
    %swap3A_12 = arith.constant 0 : index
    %swap3A_13 = vector.load %arg7[%swap3A, %swap3A_12] : memref<1x2048xf32, #tpu.memory_space<vmem>>, vector<1x2048xf32>
    tpu.vector_store %arg7[%swap3A, %swap3A_12], %select_n3A {strides = array<i32>} : memref<1x2048xf32, #tpu.memory_space<vmem>>, vector<1x2048xf32>,
    return
  }
  func.func @transform_0(%arg0: i32) -> (i32, i32, i32) {
    %c0_i32 = arith.constant 0 : i32
    %c0_i32_0 = arith.constant 0 : i32
    %c0_i32_1 = arith.constant 0 : i32
    %c0_i32_2 = arith.constant 0 : i32
    return %c0_i32, %c0_i32_0, %c0_i32_1 : i32, i32, i32
  }
  func.func @transform_1(%arg0: i32) -> (i32, i32) {
    %c0_i32 = arith.constant 0 : i32
    %c0_i32_0 = arith.constant 0 : i32
    %c0_i32_1 = arith.constant 0 : i32
    return %c0_i32, %c0_i32_0 : i32, i32
  }
  func.func @transform_2(%arg0: i32) -> (i32, i32) {
    %c0_i32 = arith.constant 0 : i32
    %c0_i32_0 = arith.constant 0 : i32
    %c0_i32_1 = arith.constant 0 : i32
    return %c0_i32, %c0_i32_0 : i32, i32
  }
  func.func @transform_3(%arg0: i32) -> (i32, i32) {
    %c0_i32 = arith.constant 0 : i32
    %c0_i32_0 = arith.constant 0 : i32
    %c0_i32_1 = arith.constant 0 : i32
    return %c0_i32, %c0_i32_0 : i32, i32
  }
  func.func @transform_4(%arg0: i32) -> (i32, i32) {
    %c0_i32 = arith.constant 0 : i32
    %c0_i32_0 = arith.constant 0 : i32
    return %c0_i32, %arg0 : i32, i32
  }
  func.func @transform_5(%arg0: i32) -> (i32, i32, i32) {
    %c0_i32 = arith.constant 0 : i32
    %c0_i32_0 = arith.constant 0 : i32
    %c0_i32_1 = arith.constant 0 : i32
    %c0_i32_2 = arith.constant 0 : i32
    return %c0_i32, %c0_i32_0, %c0_i32_1 : i32, i32, i32
  }
  func.func @transform_6(%arg0: i32) -> (i32, i32) {
    %c0_i32 = arith.constant 0 : i32
    %c0_i32_0 = arith.constant 0 : i32
    return %c0_i32, %arg0 : i32, i32
  }
}

</mosaic_0001>

<sc_bundles>
// kernel: kernel.12.cloned.1.call-start
scs
__scs_entry_jumppad:
0x0: {  	(pc) =	sbr.rel $0x88, $3  }
0x1: {  	(tag) =	ssettag $0x0;
	lr =	simm.s32 $0x1  }
0x2: {  	[smem:$0x3F9C] =	sst lr;
	_ =	strace $0xD0000000  }
0x3: {  	_ = 	snop  }
0x4: {  	_ = 	snop  }
0x5: {  	_ = 	snop  }
0x6: {  	_ = 	snop  }
0x7: {  	_ = 	snop  }
__scs_overlays_trampoline_lowered:
0x8: {  	[smem:$0x3FAB] =	sst s0  }
0x9: {  	[smem:$0x3FAC] =	sst s1  }
0xa: {  	[smem:$0x3FAD] =	sst s2  }
0xb: {  	[smem:$0x3FAE] =	sst s3  }
0xc: {  	[smem:$0x3FAF] =	sst s4  }
0xd: {  	[smem:$0x3FB0] =	sst s5  }
0xe: {  	[smem:$0x3FB1] =	sst s6  }
0xf: {  	[smem:$0x3FB2] =	sst s7  }
0x10: {  	[smem:$0x3FB3] =	sst s8  }
0x11: {  	[smem:$0x3FB4] =	sst s9;
	s0 =	simm.s32 @!p0 $0x0  }
0x12: {  	s1 =	sld [smem:$0x3F9A];
	s0 =	simm.s32 @p0 $0x1  }
0x13: {  	[smem:$0x3FB5] =	sst s0;
	s0 =	simm.s32 @!p1 $0x0  }
0x14: {  	s2 =	sld [smem:$0x3F99];
	s0 =	simm.s32 @p1 $0x1  }
0x15: {  	[smem:$0x3FB6] =	sst s0;
	s0 =	simm.s32 @!p2 $0x0  }
0x16: {  	s3 =	sld [smem:$0x3FDB];
	s0 =	simm.s32 @p2 $0x1  }
0x17: {  	s4 =	simm.s32 $0x1BF5;
	[smem:$0x3FB8] =	sst s0  }
0x18: {  	s0 =	sld [smem:$0x3F9B];
	_ =	swait.ge [sflag:s4], $0x0  }
0x19: {  	s7 =	sld [smem:$0x3F9C]  }
0x1a: {  	s8 =	sadd.s32 $0xFFFFE003, lr  }
0x1b: {  	s9 =	sadd.s32 $0xFFFFFEF7, lr;
	s5 =	simm.s32 $0xFFFFFFFF;
	p2 =	slt.u32 s8, $0xFFFFF086  }
0x1c: {  	p1 =	slt.u32 s9, $0xF7A;
	s5 =	simm.s32 @!p2 $0x0  }
0x1d: {  	s5 =	simm.s32 @p1 $0x1;
	p0 =	seq.s32 s7, s2  }
0x1e: {  	s7 =	smul.u32 @!p0 $0xF7A, s2;
	p2 =	seq.s32 @!p0 s5, $0x0  }
0x1f: {  	s9 =	smul.u32 $0xF7A, s1;
	s8 =	simm.s32 @!p0 $0x1BF5;
	p2 =	por !p2, p0  }
0x20: {  	[sflag:s8] =	ssyncset.s32 @!p0 $0xFFFFF086;
	s6 =	sadd.s32 @!p0 s3, s7;
	s7 =	simm.s32 @!p0 $0x108  }
0x21: {  	s3 =	sadd.s32 s3, s9;
	s6 =	sadd.s32 @!p0 $0x88, s6;
	s7 =	simm.s32 @p2 $0x1082  }
0x22: {  	[simem:s7], [sflag:s8] =	dma.local @!p0 [hbm:s6], $0xF7A  }
0x23: {  	s9 =	sor.u32 $0xD0000000, s2;
	s6 =	simm.s32 $0x108;
	_ =	swait.ge @!p0 [sflag:s8], $0x0  }
0x24: {  	s3 =	sadd.s32 $0x88, s3;
	s6 =	simm.s32 @!p1 $0x1082;
	[sflag:s4] =	ssyncset.s32 $0xFFFFF086  }
0x25: {  	[simem:s6], [sflag:s4] =	dma.local [hbm:s3], $0xF7A  }
0x26: {  	[smem:$0x3F9C] =	sst s1;
	(tag) =	ssettag s2;
	_ =	strace s9  }
0x27: {  	s1 =	sld [smem:$0x3FAC]  }
0x28: {  	s2 =	sld [smem:$0x3FAD]  }
0x29: {  	s4 =	sld [smem:$0x3FAF]  }
0x2a: {  	p0 =	seq.s32 s5, $0x0;
	s5 =	sld [smem:$0x3FB0]  }
0x2b: {  	s6 =	sld [smem:$0x3FB1]  }
0x2c: {  	s7 =	sld [smem:$0x3FB2]  }
0x2d: {  	s3 =	simm.s32 $0x108;
	s8 =	sld [smem:$0x3FB3]  }
0x2e: {  	s3 =	simm.s32 @!p0 $0x1082;
	s9 =	sld [smem:$0x3FB4]  }
0x2f: {  	lr =	sadd.s32 s0, s3;
	s0 =	sld [smem:$0x3FAB]  }
0x30: {  	s3 =	sld [smem:$0x3FAE]  }
0x31: {  	[smem:$0x3FB7] =	sst s10  }
0x32: {  	s10 =	sld [smem:$0x3FB5];
	_ =	sdelay $0x3  }
0x33: {  	p0 =	seq.s32 s10, $0x1;
	s10 =	sld [smem:$0x3FB7];
	_ =	sdelay $0x3  }
0x34: {  	[smem:$0x3FB7] =	sst s10  }
0x35: {  	s10 =	sld [smem:$0x3FB6];
	_ =	sdelay $0x3  }
0x36: {  	p1 =	seq.s32 s10, $0x1;
	s10 =	sld [smem:$0x3FB7];
	_ =	sdelay $0x3  }
0x37: {  	[smem:$0x3FB7] =	sst s10  }
0x38: {  	s10 =	sld [smem:$0x3FB8]  }
0x39: {  	_ = 	snop;
	(pc) =	sbr.ind lr, $3  }
0x3a: {  	_ = 	snop  }
0x3b: {  	_ = 	snop  }
0x3c: {  	p2 =	seq.s32 s10, $0x1;
	s10 =	sld [smem:$0x3FB7]  }
0x3d: {  	_ =	shalt  }
0x3e: {  	_ =	shalt  }
0x3f: {  	_ =	shalt  }
0x40: {  	_ =	shalt  }
0x41: {  	_ =	shalt  }
0x42: {  	_ =	shalt  }
0x43: {  	_ =	shalt  }
0x44: {  	_ =	shalt  }
0x45: {  	_ =	shalt  }
0x46: {  	_ =	shalt  }
0x47: {  	_ =	shalt  }
0x48: {  	_ =	shalt  }
0x49: {  	_ =	shalt  }
0x4a: {  	_ =	shalt  }
0x4b: {  	_ =	shalt  }
0x4c: {  	_ =	shalt  }
0x4d: {  	_ =	shalt  }
0x4e: {  	_ =	shalt  }
0x4f: {  	_ =	shalt  }
0x50: {  	_ =	shalt  }
0x51: {  	_ =	shalt  }
0x52: {  	_ =	shalt  }
0x53: {  	_ =	shalt  }
0x54: {  	_ =	shalt  }
0x55: {  	_ =	shalt  }
0x56: {  	_ =	shalt  }
0x57: {  	_ =	shalt  }
0x58: {  	_ =	shalt  }
0x59: {  	_ =	shalt  }
0x5a: {  	_ =	shalt  }
0x5b: {  	_ =	shalt  }
0x5c: {  	_ =	shalt  }
0x5d: {  	_ =	shalt  }
0x5e: {  	_ =	shalt  }
0x5f: {  	_ =	shalt  }
0x60: {  	_ =	shalt  }
0x61: {  	_ =	shalt  }
0x62: {  	_ =	shalt  }
0x63: {  	_ =	shalt  }
0x64: {  	_ =	shalt  }
0x65: {  	_ =	shalt  }
0x66: {  	_ =	shalt  }
0x67: {  	_ =	shalt  }
0x68: {  	_ =	shalt  }
0x69: {  	_ =	shalt  }
0x6a: {  	_ =	shalt  }
0x6b: {  	_ =	shalt  }
0x6c: {  	_ =	shalt  }
0x6d: {  	_ =	shalt  }
0x6e: {  	_ =	shalt  }
0x6f: {  	_ =	shalt  }
0x70: {  	_ =	shalt  }
0x71: {  	_ =	shalt  }
0x72: {  	_ =	shalt  }
0x73: {  	_ =	shalt  }
0x74: {  	_ =	shalt  }
0x75: {  	_ =	shalt  }
0x76: {  	_ =	shalt  }
0x77: {  	_ =	shalt  }
0x78: {  	_ =	shalt  }
0x79: {  	_ =	shalt  }
0x7a: {  	_ =	shalt  }
0x7b: {  	_ =	shalt  }
0x7c: {  	_ =	shalt  }
0x7d: {  	_ =	shalt  }
0x7e: {  	_ =	shalt  }
0x7f: {  	_ =	shalt  }
0x80: {  	_ =	shalt  }
0x81: {  	_ =	shalt  }
0x82: {  	_ =	shalt  }
0x83: {  	_ =	shalt  }
0x84: {  	_ =	shalt  }
0x85: {  	_ =	shalt  }
0x86: {  	_ =	shalt  }
0x87: {  	_ =	shalt  }
.Lfunc_end0:
.L_simem_size_0:
called_computation.2_lowered:
.L_overlay_start_0:
0x88: {  	s2 =	sld [smem:$0x3FD9]  }
0x89: {  	s3 =	sld [smem:$0x3FFE];
	_ =	sdelay $0x1  }
0x8a: {  	s1 =	srdreg.scid  }
0x8b: {  	s0 =	sand.u32 $0x1, s1  }
0x8c: {  	s14 =	sshll.u32 s0, $0xA;
	s2 =	sadd.s32 s3, s2  }
0x8d: {  	s2 =	sadd.s32 s2, s14  }
0x8e: {  	[smem:$0x3FC3] =	sst s2  }
0x8f: {  	_ = 	snop  }
0x90: {  	s2 =	sld [smem:$0x3FD0];
	_ =	sdelay $0x2  }
0x91: {  	s15 =	simm.s32 $0xA;
	s4 =	simm.s32 $0x10  }
0x92: {  	[smem:s4], [sflag:s15] =	dma.local [hbm:s2], $0x1  }
0x93: {  	_ =	swait.eq [sflag:s15], $0x1  }
0x94: {  	[sflag:s15] =	ssyncset.done $0x0  }
0x95: {  	[sflag:s15] =	ssyncadd.s32 $0xFFFFFFFF  }
0x96: {  	s16 =	sld [smem:$0x10];
	(tm) =	ssettm $0x1  }
0x97: {  	s17 =	sld [smem:$0x3FFB];
	_ =	sdelay $0x3  }
0x98: {  	_ =	strace s17  }
0x99: {  	s3 =	sld [smem:$0x3FFC];
	_ =	sdelay $0x3  }
0x9a: {  	_ =	strace s3  }
0x9b: {  	s3 =	sld [smem:$0x3FFD];
	_ =	sdelay $0x3  }
0x9c: {  	_ =	strace s3  }
0x9d: {  	_ =	strace $0x8FFFFFFF  }
0x9e: {  	s18 =	sld [smem:$0x3FDB];
	_ =	sdelay $0x1  }
0x9f: {  	s19 =	simm.s32 $_scs_section_size  }
0xa0: {  	s5 =	simm.s32 $_size__tile_overlayer_lowered;
	s6 =	simm.s32 $_tile_overlayer_lowered  }
0xa1: {  	s22 =	simm.s32 $0x1BFF;
	s21 =	sshll.u32 s6, $0x1;
	s3 =	sadd.s32 s19, s18  }
0xa2: {  	s7 =	simm.s32 $0x0;
	s20 =	sshll.u32 s5, $0x1;
	s5 =	sadd.s32 s21, s3  }
0xa3: {  	[timem:s7], [sflag:s22] =	dma.local [hbm:s5], s20  }
0xa4: {  	_ =	swait.ge [sflag:s22], s20  }
0xa5: {  	s4 =	ssub.s32 $0x0, s20;
	[sflag:s22] =	ssyncset.done $0x0  }
0xa6: {  	[sflag:s22] =	ssyncadd.s32 s4;
	_ =	sdelay $0x1  }
0xa7: {  	s23 =	simm.s32 $0x1B8B  }
0xa8: {  	_ =	swait.ge [sflag:s23], $0x1  }
0xa9: {  	[sflag:s23] =	ssyncset.done $0x0  }
0xaa: {  	s25 =	simm.s32 $0x1B8E;
	s24 =	sld [smem:$0x3FFE];
	[sflag:s23] =	ssyncadd.s32 $0xFFFFFFFF  }
0xab: {  	s26 =	simm.s32 $execute0_lowered;
	[smem:$0x3FD2] =	sst s25  }
0xac: {  	s5 =	sshll.u32 s26, $0x1;
	_ =	strace $0x8000004C;
	[dreg:$0x1] =	wrdreg $0xFFFFFFFF  }
0xad: {  	s28 =	simm.s32 $_size_execute0_lowered;
	s3 =	sadd.s32 s3, s5;
	[dreg:$0x0] =	wrdreg $0x0  }
0xae: {  	s5 =	sshll.u32 s28, $0x1;
	[dreg:$0x2] =	wrdreg s3  }
0xaf: {  	[dreg:$0x3] =	wrdreg s5  }
0xb0: {  	[dreg:$0x4] =	wrdreg $0xC0  }
0xb1: {  	_ =	task [dreg:s7], $0x5FFFF  }
0xb2: {  	[dreg:$0x1] =	wrdreg $0xFFFFFFFF  }
0xb3: {  	[dreg:$0x0] =	wrdreg $0x60  }
0xb4: {  	[dreg:$0x2] =	wrdreg s24  }
0xb5: {  	[dreg:$0x3] =	wrdreg s16  }
0xb6: {  	[dreg:$0x4] =	wrdreg $0x9  }
0xb7: {  	_ =	task.clear_ibuf [dreg:s7], $0x5FFFF;
	_ =	strace $0x9000004C  }
0xb8: {  	s29 =	simm.s32 $0x9;
	_ =	strace $0x8000004E  }
0xb9: {  	_ =	swait.ge [sflag:s29], $0x1  }
0xba: {  	[sflag:s29] =	ssyncadd.s32 $0xFFFFFFFF  }
0xbb: {  	_ =	strace $0x9000004E  }
0xbc: {  	_ =	sfence  }
0xbd: {  	s30 =	sld [smem:$0x0];
	_ =	sdelay $0x2  }
0xbe: {  	s31 =	sshll.u32 s1, $0xD;
	s1 =	sshrl.u32 s1, $0x2  }
0xbf: {  	s3 =	sand.u32 $0x4000, s31;
	s1 =	sadd.s32 s1, s30  }
0xc0: {  	s0 =	sor.u32 s3, s0;
	s1 =	sshll.u32 s1, $0x11  }
0xc1: {  	s0 =	sor.u32 s1, s0  }
0xc2: {  	s0 =	sadd.s32 $0x8F2B, s0  }
0xc3: {  	[sflag:s0] =	ssyncadd.remote.s32 $0x1  }
0xc4: {  	_ =	sfence.sel $0xFFFF  }
0xc5: {  	[dreg:$0x0] =	wrdreg $0xFFFFFFFF;
	(pc) =	sbr.abs _section_cstart, $3  }
0xc6: {  	[dreg:$0x1] =	wrdreg $0xFFFFFFFF  }
0xc7: {  	_ =	task.clear_ibuf [dreg:s7], $0x2FFFF;
	_ =	strace $0x9FFFFFFF  }
0xc8: {  	(tm) =	ssettm $0x7FFFFFFF  }
0xc9: {  	_ =	shalt  }
tec
execute0_lowered:
.L_overlay_start_1:
0x0: {  	(tag) =	ssettag $0x1  }
0x1: {  	s0 =	srdreg.scid  }
0x2: {  	s3 =	sand.u32 $0x1, s0;
	s0 =	stileid.u32  }
0x3: {  	s4 =	sshll.u32 s0, $0x1;
	s6 =	ssub.s32 $0x0, s3  }
0x4: {  	p0 =	sne.s32 s4, s6  }
.Ltmp0:
0x5: {  	_ = 	snop;
	(pc) =	sbr.rel @p0 .LBB2_7-.Ltmp0, $4  }
0x6: {  	_ = 	snop  }
0x7: {  	s5 =	rddreg [dreg:$0x0]  }
0x8: {  	s2 =	rddreg [dreg:$0x1]  }
0x9: {  	s1 =	rddreg [dreg:$0x2];
	_ =	strace $0x8000004D  }
0xa: {  	s4 =	ssub.s32 $0x2, s3  }
0xb: {  	s3 =	sadd.s32 $0x2000, s5;
	s7 =	simm.s32 $0x0;
	s8 =	simm.s32 $0x800  }
0xc: {  	v0 =	vlaneseq.u32;
	s9 =	simm.s32 $0x1100;
	v1 =	vimm.f32 $-3.000000010e+38;
	s10 =	simm.s32 $0x1;
	s6 =	sshrl.u32 s4, $0x1  }
0xd: {  	s11 =	simm.s32 $0x1180;
	s12 =	simm.s32 $0x0;
	v3 =	vor.u32 $0x80000030, v0;
	v4 =	vor.u32 $0x80000000, v0;
	s6 =	ssub.s32 s4, s6  }
0xe: {  	v2 =	vimm.s32 $0x0;
	v5 =	vor.u32 $0x80000020, v0;
	v6 =	vor.u32 $0x80000010, v0;
	s4 =	sadd.s32 $0x2200, s5;
	s5 =	sadd.s32 $0x5600, s5;
	s6 =	smax.u32 s6, $0x1  }
.LBB2_2:
0xf: {  	[tilespmem:s7], [sflag:$0x1] =	stream.linear.gather [hbm4b:s3+s7], $0x800, $0x38;
	[tilespmem:$0x1200] =	vst v63  }
0x10: {  	_ =	swait.ge [sflag:s10], $0x800  }
0x11: {  	[sflag:s10] =	ssyncset.done $0x0  }
0x12: {  	[sflag:s10] =	ssyncadd.s32 $0xFFFFF800  }
0x13: {  	[tilespmem:s8], [sflag:$0x1] =	stream.linear.gather [hbm4b:s4+s7], $0x800, $0x38;
	[tilespmem:$0x1200] =	vst v63  }
0x14: {  	_ =	swait.ge [sflag:s10], $0x800  }
0x15: {  	[sflag:s10] =	ssyncset.done $0x0  }
0x16: {  	[sflag:s10] =	ssyncadd.s32 $0xFFFFF800  }
0x17: {  	[tilespmem:s9], [sflag:$0x1] =	stream.linear.gather [hbm4b:s5+s7], $0x80, $0x38;
	[tilespmem:$0x1200] =	vst v63  }
0x18: {  	_ =	swait.ge [sflag:s10], $0x80  }
0x19: {  	[sflag:s10] =	ssyncset.done $0x0  }
0x1a: {  	[sflag:s10] =	ssyncadd.s32 $0xFFFFFF80  }
0x1b: {  	[tilespmem:$0x1000] =	vst v1  }
0x1c: {  	[tilespmem:$0x1080] =	vst v2  }
0x1d: {  	[tilespmem:$0x1010] =	vst v1  }
0x1e: {  	[tilespmem:$0x1090] =	vst v2  }
0x1f: {  	[tilespmem:$0x1020] =	vst v1  }
0x20: {  	[tilespmem:$0x10A0] =	vst v2  }
0x21: {  	[tilespmem:$0x1030] =	vst v1  }
0x22: {  	s13 =	simm.s32 $0x0;
	[tilespmem:$0x10B0] =	vst v2  }
.LBB2_3:
0x23: {  	s14 =	simm.s32 $0x0  }
0x24: {  	v8 =	vld [tilespmem:s14+$0x0];
	_ =	sdelay $0x3  }
0x25: {  	v9 =	vimm.f32 $-3.000000010e+38  }
0x26: {  	v7 =	vimm.s32 $0x0;
	s15 =	simm.s32 $0x1;
	s16 =	simm.s32 $0x10;
	vm0 =	vgt.f32 v8, v9  }
.LBB2_4:
0x27: {  	p0 =	sne.s32 s15, $0x7F;
	v9 =	vsel vm0, v8, v9;
	v8 =	vld [tilespmem:s16+$0x0];
	v7 =	vsel vm0, s14, v7;
	s14 =	smov.u32 s15;
	s15 =	sadd.s32 $0x1, s15  }
.Ltmp1:
0x28: {  	(pc) =	sbr.rel @p0 .LBB2_4-.Ltmp1, $2  }
0x29: {  	_ =	sdelay $0x2  }
0x2a: {  	s16 =	sadd.s32 $0x10, s16;
	vm0 =	vgt.f32 v8, v9  }
0x2b: {  	v8 =	vsel vm0, v8, v9  }
0x2c: {  	(xrf0) =	vmax.scan.msk.f32 $0xffff, v8;
	_ =	sdelay $0x5  }
0x2d: {  	v63, _, _ =	vpop (xrf0)  }
0x2e: {  	v7 =	vsel vm0, s14, v7;
	v9 =	vbroadcast v63, $0xF  }
0x2f: {  	v7 =	vshll.u32 v7, $0x4  }
0x30: {  	v7 =	vxor.u32 v4, v7;
	vm14 =	veq.f32 v8, v9  }
0x31: {  	v7 =	vnsel vm14, $0xC0000000, v7  }
0x32: {  	(xrf0) =	vmin.scan.msk.u32 $0xffff, v7;
	_ =	sdelay $0x5  }
0x33: {  	v7, _, _ =	vpop (xrf0)  }
0x34: {  	(v2sf) =	vpush v7, $0xF;
	_ =	sdelay $0xe  }
0x35: {  	s29 =	spop (v2sf)  }
0x36: {  	s15 =	sxor.u32 $0x80000000, s29  }
0x37: {  	s16 =	sshra.s32 s15, $0x1F  }
0x38: {  	s16 =	sshrl.u32 s16, $0x1C  }
0x39: {  	s17 =	sand.u32 $0x30, s13;
	s16 =	sadd.s32 s16, s15  }
0x3a: {  	v7 =	vld [tilespmem:s17+$0x1000];
	p1 =	sgt.s32 s29, $0xFFFFFFFF;
	p0 =	slt.s32 s15, $0x1;
	s18 =	sand.u32 $0xFFFFFFF0, s16  }
0x3b: {  	p0 =	por p1, p0;
	p6 =	sne.s32 s15, s18  }
0x3c: {  	s30 =	sand.u32 $0xF, s13;
	p0 =	por !p0, !p6  }
0x3d: {  	v8 =	vmov s30;
	s15 =	simm.s32 $0x1;
	p0 =	por !p0, !p0  }
0x3e: {  	vm15 =	veq.s32 v8, v0;
	s16 =	sshrl.u32 s16, $0x4;
	s15 =	simm.s32 @!p0 $0x0  }
0x3f: {  	v7 =	vsel vm15, v9, v7;
	s15 =	ssub.s32 s16, s15  }
0x40: {  	[tilespmem:s17+$0x1000] =	vst v7;
	s15 =	sshll.u32 s15, $0x4  }
0x41: {  	v7 =	vld [tilespmem:s15+$0x800];
	_ =	sdelay $0x2  }
0x42: {  	s14 =	sand.u32 $0xF, s29  }
0x43: {  	v8 =	vmov s14  }
0x44: {  	vm1 =	veq.s32 v8, v0;
	v7 =	vxor.u32 $0x80000000, v7  }
0x45: {  	v7 =	vnsel vm1, $0x7FFFFFFF, v7  }
0x46: {  	(xrf0) =	vmax.scan.msk.u32 $0xffff, v7;
	_ =	sdelay $0x5  }
0x47: {  	v7, _, _ =	vpop (xrf0)  }
0x48: {  	(v2sf) =	vpush v7, $0xF;
	_ =	sdelay $0xb  }
0x49: {  	v7 =	vld [tilespmem:s17+$0x1080];
	_ =	sdelay $0x2  }
0x4a: {  	s31 =	spop (v2sf)  }
0x4b: {  	s14 =	sxor.u32 $0x80000000, s31  }
0x4c: {  	v7 =	vsel vm15, s14, v7  }
0x4d: {  	[tilespmem:s17+$0x1080] =	vst v7  }
0x4e: {  	s13 =	sadd.s32 $0x1, s13;
	v7 =	vld [tilespmem:s15+$0x0]  }
0x4f: {  	p0 =	sne.s32 s13, $0x32  }
.Ltmp2:
0x50: {  	_ = 	snop;
	(pc) =	sbr.rel @p0 .LBB2_3-.Ltmp2, $3  }
0x51: {  	_ =	sdelay $0x1  }
0x52: {  	v7 =	vsel vm1, $0xFF61B1E6, v7  }
0x53: {  	[tilespmem:s15+$0x0] =	vst v7  }
0x54: {  	v7 =	vld [tilespmem:$0x1000];
	_ =	sdelay $0x4  }
0x55: {  	(xrf0) =	vmax.scan.msk.f32 $0xffff, v7;
	_ =	sdelay $0x4  }
0x56: {  	v8 =	vld [tilespmem:$0x1010]  }
0x57: {  	v9, _, _ =	vpop (xrf0)  }
0x58: {  	v10 =	vld [tilespmem:$0x1020];
	v9 =	vbroadcast v9, $0xF;
	_ =	sdelay $0x1  }
0x59: {  	v11 =	vld [tilespmem:$0x1030];
	v7 =	vsub.f32 v7, v9  }
0x5a: {  	v8 =	vsub.f32 v8, v9  }
0x5b: {  	v7 =	vmul.f32 $1.442695020e+00, v7  }
0x5c: {  	v10 =	vsub.f32 v10, v9;
	v8 =	vmul.f32 $1.442695020e+00, v8  }
0x5d: {  	(erf) = vpow2.f32 v7  }
0x5e: {  	v7 =	vmul.f32 $1.442695020e+00, v10;
	(erf) = vpow2.f32 v8;
	v8 =	vsub.f32 v11, v9;
	_ =	sdelay $0x1  }
0x5f: {  	(erf) = vpow2.f32 v7;
	v7 =	vmul.f32 $1.442695020e+00, v8;
	_ =	sdelay $0x1  }
0x60: {  	(erf) = vpow2.f32 v7;
	_ =	sdelay $0x3  }
0x61: {  	v7 =	vpop (erf)  }
0x62: {  	v8 =	vpop (erf)  }
0x63: {  	v55 =	vadd.f32 v8, v7  }
0x64: {  	v56 =	vpop (erf)  }
0x65: {  	v9 =	vadd.f32 v55, v56  }
0x66: {  	v57 =	vpop (erf)  }
0x67: {  	v9 =	vadd.f32 v9, v57;
	_ =	sdelay $0x1  }
0x68: {  	(xrf2) =	vadd.scan.msk.f32 $0xffff, v9;
	_ =	sdelay $0x9  }
0x69: {  	v9, _, _ =	vpop (xrf2)  }
0x6a: {  	v9 =	vbroadcast v9, $0xF;
	_ =	sdelay $0x1  }
0x6b: {  	(erf) = vrcp.f32 v9;
	_ =	sdelay $0x6  }
0x6c: {  	v58 =	vld [tilespmem:$0x1100]  }
0x6d: {  	v12 =	vld [tilespmem:$0x1110]  }
0x6e: {  	v14 =	vld [tilespmem:$0x1120];
	v13 =	vpop (erf)  }
0x6f: {  	v15 =	vld [tilespmem:$0x1130];
	v7 =	vmul.f32 v13, v7;
	v8 =	vmul.f32 v13, v8  }
0x70: {  	v10 =	vmul.f32 v13, v56;
	v11 =	vmul.f32 v13, v57  }
0x71: {  	v7 =	vadd.f32 $9.999999710e-10, v7;
	v8 =	vadd.f32 $9.999999710e-10, v8  }
0x72: {  	v10 =	vadd.f32 $9.999999710e-10, v10;
	v11 =	vadd.f32 $9.999999710e-10, v11  }
0x73: {  	v7 =	vmul.f32 v7, v58;
	v8 =	vmul.f32 v8, v12  }
0x74: {  	v59 =	vmul.f32 v10, v14;
	v60 =	vmul.f32 v11, v15;
	_ =	sdelay $0x1  }
0x75: {  	v61 =	vmax.f32 v7, v8;
	v62 =	vmax.f32 v59, v60  }
0x76: {  	v11 =	vmax.f32 v61, v62  }
0x77: {  	(xrf0) =	vmax.scan.msk.f32 $0xffff, v11;
	_ =	sdelay $0x5  }
0x78: {  	v11, _, _ =	vpop (xrf0)  }
0x79: {  	v11 =	vbroadcast v11, $0xF;
	_ =	sdelay $0x1  }
0x7a: {  	vm0 =	veq.f32 v60, v11  }
0x7b: {  	vm1 =	veq.f32 v59, v11;
	v63 =	vnsel vm0, $0xC0000000, v3  }
0x7c: {  	vm13 =	veq.f32 v8, v11;
	v8 =	vsel vm1, v5, v63  }
0x7d: {  	vm14 =	veq.f32 v7, v11;
	v7 =	vsel vm13, v6, v8  }
0x7e: {  	v7 =	vsel vm14, v4, v7  }
0x7f: {  	(xrf0) =	vmin.scan.msk.u32 $0xffff, v7;
	_ =	sdelay $0x5  }
0x80: {  	v7, _, _ =	vpop (xrf0)  }
0x81: {  	(v2sf) =	vpush v7, $0xF;
	_ =	sdelay $0xe  }
0x82: {  	s13 =	spop (v2sf)  }
0x83: {  	s14 =	sxor.u32 $0x80000000, s13  }
0x84: {  	s15 =	sshra.s32 s14, $0x1F  }
0x85: {  	s15 =	sshrl.u32 s15, $0x1C  }
0x86: {  	s15 =	sadd.s32 s15, s14  }
0x87: {  	p1 =	sgt.s32 s13, $0xFFFFFFFF;
	p0 =	slt.s32 s14, $0x1;
	s16 =	sand.u32 $0xFFFFFFF0, s15  }
0x88: {  	p0 =	por p1, p0;
	p6 =	sne.s32 s14, s16  }
0x89: {  	p0 =	por !p0, !p6  }
0x8a: {  	s14 =	simm.s32 $0x1;
	p0 =	por !p0, !p0  }
0x8b: {  	s15 =	sshrl.u32 s15, $0x4;
	s14 =	simm.s32 @!p0 $0x0  }
0x8c: {  	s14 =	ssub.s32 s15, s14  }
0x8d: {  	s14 =	sshll.u32 s14, $0x6  }
0x8e: {  	s14 =	sshra.s32 s14, $0x2  }
0x8f: {  	v7 =	vld [tilespmem:s14+$0x1080];
	_ =	sdelay $0x2  }
0x90: {  	s13 =	sand.u32 $0xF, s13  }
0x91: {  	v8 =	vmov s13  }
0x92: {  	vm15 =	veq.s32 v8, v0;
	v7 =	vxor.u32 $0x80000000, v7  }
0x93: {  	v7 =	vnsel vm15, $0x7FFFFFFF, v7  }
0x94: {  	(xrf0) =	vmax.scan.msk.u32 $0xffff, v7;
	_ =	sdelay $0x5  }
0x95: {  	v7, _, _ =	vpop (xrf0)  }
0x96: {  	(v2sf) =	vpush v7, $0xF;
	_ =	sdelay $0xe  }
0x97: {  	s31 =	spop (v2sf)  }
0x98: {  	s12 =	sadd.s32 $0x1, s12;
	s13 =	sxor.u32 $0x80000000, s31  }
0x99: {  	p0 =	sne.s32 s12, s6;
	v7 =	vmov s13  }
.Ltmp3:
0x9a: {  	[tilespmem:$0x1180] =	vst v7;
	(pc) =	sbr.rel @p0 .LBB2_2-.Ltmp3, $4  }
0x9b: {  	[hbm4b:s2+s7] =	stream.linear.scatter [tilespmem:s11], [sflag:$0x1], $0x80, $0x38;
	[tilespmem:$0x1200] =	vst v63  }
0x9c: {  	_ =	swait.ge [sflag:s10], $0x80  }
0x9d: {  	[sflag:s10] =	ssyncset.done $0x0  }
0x9e: {  	[sflag:s10] =	ssyncadd.s32 $0xFFFFFF80  }
.LBB2_7:
0x9f: {  	_ =	sfence.sel $0x180000  }
0xa0: {  	[bflag:$0x0] =	sbarrier.arrive $0xFFFF  }
0xa1: {  	p0 =	sne.s32 s0, $0x0;
	_ =	strace $0x9000004D  }
0xa2: {  	s0 =	sadd.s32 @!p0 $0x100000, s1;
	[bflag:$0x2] =	sbarrier.arrive $0xFFFF  }
0xa3: {  	[sflag:s0] =	ssyncadd.tile.s32 @!p0 $0x1;
	_ =	shalt  }
.Lfunc_end2:
_tile_overlayer_lowered:
.L_overlay_start_2:
0xa4: {  	(tag) =	ssettag $0x2  }
0xa5: {  	s0 =	rddreg [dreg:$0x0];
	s2 =	stileid.u32  }
0xa6: {  	s1 =	rddreg [dreg:$0x1];
	p0 =	sne.s32 s2, $0x0  }
0xa7: {  	s3 =	rddreg [dreg:$0x2];
	[bflag:$0x3] =	sbarrier.arrive $0xFFFF;
	s2 =	simm.s32 @!p0 $0x1C01  }
0xa8: {  	[timem:s3], [sflag:s2] =	dma.local @!p0 [hbm:s0], s1  }
0xa9: {  	s0 =	simm.s32 @!p0 $0x1  }
0xaa: {  	_ =	swait.ge @!p0 [sflag:s0], s1  }
0xab: {  	s1 =	ssub.s32 @!p0 $0x0, s1;
	[sflag:s0] =	ssyncset.done @!p0 $0x0  }
0xac: {  	[sflag:s0] =	ssyncadd.s32 @!p0 s1  }
0xad: {  	[bflag:$0x3] =	sbarrier.arrive $0xFFFF  }
0xae: {  	_ =	shalt  }

// kernel: kernel.6.cloned.1.call-start
scs
__scs_entry_jumppad:
0x0: {  	(pc) =	sbr.rel $0x88, $3  }
0x1: {  	(tag) =	ssettag $0x0;
	lr =	simm.s32 $0x1  }
0x2: {  	[smem:$0x3F9C] =	sst lr;
	_ =	strace $0xD0000000  }
0x3: {  	_ = 	snop  }
0x4: {  	_ = 	snop  }
0x5: {  	_ = 	snop  }
0x6: {  	_ = 	snop  }
0x7: {  	_ = 	snop  }
__scs_overlays_trampoline_lowered:
0x8: {  	[smem:$0x3FAB] =	sst s0  }
0x9: {  	[smem:$0x3FAC] =	sst s1  }
0xa: {  	[smem:$0x3FAD] =	sst s2  }
0xb: {  	[smem:$0x3FAE] =	sst s3  }
0xc: {  	[smem:$0x3FAF] =	sst s4  }
0xd: {  	[smem:$0x3FB0] =	sst s5  }
0xe: {  	[smem:$0x3FB1] =	sst s6  }
0xf: {  	[smem:$0x3FB2] =	sst s7  }
0x10: {  	[smem:$0x3FB3] =	sst s8  }
0x11: {  	[smem:$0x3FB4] =	sst s9;
	s0 =	simm.s32 @!p0 $0x0  }
0x12: {  	s1 =	sld [smem:$0x3F9A];
	s0 =	simm.s32 @p0 $0x1  }
0x13: {  	[smem:$0x3FB5] =	sst s0;
	s0 =	simm.s32 @!p1 $0x0  }
0x14: {  	s2 =	sld [smem:$0x3F99];
	s0 =	simm.s32 @p1 $0x1  }
0x15: {  	[smem:$0x3FB6] =	sst s0;
	s0 =	simm.s32 @!p2 $0x0  }
0x16: {  	s3 =	sld [smem:$0x3FDB];
	s0 =	simm.s32 @p2 $0x1  }
0x17: {  	s4 =	simm.s32 $0x1BF5;
	[smem:$0x3FB8] =	sst s0  }
0x18: {  	s0 =	sld [smem:$0x3F9B];
	_ =	swait.ge [sflag:s4], $0x0  }
0x19: {  	s7 =	sld [smem:$0x3F9C]  }
0x1a: {  	s8 =	sadd.s32 $0xFFFFE003, lr  }
0x1b: {  	s9 =	sadd.s32 $0xFFFFFEF7, lr;
	s5 =	simm.s32 $0xFFFFFFFF;
	p2 =	slt.u32 s8, $0xFFFFF086  }
0x1c: {  	p1 =	slt.u32 s9, $0xF7A;
	s5 =	simm.s32 @!p2 $0x0  }
0x1d: {  	s5 =	simm.s32 @p1 $0x1;
	p0 =	seq.s32 s7, s2  }
0x1e: {  	s7 =	smul.u32 @!p0 $0xF7A, s2;
	p2 =	seq.s32 @!p0 s5, $0x0  }
0x1f: {  	s9 =	smul.u32 $0xF7A, s1;
	s8 =	simm.s32 @!p0 $0x1BF5;
	p2 =	por !p2, p0  }
0x20: {  	[sflag:s8] =	ssyncset.s32 @!p0 $0xFFFFF086;
	s6 =	sadd.s32 @!p0 s3, s7;
	s7 =	simm.s32 @!p0 $0x108  }
0x21: {  	s3 =	sadd.s32 s3, s9;
	s6 =	sadd.s32 @!p0 $0x88, s6;
	s7 =	simm.s32 @p2 $0x1082  }
0x22: {  	[simem:s7], [sflag:s8] =	dma.local @!p0 [hbm:s6], $0xF7A  }
0x23: {  	s9 =	sor.u32 $0xD0000000, s2;
	s6 =	simm.s32 $0x108;
	_ =	swait.ge @!p0 [sflag:s8], $0x0  }
0x24: {  	s3 =	sadd.s32 $0x88, s3;
	s6 =	simm.s32 @!p1 $0x1082;
	[sflag:s4] =	ssyncset.s32 $0xFFFFF086  }
0x25: {  	[simem:s6], [sflag:s4] =	dma.local [hbm:s3], $0xF7A  }
0x26: {  	[smem:$0x3F9C] =	sst s1;
	(tag) =	ssettag s2;
	_ =	strace s9  }
0x27: {  	s1 =	sld [smem:$0x3FAC]  }
0x28: {  	s2 =	sld [smem:$0x3FAD]  }
0x29: {  	s4 =	sld [smem:$0x3FAF]  }
0x2a: {  	p0 =	seq.s32 s5, $0x0;
	s5 =	sld [smem:$0x3FB0]  }
0x2b: {  	s6 =	sld [smem:$0x3FB1]  }
0x2c: {  	s7 =	sld [smem:$0x3FB2]  }
0x2d: {  	s3 =	simm.s32 $0x108;
	s8 =	sld [smem:$0x3FB3]  }
0x2e: {  	s3 =	simm.s32 @!p0 $0x1082;
	s9 =	sld [smem:$0x3FB4]  }
0x2f: {  	lr =	sadd.s32 s0, s3;
	s0 =	sld [smem:$0x3FAB]  }
0x30: {  	s3 =	sld [smem:$0x3FAE]  }
0x31: {  	[smem:$0x3FB7] =	sst s10  }
0x32: {  	s10 =	sld [smem:$0x3FB5];
	_ =	sdelay $0x3  }
0x33: {  	p0 =	seq.s32 s10, $0x1;
	s10 =	sld [smem:$0x3FB7];
	_ =	sdelay $0x3  }
0x34: {  	[smem:$0x3FB7] =	sst s10  }
0x35: {  	s10 =	sld [smem:$0x3FB6];
	_ =	sdelay $0x3  }
0x36: {  	p1 =	seq.s32 s10, $0x1;
	s10 =	sld [smem:$0x3FB7];
	_ =	sdelay $0x3  }
0x37: {  	[smem:$0x3FB7] =	sst s10  }
0x38: {  	s10 =	sld [smem:$0x3FB8]  }
0x39: {  	_ = 	snop;
	(pc) =	sbr.ind lr, $3  }
0x3a: {  	_ = 	snop  }
0x3b: {  	_ = 	snop  }
0x3c: {  	p2 =	seq.s32 s10, $0x1;
	s10 =	sld [smem:$0x3FB7]  }
0x3d: {  	_ =	shalt  }
0x3e: {  	_ =	shalt  }
0x3f: {  	_ =	shalt  }
0x40: {  	_ =	shalt  }
0x41: {  	_ =	shalt  }
0x42: {  	_ =	shalt  }
0x43: {  	_ =	shalt  }
0x44: {  	_ =	shalt  }
0x45: {  	_ =	shalt  }
0x46: {  	_ =	shalt  }
0x47: {  	_ =	shalt  }
0x48: {  	_ =	shalt  }
0x49: {  	_ =	shalt  }
0x4a: {  	_ =	shalt  }
0x4b: {  	_ =	shalt  }
0x4c: {  	_ =	shalt  }
0x4d: {  	_ =	shalt  }
0x4e: {  	_ =	shalt  }
0x4f: {  	_ =	shalt  }
0x50: {  	_ =	shalt  }
0x51: {  	_ =	shalt  }
0x52: {  	_ =	shalt  }
0x53: {  	_ =	shalt  }
0x54: {  	_ =	shalt  }
0x55: {  	_ =	shalt  }
0x56: {  	_ =	shalt  }
0x57: {  	_ =	shalt  }
0x58: {  	_ =	shalt  }
0x59: {  	_ =	shalt  }
0x5a: {  	_ =	shalt  }
0x5b: {  	_ =	shalt  }
0x5c: {  	_ =	shalt  }
0x5d: {  	_ =	shalt  }
0x5e: {  	_ =	shalt  }
0x5f: {  	_ =	shalt  }
0x60: {  	_ =	shalt  }
0x61: {  	_ =	shalt  }
0x62: {  	_ =	shalt  }
0x63: {  	_ =	shalt  }
0x64: {  	_ =	shalt  }
0x65: {  	_ =	shalt  }
0x66: {  	_ =	shalt  }
0x67: {  	_ =	shalt  }
0x68: {  	_ =	shalt  }
0x69: {  	_ =	shalt  }
0x6a: {  	_ =	shalt  }
0x6b: {  	_ =	shalt  }
0x6c: {  	_ =	shalt  }
0x6d: {  	_ =	shalt  }
0x6e: {  	_ =	shalt  }
0x6f: {  	_ =	shalt  }
0x70: {  	_ =	shalt  }
0x71: {  	_ =	shalt  }
0x72: {  	_ =	shalt  }
0x73: {  	_ =	shalt  }
0x74: {  	_ =	shalt  }
0x75: {  	_ =	shalt  }
0x76: {  	_ =	shalt  }
0x77: {  	_ =	shalt  }
0x78: {  	_ =	shalt  }
0x79: {  	_ =	shalt  }
0x7a: {  	_ =	shalt  }
0x7b: {  	_ =	shalt  }
0x7c: {  	_ =	shalt  }
0x7d: {  	_ =	shalt  }
0x7e: {  	_ =	shalt  }
0x7f: {  	_ =	shalt  }
0x80: {  	_ =	shalt  }
0x81: {  	_ =	shalt  }
0x82: {  	_ =	shalt  }
0x83: {  	_ =	shalt  }
0x84: {  	_ =	shalt  }
0x85: {  	_ =	shalt  }
0x86: {  	_ =	shalt  }
0x87: {  	_ =	shalt  }
.Lfunc_end0:
.L_simem_size_0:
called_computation_lowered:
.L_overlay_start_0:
0x88: {  	s2 =	sld [smem:$0x3FD9]  }
0x89: {  	s3 =	sld [smem:$0x3FFE];
	_ =	sdelay $0x1  }
0x8a: {  	s1 =	srdreg.scid  }
0x8b: {  	s0 =	sand.u32 $0x1, s1  }
0x8c: {  	s14 =	sshll.u32 s0, $0xA;
	s2 =	sadd.s32 s3, s2  }
0x8d: {  	s2 =	sadd.s32 s2, s14  }
0x8e: {  	[smem:$0x3FC3] =	sst s2  }
0x8f: {  	_ = 	snop  }
0x90: {  	s2 =	sld [smem:$0x3FD0];
	_ =	sdelay $0x2  }
0x91: {  	s4 =	simm.s32 $0xA;
	s5 =	simm.s32 $0x10;
	s15 =	sld [smem:$0x3FC7]  }
0x92: {  	[smem:s5], [sflag:s4] =	dma.local [hbm:s2], $0x1  }
0x93: {  	_ =	swait.eq [sflag:s4], $0x1  }
0x94: {  	[sflag:s4] =	ssyncset.done $0x0  }
0x95: {  	[sflag:s4] =	ssyncadd.s32 $0xFFFFFFFF  }
0x96: {  	s16 =	sld [smem:$0x11];
	(tm) =	ssettm $0x1  }
0x97: {  	s17 =	sld [smem:$0x3FFB];
	_ =	sdelay $0x3  }
0x98: {  	_ =	strace s17  }
0x99: {  	s4 =	sld [smem:$0x3FFC];
	_ =	sdelay $0x3  }
0x9a: {  	_ =	strace s4  }
0x9b: {  	s4 =	sld [smem:$0x3FFD];
	_ =	sdelay $0x3  }
0x9c: {  	_ =	strace s4  }
0x9d: {  	_ =	strace $0x8FFFFFFF  }
0x9e: {  	s18 =	sld [smem:$0x3FDB];
	_ =	sdelay $0x1  }
0x9f: {  	s19 =	simm.s32 $_scs_section_size  }
0xa0: {  	s6 =	simm.s32 $_size__tile_overlayer_lowered;
	s7 =	simm.s32 $_tile_overlayer_lowered  }
0xa1: {  	s22 =	simm.s32 $0x1BFF;
	s21 =	sshll.u32 s7, $0x1;
	s4 =	sadd.s32 s19, s18  }
0xa2: {  	s8 =	simm.s32 $0x0;
	s20 =	sshll.u32 s6, $0x1;
	s6 =	sadd.s32 s21, s4  }
0xa3: {  	[timem:s8], [sflag:s22] =	dma.local [hbm:s6], s20  }
0xa4: {  	_ =	swait.ge [sflag:s22], s20  }
0xa5: {  	s5 =	ssub.s32 $0x0, s20;
	[sflag:s22] =	ssyncset.done $0x0  }
0xa6: {  	[sflag:s22] =	ssyncadd.s32 s5;
	_ =	sdelay $0x1  }
0xa7: {  	s23 =	simm.s32 $0x1B8B  }
0xa8: {  	_ =	swait.ge [sflag:s23], $0x1  }
0xa9: {  	[sflag:s23] =	ssyncset.done $0x0  }
0xaa: {  	s25 =	simm.s32 $0x1B8E;
	s24 =	sld [smem:$0x3FFE];
	[sflag:s23] =	ssyncadd.s32 $0xFFFFFFFF  }
0xab: {  	s26 =	simm.s32 $execute0_lowered;
	[smem:$0x3FD2] =	sst s25  }
0xac: {  	s6 =	sshll.u32 s26, $0x1;
	_ =	strace $0x80000046;
	[dreg:$0x1] =	wrdreg $0xFFFFFFFF  }
0xad: {  	s28 =	simm.s32 $_size_execute0_lowered;
	s4 =	sadd.s32 s4, s6;
	[dreg:$0x0] =	wrdreg $0x0  }
0xae: {  	s6 =	sshll.u32 s28, $0x1;
	[dreg:$0x2] =	wrdreg s4  }
0xaf: {  	[dreg:$0x3] =	wrdreg s6  }
0xb0: {  	[dreg:$0x4] =	wrdreg $0xC0  }
0xb1: {  	_ =	task [dreg:s8], $0x5FFFF  }
0xb2: {  	[dreg:$0x1] =	wrdreg $0xFFFFFFFF  }
0xb3: {  	[dreg:$0x0] =	wrdreg $0x60  }
0xb4: {  	[dreg:$0x2] =	wrdreg s24  }
0xb5: {  	[dreg:$0x3] =	wrdreg s15  }
0xb6: {  	[dreg:$0x4] =	wrdreg s16  }
0xb7: {  	[dreg:$0x5] =	wrdreg $0x9  }
0xb8: {  	_ =	task.clear_ibuf [dreg:s8], $0x6FFFF;
	_ =	strace $0x90000046  }
0xb9: {  	s29 =	simm.s32 $0x9;
	_ =	strace $0x80000048  }
0xba: {  	_ =	swait.ge [sflag:s29], $0x1  }
0xbb: {  	[sflag:s29] =	ssyncadd.s32 $0xFFFFFFFF  }
0xbc: {  	_ =	strace $0x90000048  }
0xbd: {  	_ =	sfence  }
0xbe: {  	s30 =	sld [smem:$0x0];
	_ =	sdelay $0x2  }
0xbf: {  	s31 =	sshll.u32 s1, $0xD;
	s1 =	sshrl.u32 s1, $0x2  }
0xc0: {  	s3 =	sand.u32 $0x4000, s31;
	s1 =	sadd.s32 s1, s30  }
0xc1: {  	s0 =	sor.u32 s3, s0;
	s1 =	sshll.u32 s1, $0x11  }
0xc2: {  	s0 =	sor.u32 s1, s0  }
0xc3: {  	s0 =	sadd.s32 $0x8F2B, s0  }
0xc4: {  	[sflag:s0] =	ssyncadd.remote.s32 $0x1  }
0xc5: {  	_ =	sfence.sel $0xFFFF  }
0xc6: {  	[dreg:$0x0] =	wrdreg $0xFFFFFFFF;
	(pc) =	sbr.abs _section_cstart, $3  }
0xc7: {  	[dreg:$0x1] =	wrdreg $0xFFFFFFFF  }
0xc8: {  	_ =	task.clear_ibuf [dreg:s8], $0x2FFFF;
	_ =	strace $0x9FFFFFFF  }
0xc9: {  	(tm) =	ssettm $0x7FFFFFFF  }
tec
execute0_lowered:
.L_overlay_start_1:
0x0: {  	(tag) =	ssettag $0x1  }
0x1: {  	s15 =	rddreg [dreg:$0x0]  }
0x2: {  	s1 =	rddreg [dreg:$0x1]  }
0x3: {  	s7 =	rddreg [dreg:$0x2]  }
0x4: {  	s0 =	rddreg [dreg:$0x3]  }
0x5: {  	s3 =	simm.s32 $0x0;
	s4 =	srdreg.scid;
	s2 =	stileid.u32  }
0x6: {  	s17 =	simm.s32 $0x80;
	s18 =	simm.s32 $0x880;
	s19 =	simm.s32 $0x1080  }
0x7: {  	s20 =	simm.s32 $0x1880;
	s21 =	simm.s32 $0x1;
	s22 =	simm.s32 $0x400  }
0x8: {  	s23 =	simm.s32 $0x2080;
	[smem:$0x7FF] =	sst s3;
	s4 =	sand.u32 $0x1, s4  }
0x9: {  	s5 =	sshll.u32 s2, $0x1;
	s6 =	sadd.s32 $0x2200, s15;
	s31 =	sshll.u32 s2, $0x8  }
0xa: {  	s11 =	sadd.s32 $0x2230, s15;
	s12 =	sadd.s32 $0x2240, s15;
	s13 =	sadd.s32 $0x2250, s15  }
0xb: {  	s14 =	sadd.s32 $0x2260, s15;
	_ =	strace $0x80000047;
	s16 =	sor.u32 s4, s5  }
0xc: {  	s4 =	ssub.s32 $0x2, s4;
	[dreg:$0x4] =	wrdreg s6;
	s9 =	sand.u32 $0xC00, s31  }
0xd: {  	s6 =	sadd.s32 $0x300, s1;
	s5 =	sadd.s32 s16, s15;
	s8 =	sshrl.u32 s4, $0x1  }
0xe: {  	v0 =	vlaneseq.u32;
	s10 =	sshll.u32 s16, $0x4;
	s7 =	sadd.s32 s7, s9;
	s9 =	sadd.s32 $0x2210, s15  }
0xf: {  	v1 =	vshrl.u32 v0, $0x3;
	p0 =	sne.s32 s16, $0x0;
	s16 =	simm.s32 $0x2;
	s8 =	ssub.s32 s4, s8  }
0x10: {  	v0 =	vand.u32 $0x7, v0;
	v63 =	vmul.u32 $0x8, v1;
	s30 =	sadd.s32 $0x2000, s5;
	s4 =	sadd.s32 $0x100, s1;
	s10 =	sand.u32 $0x70, s10  }
0x11: {  	[tilespmem:$0x1FFE0] =	vst v0;
	s5 =	sadd.s32 $0x200, s1;
	[dreg:$0x5] =	wrdreg s30;
	s7 =	sadd.s32 s10, s7  }
0x12: {  	vm0 =	vmmov $0xffff;
	[tilespmem:$0x1FFF0] =	vst v63;
	s8 =	smax.u32 s8, $0x1;
	s10 =	sadd.s32 $0x2220, s15;
	s15 =	sadd.s32 $0x2270, s15  }
.LBB2_1:
0x13: {  	s24 =	rddreg [dreg:$0x5]  }
0x14: {  	[tilespmem:s3], [sflag:$0x2] =	stream.linear.gather [hbm4b:s24+s3], $0x8, $0x38;
	[tilespmem:$0x2480] =	vst v63  }
0x15: {  	_ =	swait.ge [sflag:s16], $0x8  }
0x16: {  	[sflag:s16] =	ssyncset.done $0x0  }
0x17: {  	[sflag:s16] =	ssyncadd.s32 $0xFFFFFFF8  }
0x18: {  	v0 =	vld.msk [tilespmem:$0x0], $0xff;
	_ =	sdelay $0x2  }
0x19: {  	v51 =	vld [tilespmem:$0x1FFE0];
	_ =	sdelay $0x1  }
0x1a: {  	v52 =	vld [tilespmem:$0x1FFF0];
	v1 =	vshll.u32 v0, $0x3  }
0x1b: {  	v0 =	vand.u32 $0x7, v0;
	v1 =	vand.u32 $0xFFFFFFC0, v1  }
0x1c: {  	v0 =	vor.u32 v0, v1  }
0x1d: {  	v0 =	vperm.xlane v0, v51;
	_ =	sdelay $0x1  }
0x1e: {  	v0 =	vadd.s32 v52, v0;
	_ =	sdelay $0x4  }
0x1f: {  	[tilespmem:s17], [sflag:$0x1] =	stream.indirect_vreg.gather [hbm4b:s1+s3], $0x80, v0, vm0, $0xb8;
	[tilespmem:$0x2480] =	vst v63  }
0x20: {  	_ = 	snop  }
0x21: {  	[tilespmem:s18], [sflag:$0x1] =	stream.indirect_vreg.gather [hbm4b:s4+s3], $0x80, v0, vm0, $0xb8;
	[tilespmem:$0x2480] =	vst v63  }
0x22: {  	_ = 	snop  }
0x23: {  	[tilespmem:s19], [sflag:$0x1] =	stream.indirect_vreg.gather [hbm4b:s5+s3], $0x80, v0, vm0, $0xb8;
	[tilespmem:$0x2480] =	vst v63  }
0x24: {  	_ = 	snop  }
0x25: {  	[tilespmem:s20], [sflag:$0x1] =	stream.indirect_vreg.gather [hbm4b:s6+s3], $0x80, v0, vm0, $0xb8;
	[tilespmem:$0x2480] =	vst v63  }
0x26: {  	_ =	swait.ge [sflag:s21], $0x2000  }
0x27: {  	[sflag:s21] =	ssyncset.done $0x0  }
0x28: {  	[sflag:s21] =	ssyncadd.s32 $0xFFFFE000  }
0x29: {  	v53 =	vld [tilespmem:$0x80]  }
0x2a: {  	v54 =	vld [tilespmem:$0x100]  }
0x2b: {  	v2 =	vld [tilespmem:$0x180]  }
0x2c: {  	v3 =	vld [tilespmem:$0x200]  }
0x2d: {  	v4 =	vld [tilespmem:$0x280]  }
0x2e: {  	v5 =	vld [tilespmem:$0x300]  }
0x2f: {  	v6 =	vld [tilespmem:$0x380]  }
0x30: {  	v7 =	vld [tilespmem:$0x400]  }
0x31: {  	v8 =	vld [tilespmem:$0x90]  }
0x32: {  	v9 =	vld [tilespmem:$0x110]  }
0x33: {  	v10 =	vld [tilespmem:$0x190]  }
0x34: {  	v11 =	vld [tilespmem:$0x210]  }
0x35: {  	v12 =	vld [tilespmem:$0x290]  }
0x36: {  	v13 =	vld [tilespmem:$0x310]  }
0x37: {  	v14 =	vld [tilespmem:$0x390]  }
0x38: {  	v15 =	vld [tilespmem:$0x410]  }
0x39: {  	v16 =	vld [tilespmem:$0xA0]  }
0x3a: {  	v17 =	vld [tilespmem:$0x120]  }
0x3b: {  	v18 =	vld [tilespmem:$0x1A0]  }
0x3c: {  	v19 =	vld [tilespmem:$0x220]  }
0x3d: {  	v20 =	vld [tilespmem:$0x2A0]  }
0x3e: {  	v21 =	vld [tilespmem:$0x320]  }
0x3f: {  	v22 =	vld [tilespmem:$0x3A0]  }
0x40: {  	v23 =	vld [tilespmem:$0x420]  }
0x41: {  	v24 =	vld [tilespmem:$0xB0]  }
0x42: {  	v25 =	vld [tilespmem:$0x130]  }
0x43: {  	v26 =	vld [tilespmem:$0x1B0]  }
0x44: {  	v27 =	vld [tilespmem:$0x230]  }
0x45: {  	v28 =	vld [tilespmem:$0x2B0]  }
0x46: {  	v29 =	vld [tilespmem:$0x330]  }
0x47: {  	v30 =	vld [tilespmem:$0x3B0]  }
0x48: {  	v31 =	vld [tilespmem:$0x430]  }
0x49: {  	v32 =	vld [tilespmem:$0xC0]  }
0x4a: {  	v33 =	vld [tilespmem:$0x140]  }
0x4b: {  	v34 =	vld [tilespmem:$0x1C0]  }
0x4c: {  	v35 =	vld [tilespmem:$0x240]  }
0x4d: {  	v36 =	vld [tilespmem:$0x2C0]  }
0x4e: {  	v37 =	vld [tilespmem:$0x340]  }
0x4f: {  	v38 =	vld [tilespmem:$0x3C0]  }
0x50: {  	v39 =	vld [tilespmem:$0x440]  }
0x51: {  	v40 =	vld [tilespmem:$0xD0]  }
0x52: {  	v41 =	vld [tilespmem:$0x150]  }
0x53: {  	v42 =	vld [tilespmem:$0x1D0]  }
0x54: {  	v55 =	vld [tilespmem:$0x250]  }
0x55: {  	v56 =	vld [tilespmem:$0x2D0]  }
0x56: {  	v57 =	vld [tilespmem:$0x350]  }
0x57: {  	v58 =	vld [tilespmem:$0x3D0]  }
0x58: {  	v59 =	vld [tilespmem:$0xE0]  }
0x59: {  	v60 =	vld [tilespmem:$0x160]  }
0x5a: {  	v61 =	vld [tilespmem:$0x1E0]  }
0x5b: {  	v43 =	vld [tilespmem:$0xF0]  }
0x5c: {  	v45 =	vld [tilespmem:$0x170]  }
0x5d: {  	v47 =	vld [tilespmem:$0x1F0]  }
0x5e: {  	v48 =	vld [tilespmem:$0x270]  }
0x5f: {  	v49 =	vld [tilespmem:$0x2F0]  }
0x60: {  	v50 =	vld [tilespmem:$0x370]  }
0x61: {  	v51 =	vld [tilespmem:$0x3F0]  }
0x62: {  	v52 =	vld [tilespmem:$0x470]  }
0x63: {  	v62 =	vadd.f32 v17, v16;
	v16 =	vld [tilespmem:$0x460]  }
0x64: {  	v0 =	vadd.f32 v54, v53;
	v53 =	vld [tilespmem:$0x480]  }
0x65: {  	v54 =	vld [tilespmem:$0x500]  }
0x66: {  	v63 =	vadd.f32 v25, v24;
	v24 =	vld [tilespmem:$0x700]  }
0x67: {  	v8 =	vadd.f32 v9, v8;
	v44 =	vadd.f32 v33, v32;
	v32 =	vld [tilespmem:$0x810]  }
0x68: {  	v46 =	vadd.f32 v41, v40;
	v40 =	vld [tilespmem:$0x850]  }
0x69: {  	v8 =	vadd.f32 v10, v8;
	v10 =	vld [tilespmem:$0x4A0]  }
0x6a: {  	v0 =	vadd.f32 v2, v0;
	v25 =	vadd.f32 v42, v46;
	v42 =	vld [tilespmem:$0x7A0]  }
0x6b: {  	v46 =	vld [tilespmem:$0x6D0]  }
0x6c: {  	v0 =	vadd.f32 v3, v0;
	v3 =	vld [tilespmem:$0x450]  }
0x6d: {  	v1 =	vadd.f32 v55, v25;
	v55 =	vld [tilespmem:$0x490]  }
0x6e: {  	v8 =	vadd.f32 v11, v8;
	v11 =	vld [tilespmem:$0x6B0]  }
0x6f: {  	v1 =	vadd.f32 v56, v1;
	v56 =	vld [tilespmem:$0x510]  }
0x70: {  	v0 =	vadd.f32 v4, v0;
	v4 =	vadd.f32 v60, v59;
	v60 =	vld [tilespmem:$0x600]  }
0x71: {  	v8 =	vadd.f32 v12, v8;
	v12 =	vld [tilespmem:$0x5A0]  }
0x72: {  	v59 =	vadd.f32 v45, v43;
	v45 =	vld [tilespmem:$0x640]  }
0x73: {  	v0 =	vadd.f32 v5, v0;
	v5 =	vld [tilespmem:$0x260]  }
0x74: {  	v8 =	vadd.f32 v13, v8;
	v13 =	vld [tilespmem:$0x2E0]  }
0x75: {  	v1 =	vadd.f32 v57, v1;
	v57 =	vld [tilespmem:$0x580]  }
0x76: {  	v4 =	vadd.f32 v61, v4;
	v61 =	vld [tilespmem:$0x610]  }
0x77: {  	v0 =	vadd.f32 v6, v0;
	v6 =	vld [tilespmem:$0x360]  }
0x78: {  	v8 =	vadd.f32 v14, v8;
	v14 =	vld [tilespmem:$0x3E0]  }
0x79: {  	v9 =	vadd.f32 v54, v53;
	v1 =	vadd.f32 v58, v1;
	v58 =	vld [tilespmem:$0x590]  }
0x7a: {  	v0 =	vadd.f32 v7, v0;
	v7 =	vadd.f32 v18, v62;
	v62 =	vld [tilespmem:$0x680]  }
0x7b: {  	v8 =	vadd.f32 v15, v8;
	v15 =	vadd.f32 v26, v63;
	v26 =	vld [tilespmem:$0x710]  }
0x7c: {  	v18 =	vadd.f32 v34, v44;
	v44 =	vld [tilespmem:$0x820]  }
0x7d: {  	v63 =	vadd.f32 v57, v9;
	v9 =	vld [tilespmem:$0x520]  }
0x7e: {  	v15 =	vadd.f32 v27, v15;
	v27 =	vld [tilespmem:$0x780]  }
0x7f: {  	v2 =	vadd.f32 v56, v55;
	v7 =	vadd.f32 v19, v7;
	v19 =	vld [tilespmem:$0x730]  }
0x80: {  	v1 =	vadd.f32 v3, v1;
	v4 =	vadd.f32 v5, v4;
	[tilespmem:$0x2090] =	vst v8;
	v8 =	vld [tilespmem:$0x4E0]  }
0x81: {  	v18 =	vadd.f32 v35, v18;
	v5 =	vadd.f32 v60, v63;
	v60 =	vld [tilespmem:$0x6C0]  }
0x82: {  	v2 =	vadd.f32 v58, v2;
	v4 =	vadd.f32 v13, v4;
	v58 =	vld [tilespmem:$0x750]  }
0x83: {  	v7 =	vadd.f32 v20, v7;
	v18 =	vadd.f32 v36, v18;
	v20 =	vld [tilespmem:$0x620]  }
0x84: {  	v3 =	vadd.f32 v47, v59;
	v15 =	vadd.f32 v28, v15;
	v36 =	vld [tilespmem:$0x740]  }
0x85: {  	v28 =	vadd.f32 v6, v4;
	v18 =	vadd.f32 v37, v18;
	v37 =	vld [tilespmem:$0x7C0]  }
0x86: {  	v7 =	vadd.f32 v21, v7;
	v15 =	vadd.f32 v29, v15;
	v21 =	vld [tilespmem:$0x5D0]  }
0x87: {  	v3 =	vadd.f32 v48, v3;
	[tilespmem:$0x2080] =	vst v0;
	v0 =	vadd.f32 v14, v28;
	v28 =	vld [tilespmem:$0x6A0]  }
0x88: {  	v15 =	vadd.f32 v30, v15;
	v30 =	vld [tilespmem:$0x790]  }
0x89: {  	v3 =	vadd.f32 v49, v3;
	v7 =	vadd.f32 v22, v7;
	v22 =	vld [tilespmem:$0x7B0]  }
0x8a: {  	v18 =	vadd.f32 v38, v18;
	v38 =	vld [tilespmem:$0x840]  }
0x8b: {  	v3 =	vadd.f32 v50, v3;
	v0 =	vadd.f32 v16, v0;
	v16 =	vld [tilespmem:$0x550]  }
0x8c: {  	v29 =	vadd.f32 v62, v5;
	v7 =	vadd.f32 v23, v7;
	v23 =	vld [tilespmem:$0x690]  }
0x8d: {  	[tilespmem:$0x1EF60] =	vst v40;
	v3 =	vadd.f32 v51, v3;
	v15 =	vadd.f32 v31, v15;
	v31 =	vld [tilespmem:$0x800]  }
0x8e: {  	[tilespmem:$0x20D0] =	vst v1;
	v2 =	vadd.f32 v61, v2;
	v18 =	vadd.f32 v39, v18;
	v39 =	vld [tilespmem:$0x7D0]  }
0x8f: {  	v4 =	vadd.f32 v24, v29;
	v33 =	vadd.f32 v52, v3;
	[tilespmem:$0x20E0] =	vst v0;
	v0 =	vld [tilespmem:$0x530]  }
0x90: {  	[tilespmem:$0x20A0] =	vst v7;
	v7 =	vld [tilespmem:$0x630]  }
0x91: {  	v4 =	vadd.f32 v27, v4;
	[tilespmem:$0x20F0] =	vst v33;
	v33 =	vld [tilespmem:$0x830];
	v2 =	vadd.f32 v23, v2  }
0x92: {  	[tilespmem:$0x20C0] =	vst v18;
	v18 =	vld [tilespmem:$0x4D0]  }
0x93: {  	[tilespmem:$0x1EF10] =	vst v36;
	v34 =	vadd.f32 v31, v4;
	v31 =	vld [tilespmem:$0x720];
	v2 =	vadd.f32 v26, v2  }
0x94: {  	[tilespmem:$0x1EF20] =	vst v37;
	v4 =	vld [tilespmem:$0x5B0]  }
0x95: {  	[tilespmem:$0x20B0] =	vst v15;
	v23 =	vld [tilespmem:$0x540];
	v2 =	vadd.f32 v30, v2  }
0x96: {  	[tilespmem:$0x2100] =	vst v34;
	v34 =	vld [tilespmem:$0x5C0]  }
0x97: {  	[tilespmem:$0x1EF40] =	vst v38;
	v30 =	vld [tilespmem:$0x4C0];
	v35 =	vadd.f32 v32, v2  }
0x98: {  	[tilespmem:$0x1EF30] =	vst v39;
	v2 =	vld [tilespmem:$0x4B0]  }
0x99: {  	v32 =	vld [tilespmem:$0x650];
	[tilespmem:$0x2110] =	vst v35  }
0x9a: {  	v6 =	vld [tilespmem:$0x560]  }
0x9b: {  	v62 =	vld [tilespmem:$0xB10];
	_ =	sdelay $0x4  }
0x9c: {  	[tilespmem:$0x1EFD0] =	vst v62;
	v62 =	vld [tilespmem:$0x940];
	_ =	sdelay $0x4  }
0x9d: {  	[tilespmem:$0x1F070] =	vst v62;
	v62 =	vld [tilespmem:$0xBC0];
	_ =	sdelay $0x4  }
0x9e: {  	[tilespmem:$0x1F180] =	vst v62;
	v62 =	vld [tilespmem:$0xA50];
	_ =	sdelay $0x4  }
0x9f: {  	[tilespmem:$0x1F0F0] =	vst v62;
	v62 =	vld [tilespmem:$0x9E0];
	_ =	sdelay $0x4  }
0xa0: {  	[tilespmem:$0x1F0E0] =	vst v62;
	v62 =	vld [tilespmem:$0xB60];
	_ =	sdelay $0x4  }
0xa1: {  	[tilespmem:$0x1F190] =	vst v62;
	v62 =	vld [tilespmem:$0xA70];
	_ =	sdelay $0x4  }
0xa2: {  	[tilespmem:$0x1F130] =	vst v62;
	v62 =	vld [tilespmem:$0xAF0];
	_ =	sdelay $0x4  }
0xa3: {  	[tilespmem:$0x1F170] =	vst v62;
	v62 =	vld [tilespmem:$0xB70];
	_ =	sdelay $0x4  }
0xa4: {  	[tilespmem:$0x1F1B0] =	vst v62;
	v62 =	vld [tilespmem:$0xBF0];
	_ =	sdelay $0x4  }
0xa5: {  	[tilespmem:$0x1F1F0] =	vst v62;
	v62 =	vld [tilespmem:$0xC70];
	_ =	sdelay $0x4  }
0xa6: {  	[tilespmem:$0x1F230] =	vst v62;
	v62 =	vld [tilespmem:$0xC80];
	_ =	sdelay $0x4  }
0xa7: {  	[tilespmem:$0x1F210] =	vst v62;
	v62 =	vld [tilespmem:$0xD00];
	_ =	sdelay $0x4  }
0xa8: {  	[tilespmem:$0x1F220] =	vst v62;
	v62 =	vld [tilespmem:$0xD80];
	_ =	sdelay $0x4  }
0xa9: {  	[tilespmem:$0x1F260] =	vst v62;
	v62 =	vld [tilespmem:$0xE00];
	_ =	sdelay $0x4  }
0xaa: {  	[tilespmem:$0x1F2C0] =	vst v62;
	v62 =	vld [tilespmem:$0xE80];
	_ =	sdelay $0x4  }
0xab: {  	[tilespmem:$0x1F300] =	vst v62;
	v62 =	vld [tilespmem:$0xF00];
	_ =	sdelay $0x4  }
0xac: {  	[tilespmem:$0x1F340] =	vst v62;
	v62 =	vld [tilespmem:$0xF80];
	_ =	sdelay $0x4  }
0xad: {  	[tilespmem:$0x1F380] =	vst v62;
	v62 =	vld [tilespmem:$0x1000];
	_ =	sdelay $0x4  }
0xae: {  	[tilespmem:$0x1F3C0] =	vst v62;
	v62 =	vld [tilespmem:$0xC90];
	_ =	sdelay $0x4  }
0xaf: {  	[tilespmem:$0x1F240] =	vst v62;
	v62 =	vld [tilespmem:$0xD10];
	_ =	sdelay $0x4  }
0xb0: {  	[tilespmem:$0x1F250] =	vst v62;
	v62 =	vld [tilespmem:$0xD90];
	_ =	sdelay $0x4  }
0xb1: {  	[tilespmem:$0x1F290] =	vst v62;
	v62 =	vld [tilespmem:$0xE10];
	_ =	sdelay $0x4  }
0xb2: {  	[tilespmem:$0x1F2E0] =	vst v62;
	v62 =	vld [tilespmem:$0xE90];
	_ =	sdelay $0x4  }
0xb3: {  	[tilespmem:$0x1F320] =	vst v62;
	v62 =	vld [tilespmem:$0xF10];
	_ =	sdelay $0x4  }
0xb4: {  	[tilespmem:$0x1F360] =	vst v62;
	v62 =	vld [tilespmem:$0xF90];
	_ =	sdelay $0x4  }
0xb5: {  	[tilespmem:$0x1F3A0] =	vst v62;
	v62 =	vld [tilespmem:$0x1010];
	_ =	sdelay $0x4  }
0xb6: {  	[tilespmem:$0x1F3E0] =	vst v62;
	v62 =	vld [tilespmem:$0xCA0];
	_ =	sdelay $0x4  }
0xb7: {  	[tilespmem:$0x1F270] =	vst v62;
	v62 =	vld [tilespmem:$0xD20];
	_ =	sdelay $0x4  }
0xb8: {  	[tilespmem:$0x1F280] =	vst v62;
	v62 =	vld [tilespmem:$0xDA0];
	_ =	sdelay $0x4  }
0xb9: {  	[tilespmem:$0x1F2D0] =	vst v62;
	v62 =	vld [tilespmem:$0xE20];
	_ =	sdelay $0x4  }
0xba: {  	[tilespmem:$0x1F310] =	vst v62;
	v62 =	vld [tilespmem:$0xEA0];
	_ =	sdelay $0x4  }
0xbb: {  	[tilespmem:$0x1F350] =	vst v62;
	v62 =	vld [tilespmem:$0xF20];
	_ =	sdelay $0x4  }
0xbc: {  	[tilespmem:$0x1F390] =	vst v62;
	v62 =	vld [tilespmem:$0xFA0];
	_ =	sdelay $0x4  }
0xbd: {  	[tilespmem:$0x1F3D0] =	vst v62;
	v62 =	vld [tilespmem:$0x1020];
	_ =	sdelay $0x4  }
0xbe: {  	[tilespmem:$0x1F400] =	vst v62;
	v62 =	vld [tilespmem:$0xCB0];
	_ =	sdelay $0x4  }
0xbf: {  	[tilespmem:$0x1F2A0] =	vst v62;
	v62 =	vld [tilespmem:$0xD30];
	_ =	sdelay $0x4  }
0xc0: {  	[tilespmem:$0x1F2B0] =	vst v62;
	v62 =	vld [tilespmem:$0xDB0];
	_ =	sdelay $0x4  }
0xc1: {  	[tilespmem:$0x1F2F0] =	vst v62;
	v62 =	vld [tilespmem:$0xE30];
	_ =	sdelay $0x4  }
0xc2: {  	[tilespmem:$0x1F330] =	vst v62;
	v62 =	vld [tilespmem:$0xEB0];
	_ =	sdelay $0x4  }
0xc3: {  	[tilespmem:$0x1F370] =	vst v62;
	v62 =	vld [tilespmem:$0xF30];
	_ =	sdelay $0x4  }
0xc4: {  	[tilespmem:$0x1F3B0] =	vst v62;
	v62 =	vld [tilespmem:$0xFB0];
	_ =	sdelay $0x4  }
0xc5: {  	[tilespmem:$0x1F3F0] =	vst v62;
	v62 =	vld [tilespmem:$0x1030];
	_ =	sdelay $0x4  }
0xc6: {  	[tilespmem:$0x1F430] =	vst v62;
	v62 =	vld [tilespmem:$0xCC0];
	_ =	sdelay $0x4  }
0xc7: {  	[tilespmem:$0x1F410] =	vst v62;
	v62 =	vld [tilespmem:$0xD40];
	_ =	sdelay $0x4  }
0xc8: {  	[tilespmem:$0x1F420] =	vst v62;
	v62 =	vld [tilespmem:$0xDC0];
	_ =	sdelay $0x4  }
0xc9: {  	[tilespmem:$0x1F460] =	vst v62;
	v62 =	vld [tilespmem:$0xE40];
	_ =	sdelay $0x4  }
0xca: {  	[tilespmem:$0x1F4C0] =	vst v62;
	v62 =	vld [tilespmem:$0xEC0];
	_ =	sdelay $0x4  }
0xcb: {  	[tilespmem:$0x1F500] =	vst v62;
	v62 =	vld [tilespmem:$0xF40];
	_ =	sdelay $0x4  }
0xcc: {  	[tilespmem:$0x1F540] =	vst v62;
	v62 =	vld [tilespmem:$0xFC0];
	_ =	sdelay $0x4  }
0xcd: {  	[tilespmem:$0x1F580] =	vst v62;
	v62 =	vld [tilespmem:$0x1040];
	_ =	sdelay $0x4  }
0xce: {  	[tilespmem:$0x1F5C0] =	vst v62;
	v62 =	vld [tilespmem:$0xCD0];
	_ =	sdelay $0x4  }
0xcf: {  	[tilespmem:$0x1F440] =	vst v62;
	v62 =	vld [tilespmem:$0xD50];
	_ =	sdelay $0x4  }
0xd0: {  	[tilespmem:$0x1F450] =	vst v62;
	v62 =	vld [tilespmem:$0xDD0];
	_ =	sdelay $0x4  }
0xd1: {  	[tilespmem:$0x1F490] =	vst v62;
	v62 =	vld [tilespmem:$0xE50];
	_ =	sdelay $0x4  }
0xd2: {  	[tilespmem:$0x1F4E0] =	vst v62;
	v62 =	vld [tilespmem:$0xED0];
	_ =	sdelay $0x4  }
0xd3: {  	[tilespmem:$0x1F520] =	vst v62;
	v62 =	vld [tilespmem:$0xF50];
	_ =	sdelay $0x4  }
0xd4: {  	[tilespmem:$0x1F560] =	vst v62;
	v62 =	vld [tilespmem:$0xFD0];
	_ =	sdelay $0x4  }
0xd5: {  	[tilespmem:$0x1F5A0] =	vst v62;
	v62 =	vld [tilespmem:$0x1050];
	_ =	sdelay $0x4  }
0xd6: {  	[tilespmem:$0x1F5E0] =	vst v62;
	v62 =	vld [tilespmem:$0xCE0];
	_ =	sdelay $0x4  }
0xd7: {  	[tilespmem:$0x1F470] =	vst v62;
	v62 =	vld [tilespmem:$0xD60];
	_ =	sdelay $0x4  }
0xd8: {  	[tilespmem:$0x1F480] =	vst v62;
	v62 =	vld [tilespmem:$0xDE0];
	_ =	sdelay $0x4  }
0xd9: {  	[tilespmem:$0x1F4D0] =	vst v62;
	v62 =	vld [tilespmem:$0xE60];
	_ =	sdelay $0x4  }
0xda: {  	[tilespmem:$0x1F510] =	vst v62;
	v62 =	vld [tilespmem:$0xEE0];
	_ =	sdelay $0x4  }
0xdb: {  	[tilespmem:$0x1F550] =	vst v62;
	v62 =	vld [tilespmem:$0xF60];
	_ =	sdelay $0x4  }
0xdc: {  	[tilespmem:$0x1F590] =	vst v62;
	v62 =	vld [tilespmem:$0xFE0];
	_ =	sdelay $0x4  }
0xdd: {  	[tilespmem:$0x1F5D0] =	vst v62;
	v62 =	vld [tilespmem:$0x1060];
	_ =	sdelay $0x4  }
0xde: {  	[tilespmem:$0x1F600] =	vst v62;
	v62 =	vld [tilespmem:$0xCF0];
	_ =	sdelay $0x4  }
0xdf: {  	[tilespmem:$0x1F4A0] =	vst v62;
	v62 =	vld [tilespmem:$0xD70];
	_ =	sdelay $0x4  }
0xe0: {  	[tilespmem:$0x1F4B0] =	vst v62;
	v62 =	vld [tilespmem:$0xDF0];
	_ =	sdelay $0x4  }
0xe1: {  	[tilespmem:$0x1F4F0] =	vst v62;
	v62 =	vld [tilespmem:$0xE70];
	_ =	sdelay $0x4  }
0xe2: {  	[tilespmem:$0x1F530] =	vst v62;
	v62 =	vld [tilespmem:$0xEF0];
	_ =	sdelay $0x4  }
0xe3: {  	[tilespmem:$0x1F570] =	vst v62;
	v62 =	vld [tilespmem:$0xF70];
	_ =	sdelay $0x4  }
0xe4: {  	[tilespmem:$0x1F5B0] =	vst v62;
	v62 =	vld [tilespmem:$0xFF0];
	_ =	sdelay $0x4  }
0xe5: {  	[tilespmem:$0x1F5F0] =	vst v62;
	v62 =	vld [tilespmem:$0x1070];
	_ =	sdelay $0x4  }
0xe6: {  	[tilespmem:$0x1F630] =	vst v62;
	v62 =	vld [tilespmem:$0x1080];
	_ =	sdelay $0x4  }
0xe7: {  	[tilespmem:$0x1F610] =	vst v62;
	v62 =	vld [tilespmem:$0x1100];
	_ =	sdelay $0x4  }
0xe8: {  	[tilespmem:$0x1F620] =	vst v62;
	v62 =	vld [tilespmem:$0x1180];
	_ =	sdelay $0x4  }
0xe9: {  	[tilespmem:$0x1F660] =	vst v62;
	v62 =	vld [tilespmem:$0x1200];
	_ =	sdelay $0x4  }
0xea: {  	[tilespmem:$0x1F6C0] =	vst v62;
	v62 =	vld [tilespmem:$0x1280];
	_ =	sdelay $0x4  }
0xeb: {  	[tilespmem:$0x1F700] =	vst v62;
	v62 =	vld [tilespmem:$0x1300];
	_ =	sdelay $0x4  }
0xec: {  	[tilespmem:$0x1F740] =	vst v62;
	v62 =	vld [tilespmem:$0x1380];
	_ =	sdelay $0x4  }
0xed: {  	[tilespmem:$0x1F780] =	vst v62;
	v62 =	vld [tilespmem:$0x1400];
	_ =	sdelay $0x4  }
0xee: {  	[tilespmem:$0x1F7C0] =	vst v62;
	v62 =	vld [tilespmem:$0x1090];
	_ =	sdelay $0x4  }
0xef: {  	[tilespmem:$0x1F640] =	vst v62;
	v62 =	vld [tilespmem:$0x1110];
	_ =	sdelay $0x4  }
0xf0: {  	[tilespmem:$0x1F650] =	vst v62;
	v62 =	vld [tilespmem:$0x1190];
	_ =	sdelay $0x4  }
0xf1: {  	[tilespmem:$0x1F690] =	vst v62;
	v62 =	vld [tilespmem:$0x1210];
	_ =	sdelay $0x4  }
0xf2: {  	[tilespmem:$0x1F6E0] =	vst v62;
	v62 =	vld [tilespmem:$0x1290];
	_ =	sdelay $0x4  }
0xf3: {  	[tilespmem:$0x1F720] =	vst v62;
	v62 =	vld [tilespmem:$0x1310];
	_ =	sdelay $0x4  }
0xf4: {  	[tilespmem:$0x1F760] =	vst v62;
	v62 =	vld [tilespmem:$0x1390];
	_ =	sdelay $0x4  }
0xf5: {  	[tilespmem:$0x1F7A0] =	vst v62;
	v62 =	vld [tilespmem:$0x1410];
	_ =	sdelay $0x4  }
0xf6: {  	[tilespmem:$0x1F7E0] =	vst v62;
	v62 =	vld [tilespmem:$0x10A0];
	_ =	sdelay $0x4  }
0xf7: {  	[tilespmem:$0x1F670] =	vst v62;
	v62 =	vld [tilespmem:$0x1120];
	_ =	sdelay $0x4  }
0xf8: {  	[tilespmem:$0x1F680] =	vst v62;
	v62 =	vld [tilespmem:$0x11A0];
	_ =	sdelay $0x4  }
0xf9: {  	[tilespmem:$0x1F6D0] =	vst v62;
	v62 =	vld [tilespmem:$0x1220];
	_ =	sdelay $0x4  }
0xfa: {  	[tilespmem:$0x1F710] =	vst v62;
	v62 =	vld [tilespmem:$0x12A0];
	_ =	sdelay $0x4  }
0xfb: {  	[tilespmem:$0x1F750] =	vst v62;
	v62 =	vld [tilespmem:$0x1320];
	_ =	sdelay $0x4  }
0xfc: {  	[tilespmem:$0x1F790] =	vst v62;
	v62 =	vld [tilespmem:$0x13A0];
	_ =	sdelay $0x4  }
0xfd: {  	[tilespmem:$0x1F7D0] =	vst v62;
	v62 =	vld [tilespmem:$0x1420];
	_ =	sdelay $0x4  }
0xfe: {  	[tilespmem:$0x1F800] =	vst v62;
	v62 =	vld [tilespmem:$0x10B0];
	_ =	sdelay $0x4  }
0xff: {  	[tilespmem:$0x1F6A0] =	vst v62;
	v62 =	vld [tilespmem:$0x1130];
	_ =	sdelay $0x4  }
0x100: {  	[tilespmem:$0x1F6B0] =	vst v62;
	v62 =	vld [tilespmem:$0x11B0];
	_ =	sdelay $0x4  }
0x101: {  	[tilespmem:$0x1F6F0] =	vst v62;
	v62 =	vld [tilespmem:$0x1230];
	_ =	sdelay $0x4  }
0x102: {  	[tilespmem:$0x1F730] =	vst v62;
	v62 =	vld [tilespmem:$0x12B0];
	_ =	sdelay $0x4  }
0x103: {  	[tilespmem:$0x1F770] =	vst v62;
	v62 =	vld [tilespmem:$0x1330];
	_ =	sdelay $0x2  }
0x104: {  	v13 =	vld [tilespmem:$0x5E0]  }
0x105: {  	v24 =	vld [tilespmem:$0x660]  }
0x106: {  	[tilespmem:$0x1F7B0] =	vst v62;
	v62 =	vld [tilespmem:$0x13B0]  }
0x107: {  	v36 =	vld [tilespmem:$0x6E0]  }
0x108: {  	v49 =	vld [tilespmem:$0x760]  }
0x109: {  	v41 =	vld [tilespmem:$0x7E0]  }
0x10a: {  	v43 =	vld [tilespmem:$0x860]  }
0x10b: {  	[tilespmem:$0x1F7F0] =	vst v62;
	v62 =	vld [tilespmem:$0x1430]  }
0x10c: {  	v3 =	vld [tilespmem:$0x4F0]  }
0x10d: {  	v1 =	vld [tilespmem:$0x570]  }
0x10e: {  	v5 =	vld [tilespmem:$0x5F0]  }
0x10f: {  	v14 =	vld [tilespmem:$0x670]  }
0x110: {  	[tilespmem:$0x1F830] =	vst v62;
	v62 =	vld [tilespmem:$0x10C0]  }
0x111: {  	v25 =	vld [tilespmem:$0x6F0]  }
0x112: {  	v37 =	vld [tilespmem:$0x770]  }
0x113: {  	v50 =	vld [tilespmem:$0x7F0]  }
0x114: {  	v61 =	vld [tilespmem:$0x870]  }
0x115: {  	[tilespmem:$0x1F810] =	vst v62;
	v62 =	vld [tilespmem:$0x1140]  }
0x116: {  	v55 =	vld [tilespmem:$0x880]  }
0x117: {  	v51 =	vld [tilespmem:$0x900]  }
0x118: {  	v59 =	vld [tilespmem:$0x980]  }
0x119: {  	v47 =	vld [tilespmem:$0xA00]  }
0x11a: {  	[tilespmem:$0x1F820] =	vst v62;
	v62 =	vld [tilespmem:$0x11C0]  }
0x11b: {  	v48 =	vld [tilespmem:$0xA80]  }
0x11c: {  	v52 =	vld [tilespmem:$0xB00]  }
0x11d: {  	v53 =	vld [tilespmem:$0xB80]  }
0x11e: {  	v54 =	vld [tilespmem:$0xC00]  }
0x11f: {  	[tilespmem:$0x1F860] =	vst v62;
	v62 =	vld [tilespmem:$0x1240]  }
0x120: {  	v38 =	vld [tilespmem:$0x910]  }
0x121: {  	v57 =	vld [tilespmem:$0xA10]  }
0x122: {  	v56 =	vld [tilespmem:$0xA90]  }
0x123: {  	v63 =	vld [tilespmem:$0xB90]  }
0x124: {  	[tilespmem:$0x1F8C0] =	vst v62;
	v62 =	vld [tilespmem:$0x12C0]  }
0x125: {  	v26 =	vld [tilespmem:$0xC10]  }
0x126: {  	v29 =	vld [tilespmem:$0x8A0]  }
0x127: {  	v39 =	vld [tilespmem:$0x9A0]  }
0x128: {  	v27 =	vld [tilespmem:$0xAA0]  }
0x129: {  	[tilespmem:$0x1F900] =	vst v62;
	v62 =	vld [tilespmem:$0x1340]  }
0x12a: {  	v35 =	vld [tilespmem:$0xB20]  }
0x12b: {  	v40 =	vld [tilespmem:$0xBA0]  }
0x12c: {  	v17 =	vld [tilespmem:$0x8B0]  }
0x12d: {  	v9 =	vadd.f32 v9, v10;
	v15 =	vld [tilespmem:$0x930]  }
0x12e: {  	[tilespmem:$0x1F940] =	vst v62;
	v62 =	vld [tilespmem:$0x13C0]  }
0x12f: {  	v12 =	vadd.f32 v12, v9;
	v10 =	vld [tilespmem:$0x1580]  }
0x130: {  	v9 =	vld [tilespmem:$0x1680]  }
0x131: {  	v0 =	vadd.f32 v0, v2;
	v2 =	vadd.f32 v20, v12;
	v12 =	vld [tilespmem:$0x1800]  }
0x132: {  	v20 =	vld [tilespmem:$0x1510]  }
0x133: {  	[tilespmem:$0x1F980] =	vst v62;
	v62 =	vld [tilespmem:$0x1440]  }
0x134: {  	v2 =	vadd.f32 v28, v2;
	v28 =	vld [tilespmem:$0x1610]  }
0x135: {  	[tilespmem:$0x1EF70] =	vst v43;
	v43 =	vld [tilespmem:$0x890]  }
0x136: {  	[tilespmem:$0x1EF80] =	vst v47;
	v47 =	vld [tilespmem:$0x990]  }
0x137: {  	[tilespmem:$0x1F030] =	vst v26;
	v26 =	vld [tilespmem:$0x920]  }
0x138: {  	[tilespmem:$0x1F9C0] =	vst v62;
	v62 =	vld [tilespmem:$0x10D0]  }
0x139: {  	[tilespmem:$0x1EFB0] =	vst v52;
	v52 =	vld [tilespmem:$0xA20]  }
0x13a: {  	[tilespmem:$0x1EF50] =	vst v41;
	v41 =	vld [tilespmem:$0xC20]  }
0x13b: {  	[tilespmem:$0x1EFC0] =	vst v27;
	v27 =	vld [tilespmem:$0x9B0]  }
0x13c: {  	[tilespmem:$0x1F020] =	vst v40;
	v40 =	vld [tilespmem:$0xA30]  }
0x13d: {  	[tilespmem:$0x1F840] =	vst v62;
	v62 =	vld [tilespmem:$0x1150]  }
0x13e: {  	[tilespmem:$0x1EFE0] =	vst v53;
	v53 =	vld [tilespmem:$0xAB0]  }
0x13f: {  	[tilespmem:$0x1F000] =	vst v63;
	v63 =	vld [tilespmem:$0xB30]  }
0x140: {  	[tilespmem:$0x1EF90] =	vst v48;
	v48 =	vld [tilespmem:$0xBB0]  }
0x141: {  	[tilespmem:$0x1F010] =	vst v54;
	v54 =	vld [tilespmem:$0xC30]  }
0x142: {  	[tilespmem:$0x1F850] =	vst v62;
	v62 =	vld [tilespmem:$0x11D0]  }
0x143: {  	[tilespmem:$0x1EFA0] =	vst v56;
	v56 =	vld [tilespmem:$0x8C0]  }
0x144: {  	[tilespmem:$0x1EFF0] =	vst v35;
	v35 =	vld [tilespmem:$0x970]  }
0x145: {  	[tilespmem:$0x1FA60] =	vst v10;
	v10 =	vld [tilespmem:$0x1700]  }
0x146: {  	[tilespmem:$0x1FA90] =	vst v9;
	v9 =	vld [tilespmem:$0x1780]  }
0x147: {  	v0 =	vadd.f32 v4, v0;
	[tilespmem:$0x1F890] =	vst v62;
	v62 =	vld [tilespmem:$0x1250]  }
0x148: {  	v2 =	vadd.f32 v31, v2;
	v31 =	vld [tilespmem:$0x1690]  }
0x149: {  	v0 =	vadd.f32 v7, v0;
	v7 =	vld [tilespmem:$0x14B0]  }
0x14a: {  	[tilespmem:$0x1FA50] =	vst v20;
	v20 =	vld [tilespmem:$0x1590]  }
0x14b: {  	v0 =	vadd.f32 v11, v0;
	v11 =	vld [tilespmem:$0x1490]  }
0x14c: {  	v1 =	vadd.f32 v1, v3;
	[tilespmem:$0x1F8E0] =	vst v62;
	v62 =	vld [tilespmem:$0x12D0]  }
0x14d: {  	v2 =	vadd.f32 v42, v2;
	v42 =	vadd.f32 v23, v30;
	v23 =	vld [tilespmem:$0x1620]  }
0x14e: {  	v1 =	vadd.f32 v5, v1;
	v30 =	vld [tilespmem:$0x1EF30]  }
0x14f: {  	[tilespmem:$0x1FA80] =	vst v28;
	v28 =	vld [tilespmem:$0x1EF20]  }
0x150: {  	v1 =	vadd.f32 v14, v1;
	v14 =	vld [tilespmem:$0x1820]  }
0x151: {  	[tilespmem:$0x1F920] =	vst v62;
	v62 =	vld [tilespmem:$0x1350]  }
0x152: {  	[tilespmem:$0x1F050] =	vst v41;
	v41 =	vld [tilespmem:$0x9C0]  }
0x153: {  	[tilespmem:$0x1F040] =	vst v48;
	v48 =	vld [tilespmem:$0xA40]  }
0x154: {  	[tilespmem:$0x1F080] =	vst v54;
	v54 =	vld [tilespmem:$0xAC0]  }
0x155: {  	[tilespmem:$0x1F060] =	vst v56;
	v56 =	vld [tilespmem:$0xB40]  }
0x156: {  	[tilespmem:$0x1F960] =	vst v62;
	v62 =	vld [tilespmem:$0x13D0]  }
0x157: {  	v0 =	vadd.f32 v19, v0;
	v19 =	vld [tilespmem:$0x1710]  }
0x158: {  	v2 =	vadd.f32 v44, v2;
	v44 =	vadd.f32 v16, v18;
	v16 =	vld [tilespmem:$0x1810]  }
0x159: {  	[tilespmem:$0x1FAC0] =	vst v10;
	v10 =	vadd.f32 v6, v8;
	v6 =	vld [tilespmem:$0x14A0]  }
0x15a: {  	v18 =	vld [tilespmem:$0x17A0]  }
0x15b: {  	[tilespmem:$0x1F9A0] =	vst v62;
	v62 =	vld [tilespmem:$0x1450]  }
0x15c: {  	v8 =	vld [tilespmem:$0x1530]  }
0x15d: {  	[tilespmem:$0x1FAB0] =	vst v31;
	v31 =	vld [tilespmem:$0x1EF40]  }
0x15e: {  	v1 =	vadd.f32 v25, v1;
	v25 =	vld [tilespmem:$0x1740]  }
0x15f: {  	v0 =	vadd.f32 v22, v0;
	v22 =	vld [tilespmem:$0x15A0]  }
0x160: {  	[tilespmem:$0x1F9E0] =	vst v62;
	v62 =	vld [tilespmem:$0x10E0]  }
0x161: {  	[tilespmem:$0x1FCE0] =	vst v2;
	v2 =	vadd.f32 v34, v42;
	v42 =	vadd.f32 v38, v43;
	v43 =	vld [tilespmem:$0x16B0]  }
0x162: {  	v38 =	vld [tilespmem:$0x1550]  }
0x163: {  	[tilespmem:$0x1FA40] =	vst v11;
	v11 =	vld [tilespmem:$0x1790]  }
0x164: {  	[tilespmem:$0x1FAA0] =	vst v23;
	v23 =	vld [tilespmem:$0x16A0]  }
0x165: {  	[tilespmem:$0x1F870] =	vst v62;
	v62 =	vld [tilespmem:$0x1160]  }
0x166: {  	v1 =	vadd.f32 v37, v1;
	v37 =	vadd.f32 v51, v55;
	v51 =	vld [tilespmem:$0x1EF90]  }
0x167: {  	v55 =	vld [tilespmem:$0x1EFA0]  }
0x168: {  	v0 =	vadd.f32 v33, v0;
	v33 =	vld [tilespmem:$0x1EF60]  }
0x169: {  	v2 =	vadd.f32 v45, v2;
	v45 =	vld [tilespmem:$0x1730]  }
0x16a: {  	[tilespmem:$0x1F880] =	vst v62;
	v62 =	vld [tilespmem:$0x11E0]  }
0x16b: {  	[tilespmem:$0x1F0B0] =	vst v41;
	v41 =	vld [tilespmem:$0xC40]  }
0x16c: {  	[tilespmem:$0x1F0D0] =	vst v48;
	v48 =	vld [tilespmem:$0x8D0]  }
0x16d: {  	[tilespmem:$0x1F100] =	vst v54;
	v54 =	vld [tilespmem:$0x950]  }
0x16e: {  	[tilespmem:$0x1F140] =	vst v56;
	v56 =	vld [tilespmem:$0x9D0]  }
0x16f: {  	[tilespmem:$0x1F8D0] =	vst v62;
	v62 =	vld [tilespmem:$0x1260]  }
0x170: {  	v34 =	vadd.f32 v50, v1;
	v50 =	vld [tilespmem:$0x14C0]  }
0x171: {  	[tilespmem:$0x1FD00] =	vst v0;
	v0 =	vadd.f32 v21, v44;
	v21 =	vadd.f32 v13, v10;
	v13 =	vld [tilespmem:$0x1520]  }
0x172: {  	v10 =	vld [tilespmem:$0x15B0]  }
0x173: {  	v2 =	vadd.f32 v60, v2;
	v60 =	vld [tilespmem:$0x1640]  }
0x174: {  	[tilespmem:$0x1F910] =	vst v62;
	v62 =	vld [tilespmem:$0x12E0]  }
0x175: {  	v44 =	vadd.f32 v26, v29;
	v26 =	vld [tilespmem:$0x1F000]  }
0x176: {  	v29 =	vld [tilespmem:$0x1F020]  }
0x177: {  	[tilespmem:$0x1FA70] =	vst v22;
	v22 =	vld [tilespmem:$0x1EFE0]  }
0x178: {  	[tilespmem:$0x1FAD0] =	vst v43;
	v43 =	vld [tilespmem:$0x15D0]  }
0x179: {  	[tilespmem:$0x1F950] =	vst v62;
	v62 =	vld [tilespmem:$0x1360]  }
0x17a: {  	v3 =	vadd.f32 v24, v21;
	v24 =	vld [tilespmem:$0x1EF10]  }
0x17b: {  	v21 =	vld [tilespmem:$0x1720]  }
0x17c: {  	v0 =	vadd.f32 v32, v0;
	v32 =	vld [tilespmem:$0x1EF50]  }
0x17d: {  	[tilespmem:$0x1F1C0] =	vst v41;
	v41 =	vld [tilespmem:$0xAD0]  }
0x17e: {  	[tilespmem:$0x1F990] =	vst v62;
	v62 =	vld [tilespmem:$0x13E0]  }
0x17f: {  	[tilespmem:$0x1F090] =	vst v48;
	v48 =	vld [tilespmem:$0xB50]  }
0x180: {  	[tilespmem:$0x1F0A0] =	vst v54;
	v54 =	vld [tilespmem:$0xBD0]  }
0x181: {  	[tilespmem:$0x1F0C0] =	vst v56;
	v56 =	vld [tilespmem:$0xC50]  }
0x182: {  	v3 =	vadd.f32 v36, v3;
	v36 =	vld [tilespmem:$0x1EF70]  }
0x183: {  	[tilespmem:$0x1F9D0] =	vst v62;
	v62 =	vld [tilespmem:$0x1460]  }
0x184: {  	v0 =	vadd.f32 v46, v0;
	v46 =	vadd.f32 v15, v17;
	v15 =	vld [tilespmem:$0x17B0]  }
0x185: {  	v17 =	vld [tilespmem:$0x16C0]  }
0x186: {  	[tilespmem:$0x1FAF0] =	vst v50;
	v50 =	vld [tilespmem:$0x16D0]  }
0x187: {  	v3 =	vadd.f32 v49, v3;
	v49 =	vld [tilespmem:$0x1830]  }
0x188: {  	[tilespmem:$0x1FA00] =	vst v62;
	v62 =	vld [tilespmem:$0x10F0]  }
0x189: {  	v0 =	vadd.f32 v58, v0;
	v58 =	vld [tilespmem:$0x1EFB0]  }
0x18a: {  	v4 =	vadd.f32 v27, v46;
	v27 =	vld [tilespmem:$0x17C0]  }
0x18b: {  	v46 =	vld [tilespmem:$0x1650]  }
0x18c: {  	v2 =	vadd.f32 v24, v2;
	v24 =	vld [tilespmem:$0x1EFF0]  }
0x18d: {  	[tilespmem:$0x1F8A0] =	vst v62;
	v62 =	vld [tilespmem:$0x1170]  }
0x18e: {  	v0 =	vadd.f32 v30, v0;
	v30 =	vld [tilespmem:$0x1840]  }
0x18f: {  	v4 =	vadd.f32 v40, v4;
	v40 =	vld [tilespmem:$0x1F090]  }
0x190: {  	[tilespmem:$0x1F1E0] =	vst v56;
	v56 =	vld [tilespmem:$0x8E0]  }
0x191: {  	[tilespmem:$0x1F1A0] =	vst v54;
	v54 =	vld [tilespmem:$0x960]  }
0x192: {  	[tilespmem:$0x1F8B0] =	vst v62;
	v62 =	vld [tilespmem:$0x11F0]  }
0x193: {  	[tilespmem:$0x1F120] =	vst v41;
	v41 =	vld [tilespmem:$0xA60]  }
0x194: {  	[tilespmem:$0x1F160] =	vst v48;
	v48 =	vld [tilespmem:$0xAE0]  }
0x195: {  	v2 =	vadd.f32 v28, v2;
	v28 =	vld [tilespmem:$0x1F010]  }
0x196: {  	v0 =	vadd.f32 v33, v0;
	v33 =	vld [tilespmem:$0x14D0]  }
0x197: {  	[tilespmem:$0x1F8F0] =	vst v62;
	v62 =	vld [tilespmem:$0x1270]  }
0x198: {  	[tilespmem:$0x1FBD0] =	vst v25;
	v4 =	vadd.f32 v53, v4;
	v53 =	vld [tilespmem:$0x1750]  }
0x199: {  	[tilespmem:$0x1FB30] =	vst v38;
	v2 =	vadd.f32 v31, v2;
	v31 =	vld [tilespmem:$0x1F030]  }
0x19a: {  	[tilespmem:$0x1FD50] =	vst v0;
	v0 =	vadd.f32 v61, v34;
	v61 =	vld [tilespmem:$0x1EFD0]  }
0x19b: {  	[tilespmem:$0x1FAE0] =	vst v45;
	v34 =	vld [tilespmem:$0x1F050]  }
0x19c: {  	[tilespmem:$0x1F930] =	vst v62;
	v62 =	vld [tilespmem:$0x12F0]  }
0x19d: {  	[tilespmem:$0x1FD20] =	vst v2;
	v2 =	vadd.f32 v32, v3;
	v32 =	vld [tilespmem:$0x1F040]  }
0x19e: {  	[tilespmem:$0x1FB70] =	vst v60;
	v3 =	vadd.f32 v39, v44;
	v39 =	vld [tilespmem:$0x1F080]  }
0x19f: {  	[tilespmem:$0x1FB60] =	vst v43;
	v44 =	vld [tilespmem:$0x1F0B0]  }
0x1a0: {  	[tilespmem:$0x1F110] =	vst v41;
	v41 =	vld [tilespmem:$0xBE0]  }
0x1a1: {  	[tilespmem:$0x1F970] =	vst v62;
	v62 =	vld [tilespmem:$0x1370]  }
0x1a2: {  	[tilespmem:$0x1F150] =	vst v48;
	v48 =	vld [tilespmem:$0xC60]  }
0x1a3: {  	[tilespmem:$0x1FDA0] =	vst v0;
	v0 =	vadd.f32 v47, v42;
	v47 =	vld [tilespmem:$0x1EF80]  }
0x1a4: {  	[tilespmem:$0x1FBA0] =	vst v17;
	v42 =	vld [tilespmem:$0x1F0A0]  }
0x1a5: {  	[tilespmem:$0x1FBC0] =	vst v50;
	v45 =	vadd.f32 v54, v56;
	v54 =	vld [tilespmem:$0x1F0F0]  }
0x1a6: {  	[tilespmem:$0x1F9B0] =	vst v62;
	v62 =	vld [tilespmem:$0x13F0]  }
0x1a7: {  	[tilespmem:$0x1FB10] =	vst v49;
	v56 =	vld [tilespmem:$0x1F100]  }
0x1a8: {  	[tilespmem:$0x1FC00] =	vst v27;
	v3 =	vadd.f32 v52, v3;
	v52 =	vld [tilespmem:$0x1540]  }
0x1a9: {  	[tilespmem:$0x1FB90] =	vst v46;
	v1 =	vadd.f32 v36, v2;
	v2 =	vadd.f32 v59, v37;
	v59 =	vld [tilespmem:$0x1EFC0]  }
0x1aa: {  	[tilespmem:$0x1FC30] =	vst v30;
	v36 =	vld [tilespmem:$0x1F060];
	v0 =	vadd.f32 v57, v0  }
0x1ab: {  	[tilespmem:$0x1F9F0] =	vst v62;
	v62 =	vld [tilespmem:$0x1470]  }
0x1ac: {  	[tilespmem:$0x1FB20] =	vst v33;
	v37 =	vld [tilespmem:$0x1F070];
	v0 =	vadd.f32 v55, v0  }
0x1ad: {  	[tilespmem:$0x1FBF0] =	vst v53;
	v57 =	vld [tilespmem:$0x15C0];
	v2 =	vadd.f32 v47, v2  }
0x1ae: {  	[tilespmem:$0x1FD70] =	vst v1;
	v1 =	vld [tilespmem:$0x1630];
	v0 =	vadd.f32 v61, v0  }
0x1af: {  	v55 =	vld [tilespmem:$0x17D0];
	[tilespmem:$0x1F1D0] =	vst v41;
	v2 =	vadd.f32 v51, v2  }
0x1b0: {  	v0 =	vadd.f32 v26, v0;
	[tilespmem:$0x1FA30] =	vst v62;
	v62 =	vld [tilespmem:$0x1480]  }
0x1b1: {  	[tilespmem:$0x1F200] =	vst v48;
	v41 =	vld [tilespmem:$0x8F0];
	v3 =	vadd.f32 v59, v3;
	v2 =	vadd.f32 v58, v2  }
0x1b2: {  	v4 =	vadd.f32 v63, v4;
	[tilespmem:$0x1FB00] =	vst v52;
	v58 =	vld [tilespmem:$0x1850];
	v0 =	vadd.f32 v31, v0  }
0x1b3: {  	v48 =	vld [tilespmem:$0x9F0];
	[tilespmem:$0x1FB40] =	vst v57;
	v3 =	vadd.f32 v24, v3;
	v2 =	vadd.f32 v22, v2  }
0x1b4: {  	v47 =	vld [tilespmem:$0x1F0C0];
	[tilespmem:$0x1FDE0] =	vst v0;
	v0 =	vadd.f32 v32, v4  }
0x1b5: {  	v63 =	vadd.f32 v28, v2;
	v2 =	vadd.f32 v29, v3;
	[tilespmem:$0x1FA10] =	vst v62;
	v62 =	vld [tilespmem:$0x1500]  }
0x1b6: {  	v52 =	vld [tilespmem:$0x1F0E0];
	[tilespmem:$0x1FC20] =	vst v55;
	v0 =	vadd.f32 v39, v0  }
0x1b7: {  	v59 =	vld [tilespmem:$0x1F120];
	[tilespmem:$0x1FC50] =	vst v58;
	v2 =	vadd.f32 v34, v2  }
0x1b8: {  	v51 =	vld [tilespmem:$0x1F0D0];
	[tilespmem:$0x1FE20] =	vst v0  }
0x1b9: {  	v57 =	vld [tilespmem:$0x1F110];
	[tilespmem:$0x1FE00] =	vst v2  }
0x1ba: {  	[tilespmem:$0x1FA20] =	vst v62;
	v62 =	vld [tilespmem:$0x1600]  }
0x1bb: {  	v60 =	vld [tilespmem:$0x1F130]  }
0x1bc: {  	v17 =	vld [tilespmem:$0x1F140]  }
0x1bd: {  	v22 =	vld [tilespmem:$0x1F150]  }
0x1be: {  	v24 =	vld [tilespmem:$0x1F160]  }
0x1bf: {  	v25 =	vld [tilespmem:$0x1F170]  }
0x1c0: {  	v26 =	vld [tilespmem:$0x15E0]  }
0x1c1: {  	v27 =	vld [tilespmem:$0x1F180]  }
0x1c2: {  	v28 =	vld [tilespmem:$0x1F190]  }
0x1c3: {  	v29 =	vld [tilespmem:$0x1660]  }
0x1c4: {  	v30 =	vld [tilespmem:$0x1F1A0]  }
0x1c5: {  	v31 =	vld [tilespmem:$0x1F1B0]  }
0x1c6: {  	v32 =	vld [tilespmem:$0x16E0]  }
0x1c7: {  	v33 =	vld [tilespmem:$0x1F1C0]  }
0x1c8: {  	v34 =	vld [tilespmem:$0x1F1D0]  }
0x1c9: {  	v49 =	vadd.f32 v35, v41;
	v35 =	vld [tilespmem:$0x1760]  }
0x1ca: {  	v2 =	vadd.f32 v37, v36;
	v36 =	vld [tilespmem:$0x1F1E0]  }
0x1cb: {  	v37 =	vld [tilespmem:$0x1F1F0]  }
0x1cc: {  	v39 =	vld [tilespmem:$0x1F200]  }
0x1cd: {  	v0 =	vadd.f32 v42, v40;
	v40 =	vld [tilespmem:$0x1F210]  }
0x1ce: {  	v41 =	vld [tilespmem:$0x1F220]  }
0x1cf: {  	v42 =	vld [tilespmem:$0x1860]  }
0x1d0: {  	v2 =	vadd.f32 v44, v2;
	v44 =	vld [tilespmem:$0x1F230]  }
0x1d1: {  	v3 =	vadd.f32 v52, v45;
	v45 =	vld [tilespmem:$0x1F240]  }
0x1d2: {  	v46 =	vld [tilespmem:$0x1F250]  }
0x1d3: {  	v0 =	vadd.f32 v47, v0;
	v47 =	vld [tilespmem:$0x1F260]  }
0x1d4: {  	v4 =	vadd.f32 v48, v49;
	v48 =	vld [tilespmem:$0x1F270]  }
0x1d5: {  	v49 =	vld [tilespmem:$0x1F280]  }
0x1d6: {  	v50 =	vld [tilespmem:$0x1F290]  }
0x1d7: {  	v2 =	vadd.f32 v51, v2;
	v51 =	vld [tilespmem:$0x1F2A0]  }
0x1d8: {  	v52 =	vld [tilespmem:$0x1F2B0]  }
0x1d9: {  	v53 =	vld [tilespmem:$0x1F2C0]  }
0x1da: {  	v0 =	vadd.f32 v54, v0;
	v54 =	vld [tilespmem:$0x1F2D0]  }
0x1db: {  	v55 =	vld [tilespmem:$0x1F2E0]  }
0x1dc: {  	v2 =	vadd.f32 v56, v2;
	v56 =	vld [tilespmem:$0x1F2F0]  }
0x1dd: {  	v3 =	vadd.f32 v57, v3;
	v57 =	vld [tilespmem:$0x1F300]  }
0x1de: {  	v0 =	vadd.f32 v59, v0;
	v59 =	vld [tilespmem:$0x1F310]  }
0x1df: {  	v5 =	vadd.f32 v17, v2;
	v17 =	vld [tilespmem:$0x1F320]  }
0x1e0: {  	v3 =	vadd.f32 v22, v3;
	v22 =	vld [tilespmem:$0x1F330]  }
0x1e1: {  	v0 =	vadd.f32 v24, v0;
	v24 =	vld [tilespmem:$0x1F340]  }
0x1e2: {  	[tilespmem:$0x1FB80] =	vst v26;
	v26 =	vld [tilespmem:$0x1870]  }
0x1e3: {  	[tilespmem:$0x1FBB0] =	vst v29;
	v29 =	vld [tilespmem:$0x1880]  }
0x1e4: {  	[tilespmem:$0x1FBE0] =	vst v32;
	v32 =	vld [tilespmem:$0x1F3A0]  }
0x1e5: {  	v4 =	vadd.f32 v60, v4;
	[tilespmem:$0x1FC10] =	vst v35;
	v35 =	vld [tilespmem:$0x1980]  }
0x1e6: {  	[tilespmem:$0x1FC60] =	vst v42;
	v42 =	vld [tilespmem:$0x1F3E0]  }
0x1e7: {  	v4 =	vadd.f32 v25, v4;
	v25 =	vld [tilespmem:$0x1F350]  }
0x1e8: {  	v5 =	vadd.f32 v27, v5;
	v27 =	vld [tilespmem:$0x1F360]  }
0x1e9: {  	v3 =	vadd.f32 v28, v3;
	v28 =	vld [tilespmem:$0x1F370]  }
0x1ea: {  	v0 =	vadd.f32 v30, v0;
	v30 =	vld [tilespmem:$0x1F380]  }
0x1eb: {  	v4 =	vadd.f32 v31, v4;
	v31 =	vld [tilespmem:$0x1F390]  }
0x1ec: {  	v3 =	vadd.f32 v34, v3;
	v34 =	vld [tilespmem:$0x1F3B0]  }
0x1ed: {  	v0 =	vadd.f32 v36, v0;
	v36 =	vld [tilespmem:$0x1F3C0]  }
0x1ee: {  	v2 =	vadd.f32 v33, v5;
	v5 =	vadd.f32 v52, v51;
	v51 =	vld [tilespmem:$0x1F430]  }
0x1ef: {  	v52 =	vld [tilespmem:$0x1F440]  }
0x1f0: {  	[tilespmem:$0x1FC80] =	vst v26;
	v26 =	vld [tilespmem:$0x1890]  }
0x1f1: {  	[tilespmem:$0x1FC70] =	vst v29;
	v29 =	vld [tilespmem:$0x1F4E0]  }
0x1f2: {  	[tilespmem:$0x1FCA0] =	vst v35;
	v35 =	vld [tilespmem:$0x1A10]  }
0x1f3: {  	[tilespmem:$0x1FE40] =	vst v0;
	v0 =	vadd.f32 v37, v4;
	v37 =	vld [tilespmem:$0x1F3D0]  }
0x1f4: {  	[tilespmem:$0x1FE30] =	vst v2;
	v2 =	vadd.f32 v39, v3;
	v3 =	vadd.f32 v41, v40;
	v40 =	vld [tilespmem:$0x1A00]  }
0x1f5: {  	v4 =	vadd.f32 v49, v48;
	v48 =	vld [tilespmem:$0x1F410]  }
0x1f6: {  	v49 =	vld [tilespmem:$0x1F420]  }
0x1f7: {  	v5 =	vadd.f32 v56, v5;
	v56 =	vld [tilespmem:$0x1F460]  }
0x1f8: {  	v3 =	vadd.f32 v47, v3;
	v47 =	vld [tilespmem:$0x1F400]  }
0x1f9: {  	v0 =	vadd.f32 v44, v0;
	v4 =	vadd.f32 v54, v4;
	v54 =	vld [tilespmem:$0x1B80]  }
0x1fa: {  	v5 =	vadd.f32 v22, v5;
	v22 =	vld [tilespmem:$0x1F490]  }
0x1fb: {  	[tilespmem:$0x1FE60] =	vst v0;
	v0 =	vadd.f32 v46, v45;
	v45 =	vld [tilespmem:$0x1F3F0]  }
0x1fc: {  	v46 =	vld [tilespmem:$0x1A80]  }
0x1fd: {  	v3 =	vadd.f32 v53, v3;
	v53 =	vld [tilespmem:$0x1F450]  }
0x1fe: {  	v4 =	vadd.f32 v59, v4;
	v59 =	vld [tilespmem:$0x1F480]  }
0x1ff: {  	v5 =	vadd.f32 v28, v5;
	v28 =	vld [tilespmem:$0x1F4D0]  }
0x200: {  	[tilespmem:$0x1FC90] =	vst v26;
	v26 =	vld [tilespmem:$0x1F620]  }
0x201: {  	[tilespmem:$0x1FCD0] =	vst v35;
	v35 =	vld [tilespmem:$0x1F680]  }
0x202: {  	[tilespmem:$0x1FCC0] =	vst v40;
	v40 =	vld [tilespmem:$0x1F540]  }
0x203: {  	v0 =	vadd.f32 v50, v0;
	v50 =	vld [tilespmem:$0x1B00]  }
0x204: {  	v3 =	vadd.f32 v57, v3;
	v57 =	vld [tilespmem:$0x1F470]  }
0x205: {  	v4 =	vadd.f32 v25, v4;
	v25 =	vld [tilespmem:$0x1F4B0]  }
0x206: {  	v5 =	vadd.f32 v34, v5;
	v34 =	vld [tilespmem:$0x1F510]  }
0x207: {  	[tilespmem:$0x1FD80] =	vst v54;
	v54 =	vld [tilespmem:$0x1F5B0]  }
0x208: {  	v3 =	vadd.f32 v24, v3;
	v24 =	vld [tilespmem:$0x1F4A0]  }
0x209: {  	v0 =	vadd.f32 v55, v0;
	v4 =	vadd.f32 v31, v4;
	v31 =	vld [tilespmem:$0x1990]  }
0x20a: {  	[tilespmem:$0x1FCF0] =	vst v46;
	v46 =	vld [tilespmem:$0x1F560]  }
0x20b: {  	v0 =	vadd.f32 v17, v0;
	v17 =	vld [tilespmem:$0x1C00]  }
0x20c: {  	v3 =	vadd.f32 v30, v3;
	v30 =	vld [tilespmem:$0x1F4F0]  }
0x20d: {  	v39 =	vadd.f32 v37, v4;
	v37 =	vld [tilespmem:$0x1F530]  }
0x20e: {  	[tilespmem:$0x1FD30] =	vst v50;
	v50 =	vld [tilespmem:$0x1F590]  }
0x20f: {  	v4 =	vadd.f32 v59, v57;
	v57 =	vld [tilespmem:$0x1F5D0]  }
0x210: {  	v0 =	vadd.f32 v27, v0;
	v27 =	vld [tilespmem:$0x1F4C0]  }
0x211: {  	[tilespmem:$0x1FE50] =	vst v2;
	v2 =	vadd.f32 v36, v3;
	v36 =	vld [tilespmem:$0x1F520]  }
0x212: {  	v3 =	vadd.f32 v49, v48;
	v49 =	vld [tilespmem:$0x1F580]  }
0x213: {  	[tilespmem:$0x1FCB0] =	vst v31;
	v31 =	vld [tilespmem:$0x1AA0]  }
0x214: {  	v0 =	vadd.f32 v32, v0;
	v32 =	vld [tilespmem:$0x1F500]  }
0x215: {  	[tilespmem:$0x1FE70] =	vst v2;
	v2 =	vadd.f32 v47, v39;
	v39 =	vld [tilespmem:$0x1A90]  }
0x216: {  	v47 =	vld [tilespmem:$0x1F570]  }
0x217: {  	v4 =	vadd.f32 v28, v4;
	v3 =	vadd.f32 v56, v3;
	v56 =	vld [tilespmem:$0x1F5C0]  }
0x218: {  	[tilespmem:$0x1FDC0] =	vst v17;
	v17 =	vld [tilespmem:$0x1F5E0]  }
0x219: {  	v4 =	vadd.f32 v34, v4;
	v34 =	vld [tilespmem:$0x1F670]  }
0x21a: {  	v0 =	vadd.f32 v42, v0;
	v42 =	vld [tilespmem:$0x1F550]  }
0x21b: {  	v3 =	vadd.f32 v27, v3;
	v27 =	vld [tilespmem:$0x1F630]  }
0x21c: {  	[tilespmem:$0x1FE90] =	vst v0;
	v0 =	vadd.f32 v45, v5;
	v45 =	vld [tilespmem:$0x1B10]  }
0x21d: {  	v5 =	vadd.f32 v25, v24;
	v24 =	vld [tilespmem:$0x1F600]  }
0x21e: {  	v25 =	vld [tilespmem:$0x1F610]  }
0x21f: {  	[tilespmem:$0x1FD40] =	vst v31;
	v31 =	vld [tilespmem:$0x1F790]  }
0x220: {  	v3 =	vadd.f32 v32, v3;
	v32 =	vld [tilespmem:$0x1F660]  }
0x221: {  	[tilespmem:$0x1FD10] =	vst v39;
	v39 =	vld [tilespmem:$0x1F6A0]  }
0x222: {  	v0 =	vadd.f32 v51, v0;
	v51 =	vld [tilespmem:$0x1C10]  }
0x223: {  	v5 =	vadd.f32 v30, v5;
	v30 =	vld [tilespmem:$0x1F650]  }
0x224: {  	v3 =	vadd.f32 v40, v3;
	v40 =	vld [tilespmem:$0x1F6B0]  }
0x225: {  	[tilespmem:$0x1FEC0] =	vst v0;
	v0 =	vadd.f32 v53, v52;
	v52 =	vld [tilespmem:$0x1F5A0]  }
0x226: {  	v4 =	vadd.f32 v42, v4;
	v5 =	vadd.f32 v37, v5;
	v37 =	vld [tilespmem:$0x1F690]  }
0x227: {  	[tilespmem:$0x1FD60] =	vst v45;
	v45 =	vld [tilespmem:$0x1F6C0]  }
0x228: {  	v4 =	vadd.f32 v50, v4;
	v50 =	vld [tilespmem:$0x1F6E0]  }
0x229: {  	v0 =	vadd.f32 v22, v0;
	v22 =	vld [tilespmem:$0x1F5F0]  }
0x22a: {  	v5 =	vadd.f32 v47, v5;
	v47 =	vld [tilespmem:$0x1C20]  }
0x22b: {  	v3 =	vadd.f32 v49, v3;
	[tilespmem:$0x1FDF0] =	vst v51;
	v51 =	vld [tilespmem:$0x1F6F0]  }
0x22c: {  	v59 =	vadd.f32 v57, v4;
	v57 =	vld [tilespmem:$0x1F720]  }
0x22d: {  	[tilespmem:$0x1FEA0] =	vst v2;
	v2 =	vadd.f32 v56, v3;
	v3 =	vadd.f32 v26, v25;
	v25 =	vld [tilespmem:$0x1F760]  }
0x22e: {  	v26 =	vld [tilespmem:$0x1F770]  }
0x22f: {  	v4 =	vadd.f32 v35, v34;
	v35 =	vld [tilespmem:$0x1F7B0]  }
0x230: {  	v0 =	vadd.f32 v29, v0;
	v29 =	vld [tilespmem:$0x1F640]  }
0x231: {  	v5 =	vadd.f32 v54, v5;
	v54 =	vld [tilespmem:$0x1F710]  }
0x232: {  	[tilespmem:$0x1FED0] =	vst v2;
	v2 =	vadd.f32 v24, v59;
	v59 =	vld [tilespmem:$0x1F730]  }
0x233: {  	v24 =	vld [tilespmem:$0x1F750]  }
0x234: {  	v3 =	vadd.f32 v32, v3;
	v32 =	vld [tilespmem:$0x1F7A0];
	v0 =	vadd.f32 v36, v0  }
0x235: {  	v36 =	vld [tilespmem:$0x1B20]  }
0x236: {  	v0 =	vadd.f32 v46, v0;
	v46 =	vld [tilespmem:$0x1F6D0]  }
0x237: {  	[tilespmem:$0x1FE10] =	vst v47;
	v47 =	vld [tilespmem:$0x1F7F0]  }
0x238: {  	v0 =	vadd.f32 v52, v0;
	v52 =	vld [tilespmem:$0x1F700]  }
0x239: {  	v3 =	vadd.f32 v45, v3;
	v45 =	vld [tilespmem:$0x1F8F0]  }
0x23a: {  	v0 =	vadd.f32 v17, v0;
	v17 =	vld [tilespmem:$0x1F740]  }
0x23b: {  	[tilespmem:$0x1FD90] =	vst v36;
	v36 =	vld [tilespmem:$0x1F7C0];
	v4 =	vadd.f32 v46, v4  }
0x23c: {  	v46 =	vld [tilespmem:$0x1F7E0];
	[tilespmem:$0x1FEF0] =	vst v0;
	v0 =	vadd.f32 v22, v5;
	v5 =	vadd.f32 v40, v39  }
0x23d: {  	v39 =	vld [tilespmem:$0x1F7D0];
	v3 =	vadd.f32 v52, v3  }
0x23e: {  	v4 =	vadd.f32 v54, v4;
	v5 =	vadd.f32 v51, v5;
	v51 =	vld [tilespmem:$0x1F810]  }
0x23f: {  	v0 =	vadd.f32 v27, v0;
	v3 =	vadd.f32 v17, v3;
	v17 =	vld [tilespmem:$0x1F860]  }
0x240: {  	v4 =	vadd.f32 v24, v4;
	v24 =	vld [tilespmem:$0x1F870]  }
0x241: {  	[tilespmem:$0x1FF20] =	vst v0;
	v0 =	vadd.f32 v30, v29;
	v29 =	vld [tilespmem:$0x1F780]  }
0x242: {  	v5 =	vadd.f32 v59, v5;
	v59 =	vld [tilespmem:$0x1F830]  }
0x243: {  	v4 =	vadd.f32 v31, v4;
	v31 =	vld [tilespmem:$0x1F8B0]  }
0x244: {  	v5 =	vadd.f32 v26, v5;
	v26 =	vld [tilespmem:$0x1F890]  }
0x245: {  	v0 =	vadd.f32 v37, v0;
	v40 =	vadd.f32 v39, v4;
	v4 =	vld [tilespmem:$0x1F840]  }
0x246: {  	v39 =	vld [tilespmem:$0x1B40]  }
0x247: {  	v0 =	vadd.f32 v50, v0;
	v50 =	vld [tilespmem:$0x1F800]  }
0x248: {  	v5 =	vadd.f32 v35, v5;
	v35 =	vld [tilespmem:$0x1F8C0]  }
0x249: {  	v3 =	vadd.f32 v29, v3;
	v29 =	vld [tilespmem:$0x1F8A0]  }
0x24a: {  	v0 =	vadd.f32 v57, v0;
	v57 =	vld [tilespmem:$0x1F820]  }
0x24b: {  	[tilespmem:$0x1FF00] =	vst v2;
	v2 =	vadd.f32 v36, v3;
	v36 =	vld [tilespmem:$0x1F8D0]  }
0x24c: {  	v0 =	vadd.f32 v25, v0;
	v25 =	vld [tilespmem:$0x1F880]  }
0x24d: {  	[tilespmem:$0x1FEB0] =	vst v39;
	v39 =	vld [tilespmem:$0x1F980]  }
0x24e: {  	[tilespmem:$0x1FF30] =	vst v2;
	v2 =	vadd.f32 v50, v40;
	v50 =	vld [tilespmem:$0x1BC0];
	v0 =	vadd.f32 v32, v0  }
0x24f: {  	v32 =	vld [tilespmem:$0x1AC0];
	v3 =	vadd.f32 v57, v51  }
0x250: {  	v40 =	vld [tilespmem:$0x1F8E0];
	v0 =	vadd.f32 v46, v0  }
0x251: {  	v3 =	vadd.f32 v17, v3;
	v17 =	vld [tilespmem:$0x1F910]  }
0x252: {  	[tilespmem:$0x1FF40] =	vst v0;
	v0 =	vadd.f32 v47, v5;
	v5 =	vld [tilespmem:$0x1F850]  }
0x253: {  	[tilespmem:$0x1FEE0] =	vst v50;
	v50 =	vld [tilespmem:$0x1F9B0]  }
0x254: {  	[tilespmem:$0x1FE80] =	vst v32;
	v32 =	vld [tilespmem:$0x1F950]  }
0x255: {  	v3 =	vadd.f32 v35, v3;
	v35 =	vld [tilespmem:$0x1F960];
	v0 =	vadd.f32 v59, v0  }
0x256: {  	v59 =	vld [tilespmem:$0x1F900]  }
0x257: {  	[tilespmem:$0x1FF60] =	vst v0;
	v0 =	vadd.f32 v5, v4;
	v4 =	vadd.f32 v25, v24;
	v24 =	vld [tilespmem:$0x1C40]  }
0x258: {  	v25 =	vld [tilespmem:$0x1F920]  }
0x259: {  	v5 =	vadd.f32 v31, v29;
	v29 =	vld [tilespmem:$0x1F940]  }
0x25a: {  	v0 =	vadd.f32 v26, v0;
	v26 =	vld [tilespmem:$0x1F930]  }
0x25b: {  	v4 =	vadd.f32 v36, v4;
	v36 =	vld [tilespmem:$0x1F970]  }
0x25c: {  	v5 =	vadd.f32 v45, v5;
	v45 =	vld [tilespmem:$0x1F9A0];
	v0 =	vadd.f32 v40, v0  }
0x25d: {  	v3 =	vadd.f32 v59, v3;
	v59 =	vld [tilespmem:$0x1F9C0]  }
0x25e: {  	v40 =	vld [tilespmem:$0x1F990];
	v0 =	vadd.f32 v25, v0  }
0x25f: {  	v4 =	vadd.f32 v17, v4;
	v3 =	vadd.f32 v29, v3;
	v25 =	vld [tilespmem:$0x1F9E0]  }
0x260: {  	v17 =	vld [tilespmem:$0x1F9D0];
	v5 =	vadd.f32 v26, v5;
	v0 =	vadd.f32 v35, v0  }
0x261: {  	v29 =	vld [tilespmem:$0x1F9F0];
	v4 =	vadd.f32 v32, v4;
	v3 =	vadd.f32 v39, v3  }
0x262: {  	v35 =	vld [tilespmem:$0x1FA00];
	v5 =	vadd.f32 v36, v5;
	v0 =	vadd.f32 v45, v0  }
0x263: {  	[tilespmem:$0x1FF50] =	vst v2;
	v4 =	vadd.f32 v40, v4;
	v2 =	vadd.f32 v59, v3;
	v36 =	vld [tilespmem:$0x1FA10]  }
0x264: {  	v59 =	vld [tilespmem:$0x1FA20];
	v5 =	vadd.f32 v50, v5;
	v0 =	vadd.f32 v25, v0  }
0x265: {  	[tilespmem:$0x1FF10] =	vst v24;
	v24 =	vadd.f32 v17, v4;
	v17 =	vld [tilespmem:$0x1FA40]  }
0x266: {  	[tilespmem:$0x1FF80] =	vst v0;
	v0 =	vadd.f32 v29, v5;
	v5 =	vld [tilespmem:$0x1FA30]  }
0x267: {  	[tilespmem:$0x1FF70] =	vst v2;
	v2 =	vadd.f32 v35, v24;
	v24 =	vld [tilespmem:$0x1FA50]  }
0x268: {  	v35 =	vld [tilespmem:$0x1FA70];
	_ =	sdelay $0x1  }
0x269: {  	v4 =	vld [tilespmem:$0x1FAA0]  }
0x26a: {  	v6 =	vadd.f32 v13, v6;
	v0 =	vadd.f32 v5, v0  }
0x26b: {  	v8 =	vadd.f32 v8, v7;
	v3 =	vadd.f32 v59, v36;
	v36 =	vld [tilespmem:$0x1FA80]  }
0x26c: {  	v7 =	vld [tilespmem:$0x1FAB0];
	v6 =	vadd.f32 v35, v6;
	[tilespmem:$0x1FFA0] =	vst v0;
	v0 =	vadd.f32 v24, v17  }
0x26d: {  	v25 =	vld [tilespmem:$0x1FA60]  }
0x26e: {  	v6 =	vadd.f32 v4, v6;
	v0 =	vadd.f32 v20, v0;
	_ =	sdelay $0x1  }
0x26f: {  	v6 =	vadd.f32 v23, v6;
	v23 =	vld [tilespmem:$0x1FAD0];
	v0 =	vadd.f32 v36, v0  }
0x270: {  	v8 =	vadd.f32 v10, v8  }
0x271: {  	v29 =	vadd.f32 v25, v3;
	v0 =	vadd.f32 v7, v0  }
0x272: {  	v1 =	vadd.f32 v1, v8  }
0x273: {  	v10 =	vld [tilespmem:$0x1FAC0];
	v5 =	vadd.f32 v62, v29;
	v0 =	vadd.f32 v19, v0  }
0x274: {  	v62 =	vld [tilespmem:$0x1FA90];
	v1 =	vadd.f32 v23, v1;
	v23 =	vadd.f32 v21, v6  }
0x275: {  	v19 =	vld [tilespmem:$0x1FAE0];
	v0 =	vadd.f32 v11, v0  }
0x276: {  	v21 =	vadd.f32 v18, v23;
	v18 =	vld [tilespmem:$0x1FB00]  }
0x277: {  	v0 =	vadd.f32 v16, v0;
	v16 =	vld [tilespmem:$0x1FAF0];
	_ =	sdelay $0x1  }
0x278: {  	v5 =	vadd.f32 v62, v5  }
0x279: {  	v61 =	vld [tilespmem:$0x14E0]  }
0x27a: {  	v43 =	vld [tilespmem:$0x1560];
	v5 =	vadd.f32 v10, v5  }
0x27b: {  	v1 =	vadd.f32 v19, v1;
	v19 =	vadd.f32 v18, v16;
	v18 =	vld [tilespmem:$0x1FB40]  }
0x27c: {  	v62 =	vadd.f32 v9, v5;
	v5 =	vld [tilespmem:$0x1FB10]  }
0x27d: {  	v60 =	vld [tilespmem:$0x14F0]  }
0x27e: {  	v10 =	vld [tilespmem:$0x1FB20]  }
0x27f: {  	[tilespmem:$0x1FB50] =	vst v61;
	v23 =	vadd.f32 v15, v1;
	v15 =	vadd.f32 v14, v21;
	v14 =	vld [tilespmem:$0x1FB30]  }
0x280: {  	v4 =	vadd.f32 v18, v19;
	v19 =	vld [tilespmem:$0x1FB50]  }
0x281: {  	[tilespmem:$0x1FFB0] =	vst v0;
	v0 =	vadd.f32 v5, v23;
	v5 =	vld [tilespmem:$0x1FB70]  }
0x282: {  	v61 =	vld [tilespmem:$0x15F0]  }
0x283: {  	v33 =	vld [tilespmem:$0x1570]  }
0x284: {  	v23 =	vld [tilespmem:$0x1FB60]  }
0x285: {  	v16 =	vadd.f32 v14, v10;
	v10 =	vadd.f32 v43, v19;
	v19 =	vld [tilespmem:$0x1FB80]  }
0x286: {  	v8 =	vadd.f32 v5, v4;
	v4 =	vld [tilespmem:$0x1FBA0]  }
0x287: {  	v5 =	vld [tilespmem:$0x1FBB0];
	_ =	sdelay $0x1  }
0x288: {  	v33 =	vadd.f32 v33, v60;
	v14 =	vadd.f32 v23, v16;
	v23 =	vld [tilespmem:$0x1FB90]  }
0x289: {  	[tilespmem:$0x1FFD0] =	vst v0;
	v0 =	vadd.f32 v19, v10  }
0x28a: {  	v33 =	vadd.f32 v61, v33;
	v10 =	vld [tilespmem:$0x1FBC0]  }
0x28b: {  	v61 =	vadd.f32 v4, v8;
	v8 =	vadd.f32 v5, v0;
	v5 =	vld [tilespmem:$0x1FBE0]  }
0x28c: {  	v38 =	vld [tilespmem:$0x17E0]  }
0x28d: {  	v14 =	vadd.f32 v23, v14;
	v4 =	vld [tilespmem:$0x1FBD0]  }
0x28e: {  	v58 =	vld [tilespmem:$0x1670]  }
0x28f: {  	v0 =	vadd.f32 v10, v14;
	v10 =	vld [tilespmem:$0x1FC00]  }
0x290: {  	v60 =	vadd.f32 v5, v8;
	v8 =	vld [tilespmem:$0x1FBF0]  }
0x291: {  	v44 =	vld [tilespmem:$0x1770]  }
0x292: {  	v61 =	vadd.f32 v4, v61;
	v4 =	vld [tilespmem:$0x1FC10]  }
0x293: {  	[tilespmem:$0x1FC40] =	vst v38;
	v55 =	vld [tilespmem:$0x16F0]  }
0x294: {  	v61 =	vadd.f32 v10, v61;
	v10 =	vld [tilespmem:$0x1FC40]  }
0x295: {  	v0 =	vadd.f32 v8, v0;
	v8 =	vld [tilespmem:$0x1FC30]  }
0x296: {  	v38 =	vld [tilespmem:$0x1900];
	v33 =	vadd.f32 v58, v33  }
0x297: {  	v41 =	vld [tilespmem:$0x17F0];
	v1 =	vadd.f32 v4, v60  }
0x298: {  	v33 =	vadd.f32 v55, v33;
	v5 =	vld [tilespmem:$0x1FC20]  }
0x299: {  	v1 =	vadd.f32 v10, v1;
	v10 =	vld [tilespmem:$0x1FC70]  }
0x29a: {  	v33 =	vadd.f32 v44, v33;
	v44 =	vadd.f32 v8, v61;
	v61 =	vld [tilespmem:$0x1FC50]  }
0x29b: {  	v8 =	vld [tilespmem:$0x1FC60];
	_ =	sdelay $0x1  }
0x29c: {  	v0 =	vadd.f32 v5, v0;
	_ =	sdelay $0x1  }
0x29d: {  	v53 =	vld [tilespmem:$0x1910];
	v61 =	vadd.f32 v61, v0;
	v0 =	vadd.f32 v41, v33  }
0x29e: {  	v41 =	vadd.f32 v8, v1;
	v1 =	vadd.f32 v38, v10;
	v38 =	vld [tilespmem:$0x1FC80]  }
0x29f: {  	v10 =	vld [tilespmem:$0x1FC90];
	_ =	sdelay $0x4  }
0x2a0: {  	v38 =	vadd.f32 v38, v0;
	v0 =	vadd.f32 v53, v10;
	v10 =	vld [tilespmem:$0x1FCA0];
	_ =	sdelay $0x1  }
0x2a1: {  	v13 =	vld [tilespmem:$0x1960]  }
0x2a2: {  	v58 =	vld [tilespmem:$0x1F00]  }
0x2a3: {  	v48 =	vld [tilespmem:$0x1B90]  }
0x2a4: {  	v1 =	vadd.f32 v10, v1;
	v10 =	vld [tilespmem:$0x1FCB0]  }
0x2a5: {  	v28 =	vld [tilespmem:$0x1920]  }
0x2a6: {  	v55 =	vld [tilespmem:$0x1F80]  }
0x2a7: {  	[tilespmem:$0x2180] =	vst v63;
	v63 =	vld [tilespmem:$0x1FDC0]  }
0x2a8: {  	v42 =	vld [tilespmem:$0x1BA0]  }
0x2a9: {  	v0 =	vadd.f32 v10, v0;
	v10 =	vld [tilespmem:$0x1FCC0]  }
0x2aa: {  	v49 =	vld [tilespmem:$0x18A0]  }
0x2ab: {  	[tilespmem:$0x1FDB0] =	vst v48;
	v48 =	vld [tilespmem:$0x19A0]  }
0x2ac: {  	v56 =	vld [tilespmem:$0x1A20]  }
0x2ad: {  	v34 =	vld [tilespmem:$0x1A30]  }
0x2ae: {  	v1 =	vadd.f32 v10, v1;
	v10 =	vld [tilespmem:$0x1FCD0]  }
0x2af: {  	[tilespmem:$0x1FDD0] =	vst v42;
	v42 =	vld [tilespmem:$0x1B30];
	v49 =	vadd.f32 v28, v49  }
0x2b0: {  	v28 =	vld [tilespmem:$0x1F10]  }
0x2b1: {  	v49 =	vadd.f32 v48, v49;
	v48 =	vld [tilespmem:$0x2010]  }
0x2b2: {  	v22 =	vld [tilespmem:$0x1930]  }
0x2b3: {  	v0 =	vadd.f32 v10, v0;
	v10 =	vld [tilespmem:$0x1FCE0]  }
0x2b4: {  	v27 =	vld [tilespmem:$0x18B0]  }
0x2b5: {  	v49 =	vadd.f32 v56, v49;
	v56 =	vld [tilespmem:$0x1D20]  }
0x2b6: {  	v30 =	vld [tilespmem:$0x19B0]  }
0x2b7: {  	v52 =	vld [tilespmem:$0x1BB0]  }
0x2b8: {  	[tilespmem:$0x2120] =	vst v10;
	v10 =	vld [tilespmem:$0x1FCF0]  }
0x2b9: {  	v54 =	vld [tilespmem:$0x1C30];
	v22 =	vadd.f32 v22, v27  }
0x2ba: {  	v37 =	vld [tilespmem:$0x1AB0]  }
0x2bb: {  	v27 =	vld [tilespmem:$0x1F90];
	v22 =	vadd.f32 v30, v22  }
0x2bc: {  	v30 =	vld [tilespmem:$0x1CA0]  }
0x2bd: {  	v22 =	vadd.f32 v34, v22;
	v1 =	vadd.f32 v10, v1;
	v10 =	vld [tilespmem:$0x1FD00]  }
0x2be: {  	v34 =	vld [tilespmem:$0x1DA0]  }
0x2bf: {  	v22 =	vadd.f32 v37, v22;
	v37 =	vld [tilespmem:$0x1EA0]  }
0x2c0: {  	v51 =	vld [tilespmem:$0x19C0]  }
0x2c1: {  	v57 =	vld [tilespmem:$0x1A40]  }
0x2c2: {  	v22 =	vadd.f32 v42, v22;
	[tilespmem:$0x2130] =	vst v10;
	v10 =	vld [tilespmem:$0x1FD10]  }
0x2c3: {  	v46 =	vld [tilespmem:$0x1940]  }
0x2c4: {  	v22 =	vadd.f32 v52, v22;
	v47 =	vld [tilespmem:$0x18C0]  }
0x2c5: {  	v42 =	vld [tilespmem:$0x1FA0]  }
0x2c6: {  	v22 =	vadd.f32 v54, v22;
	v54 =	vld [tilespmem:$0x1FE40]  }
0x2c7: {  	v0 =	vadd.f32 v10, v0;
	v10 =	vld [tilespmem:$0x1FD20]  }
0x2c8: {  	v52 =	vld [tilespmem:$0x1CB0]  }
0x2c9: {  	v31 =	vld [tilespmem:$0x18D0];
	v46 =	vadd.f32 v46, v47  }
0x2ca: {  	v47 =	vld [tilespmem:$0x1D30]  }
0x2cb: {  	[tilespmem:$0x21D0] =	vst v54;
	v54 =	vld [tilespmem:$0x1FE60];
	v46 =	vadd.f32 v51, v46  }
0x2cc: {  	[tilespmem:$0x2140] =	vst v10;
	v10 =	vld [tilespmem:$0x1FD30]  }
0x2cd: {  	v51 =	vadd.f32 v57, v46;
	v57 =	vld [tilespmem:$0x1FE70]  }
0x2ce: {  	v46 =	vld [tilespmem:$0x1FE90]  }
0x2cf: {  	v32 =	vld [tilespmem:$0x19D0]  }
0x2d0: {  	[tilespmem:$0x21F0] =	vst v54;
	v54 =	vld [tilespmem:$0x1FEB0]  }
0x2d1: {  	v1 =	vadd.f32 v10, v1;
	v10 =	vld [tilespmem:$0x1FD40]  }
0x2d2: {  	v26 =	vld [tilespmem:$0x1950]  }
0x2d3: {  	v39 =	vld [tilespmem:$0x1A50]  }
0x2d4: {  	v40 =	vld [tilespmem:$0x1AD0]  }
0x2d5: {  	[tilespmem:$0x2200] =	vst v57;
	v57 =	vld [tilespmem:$0x1FEC0]  }
0x2d6: {  	v49 =	vadd.f32 v10, v49;
	v10 =	vld [tilespmem:$0x1FD50]  }
0x2d7: {  	[tilespmem:$0x2210] =	vst v46;
	v46 =	vld [tilespmem:$0x1FEF0]  }
0x2d8: {  	v45 =	vld [tilespmem:$0x1B50]  }
0x2d9: {  	v50 =	vld [tilespmem:$0x1BD0]  }
0x2da: {  	v26 =	vadd.f32 v26, v31;
	v31 =	vld [tilespmem:$0x1DB0]  }
0x2db: {  	[tilespmem:$0x2150] =	vst v10;
	v10 =	vld [tilespmem:$0x1FD60]  }
0x2dc: {  	v59 =	vld [tilespmem:$0x1C50]  }
0x2dd: {  	[tilespmem:$0x2230] =	vst v57;
	v57 =	vld [tilespmem:$0x1FF20]  }
0x2de: {  	[tilespmem:$0x2250] =	vst v46;
	v46 =	vadd.f32 v47, v52;
	v47 =	vld [tilespmem:$0x1DD0]  }
0x2df: {  	v26 =	vadd.f32 v32, v26;
	[tilespmem:$0x1FF90] =	vst v2;
	v2 =	vld [tilespmem:$0x1E20]  }
0x2e0: {  	v0 =	vadd.f32 v10, v0;
	v10 =	vld [tilespmem:$0x1FD70]  }
0x2e1: {  	v26 =	vadd.f32 v39, v26;
	v39 =	vld [tilespmem:$0x1CF0]  }
0x2e2: {  	v25 =	vld [tilespmem:$0x1AE0]  }
0x2e3: {  	v3 =	vld [tilespmem:$0x1F20]  }
0x2e4: {  	v52 =	vadd.f32 v31, v46;
	v31 =	vld [tilespmem:$0x1ED0]  }
0x2e5: {  	[tilespmem:$0x2160] =	vst v10;
	v10 =	vld [tilespmem:$0x1FD80]  }
0x2e6: {  	v46 =	vld [tilespmem:$0x1E70]  }
0x2e7: {  	v35 =	vld [tilespmem:$0x1BE0]  }
0x2e8: {  	v26 =	vadd.f32 v40, v26;
	v40 =	vld [tilespmem:$0x1FF50]  }
0x2e9: {  	v29 =	vld [tilespmem:$0x1B60]  }
0x2ea: {  	v1 =	vadd.f32 v10, v1;
	v10 =	vld [tilespmem:$0x1FD90]  }
0x2eb: {  	v26 =	vadd.f32 v45, v26;
	v45 =	vld [tilespmem:$0x1FEE0]  }
0x2ec: {  	v17 =	vld [tilespmem:$0x18E0]  }
0x2ed: {  	v24 =	vld [tilespmem:$0x1A60]  }
0x2ee: {  	v26 =	vadd.f32 v50, v26;
	v50 =	vld [tilespmem:$0x1FF70]  }
0x2ef: {  	v49 =	vadd.f32 v10, v49;
	v10 =	vld [tilespmem:$0x1FDA0]  }
0x2f0: {  	[tilespmem:$0x2270] =	vst v57;
	v57 =	vld [tilespmem:$0x1FFA0]  }
0x2f1: {  	v20 =	vld [tilespmem:$0x19E0]  }
0x2f2: {  	[tilespmem:$0x22A0] =	vst v40;
	v40 =	vld [tilespmem:$0x1D70]  }
0x2f3: {  	v26 =	vadd.f32 v59, v26;
	v59 =	vld [tilespmem:$0x1FF30]  }
0x2f4: {  	[tilespmem:$0x2170] =	vst v10;
	v10 =	vld [tilespmem:$0x1FDB0]  }
0x2f5: {  	v36 =	vld [tilespmem:$0x1C60]  }
0x2f6: {  	v13 =	vadd.f32 v13, v17;
	v17 =	vld [tilespmem:$0x1E30]  }
0x2f7: {  	v7 =	vld [tilespmem:$0x18F0]  }
0x2f8: {  	v6 =	vld [tilespmem:$0x1970]  }
0x2f9: {  	v0 =	vadd.f32 v10, v0;
	v10 =	vadd.f32 v63, v1;
	v63 =	vld [tilespmem:$0x1FDD0]  }
0x2fa: {  	[tilespmem:$0x22C0] =	vst v50;
	v50 =	vld [tilespmem:$0x1EE0]  }
0x2fb: {  	v9 =	vld [tilespmem:$0x19F0]  }
0x2fc: {  	v13 =	vadd.f32 v20, v13;
	v20 =	vld [tilespmem:$0x1F30]  }
0x2fd: {  	[tilespmem:$0x2280] =	vst v59;
	v59 =	vld [tilespmem:$0x1FD0]  }
0x2fe: {  	v49 =	vadd.f32 v63, v49;
	v63 =	vld [tilespmem:$0x1FDE0]  }
0x2ff: {  	v62 =	vadd.f32 v12, v62;
	v12 =	vld [tilespmem:$0x1AF0]  }
0x300: {  	v13 =	vadd.f32 v24, v13;
	v24 =	vld [tilespmem:$0x2030]  }
0x301: {  	v11 =	vld [tilespmem:$0x1A70]  }
0x302: {  	v6 =	vadd.f32 v6, v7;
	v7 =	vld [tilespmem:$0x1EB0]  }
0x303: {  	[tilespmem:$0x2190] =	vst v63;
	v63 =	vld [tilespmem:$0x1FDF0]  }
0x304: {  	v13 =	vadd.f32 v25, v13;
	v25 =	vld [tilespmem:$0x1D40]  }
0x305: {  	v6 =	vadd.f32 v9, v6;
	v9 =	vld [tilespmem:$0x1FB0]  }
0x306: {  	v13 =	vadd.f32 v29, v13;
	v29 =	vld [tilespmem:$0x1E40]  }
0x307: {  	v21 =	vld [tilespmem:$0x1BF0]  }
0x308: {  	v0 =	vadd.f32 v63, v0;
	v63 =	vld [tilespmem:$0x1FE00]  }
0x309: {  	v6 =	vadd.f32 v11, v6;
	v11 =	vld [tilespmem:$0x1CC0]  }
0x30a: {  	v13 =	vadd.f32 v35, v13;
	v35 =	vld [tilespmem:$0x1F40]  }
0x30b: {  	[tilespmem:$0x2300] =	vst v62;
	v62 =	vld [tilespmem:$0x1FFB0]  }
0x30c: {  	[tilespmem:$0x1FFC0] =	vst v15;
	v15 =	vld [tilespmem:$0x1B70]  }
0x30d: {  	[tilespmem:$0x21A0] =	vst v63;
	v63 =	vld [tilespmem:$0x1FE10]  }
0x30e: {  	v6 =	vadd.f32 v12, v6;
	v12 =	vld [tilespmem:$0x1DC0]  }
0x30f: {  	v18 =	vld [tilespmem:$0x1C80]  }
0x310: {  	v16 =	vld [tilespmem:$0x1D00]  }
0x311: {  	v6 =	vadd.f32 v15, v6;
	v15 =	vld [tilespmem:$0x1EC0]  }
0x312: {  	v49 =	vadd.f32 v63, v49;
	v63 =	vld [tilespmem:$0x1FE20]  }
0x313: {  	v6 =	vadd.f32 v21, v6;
	v21 =	vld [tilespmem:$0x1FC0]  }
0x314: {  	v43 =	vld [tilespmem:$0x1C70]  }
0x315: {  	v23 =	vld [tilespmem:$0x1E00]  }
0x316: {  	v19 =	vld [tilespmem:$0x1D80]  }
0x317: {  	[tilespmem:$0x21B0] =	vst v63;
	v63 =	vld [tilespmem:$0x1FE30]  }
0x318: {  	v16 =	vadd.f32 v16, v18;
	v18 =	vld [tilespmem:$0x2040]  }
0x319: {  	v6 =	vadd.f32 v43, v6;
	v43 =	vadd.f32 v56, v30;
	v30 =	vld [tilespmem:$0x1D50]  }
0x31a: {  	v56 =	vld [tilespmem:$0x1F50]  }
0x31b: {  	v14 =	vld [tilespmem:$0x1E80]  }
0x31c: {  	v16 =	vadd.f32 v19, v16;
	[tilespmem:$0x21C0] =	vst v63;
	v63 =	vld [tilespmem:$0x1FE50]  }
0x31d: {  	v19 =	vadd.f32 v34, v43;
	v34 =	vld [tilespmem:$0x1D60]  }
0x31e: {  	v16 =	vadd.f32 v23, v16;
	v23 =	vld [tilespmem:$0x1E50]  }
0x31f: {  	v4 =	vld [tilespmem:$0x1D10]  }
0x320: {  	v5 =	vld [tilespmem:$0x1C90]  }
0x321: {  	v2 =	vadd.f32 v2, v19;
	[tilespmem:$0x21E0] =	vst v63;
	v63 =	vld [tilespmem:$0x1FE80]  }
0x322: {  	v60 =	vld [tilespmem:$0x2000]  }
0x323: {  	v2 =	vadd.f32 v37, v2;
	v33 =	vld [tilespmem:$0x1D90]  }
0x324: {  	v37 =	vld [tilespmem:$0x1FFD0]  }
0x325: {  	v2 =	vadd.f32 v3, v2;
	v8 =	vld [tilespmem:$0x1E10]  }
0x326: {  	[tilespmem:$0x23B0] =	vst v22;
	v4 =	vadd.f32 v4, v5;
	v32 =	vadd.f32 v63, v51;
	v51 =	vld [tilespmem:$0x1FEA0]  }
0x327: {  	[tilespmem:$0x23D0] =	vst v26;
	v13 =	vadd.f32 v36, v13;
	v14 =	vadd.f32 v14, v16;
	v63 =	vld [tilespmem:$0x1FED0]  }
0x328: {  	[tilespmem:$0x22F0] =	vst v57;
	v2 =	vadd.f32 v42, v2;
	v42 =	vld [tilespmem:$0x1DE0];
	v4 =	vadd.f32 v33, v4  }
0x329: {  	[tilespmem:$0x23E0] =	vst v13;
	v14 =	vadd.f32 v58, v14;
	v53 =	vld [tilespmem:$0x1E90]  }
0x32a: {  	[tilespmem:$0x2310] =	vst v62;
	v5 =	vld [tilespmem:$0x1CD0];
	v4 =	vadd.f32 v8, v4;
	v8 =	vadd.f32 v17, v52  }
0x32b: {  	v14 =	vadd.f32 v55, v14;
	[tilespmem:$0x2220] =	vst v51;
	v51 =	vld [tilespmem:$0x1FF00]  }
0x32c: {  	v7 =	vadd.f32 v7, v8;
	[tilespmem:$0x2240] =	vst v63;
	v63 =	vld [tilespmem:$0x1FF40]  }
0x32d: {  	[tilespmem:$0x23F0] =	vst v6;
	v14 =	vadd.f32 v60, v14;
	v1 =	vld [tilespmem:$0x2020];
	v32 =	vadd.f32 v54, v32  }
0x32e: {  	[tilespmem:$0x2330] =	vst v37;
	v4 =	vadd.f32 v53, v4;
	v7 =	vadd.f32 v20, v7;
	v54 =	vld [tilespmem:$0x1FF10]  }
0x32f: {  	[tilespmem:$0x2400] =	vst v14;
	v5 =	vadd.f32 v30, v5;
	v32 =	vadd.f32 v45, v32;
	v45 =	vld [tilespmem:$0x1FF60]  }
0x330: {  	v4 =	vadd.f32 v28, v4;
	v7 =	vadd.f32 v9, v7;
	[tilespmem:$0x2260] =	vst v51;
	v51 =	vld [tilespmem:$0x1FF80]  }
0x331: {  	v43 =	vadd.f32 v25, v11;
	v47 =	vadd.f32 v47, v5;
	[tilespmem:$0x2290] =	vst v63;
	v63 =	vld [tilespmem:$0x1CE0]  }
0x332: {  	[tilespmem:$0x2340] =	vst v44;
	v44 =	vld [tilespmem:$0x1DF0];
	v4 =	vadd.f32 v27, v4;
	v7 =	vadd.f32 v24, v7  }
0x333: {  	[tilespmem:$0x2350] =	vst v61;
	v33 =	vld [tilespmem:$0x1FFC0];
	v1 =	vadd.f32 v1, v2;
	v2 =	vadd.f32 v12, v43  }
0x334: {  	v4 =	vadd.f32 v48, v4;
	[tilespmem:$0x2390] =	vst v0;
	v32 =	vadd.f32 v54, v32;
	v54 =	vld [tilespmem:$0x1FF90]  }
0x335: {  	v48 =	vadd.f32 v40, v39;
	v2 =	vadd.f32 v29, v2;
	[tilespmem:$0x22B0] =	vst v45;
	v45 =	vld [tilespmem:$0x1E60]  }
0x336: {  	v0 =	vadd.f32 v23, v47;
	[tilespmem:$0x22D0] =	vst v51;
	v3 =	vadd.f32 v34, v63;
	v51 =	vld [tilespmem:$0x1EF0]  }
0x337: {  	v19 =	vld [tilespmem:$0x2050];
	[tilespmem:$0x2360] =	vst v41;
	v5 =	vadd.f32 v44, v48;
	v2 =	vadd.f32 v15, v2  }
0x338: {  	[tilespmem:$0x2370] =	vst v38;
	v53 =	vld [tilespmem:$0x1F70];
	v0 =	vadd.f32 v31, v0;
	v3 =	vadd.f32 v42, v3  }
0x339: {  	v52 =	vld [tilespmem:$0x1F60];
	[tilespmem:$0x2320] =	vst v33;
	v5 =	vadd.f32 v46, v5;
	v2 =	vadd.f32 v35, v2  }
0x33a: {  	v55 =	vld [tilespmem:$0x1FF0];
	[tilespmem:$0x2430] =	vst v7;
	v0 =	vadd.f32 v56, v0;
	v3 =	vadd.f32 v45, v3  }
0x33b: {  	v2 =	vadd.f32 v21, v2;
	[tilespmem:$0x22E0] =	vst v54;
	v54 =	vld [tilespmem:$0x1FE0];
	v5 =	vadd.f32 v51, v5  }
0x33c: {  	v57 =	vld [tilespmem:$0x2070];
	[tilespmem:$0x2410] =	vst v4;
	v0 =	vadd.f32 v59, v0;
	v3 =	vadd.f32 v50, v3  }
0x33d: {  	[tilespmem:$0x2380] =	vst v10;
	v56 =	vld [tilespmem:$0x2060];
	v59 =	vadd.f32 v18, v2;
	v58 =	vadd.f32 v53, v5  }
0x33e: {  	[tilespmem:$0x2420] =	vst v1;
	v3 =	vadd.f32 v52, v3  }
0x33f: {  	v0 =	vadd.f32 v19, v0;
	[tilespmem:$0x2440] =	vst v59;
	v61 =	vadd.f32 v55, v58  }
0x340: {  	[tilespmem:$0x23A0] =	vst v49;
	v60 =	vadd.f32 v54, v3  }
0x341: {  	[tilespmem:$0x2450] =	vst v0;
	v63 =	vadd.f32 v57, v61  }
0x342: {  	[tilespmem:$0x23C0] =	vst v32;
	v62 =	vadd.f32 v56, v60  }
0x343: {  	[tilespmem:$0x2470] =	vst v63  }
0x344: {  	[tilespmem:$0x2460] =	vst v62  }
0x345: {  	[hbm4b:s7+s17] =	stream.strided.scatter [tilespmem:s23], [sflag:$0x2], $0x400, s22, s17, $0x38;
	[tilespmem:$0x2480] =	vst v63  }
0x346: {  	_ =	swait.ge [sflag:s16], $0x400  }
0x347: {  	s25 =	simm.s32 @!p0 $0x0;
	[sflag:s16] =	ssyncset.done $0x0  }
0x348: {  	s26 =	simm.s32 @!p0 $0x400;
	s24 =	rddreg [dreg:$0x4];
	[sflag:s16] =	ssyncadd.s32 $0xFFFFFC00  }
0x349: {  	[hbm4b:s24+s25] =	stream.linear.scatter @!p0 [tilespmem:s26], [sflag:$0x2], $0x80, $0x38;
	[tilespmem:$0x2480] =	vst v63  }
0x34a: {  	s24 =	simm.s32 @!p0 $0x800  }
0x34b: {  	[hbm4b:s9+s25] =	stream.linear.scatter @!p0 [tilespmem:s24], [sflag:$0x2], $0x80, $0x38;
	[tilespmem:$0x2480] =	vst v63  }
0x34c: {  	s24 =	simm.s32 @!p0 $0xC00  }
0x34d: {  	[hbm4b:s10+s25] =	stream.linear.scatter @!p0 [tilespmem:s24], [sflag:$0x2], $0x80, $0x38;
	[tilespmem:$0x2480] =	vst v63  }
0x34e: {  	s24 =	simm.s32 @!p0 $0x1000  }
0x34f: {  	[hbm4b:s11+s25] =	stream.linear.scatter @!p0 [tilespmem:s24], [sflag:$0x2], $0x80, $0x38;
	[tilespmem:$0x2480] =	vst v63  }
0x350: {  	s24 =	simm.s32 @!p0 $0x1400  }
0x351: {  	[hbm4b:s12+s25] =	stream.linear.scatter @!p0 [tilespmem:s24], [sflag:$0x2], $0x80, $0x38;
	[tilespmem:$0x2480] =	vst v63  }
0x352: {  	s24 =	simm.s32 @!p0 $0x1800  }
0x353: {  	[hbm4b:s13+s25] =	stream.linear.scatter @!p0 [tilespmem:s24], [sflag:$0x2], $0x80, $0x38;
	[tilespmem:$0x2480] =	vst v63  }
0x354: {  	s8 =	sadd.s32 $0xFFFFFFFF, s8;
	s24 =	simm.s32 @!p0 $0x1C00  }
0x355: {  	[hbm4b:s14+s25] =	stream.linear.scatter @!p0 [tilespmem:s24], [sflag:$0x2], $0x80, $0x38;
	[tilespmem:$0x2480] =	vst v63  }
0x356: {  	p1 =	sne.s32 s8, $0x0;
	s24 =	simm.s32 @!p0 $0x2000  }
0x357: {  	[hbm4b:s15+s25] =	stream.linear.scatter @!p0 [tilespmem:s24], [sflag:$0x2], $0x80, $0x38;
	[tilespmem:$0x2480] =	vst v63  }
.Ltmp0:
0x358: {  	_ = 	snop;
	(pc) =	sbr.rel @p1 .LBB2_1-.Ltmp0, $4  }
0x359: {  	s24 =	simm.s32 @!p0 $0x2  }
0x35a: {  	_ =	swait.ge @!p0 [sflag:s24], $0x400  }
0x35b: {  	[sflag:s24] =	ssyncset.done @!p0 $0x0  }
0x35c: {  	[sflag:s24] =	ssyncadd.s32 @!p0 $0xFFFFFC00  }
0x35d: {  	_ =	sfence.sel $0x180000  }
0x35e: {  	[bflag:$0x0] =	sbarrier.arrive $0xFFFF  }
0x35f: {  	p0 =	sne.s32 s2, $0x0;
	_ =	strace $0x90000047  }
0x360: {  	s0 =	sadd.s32 @!p0 $0x100000, s0;
	[bflag:$0x2] =	sbarrier.arrive $0xFFFF  }
0x361: {  	[sflag:s0] =	ssyncadd.tile.s32 @!p0 $0x1;
	_ =	shalt  }
.Lfunc_end2:
_tile_overlayer_lowered:
.L_overlay_start_2:
0x362: {  	(tag) =	ssettag $0x2  }
0x363: {  	s0 =	rddreg [dreg:$0x0];
	s2 =	stileid.u32  }
0x364: {  	s1 =	rddreg [dreg:$0x1];
	p0 =	sne.s32 s2, $0x0  }
0x365: {  	s3 =	rddreg [dreg:$0x2];
	[bflag:$0x3] =	sbarrier.arrive $0xFFFF;
	s2 =	simm.s32 @!p0 $0x1C02  }
0x366: {  	[timem:s3], [sflag:s2] =	dma.local @!p0 [hbm:s0], s1  }
0x367: {  	s0 =	simm.s32 @!p0 $0x2  }
0x368: {  	_ =	swait.ge @!p0 [sflag:s0], s1  }
0x369: {  	s1 =	ssub.s32 @!p0 $0x0, s1;
	[sflag:s0] =	ssyncset.done @!p0 $0x0  }
0x36a: {  	[sflag:s0] =	ssyncadd.s32 @!p0 s1  }
0x36b: {  	[bflag:$0x3] =	sbarrier.arrive $0xFFFF  }
0x36c: {  	_ =	shalt  }

// kernel: kernel.9.cloned.1.call-start
scs
__scs_entry_jumppad:
0x0: {  	(pc) =	sbr.rel $0x88, $3  }
0x1: {  	(tag) =	ssettag $0x0;
	lr =	simm.s32 $0x1  }
0x2: {  	[smem:$0x3F9C] =	sst lr;
	_ =	strace $0xD0000000  }
0x3: {  	_ = 	snop  }
0x4: {  	_ = 	snop  }
0x5: {  	_ = 	snop  }
0x6: {  	_ = 	snop  }
0x7: {  	_ = 	snop  }
__scs_overlays_trampoline_lowered:
0x8: {  	[smem:$0x3FAB] =	sst s0  }
0x9: {  	[smem:$0x3FAC] =	sst s1  }
0xa: {  	[smem:$0x3FAD] =	sst s2  }
0xb: {  	[smem:$0x3FAE] =	sst s3  }
0xc: {  	[smem:$0x3FAF] =	sst s4  }
0xd: {  	[smem:$0x3FB0] =	sst s5  }
0xe: {  	[smem:$0x3FB1] =	sst s6  }
0xf: {  	[smem:$0x3FB2] =	sst s7  }
0x10: {  	[smem:$0x3FB3] =	sst s8  }
0x11: {  	[smem:$0x3FB4] =	sst s9;
	s0 =	simm.s32 @!p0 $0x0  }
0x12: {  	s1 =	sld [smem:$0x3F9A];
	s0 =	simm.s32 @p0 $0x1  }
0x13: {  	[smem:$0x3FB5] =	sst s0;
	s0 =	simm.s32 @!p1 $0x0  }
0x14: {  	s2 =	sld [smem:$0x3F99];
	s0 =	simm.s32 @p1 $0x1  }
0x15: {  	[smem:$0x3FB6] =	sst s0;
	s0 =	simm.s32 @!p2 $0x0  }
0x16: {  	s3 =	sld [smem:$0x3FDB];
	s0 =	simm.s32 @p2 $0x1  }
0x17: {  	s4 =	simm.s32 $0x1BF5;
	[smem:$0x3FB8] =	sst s0  }
0x18: {  	s0 =	sld [smem:$0x3F9B];
	_ =	swait.ge [sflag:s4], $0x0  }
0x19: {  	s7 =	sld [smem:$0x3F9C]  }
0x1a: {  	s8 =	sadd.s32 $0xFFFFE003, lr  }
0x1b: {  	s9 =	sadd.s32 $0xFFFFFEF7, lr;
	s5 =	simm.s32 $0xFFFFFFFF;
	p2 =	slt.u32 s8, $0xFFFFF086  }
0x1c: {  	p1 =	slt.u32 s9, $0xF7A;
	s5 =	simm.s32 @!p2 $0x0  }
0x1d: {  	s5 =	simm.s32 @p1 $0x1;
	p0 =	seq.s32 s7, s2  }
0x1e: {  	s7 =	smul.u32 @!p0 $0xF7A, s2;
	p2 =	seq.s32 @!p0 s5, $0x0  }
0x1f: {  	s9 =	smul.u32 $0xF7A, s1;
	s8 =	simm.s32 @!p0 $0x1BF5;
	p2 =	por !p2, p0  }
0x20: {  	[sflag:s8] =	ssyncset.s32 @!p0 $0xFFFFF086;
	s6 =	sadd.s32 @!p0 s3, s7;
	s7 =	simm.s32 @!p0 $0x108  }
0x21: {  	s3 =	sadd.s32 s3, s9;
	s6 =	sadd.s32 @!p0 $0x88, s6;
	s7 =	simm.s32 @p2 $0x1082  }
0x22: {  	[simem:s7], [sflag:s8] =	dma.local @!p0 [hbm:s6], $0xF7A  }
0x23: {  	s9 =	sor.u32 $0xD0000000, s2;
	s6 =	simm.s32 $0x108;
	_ =	swait.ge @!p0 [sflag:s8], $0x0  }
0x24: {  	s3 =	sadd.s32 $0x88, s3;
	s6 =	simm.s32 @!p1 $0x1082;
	[sflag:s4] =	ssyncset.s32 $0xFFFFF086  }
0x25: {  	[simem:s6], [sflag:s4] =	dma.local [hbm:s3], $0xF7A  }
0x26: {  	[smem:$0x3F9C] =	sst s1;
	(tag) =	ssettag s2;
	_ =	strace s9  }
0x27: {  	s1 =	sld [smem:$0x3FAC]  }
0x28: {  	s2 =	sld [smem:$0x3FAD]  }
0x29: {  	s4 =	sld [smem:$0x3FAF]  }
0x2a: {  	p0 =	seq.s32 s5, $0x0;
	s5 =	sld [smem:$0x3FB0]  }
0x2b: {  	s6 =	sld [smem:$0x3FB1]  }
0x2c: {  	s7 =	sld [smem:$0x3FB2]  }
0x2d: {  	s3 =	simm.s32 $0x108;
	s8 =	sld [smem:$0x3FB3]  }
0x2e: {  	s3 =	simm.s32 @!p0 $0x1082;
	s9 =	sld [smem:$0x3FB4]  }
0x2f: {  	lr =	sadd.s32 s0, s3;
	s0 =	sld [smem:$0x3FAB]  }
0x30: {  	s3 =	sld [smem:$0x3FAE]  }
0x31: {  	[smem:$0x3FB7] =	sst s10  }
0x32: {  	s10 =	sld [smem:$0x3FB5];
	_ =	sdelay $0x3  }
0x33: {  	p0 =	seq.s32 s10, $0x1;
	s10 =	sld [smem:$0x3FB7];
	_ =	sdelay $0x3  }
0x34: {  	[smem:$0x3FB7] =	sst s10  }
0x35: {  	s10 =	sld [smem:$0x3FB6];
	_ =	sdelay $0x3  }
0x36: {  	p1 =	seq.s32 s10, $0x1;
	s10 =	sld [smem:$0x3FB7];
	_ =	sdelay $0x3  }
0x37: {  	[smem:$0x3FB7] =	sst s10  }
0x38: {  	s10 =	sld [smem:$0x3FB8]  }
0x39: {  	_ = 	snop;
	(pc) =	sbr.ind lr, $3  }
0x3a: {  	_ = 	snop  }
0x3b: {  	_ = 	snop  }
0x3c: {  	p2 =	seq.s32 s10, $0x1;
	s10 =	sld [smem:$0x3FB7]  }
0x3d: {  	_ =	shalt  }
0x3e: {  	_ =	shalt  }
0x3f: {  	_ =	shalt  }
0x40: {  	_ =	shalt  }
0x41: {  	_ =	shalt  }
0x42: {  	_ =	shalt  }
0x43: {  	_ =	shalt  }
0x44: {  	_ =	shalt  }
0x45: {  	_ =	shalt  }
0x46: {  	_ =	shalt  }
0x47: {  	_ =	shalt  }
0x48: {  	_ =	shalt  }
0x49: {  	_ =	shalt  }
0x4a: {  	_ =	shalt  }
0x4b: {  	_ =	shalt  }
0x4c: {  	_ =	shalt  }
0x4d: {  	_ =	shalt  }
0x4e: {  	_ =	shalt  }
0x4f: {  	_ =	shalt  }
0x50: {  	_ =	shalt  }
0x51: {  	_ =	shalt  }
0x52: {  	_ =	shalt  }
0x53: {  	_ =	shalt  }
0x54: {  	_ =	shalt  }
0x55: {  	_ =	shalt  }
0x56: {  	_ =	shalt  }
0x57: {  	_ =	shalt  }
0x58: {  	_ =	shalt  }
0x59: {  	_ =	shalt  }
0x5a: {  	_ =	shalt  }
0x5b: {  	_ =	shalt  }
0x5c: {  	_ =	shalt  }
0x5d: {  	_ =	shalt  }
0x5e: {  	_ =	shalt  }
0x5f: {  	_ =	shalt  }
0x60: {  	_ =	shalt  }
0x61: {  	_ =	shalt  }
0x62: {  	_ =	shalt  }
0x63: {  	_ =	shalt  }
0x64: {  	_ =	shalt  }
0x65: {  	_ =	shalt  }
0x66: {  	_ =	shalt  }
0x67: {  	_ =	shalt  }
0x68: {  	_ =	shalt  }
0x69: {  	_ =	shalt  }
0x6a: {  	_ =	shalt  }
0x6b: {  	_ =	shalt  }
0x6c: {  	_ =	shalt  }
0x6d: {  	_ =	shalt  }
0x6e: {  	_ =	shalt  }
0x6f: {  	_ =	shalt  }
0x70: {  	_ =	shalt  }
0x71: {  	_ =	shalt  }
0x72: {  	_ =	shalt  }
0x73: {  	_ =	shalt  }
0x74: {  	_ =	shalt  }
0x75: {  	_ =	shalt  }
0x76: {  	_ =	shalt  }
0x77: {  	_ =	shalt  }
0x78: {  	_ =	shalt  }
0x79: {  	_ =	shalt  }
0x7a: {  	_ =	shalt  }
0x7b: {  	_ =	shalt  }
0x7c: {  	_ =	shalt  }
0x7d: {  	_ =	shalt  }
0x7e: {  	_ =	shalt  }
0x7f: {  	_ =	shalt  }
0x80: {  	_ =	shalt  }
0x81: {  	_ =	shalt  }
0x82: {  	_ =	shalt  }
0x83: {  	_ =	shalt  }
0x84: {  	_ =	shalt  }
0x85: {  	_ =	shalt  }
0x86: {  	_ =	shalt  }
0x87: {  	_ =	shalt  }
.Lfunc_end0:
.L_simem_size_0:
called_computation.1_lowered:
.L_overlay_start_0:
0x88: {  	s2 =	sld [smem:$0x3FD9]  }
0x89: {  	s3 =	sld [smem:$0x3FFE];
	_ =	sdelay $0x1  }
0x8a: {  	s1 =	srdreg.scid  }
0x8b: {  	s0 =	sand.u32 $0x1, s1  }
0x8c: {  	s16 =	sshll.u32 s0, $0xA;
	s2 =	sadd.s32 s3, s2  }
0x8d: {  	s2 =	sadd.s32 s2, s16  }
0x8e: {  	[smem:$0x3FC3] =	sst s2  }
0x8f: {  	_ = 	snop  }
0x90: {  	(tm) =	ssettm $0x1  }
0x91: {  	s17 =	sld [smem:$0x3FFB];
	_ =	sdelay $0x3  }
0x92: {  	_ =	strace s17  }
0x93: {  	s2 =	sld [smem:$0x3FFC];
	_ =	sdelay $0x3  }
0x94: {  	_ =	strace s2  }
0x95: {  	s2 =	sld [smem:$0x3FFD];
	_ =	sdelay $0x3  }
0x96: {  	_ =	strace s2  }
0x97: {  	_ =	strace $0x8FFFFFFF  }
0x98: {  	s18 =	sld [smem:$0x3FDB];
	_ =	sdelay $0x1  }
0x99: {  	s19 =	simm.s32 $_scs_section_size  }
0x9a: {  	s4 =	simm.s32 $_size__tile_overlayer_lowered;
	s5 =	simm.s32 $_tile_overlayer_lowered  }
0x9b: {  	s22 =	simm.s32 $0x1BFF;
	s21 =	sshll.u32 s5, $0x1;
	s2 =	sadd.s32 s19, s18  }
0x9c: {  	s6 =	simm.s32 $0x0;
	s20 =	sshll.u32 s4, $0x1;
	s4 =	sadd.s32 s21, s2  }
0x9d: {  	[timem:s6], [sflag:s22] =	dma.local [hbm:s4], s20  }
0x9e: {  	_ =	swait.ge [sflag:s22], s20  }
0x9f: {  	s3 =	ssub.s32 $0x0, s20;
	[sflag:s22] =	ssyncset.done $0x0  }
0xa0: {  	[sflag:s22] =	ssyncadd.s32 s3;
	_ =	sdelay $0x1  }
0xa1: {  	s23 =	simm.s32 $0x1B8B  }
0xa2: {  	_ =	swait.ge [sflag:s23], $0x1  }
0xa3: {  	[sflag:s23] =	ssyncset.done $0x0  }
0xa4: {  	s25 =	simm.s32 $0x1B8E;
	s24 =	sld [smem:$0x3FFE];
	[sflag:s23] =	ssyncadd.s32 $0xFFFFFFFF  }
0xa5: {  	s26 =	simm.s32 $execute0_lowered;
	[smem:$0x3FD2] =	sst s25  }
0xa6: {  	s4 =	sshll.u32 s26, $0x1;
	_ =	strace $0x80000049;
	[dreg:$0x1] =	wrdreg $0xFFFFFFFF  }
0xa7: {  	s28 =	simm.s32 $_size_execute0_lowered;
	s2 =	sadd.s32 s2, s4;
	[dreg:$0x0] =	wrdreg $0x0  }
0xa8: {  	s4 =	sshll.u32 s28, $0x1;
	[dreg:$0x2] =	wrdreg s2  }
0xa9: {  	[dreg:$0x3] =	wrdreg s4  }
0xaa: {  	[dreg:$0x4] =	wrdreg $0xC0  }
0xab: {  	_ =	task [dreg:s6], $0x5FFFF  }
0xac: {  	[dreg:$0x1] =	wrdreg $0xFFFFFFFF  }
0xad: {  	[dreg:$0x0] =	wrdreg $0x60  }
0xae: {  	[dreg:$0x2] =	wrdreg s24  }
0xaf: {  	[dreg:$0x3] =	wrdreg $0x9  }
0xb0: {  	_ =	task.clear_ibuf [dreg:s6], $0x4FFFF;
	_ =	strace $0x90000049  }
0xb1: {  	s29 =	simm.s32 $0x9;
	_ =	strace $0x8000004B  }
0xb2: {  	_ =	swait.ge [sflag:s29], $0x1  }
0xb3: {  	[sflag:s29] =	ssyncadd.s32 $0xFFFFFFFF  }
0xb4: {  	_ =	strace $0x9000004B  }
0xb5: {  	_ =	sfence  }
0xb6: {  	s30 =	sld [smem:$0x0];
	_ =	sdelay $0x2  }
0xb7: {  	s31 =	sshll.u32 s1, $0xD;
	s1 =	sshrl.u32 s1, $0x2  }
0xb8: {  	s3 =	sand.u32 $0x4000, s31;
	s1 =	sadd.s32 s1, s30  }
0xb9: {  	s0 =	sor.u32 s3, s0;
	s1 =	sshll.u32 s1, $0x11  }
0xba: {  	s0 =	sor.u32 s1, s0  }
0xbb: {  	s0 =	sadd.s32 $0x8F2B, s0  }
0xbc: {  	[sflag:s0] =	ssyncadd.remote.s32 $0x1  }
0xbd: {  	_ =	sfence.sel $0xFFFF  }
0xbe: {  	[dreg:$0x0] =	wrdreg $0xFFFFFFFF;
	(pc) =	sbr.abs _section_cstart, $3  }
0xbf: {  	[dreg:$0x1] =	wrdreg $0xFFFFFFFF  }
0xc0: {  	_ =	task.clear_ibuf [dreg:s6], $0x2FFFF;
	_ =	strace $0x9FFFFFFF  }
0xc1: {  	(tm) =	ssettm $0x7FFFFFFF  }
tec
execute0_lowered:
.L_overlay_start_1:
0x0: {  	(tag) =	ssettag $0x1  }
0x1: {  	s1 =	srdreg.scid;
	s0 =	stileid.u32  }
0x2: {  	s4 =	rddreg [dreg:$0x0];
	s2 =	simm.s32 $0x0;
	s9 =	simm.s32 $0xC80  }
0x3: {  	s10 =	simm.s32 $0xD00;
	s5 =	sand.u32 $0x1, s1;
	s3 =	sshll.u32 s0, $0x1  }
0x4: {  	s11 =	simm.s32 $0x0;
	s1 =	rddreg [dreg:$0x1];
	s6 =	sor.u32 s5, s3  }
0x5: {  	[smem:$0x7FF] =	sst s2;
	s5 =	ssub.s32 $0x2, s5;
	s3 =	smul.u32 $0xC40, s6  }
0x6: {  	_ =	strace $0x8000004A;
	s6 =	sshll.u32 s6, $0x4;
	s31 =	sshrl.u32 s5, $0x1  }
0x7: {  	s6 =	sadd.s32 s6, s4;
	s8 =	ssub.s32 s5, s31;
	s7 =	sshrl.u32 s3, $0x3  }
0x8: {  	v0 =	vlaneseq.u32;
	s5 =	sadd.s32 $0x5200, s6;
	s6 =	sadd.s32 $0x5400, s6;
	s7 =	sadd.s32 s7, s4  }
0x9: {  	v1 =	vimm.f32 $-3.000000010e+38;
	v2 =	vimm.s32 $0x0;
	v3 =	vor.u32 $0x80000000, v0;
	s4 =	sadd.s32 $0x2000, s7;
	s7 =	smax.u32 s8, $0x1;
	s8 =	simm.s32 $0x1  }
.LBB2_1:
0xa: {  	[tilespmem:s2], [sflag:$0x1] =	stream.linear.gather [hbm4b:s4+s2], $0xC40, $0x38;
	[tilespmem:$0xD80] =	vst v63  }
0xb: {  	_ =	swait.ge [sflag:s8], $0xC40  }
0xc: {  	[sflag:s8] =	ssyncset.done $0x0  }
0xd: {  	[sflag:s8] =	ssyncadd.s32 $0xFFFFF3C0  }
0xe: {  	[tilespmem:$0xC80] =	vst v1  }
0xf: {  	[tilespmem:$0xD00] =	vst v2  }
0x10: {  	[tilespmem:$0xC90] =	vst v1  }
0x11: {  	[tilespmem:$0xD10] =	vst v2  }
0x12: {  	[tilespmem:$0xCA0] =	vst v1  }
0x13: {  	[tilespmem:$0xD20] =	vst v2  }
0x14: {  	[tilespmem:$0xCB0] =	vst v1  }
0x15: {  	s12 =	simm.s32 $0x0;
	[tilespmem:$0xD30] =	vst v2  }
.LBB2_2:
0x16: {  	s13 =	simm.s32 $0x0  }
0x17: {  	v5 =	vld [tilespmem:s13+$0x0];
	_ =	sdelay $0x3  }
0x18: {  	v6 =	vimm.f32 $-3.000000010e+38  }
0x19: {  	v4 =	vimm.s32 $0x0;
	s14 =	simm.s32 $0x1;
	s15 =	simm.s32 $0x10;
	vm0 =	vgt.f32 v5, v6  }
.LBB2_3:
0x1a: {  	p0 =	sne.s32 s14, $0xC3;
	v6 =	vsel vm0, v5, v6;
	v5 =	vld [tilespmem:s15+$0x0];
	v4 =	vsel vm0, s13, v4;
	s13 =	smov.u32 s14;
	s14 =	sadd.s32 $0x1, s14  }
.Ltmp0:
0x1b: {  	(pc) =	sbr.rel @p0 .LBB2_3-.Ltmp0, $2  }
0x1c: {  	_ =	sdelay $0x2  }
0x1d: {  	s15 =	sadd.s32 $0x10, s15;
	vm0 =	vgt.f32 v5, v6  }
0x1e: {  	v5 =	vsel vm0, v5, v6  }
0x1f: {  	(xrf0) =	vmax.scan.msk.f32 $0xffff, v5;
	_ =	sdelay $0x5  }
0x20: {  	v63, _, _ =	vpop (xrf0)  }
0x21: {  	v4 =	vsel vm0, s13, v4;
	v6 =	vbroadcast v63, $0xF  }
0x22: {  	v4 =	vshll.u32 v4, $0x4  }
0x23: {  	v4 =	vxor.u32 v3, v4;
	vm13 =	veq.f32 v5, v6  }
0x24: {  	v4 =	vnsel vm13, $0xC0000000, v4  }
0x25: {  	(xrf0) =	vmin.scan.msk.u32 $0xffff, v4;
	_ =	sdelay $0x5  }
0x26: {  	v4, _, _ =	vpop (xrf0)  }
0x27: {  	(v2sf) =	vpush v4, $0xF;
	_ =	sdelay $0xe  }
0x28: {  	s29 =	spop (v2sf)  }
0x29: {  	s14 =	sxor.u32 $0x80000000, s29  }
0x2a: {  	s15 =	sshra.s32 s14, $0x1F  }
0x2b: {  	s15 =	sshrl.u32 s15, $0x1C  }
0x2c: {  	s16 =	sand.u32 $0x30, s12;
	s15 =	sadd.s32 s15, s14  }
0x2d: {  	v4 =	vld [tilespmem:s16+$0xC80];
	p1 =	sgt.s32 s29, $0xFFFFFFFF;
	p0 =	slt.s32 s14, $0x1;
	s17 =	sand.u32 $0xFFFFFFF0, s15  }
0x2e: {  	v5 =	vld [tilespmem:s16+$0xD00];
	p0 =	por p1, p0;
	p6 =	sne.s32 s14, s17  }
0x2f: {  	s30 =	sand.u32 $0xF, s12;
	p0 =	por !p0, !p6  }
0x30: {  	v7 =	vmov s30;
	s17 =	simm.s32 $0x1;
	p0 =	por !p0, !p0  }
0x31: {  	vm14 =	veq.s32 v7, v0;
	s15 =	sshrl.u32 s15, $0x4;
	s17 =	simm.s32 @!p0 $0x0  }
0x32: {  	v4 =	vsel vm14, v6, v4;
	s14 =	sadd.s32 s3, s14;
	s15 =	ssub.s32 s15, s17  }
0x33: {  	[tilespmem:s16+$0xC80] =	vst v4;
	v4 =	vsel vm14, s14, v5;
	s31 =	sshll.u32 s15, $0x6  }
0x34: {  	[tilespmem:s16+$0xD00] =	vst v4;
	s14 =	sshra.s32 s31, $0x2  }
0x35: {  	s12 =	sadd.s32 $0x1, s12;
	v4 =	vld [tilespmem:s14+$0x0]  }
0x36: {  	p0 =	sne.s32 s12, $0x32  }
.Ltmp1:
0x37: {  	s13 =	sand.u32 $0xF, s29;
	(pc) =	sbr.rel @p0 .LBB2_2-.Ltmp1, $4  }
0x38: {  	v5 =	vmov s13  }
0x39: {  	vm15 =	veq.s32 v5, v0  }
0x3a: {  	v4 =	vsel vm15, $0xFF61B1E6, v4  }
0x3b: {  	[tilespmem:s14+$0x0] =	vst v4  }
0x3c: {  	[hbm4b:s5+s2] =	stream.linear.scatter [tilespmem:s9], [sflag:$0x1], $0x80, $0x38;
	[tilespmem:$0xD80] =	vst v63  }
0x3d: {  	s11 =	sadd.s32 $0x1, s11;
	_ =	swait.ge [sflag:s8], $0x80  }
0x3e: {  	p0 =	sne.s32 s11, s7;
	[sflag:s8] =	ssyncset.done $0x0  }
.Ltmp2:
0x3f: {  	[sflag:s8] =	ssyncadd.s32 $0xFFFFFF80;
	(pc) =	sbr.rel @p0 .LBB2_1-.Ltmp2, $4  }
0x40: {  	[hbm4b:s6+s2] =	stream.linear.scatter [tilespmem:s10], [sflag:$0x1], $0x80, $0x38;
	[tilespmem:$0xD80] =	vst v63  }
0x41: {  	_ =	swait.ge [sflag:s8], $0x80  }
0x42: {  	[sflag:s8] =	ssyncset.done $0x0  }
0x43: {  	[sflag:s8] =	ssyncadd.s32 $0xFFFFFF80  }
0x44: {  	_ =	sfence.sel $0x180000  }
0x45: {  	[bflag:$0x0] =	sbarrier.arrive $0xFFFF  }
0x46: {  	p0 =	sne.s32 s0, $0x0;
	_ =	strace $0x9000004A  }
0x47: {  	s0 =	sadd.s32 @!p0 $0x100000, s1;
	[bflag:$0x2] =	sbarrier.arrive $0xFFFF  }
0x48: {  	[sflag:s0] =	ssyncadd.tile.s32 @!p0 $0x1;
	_ =	shalt  }
.Lfunc_end2:
_tile_overlayer_lowered:
.L_overlay_start_2:
0x49: {  	(tag) =	ssettag $0x2  }
0x4a: {  	s0 =	rddreg [dreg:$0x0];
	s2 =	stileid.u32  }
0x4b: {  	s1 =	rddreg [dreg:$0x1];
	p0 =	sne.s32 s2, $0x0  }
0x4c: {  	s3 =	rddreg [dreg:$0x2];
	[bflag:$0x3] =	sbarrier.arrive $0xFFFF;
	s2 =	simm.s32 @!p0 $0x1C01  }
0x4d: {  	[timem:s3], [sflag:s2] =	dma.local @!p0 [hbm:s0], s1  }
0x4e: {  	s0 =	simm.s32 @!p0 $0x1  }
0x4f: {  	_ =	swait.ge @!p0 [sflag:s0], s1  }
0x50: {  	s1 =	ssub.s32 @!p0 $0x0, s1;
	[sflag:s0] =	ssyncset.done @!p0 $0x0  }
0x51: {  	[sflag:s0] =	ssyncadd.s32 @!p0 s1  }
0x52: {  	[bflag:$0x3] =	sbarrier.arrive $0xFFFF  }
0x53: {  	_ =	shalt  }

</sc_bundles>
